<compile_context>
chip_gen: v7x
topology: tpu7x:2x2x1
jax: 0.10.2.dev20260603
libtpu: 0.0.44.dev20260713+nightly
codegen_flags: <defaults>
</compile_context>

<pallas_src>
import itertools

import jax
import jax.numpy as jnp
import numpy as np
from jax import lax
from jax.experimental import pallas as pl
from jax.experimental.pallas import tpu as pltpu
from jax.experimental.pallas import tpu_sc as plsc

_B = 131072
_N_LEVEL = 16
_N_ENTRIES = 1048576
_MASK = _N_ENTRIES - 1
_P2 = np.int32(2654435761 - (1 << 32))
_P3 = np.int32(805459861)

_NW = 32
_SUB = 2048
_NSUB = _B // (_NW * _SUB)
_NG = _SUB // 16


def _enc_body(xt_hbm, tbl_hbm, out_hbm, semA, semB, semOA, semOB, *bufs):
    x_vs = bufs[0:3]
    wA, wB = bufs[3:11], bufs[11:19]
    fA, fB = bufs[19:21], bufs[21:23]
    idxA, idxB = bufs[23], bufs[24]
    rowsA, rowsB = bufs[25], bufs[26]
    wid = lax.axis_index("s") * 2 + lax.axis_index("c")

    def p1(l, res, idxs, ws):
        loff = l * _N_ENTRIES

        def body(i, carry):
            sl = pl.ds(i * 16, 16)
            pos0 = x_vs[0][sl] * res
            pos1 = x_vs[1][sl] * res
            pos2 = x_vs[2][sl] * res
            ci0 = pos0.astype(jnp.int32)
            ci1 = pos1.astype(jnp.int32)
            ci2 = pos2.astype(jnp.int32)
            fr0 = pos0 - ci0.astype(jnp.float32)
            fr1 = pos1 - ci1.astype(jnp.float32)
            fr2 = pos2 - ci2.astype(jnp.float32)
            g0 = 1.0 - fr0
            g1 = 1.0 - fr1
            g2 = 1.0 - fr2
            hy0 = ci1 * _P2
            hz0 = ci2 * _P3
            hx1 = ci0 + 1
            hy1 = hy0 + _P2
            hz1 = hz0 + _P3
            e = (ci0 ^ hy0, ci0 ^ hy1, hx1 ^ hy0, hx1 ^ hy1)
            wxy = (g0 * g1, g0 * fr1, fr0 * g1, fr0 * fr1)
            for cidx, (ox, oy, oz) in enumerate(
                    itertools.product((0, 1), repeat=3)):
                h = e[ox * 2 + oy] ^ (hz1 if oz else hz0)
                idxs[pl.ds(cidx * _SUB + i * 16, 16)] = (h & _MASK) + loff
                ws[cidx][sl] = wxy[ox * 2 + oy] * (fr2 if oz else g2)
            return carry

        lax.fori_loop(0, _NG, body, 0)

    def fire(idxs, rows, sem):
        pltpu.async_copy(tbl_hbm.at[idxs], rows, sem)

    def drain(idxs, rows, sem):
        pltpu.make_async_copy(tbl_hbm.at[idxs], rows, sem).wait()

    def p2(l, base, rows, ws, fs, semO):
        def body(j, carry):
            sl = pl.ds(j * 16, 16)
            f0 = jnp.zeros((16,), jnp.float32)
            f1 = jnp.zeros((16,), jnp.float32)
            for c in range(8):
                w = ws[c][sl]
                r = rows[pl.ds(c * _SUB + j * 16, 16)]
                r0 = lax.bitcast_convert_type(r << 16, jnp.float32)
                r1 = lax.bitcast_convert_type(r & np.int32(-65536), jnp.float32)
                f0 = f0 + w * r0
                f1 = f1 + w * r1
            fs[0][sl] = f0
            fs[1][sl] = f1
            return carry

        lax.fori_loop(0, _NG, body, 0)
        row = 2 * l * _B + base
        pltpu.async_copy(fs[0], out_hbm.at[pl.ds(row, _SUB)], semO)
        pltpu.async_copy(fs[1], out_hbm.at[pl.ds(row + _B, _SUB)], semO)

    def drain_out(fs, semO, base):
        pltpu.make_async_copy(fs[0], out_hbm.at[pl.ds(base, _SUB)], semO).wait()
        pltpu.make_async_copy(fs[1], out_hbm.at[pl.ds(base, _SUB)], semO).wait()

    for sub in range(_NSUB):
        base = wid * (_NSUB * _SUB) + sub * _SUB
        for d in range(3):
            pltpu.sync_copy(xt_hbm.at[pl.ds(d * _B + base, _SUB)], x_vs[d])

        p1(0, jnp.float32(16.0), idxA, wA)
        fire(idxA, rowsA, semA)

        def pair_body(k, res, base=base):
            a = 2 * k
            b = a + 1
            p1(b, res * 1.5, idxB, wB)
            drain(idxA, rowsA, semA)
            fire(idxB, rowsB, semB)

            @pl.when(k > 0)
            def _():
                drain_out(fA, semOA, base)

            p2(a, base, rowsA, wA, fA, semOA)

            @pl.when(k < (_N_LEVEL // 2 - 1))
            def _():
                p1(a + 2, res * 2.25, idxA, wA)

            drain(idxB, rowsB, semB)

            @pl.when(k < (_N_LEVEL // 2 - 1))
            def _():
                fire(idxA, rowsA, semA)

            @pl.when(k > 0)
            def _():
                drain_out(fB, semOB, base)

            p2(b, base, rowsB, wB, fB, semOB)
            return res * 2.25

        lax.fori_loop(0, _N_LEVEL // 2, pair_body, jnp.float32(16.0))
        drain_out(fA, semOA, base)
        drain_out(fB, semOB, base)


def _encode_sc(xt, tbl):
    mesh = plsc.VectorSubcoreMesh(core_axis_name="c", subcore_axis_name="s")
    return pl.kernel(
        _enc_body,
        out_type=jax.ShapeDtypeStruct((2 * _N_LEVEL * _B,), jnp.float32),
        mesh=mesh,
        scratch_types=[pltpu.SemaphoreType.DMA for _ in range(4)]
          + [pltpu.VMEM((_SUB,), jnp.float32) for _ in range(23)]
          + [pltpu.VMEM((8 * _SUB,), jnp.int32) for _ in range(4)],
    )(xt, tbl)


def _pack_body(t_ref, o_ref):
    t = t_ref[...]
    t3 = t.reshape(t.shape[0] // 2, 2, 128)
    u0 = lax.bitcast_convert_type(
        t3[:, 0, :].astype(jnp.bfloat16), jnp.uint16).astype(jnp.uint32)
    u1 = lax.bitcast_convert_type(
        t3[:, 1, :].astype(jnp.bfloat16), jnp.uint16).astype(jnp.uint32)
    o_ref[...] = lax.bitcast_convert_type(u0 | (u1 << 16), jnp.int32)


def _pack(tables):
    tview = (tables.reshape(_N_LEVEL, _N_ENTRIES // 128, 128, 2)
             .transpose(0, 1, 3, 2).reshape(_N_LEVEL * _N_ENTRIES // 64, 128))
    R = 8192
    rows = tview.shape[0]
    packed = pl.pallas_call(
        _pack_body,
        grid=(rows // R,),
        in_specs=[pl.BlockSpec((R, 128), lambda i: (i, 0))],
        out_specs=pl.BlockSpec((R // 2, 128), lambda i: (i, 0)),
        out_shape=jax.ShapeDtypeStruct((rows // 2, 128), jnp.int32),
    )(tview)
    return packed.reshape(_N_LEVEL * _N_ENTRIES)


def _mlp_body(ft_ref, w1, b1, w2, b2, w3, b3, w4, b4, out_ref):
    dn = (((0,), (0,)), ((), ()))
    ft = ft_ref[...]
    h = jnp.maximum(
        lax.dot_general(w1[...], ft, dn, preferred_element_type=jnp.float32)
        + b1[...], 0.0)
    h = jnp.maximum(
        lax.dot_general(w2[...], h, dn, preferred_element_type=jnp.float32)
        + b2[...], 0.0)
    h = jnp.maximum(
        lax.dot_general(w3[...], h, dn, preferred_element_type=jnp.float32)
        + b3[...], 0.0)
    out_ref[...] = (
        lax.dot_general(h, w4[...], dn, preferred_element_type=jnp.float32)
        + b4[...])


def _mlp(featsT, W1, b1, W2, b2, W3, b3, W4, b4):
    BT = 8192
    grid = (_B // BT,)
    full = lambda shape: pl.BlockSpec(shape, lambda i: (0, 0))
    return pl.pallas_call(
        _mlp_body,
        grid=grid,
        in_specs=[
            pl.BlockSpec((32, BT), lambda i: (0, i)),
            full((32, 64)), full((64, 1)),
            full((64, 64)), full((64, 1)),
            full((64, 64)), full((64, 1)),
            full((64, 3)), full((1, 3)),
        ],
        out_specs=pl.BlockSpec((BT, 3), lambda i: (i, 0)),
        out_shape=jax.ShapeDtypeStruct((_B, 3), jnp.float32),
    )(featsT, W1, b1.reshape(64, 1), W2, b2.reshape(64, 1),
      W3, b3.reshape(64, 1), W4, b4.reshape(1, 3))


def kernel(x, tables, W1, b1, W2, b2, W3, b3, W4, b4):
    tbl = _pack(tables)
    featsT = _encode_sc(x.T.reshape(3 * _B), tbl).reshape(2 * _N_LEVEL, _B)
    return _mlp(featsT, W1, b1, W2, b2, W3, b3, W4, b4)
    return _mlp(featsT, W1, b1, W2, b2, W3, b3, W4, b4)

# --- scband reference (transcript-rebuilt; emitter-appended) ---
"""Pipeline reference for scband-hashed-mlp-83373905150326 (READ-ONLY COPY).

The authoritative reference and input builder live on the scoring server;
editing this copy changes nothing except your own understanding.
"""

import jax, jax.numpy as jnp
import numpy as np
import itertools

N_ENTRIES = 1048576
N_LEVEL = 16
N_FEATURE = 2
BASE = jnp.asarray([16.0, 16.0, 16.0], dtype=jnp.float32)
FACTOR = 1.5
PRIMES = np.array([1, 2654435761, 805459861], dtype=np.uint32)


def _encode_level(x, table, res):
    # x: [B, 3] coords in [0,1); table: [N_ENTRIES, N_FEATURE]; res: [3] float grid resolution
    pos = x * res
    fl = jnp.floor(pos)
    frac = pos - fl
    ci = fl.astype(jnp.int32)
    primes = jnp.asarray(PRIMES)
    feats = jnp.zeros((x.shape[0], table.shape[1]), dtype=x.dtype)
    for off in itertools.product((0, 1), repeat=3):
        offa = jnp.array(off, dtype=jnp.int32)
        corner = (ci + offa).astype(jnp.uint32)
        hp = corner * primes[None, :]  # uint32 wrap-around multiply
        h = hp[:, 0] ^ hp[:, 1] ^ hp[:, 2]
        idx = (h % jnp.uint32(N_ENTRIES)).astype(jnp.int32)
        offf = jnp.array(off, dtype=x.dtype)
        w = jnp.prod(offf * frac + (1.0 - offf) * (1.0 - frac), axis=1)
        feats = feats + w[:, None] * jnp.take(table, idx, axis=0)
    return feats


def setup_inputs(seed: int = 0):
    key = jax.random.key(seed)
    ks = jax.random.split(key, 12)
    B = 131072
    n_hidden = 64
    n_in_mlp = N_FEATURE * N_LEVEL  # 32
    x = jax.random.uniform(ks[0], (B, 3), dtype=jnp.float32)
    tables = jax.random.normal(ks[1], (N_LEVEL, N_ENTRIES, N_FEATURE), dtype=jnp.float32) * 1e-2
    W1 = jax.random.normal(ks[2], (n_in_mlp, n_hidden), dtype=jnp.float32) / np.sqrt(n_in_mlp)
    b1 = jnp.zeros((n_hidden,), dtype=jnp.float32)
    W2 = jax.random.normal(ks[3], (n_hidden, n_hidden), dtype=jnp.float32) / np.sqrt(n_hidden)
    b2 = jnp.zeros((n_hidden,), dtype=jnp.float32)
    W3 = jax.random.normal(ks[4], (n_hidden, n_hidden), dtype=jnp.float32) / np.sqrt(n_hidden)
    b3 = jnp.zeros((n_hidden,), dtype=jnp.float32)
    W4 = jax.random.normal(ks[5], (n_hidden, 3), dtype=jnp.float32) / np.sqrt(n_hidden)
    b4 = jnp.zeros((3,), dtype=jnp.float32)
    return {"x": x, "tables": tables, "W1": W1, "b1": b1, "W2": W2, "b2": b2, "W3": W3, "b3": b3, "W4": W4, "b4": b4}


def reference(x, tables, W1, b1, W2, b2, W3, b3, W4, b4):
    feats = []
    for i in range(N_LEVEL):
        res = BASE * (FACTOR ** i)
        feats.append(_encode_level(x, tables[i], res))
    h = jnp.concatenate(feats, axis=1)  # [B, 32]
    # MLP: Lin(32,64) ReLU Lin(64,64) ReLU Lin(64,64) ReLU Lin(64,3)
    h = jax.nn.relu(h @ W1 + b1)
    h = jax.nn.relu(h @ W2 + b2)
    h = jax.nn.relu(h @ W3 + b3)
    return h @ W4 + b4

if __name__ == "__main__":
    import jax
    _d = setup_inputs()
    print(jax.jit(kernel)(*tuple(_d.values())))

</pallas_src>

<mosaic_0001>
#map = affine_map<(d0, d1) -> (0)>
module attributes {stable_mosaic.version = 14 : i64} {
  func.func @_enc_body(%arg0: i32, %arg1: i32, %arg2: memref<393216xf32, #tpu.memory_space<hbm>>, %arg3: memref<16777216xi32, #tpu.memory_space<hbm>>, %arg4: memref<4194304xf32, #tpu.memory_space<hbm>>, %arg5: memref<!tpu.dma_semaphore, #tpu.memory_space<semaphore_mem>>, %arg6: memref<!tpu.dma_semaphore, #tpu.memory_space<semaphore_mem>>, %arg7: memref<!tpu.dma_semaphore, #tpu.memory_space<semaphore_mem>>, %arg8: memref<!tpu.dma_semaphore, #tpu.memory_space<semaphore_mem>>, %arg9: memref<2048xf32, #tpu.memory_space<vmem>>, %arg10: memref<2048xf32, #tpu.memory_space<vmem>>, %arg11: memref<2048xf32, #tpu.memory_space<vmem>>, %arg12: memref<2048xf32, #tpu.memory_space<vmem>>, %arg13: memref<2048xf32, #tpu.memory_space<vmem>>, %arg14: memref<2048xf32, #tpu.memory_space<vmem>>, %arg15: memref<2048xf32, #tpu.memory_space<vmem>>, %arg16: memref<2048xf32, #tpu.memory_space<vmem>>, %arg17: memref<2048xf32, #tpu.memory_space<vmem>>, %arg18: memref<2048xf32, #tpu.memory_space<vmem>>, %arg19: memref<2048xf32, #tpu.memory_space<vmem>>, %arg20: memref<2048xf32, #tpu.memory_space<vmem>>, %arg21: memref<2048xf32, #tpu.memory_space<vmem>>, %arg22: memref<2048xf32, #tpu.memory_space<vmem>>, %arg23: memref<2048xf32, #tpu.memory_space<vmem>>, %arg24: memref<2048xf32, #tpu.memory_space<vmem>>, %arg25: memref<2048xf32, #tpu.memory_space<vmem>>, %arg26: memref<2048xf32, #tpu.memory_space<vmem>>, %arg27: memref<2048xf32, #tpu.memory_space<vmem>>, %arg28: memref<2048xf32, #tpu.memory_space<vmem>>, %arg29: memref<2048xf32, #tpu.memory_space<vmem>>, %arg30: memref<2048xf32, #tpu.memory_space<vmem>>, %arg31: memref<2048xf32, #tpu.memory_space<vmem>>, %arg32: memref<16384xi32, #tpu.memory_space<vmem>>, %arg33: memref<16384xi32, #tpu.memory_space<vmem>>, %arg34: memref<16384xi32, #tpu.memory_space<vmem>>, %arg35: memref<16384xi32, #tpu.memory_space<vmem>>) attributes {dimension_semantics = [#tpu.dimension_semantics<core_parallel>, #tpu.dimension_semantics<subcore_parallel>], iteration_bounds = array<i64: 2, 16>, scalar_prefetch = 0 : i64, scratch_operands = 31 : i64, tpu.core_type = #tpu.core_type<sc_vector_subcore>, window_params = [{transform_indices = #map}, {transform_indices = #map}, {transform_indices = #map}]} {
    %mul3A = arith.constant 2 : i32
    %mul3A_0 = arith.muli %arg1, %mul3A : i32
    %add3A = arith.addi %mul3A_0, %arg0 : i32
    %mul3A_1 = arith.constant 4096 : i32
    %mul3A_2 = arith.muli %add3A, %mul3A_1 : i32
    %add3A_3 = arith.constant 0 : i32
    %add3A_4 = arith.addi %mul3A_2, %add3A_3 : i32
    %add3A_5 = arith.constant 0 : i32
    %add3A_6 = arith.addi %add3A_5, %add3A_4 : i32
    "tpu.region"() ({
      %run_scoped3A = tpu.sem_alloc : memref<!tpu.dma_semaphore, #tpu.memory_space<semaphore_mem>>
      %dma_start3A_66 = tpu.memref_slice %arg2[%add3A_6] : memref<393216xf32, #tpu.memory_space<hbm>> -> memref<2048xf32, #tpu.memory_space<hbm>>
      %dma_start3A_67 = tpu.memref_slice %arg2[%add3A_6] : memref<393216xf32, #tpu.memory_space<hbm>> -> memref<2048xf32, #tpu.memory_space<hbm>>
      tpu.enqueue_dma source(%dma_start3A_67 : memref<2048xf32, #tpu.memory_space<hbm>>) target(%arg9 : memref<2048xf32, #tpu.memory_space<vmem>>) target_semaphore(%run_scoped3A : memref<!tpu.dma_semaphore, #tpu.memory_space<semaphore_mem>>)
      %dma_wait3A_68 = tpu.memref_slice %arg2[%add3A_6] : memref<393216xf32, #tpu.memory_space<hbm>> -> memref<2048xf32, #tpu.memory_space<hbm>>
      %dma_wait3A_69 = tpu.memref_slice %arg2[%add3A_6] : memref<393216xf32, #tpu.memory_space<hbm>> -> memref<2048xf32, #tpu.memory_space<hbm>>
      tpu.wait_dma2 semaphore(%run_scoped3A : memref<!tpu.dma_semaphore, #tpu.memory_space<semaphore_mem>>) src(%dma_wait3A_69 : memref<2048xf32, #tpu.memory_space<hbm>>) dst(%arg9 : memref<2048xf32, #tpu.memory_space<vmem>>)
      tpu.yield
    }) : () -> ()
    %add3A_7 = arith.constant 131072 : i32
    %add3A_8 = arith.addi %add3A_7, %add3A_4 : i32
    "tpu.region"() ({
      %run_scoped3A = tpu.sem_alloc : memref<!tpu.dma_semaphore, #tpu.memory_space<semaphore_mem>>
      %dma_start3A_66 = tpu.memref_slice %arg2[%add3A_8] : memref<393216xf32, #tpu.memory_space<hbm>> -> memref<2048xf32, #tpu.memory_space<hbm>>
      %dma_start3A_67 = tpu.memref_slice %arg2[%add3A_8] : memref<393216xf32, #tpu.memory_space<hbm>> -> memref<2048xf32, #tpu.memory_space<hbm>>
      tpu.enqueue_dma source(%dma_start3A_67 : memref<2048xf32, #tpu.memory_space<hbm>>) target(%arg10 : memref<2048xf32, #tpu.memory_space<vmem>>) target_semaphore(%run_scoped3A : memref<!tpu.dma_semaphore, #tpu.memory_space<semaphore_mem>>)
      %dma_wait3A_68 = tpu.memref_slice %arg2[%add3A_8] : memref<393216xf32, #tpu.memory_space<hbm>> -> memref<2048xf32, #tpu.memory_space<hbm>>
      %dma_wait3A_69 = tpu.memref_slice %arg2[%add3A_8] : memref<393216xf32, #tpu.memory_space<hbm>> -> memref<2048xf32, #tpu.memory_space<hbm>>
      tpu.wait_dma2 semaphore(%run_scoped3A : memref<!tpu.dma_semaphore, #tpu.memory_space<semaphore_mem>>) src(%dma_wait3A_69 : memref<2048xf32, #tpu.memory_space<hbm>>) dst(%arg10 : memref<2048xf32, #tpu.memory_space<vmem>>)
      tpu.yield
    }) : () -> ()
    %add3A_9 = arith.constant 262144 : i32
    %add3A_10 = arith.addi %add3A_9, %add3A_4 : i32
    "tpu.region"() ({
      %run_scoped3A = tpu.sem_alloc : memref<!tpu.dma_semaphore, #tpu.memory_space<semaphore_mem>>
      %dma_start3A_66 = tpu.memref_slice %arg2[%add3A_10] : memref<393216xf32, #tpu.memory_space<hbm>> -> memref<2048xf32, #tpu.memory_space<hbm>>
      %dma_start3A_67 = tpu.memref_slice %arg2[%add3A_10] : memref<393216xf32, #tpu.memory_space<hbm>> -> memref<2048xf32, #tpu.memory_space<hbm>>
      tpu.enqueue_dma source(%dma_start3A_67 : memref<2048xf32, #tpu.memory_space<hbm>>) target(%arg11 : memref<2048xf32, #tpu.memory_space<vmem>>) target_semaphore(%run_scoped3A : memref<!tpu.dma_semaphore, #tpu.memory_space<semaphore_mem>>)
      %dma_wait3A_68 = tpu.memref_slice %arg2[%add3A_10] : memref<393216xf32, #tpu.memory_space<hbm>> -> memref<2048xf32, #tpu.memory_space<hbm>>
      %dma_wait3A_69 = tpu.memref_slice %arg2[%add3A_10] : memref<393216xf32, #tpu.memory_space<hbm>> -> memref<2048xf32, #tpu.memory_space<hbm>>
      tpu.wait_dma2 semaphore(%run_scoped3A : memref<!tpu.dma_semaphore, #tpu.memory_space<semaphore_mem>>) src(%dma_wait3A_69 : memref<2048xf32, #tpu.memory_space<hbm>>) dst(%arg11 : memref<2048xf32, #tpu.memory_space<vmem>>)
      tpu.yield
    }) : () -> ()
    %scan3A = arith.constant 0 : i32
    %scan3A_11 = arith.constant 1.600000e+01 : f32
    %scan3A_12 = arith.constant 0 : i32
    %scan3A_13 = arith.constant 128 : i32
    %scan3A_14 = arith.addi %scan3A_12, %scan3A_13 : i32
    %scan3A_15 = arith.constant 1 : i32
    scf.for %scan3A_66 = %scan3A_12 to %scan3A_14 step %scan3A_15  : i32 {
      %mul3A_67 = arith.constant 16 : i32
      %mul3A_68 = arith.muli %scan3A_66, %mul3A_67 : i32
      %get3A = arith.index_cast %mul3A_68 : i32 to index
      %get3A_69 = tpu.vector_load %arg9[%get3A] {strides = array<i32>} : memref<2048xf32, #tpu.memory_space<vmem>>, vector<16xf32>,
      %get3A_70 = vector.shape_cast %get3A_69 : vector<16xf32> to vector<16xf32>
      %mul3A_71 = vector.broadcast %scan3A_11 : f32 to vector<16xf32>
      %mul3A_72 = arith.mulf %get3A_70, %mul3A_71 : vector<16xf32>
      %get3A_73 = arith.index_cast %mul3A_68 : i32 to index
      %get3A_74 = tpu.vector_load %arg10[%get3A_73] {strides = array<i32>} : memref<2048xf32, #tpu.memory_space<vmem>>, vector<16xf32>,
      %get3A_75 = vector.shape_cast %get3A_74 : vector<16xf32> to vector<16xf32>
      %mul3A_76 = vector.broadcast %scan3A_11 : f32 to vector<16xf32>
      %mul3A_77 = arith.mulf %get3A_75, %mul3A_76 : vector<16xf32>
      %get3A_78 = arith.index_cast %mul3A_68 : i32 to index
      %get3A_79 = tpu.vector_load %arg11[%get3A_78] {strides = array<i32>} : memref<2048xf32, #tpu.memory_space<vmem>>, vector<16xf32>,
      %get3A_80 = vector.shape_cast %get3A_79 : vector<16xf32> to vector<16xf32>
      %mul3A_81 = vector.broadcast %scan3A_11 : f32 to vector<16xf32>
      %mul3A_82 = arith.mulf %get3A_80, %mul3A_81 : vector<16xf32>
      %convert_element_type3A = arith.fptosi %mul3A_72 : vector<16xf32> to vector<16xi32>
      %convert_element_type3A_83 = arith.fptosi %mul3A_77 : vector<16xf32> to vector<16xi32>
      %convert_element_type3A_84 = arith.fptosi %mul3A_82 : vector<16xf32> to vector<16xi32>
      %convert_element_type3A_85 = arith.sitofp %convert_element_type3A : vector<16xi32> to vector<16xf32>
      %sub3A = arith.subf %mul3A_72, %convert_element_type3A_85 : vector<16xf32>
      %convert_element_type3A_86 = arith.sitofp %convert_element_type3A_83 : vector<16xi32> to vector<16xf32>
      %sub3A_87 = arith.subf %mul3A_77, %convert_element_type3A_86 : vector<16xf32>
      %convert_element_type3A_88 = arith.sitofp %convert_element_type3A_84 : vector<16xi32> to vector<16xf32>
      %sub3A_89 = arith.subf %mul3A_82, %convert_element_type3A_88 : vector<16xf32>
      %sub3A_90 = arith.constant 1.000000e+00 : f32
      %sub3A_91 = vector.broadcast %sub3A_90 : f32 to vector<16xf32>
      %sub3A_92 = arith.subf %sub3A_91, %sub3A : vector<16xf32>
      %sub3A_93 = arith.constant 1.000000e+00 : f32
      %sub3A_94 = vector.broadcast %sub3A_93 : f32 to vector<16xf32>
      %sub3A_95 = arith.subf %sub3A_94, %sub3A_87 : vector<16xf32>
      %sub3A_96 = arith.constant 1.000000e+00 : f32
      %sub3A_97 = vector.broadcast %sub3A_96 : f32 to vector<16xf32>
      %sub3A_98 = arith.subf %sub3A_97, %sub3A_89 : vector<16xf32>
      %mul3A_99 = arith.constant -1640531535 : i32
      %mul3A_100 = vector.broadcast %mul3A_99 : i32 to vector<16xi32>
      %mul3A_101 = arith.muli %convert_element_type3A_83, %mul3A_100 : vector<16xi32>
      %mul3A_102 = arith.constant 805459861 : i32
      %mul3A_103 = vector.broadcast %mul3A_102 : i32 to vector<16xi32>
      %mul3A_104 = arith.muli %convert_element_type3A_84, %mul3A_103 : vector<16xi32>
      %add3A_105 = arith.constant 1 : i32
      %add3A_106 = vector.broadcast %add3A_105 : i32 to vector<16xi32>
      %add3A_107 = arith.addi %convert_element_type3A, %add3A_106 : vector<16xi32>
      %add3A_108 = arith.constant -1640531535 : i32
      %add3A_109 = vector.broadcast %add3A_108 : i32 to vector<16xi32>
      %add3A_110 = arith.addi %mul3A_101, %add3A_109 : vector<16xi32>
      %add3A_111 = arith.constant 805459861 : i32
      %add3A_112 = vector.broadcast %add3A_111 : i32 to vector<16xi32>
      %add3A_113 = arith.addi %mul3A_104, %add3A_112 : vector<16xi32>
      %xor3A = arith.xori %convert_element_type3A, %mul3A_101 : vector<16xi32>
      %xor3A_114 = arith.xori %convert_element_type3A, %add3A_110 : vector<16xi32>
      %xor3A_115 = arith.xori %add3A_107, %mul3A_101 : vector<16xi32>
      %xor3A_116 = arith.xori %add3A_107, %add3A_110 : vector<16xi32>
      %mul3A_117 = arith.mulf %sub3A_92, %sub3A_95 : vector<16xf32>
      %mul3A_118 = arith.mulf %sub3A_92, %sub3A_87 : vector<16xf32>
      %mul3A_119 = arith.mulf %sub3A, %sub3A_95 : vector<16xf32>
      %mul3A_120 = arith.mulf %sub3A, %sub3A_87 : vector<16xf32>
      %xor3A_121 = arith.xori %xor3A, %mul3A_104 : vector<16xi32>
      %and3A = arith.constant 1048575 : i32
      %and3A_122 = vector.broadcast %and3A : i32 to vector<16xi32>
      %and3A_123 = arith.andi %xor3A_121, %and3A_122 : vector<16xi32>
      %add3A_124 = arith.constant 0 : i32
      %add3A_125 = vector.broadcast %add3A_124 : i32 to vector<16xi32>
      %add3A_126 = arith.addi %and3A_123, %add3A_125 : vector<16xi32>
      %mul3A_127 = arith.constant 16 : i32
      %mul3A_128 = arith.muli %scan3A_66, %mul3A_127 : i32
      %add3A_129 = arith.constant 0 : i32
      %add3A_130 = arith.addi %add3A_129, %mul3A_128 : i32
      %swap3A = arith.index_cast %add3A_130 : i32 to index
      %swap3A_131 = tpu.vector_load %arg32[%swap3A] {strides = array<i32>} : memref<16384xi32, #tpu.memory_space<vmem>>, vector<16xi32>,
      %swap3A_132 = vector.shape_cast %swap3A_131 : vector<16xi32> to vector<16xi32>
      %swap3A_133 = vector.shape_cast %add3A_126 : vector<16xi32> to vector<16xi32>
      tpu.vector_store %arg32[%swap3A], %swap3A_133 {strides = array<i32>} : memref<16384xi32, #tpu.memory_space<vmem>>, vector<16xi32>,
      %mul3A_134 = arith.mulf %mul3A_117, %sub3A_98 : vector<16xf32>
      %swap3A_135 = arith.index_cast %mul3A_68 : i32 to index
      %swap3A_136 = tpu.vector_load %arg12[%swap3A_135] {strides = array<i32>} : memref<2048xf32, #tpu.memory_space<vmem>>, vector<16xf32>,
      %swap3A_137 = vector.shape_cast %swap3A_136 : vector<16xf32> to vector<16xf32>
      %swap3A_138 = vector.shape_cast %mul3A_134 : vector<16xf32> to vector<16xf32>
      tpu.vector_store %arg12[%swap3A_135], %swap3A_138 {strides = array<i32>} : memref<2048xf32, #tpu.memory_space<vmem>>, vector<16xf32>,
      %xor3A_139 = arith.xori %xor3A, %add3A_113 : vector<16xi32>
      %and3A_140 = arith.constant 1048575 : i32
      %and3A_141 = vector.broadcast %and3A_140 : i32 to vector<16xi32>
      %and3A_142 = arith.andi %xor3A_139, %and3A_141 : vector<16xi32>
      %add3A_143 = arith.constant 0 : i32
      %add3A_144 = vector.broadcast %add3A_143 : i32 to vector<16xi32>
      %add3A_145 = arith.addi %and3A_142, %add3A_144 : vector<16xi32>
      %mul3A_146 = arith.constant 16 : i32
      %mul3A_147 = arith.muli %scan3A_66, %mul3A_146 : i32
      %add3A_148 = arith.constant 2048 : i32
      %add3A_149 = arith.addi %add3A_148, %mul3A_147 : i32
      %swap3A_150 = arith.index_cast %add3A_149 : i32 to index
      %swap3A_151 = tpu.vector_load %arg32[%swap3A_150] {strides = array<i32>} : memref<16384xi32, #tpu.memory_space<vmem>>, vector<16xi32>,
      %swap3A_152 = vector.shape_cast %swap3A_151 : vector<16xi32> to vector<16xi32>
      %swap3A_153 = vector.shape_cast %add3A_145 : vector<16xi32> to vector<16xi32>
      tpu.vector_store %arg32[%swap3A_150], %swap3A_153 {strides = array<i32>} : memref<16384xi32, #tpu.memory_space<vmem>>, vector<16xi32>,
      %mul3A_154 = arith.mulf %mul3A_117, %sub3A_89 : vector<16xf32>
      %swap3A_155 = arith.index_cast %mul3A_68 : i32 to index
      %swap3A_156 = tpu.vector_load %arg13[%swap3A_155] {strides = array<i32>} : memref<2048xf32, #tpu.memory_space<vmem>>, vector<16xf32>,
      %swap3A_157 = vector.shape_cast %swap3A_156 : vector<16xf32> to vector<16xf32>
      %swap3A_158 = vector.shape_cast %mul3A_154 : vector<16xf32> to vector<16xf32>
      tpu.vector_store %arg13[%swap3A_155], %swap3A_158 {strides = array<i32>} : memref<2048xf32, #tpu.memory_space<vmem>>, vector<16xf32>,
      %xor3A_159 = arith.xori %xor3A_114, %mul3A_104 : vector<16xi32>
      %and3A_160 = arith.constant 1048575 : i32
      %and3A_161 = vector.broadcast %and3A_160 : i32 to vector<16xi32>
      %and3A_162 = arith.andi %xor3A_159, %and3A_161 : vector<16xi32>
      %add3A_163 = arith.constant 0 : i32
      %add3A_164 = vector.broadcast %add3A_163 : i32 to vector<16xi32>
      %add3A_165 = arith.addi %and3A_162, %add3A_164 : vector<16xi32>
      %mul3A_166 = arith.constant 16 : i32
      %mul3A_167 = arith.muli %scan3A_66, %mul3A_166 : i32
      %add3A_168 = arith.constant 4096 : i32
      %add3A_169 = arith.addi %add3A_168, %mul3A_167 : i32
      %swap3A_170 = arith.index_cast %add3A_169 : i32 to index
      %swap3A_171 = tpu.vector_load %arg32[%swap3A_170] {strides = array<i32>} : memref<16384xi32, #tpu.memory_space<vmem>>, vector<16xi32>,
      %swap3A_172 = vector.shape_cast %swap3A_171 : vector<16xi32> to vector<16xi32>
      %swap3A_173 = vector.shape_cast %add3A_165 : vector<16xi32> to vector<16xi32>
      tpu.vector_store %arg32[%swap3A_170], %swap3A_173 {strides = array<i32>} : memref<16384xi32, #tpu.memory_space<vmem>>, vector<16xi32>,
      %mul3A_174 = arith.mulf %mul3A_118, %sub3A_98 : vector<16xf32>
      %swap3A_175 = arith.index_cast %mul3A_68 : i32 to index
      %swap3A_176 = tpu.vector_load %arg14[%swap3A_175] {strides = array<i32>} : memref<2048xf32, #tpu.memory_space<vmem>>, vector<16xf32>,
      %swap3A_177 = vector.shape_cast %swap3A_176 : vector<16xf32> to vector<16xf32>
      %swap3A_178 = vector.shape_cast %mul3A_174 : vector<16xf32> to vector<16xf32>
      tpu.vector_store %arg14[%swap3A_175], %swap3A_178 {strides = array<i32>} : memref<2048xf32, #tpu.memory_space<vmem>>, vector<16xf32>,
      %xor3A_179 = arith.xori %xor3A_114, %add3A_113 : vector<16xi32>
      %and3A_180 = arith.constant 1048575 : i32
      %and3A_181 = vector.broadcast %and3A_180 : i32 to vector<16xi32>
      %and3A_182 = arith.andi %xor3A_179, %and3A_181 : vector<16xi32>
      %add3A_183 = arith.constant 0 : i32
      %add3A_184 = vector.broadcast %add3A_183 : i32 to vector<16xi32>
      %add3A_185 = arith.addi %and3A_182, %add3A_184 : vector<16xi32>
      %mul3A_186 = arith.constant 16 : i32
      %mul3A_187 = arith.muli %scan3A_66, %mul3A_186 : i32
      %add3A_188 = arith.constant 6144 : i32
      %add3A_189 = arith.addi %add3A_188, %mul3A_187 : i32
      %swap3A_190 = arith.index_cast %add3A_189 : i32 to index
      %swap3A_191 = tpu.vector_load %arg32[%swap3A_190] {strides = array<i32>} : memref<16384xi32, #tpu.memory_space<vmem>>, vector<16xi32>,
      %swap3A_192 = vector.shape_cast %swap3A_191 : vector<16xi32> to vector<16xi32>
      %swap3A_193 = vector.shape_cast %add3A_185 : vector<16xi32> to vector<16xi32>
      tpu.vector_store %arg32[%swap3A_190], %swap3A_193 {strides = array<i32>} : memref<16384xi32, #tpu.memory_space<vmem>>, vector<16xi32>,
      %mul3A_194 = arith.mulf %mul3A_118, %sub3A_89 : vector<16xf32>
      %swap3A_195 = arith.index_cast %mul3A_68 : i32 to index
      %swap3A_196 = tpu.vector_load %arg15[%swap3A_195] {strides = array<i32>} : memref<2048xf32, #tpu.memory_space<vmem>>, vector<16xf32>,
      %swap3A_197 = vector.shape_cast %swap3A_196 : vector<16xf32> to vector<16xf32>
      %swap3A_198 = vector.shape_cast %mul3A_194 : vector<16xf32> to vector<16xf32>
      tpu.vector_store %arg15[%swap3A_195], %swap3A_198 {strides = array<i32>} : memref<2048xf32, #tpu.memory_space<vmem>>, vector<16xf32>,
      %xor3A_199 = arith.xori %xor3A_115, %mul3A_104 : vector<16xi32>
      %and3A_200 = arith.constant 1048575 : i32
      %and3A_201 = vector.broadcast %and3A_200 : i32 to vector<16xi32>
      %and3A_202 = arith.andi %xor3A_199, %and3A_201 : vector<16xi32>
      %add3A_203 = arith.constant 0 : i32
      %add3A_204 = vector.broadcast %add3A_203 : i32 to vector<16xi32>
      %add3A_205 = arith.addi %and3A_202, %add3A_204 : vector<16xi32>
      %mul3A_206 = arith.constant 16 : i32
      %mul3A_207 = arith.muli %scan3A_66, %mul3A_206 : i32
      %add3A_208 = arith.constant 8192 : i32
      %add3A_209 = arith.addi %add3A_208, %mul3A_207 : i32
      %swap3A_210 = arith.index_cast %add3A_209 : i32 to index
      %swap3A_211 = tpu.vector_load %arg32[%swap3A_210] {strides = array<i32>} : memref<16384xi32, #tpu.memory_space<vmem>>, vector<16xi32>,
      %swap3A_212 = vector.shape_cast %swap3A_211 : vector<16xi32> to vector<16xi32>
      %swap3A_213 = vector.shape_cast %add3A_205 : vector<16xi32> to vector<16xi32>
      tpu.vector_store %arg32[%swap3A_210], %swap3A_213 {strides = array<i32>} : memref<16384xi32, #tpu.memory_space<vmem>>, vector<16xi32>,
      %mul3A_214 = arith.mulf %mul3A_119, %sub3A_98 : vector<16xf32>
      %swap3A_215 = arith.index_cast %mul3A_68 : i32 to index
      %swap3A_216 = tpu.vector_load %arg16[%swap3A_215] {strides = array<i32>} : memref<2048xf32, #tpu.memory_space<vmem>>, vector<16xf32>,
      %swap3A_217 = vector.shape_cast %swap3A_216 : vector<16xf32> to vector<16xf32>
      %swap3A_218 = vector.shape_cast %mul3A_214 : vector<16xf32> to vector<16xf32>
      tpu.vector_store %arg16[%swap3A_215], %swap3A_218 {strides = array<i32>} : memref<2048xf32, #tpu.memory_space<vmem>>, vector<16xf32>,
      %xor3A_219 = arith.xori %xor3A_115, %add3A_113 : vector<16xi32>
      %and3A_220 = arith.constant 1048575 : i32
      %and3A_221 = vector.broadcast %and3A_220 : i32 to vector<16xi32>
      %and3A_222 = arith.andi %xor3A_219, %and3A_221 : vector<16xi32>
      %add3A_223 = arith.constant 0 : i32
      %add3A_224 = vector.broadcast %add3A_223 : i32 to vector<16xi32>
      %add3A_225 = arith.addi %and3A_222, %add3A_224 : vector<16xi32>
      %mul3A_226 = arith.constant 16 : i32
      %mul3A_227 = arith.muli %scan3A_66, %mul3A_226 : i32
      %add3A_228 = arith.constant 10240 : i32
      %add3A_229 = arith.addi %add3A_228, %mul3A_227 : i32
      %swap3A_230 = arith.index_cast %add3A_229 : i32 to index
      %swap3A_231 = tpu.vector_load %arg32[%swap3A_230] {strides = array<i32>} : memref<16384xi32, #tpu.memory_space<vmem>>, vector<16xi32>,
      %swap3A_232 = vector.shape_cast %swap3A_231 : vector<16xi32> to vector<16xi32>
      %swap3A_233 = vector.shape_cast %add3A_225 : vector<16xi32> to vector<16xi32>
      tpu.vector_store %arg32[%swap3A_230], %swap3A_233 {strides = array<i32>} : memref<16384xi32, #tpu.memory_space<vmem>>, vector<16xi32>,
      %mul3A_234 = arith.mulf %mul3A_119, %sub3A_89 : vector<16xf32>
      %swap3A_235 = arith.index_cast %mul3A_68 : i32 to index
      %swap3A_236 = tpu.vector_load %arg17[%swap3A_235] {strides = array<i32>} : memref<2048xf32, #tpu.memory_space<vmem>>, vector<16xf32>,
      %swap3A_237 = vector.shape_cast %swap3A_236 : vector<16xf32> to vector<16xf32>
      %swap3A_238 = vector.shape_cast %mul3A_234 : vector<16xf32> to vector<16xf32>
      tpu.vector_store %arg17[%swap3A_235], %swap3A_238 {strides = array<i32>} : memref<2048xf32, #tpu.memory_space<vmem>>, vector<16xf32>,
      %xor3A_239 = arith.xori %xor3A_116, %mul3A_104 : vector<16xi32>
      %and3A_240 = arith.constant 1048575 : i32
      %and3A_241 = vector.broadcast %and3A_240 : i32 to vector<16xi32>
      %and3A_242 = arith.andi %xor3A_239, %and3A_241 : vector<16xi32>
      %add3A_243 = arith.constant 0 : i32
      %add3A_244 = vector.broadcast %add3A_243 : i32 to vector<16xi32>
      %add3A_245 = arith.addi %and3A_242, %add3A_244 : vector<16xi32>
      %mul3A_246 = arith.constant 16 : i32
      %mul3A_247 = arith.muli %scan3A_66, %mul3A_246 : i32
      %add3A_248 = arith.constant 12288 : i32
      %add3A_249 = arith.addi %add3A_248, %mul3A_247 : i32
      %swap3A_250 = arith.index_cast %add3A_249 : i32 to index
      %swap3A_251 = tpu.vector_load %arg32[%swap3A_250] {strides = array<i32>} : memref<16384xi32, #tpu.memory_space<vmem>>, vector<16xi32>,
      %swap3A_252 = vector.shape_cast %swap3A_251 : vector<16xi32> to vector<16xi32>
      %swap3A_253 = vector.shape_cast %add3A_245 : vector<16xi32> to vector<16xi32>
      tpu.vector_store %arg32[%swap3A_250], %swap3A_253 {strides = array<i32>} : memref<16384xi32, #tpu.memory_space<vmem>>, vector<16xi32>,
      %mul3A_254 = arith.mulf %mul3A_120, %sub3A_98 : vector<16xf32>
      %swap3A_255 = arith.index_cast %mul3A_68 : i32 to index
      %swap3A_256 = tpu.vector_load %arg18[%swap3A_255] {strides = array<i32>} : memref<2048xf32, #tpu.memory_space<vmem>>, vector<16xf32>,
      %swap3A_257 = vector.shape_cast %swap3A_256 : vector<16xf32> to vector<16xf32>
      %swap3A_258 = vector.shape_cast %mul3A_254 : vector<16xf32> to vector<16xf32>
      tpu.vector_store %arg18[%swap3A_255], %swap3A_258 {strides = array<i32>} : memref<2048xf32, #tpu.memory_space<vmem>>, vector<16xf32>,
      %xor3A_259 = arith.xori %xor3A_116, %add3A_113 : vector<16xi32>
      %and3A_260 = arith.constant 1048575 : i32
      %and3A_261 = vector.broadcast %and3A_260 : i32 to vector<16xi32>
      %and3A_262 = arith.andi %xor3A_259, %and3A_261 : vector<16xi32>
      %add3A_263 = arith.constant 0 : i32
      %add3A_264 = vector.broadcast %add3A_263 : i32 to vector<16xi32>
      %add3A_265 = arith.addi %and3A_262, %add3A_264 : vector<16xi32>
      %mul3A_266 = arith.constant 16 : i32
      %mul3A_267 = arith.muli %scan3A_66, %mul3A_266 : i32
      %add3A_268 = arith.constant 14336 : i32
      %add3A_269 = arith.addi %add3A_268, %mul3A_267 : i32
      %swap3A_270 = arith.index_cast %add3A_269 : i32 to index
      %swap3A_271 = tpu.vector_load %arg32[%swap3A_270] {strides = array<i32>} : memref<16384xi32, #tpu.memory_space<vmem>>, vector<16xi32>,
      %swap3A_272 = vector.shape_cast %swap3A_271 : vector<16xi32> to vector<16xi32>
      %swap3A_273 = vector.shape_cast %add3A_265 : vector<16xi32> to vector<16xi32>
      tpu.vector_store %arg32[%swap3A_270], %swap3A_273 {strides = array<i32>} : memref<16384xi32, #tpu.memory_space<vmem>>, vector<16xi32>,
      %mul3A_274 = arith.mulf %mul3A_120, %sub3A_89 : vector<16xf32>
      %swap3A_275 = arith.index_cast %mul3A_68 : i32 to index
      %swap3A_276 = tpu.vector_load %arg19[%swap3A_275] {strides = array<i32>} : memref<2048xf32, #tpu.memory_space<vmem>>, vector<16xf32>,
      %swap3A_277 = vector.shape_cast %swap3A_276 : vector<16xf32> to vector<16xf32>
      %swap3A_278 = vector.shape_cast %mul3A_274 : vector<16xf32> to vector<16xf32>
      tpu.vector_store %arg19[%swap3A_275], %swap3A_278 {strides = array<i32>} : memref<2048xf32, #tpu.memory_space<vmem>>, vector<16xf32>,
    }
    %scan3A_16 = arith.constant 128 : i32
    %dma_start3A = arith.constant 0 : i32
    %dma_start3A_17 = tpu.memref_slice %arg3[%dma_start3A] : memref<16777216xi32, #tpu.memory_space<hbm>> -> memref<16777216xi32, #tpu.memory_space<hbm>>
    tpu.enqueue_indirect_dma source(%dma_start3A_17 : memref<16777216xi32, #tpu.memory_space<hbm>>) target(%arg34 : memref<16384xi32, #tpu.memory_space<vmem>>) offsets(%arg32 : memref<16384xi32, #tpu.memory_space<vmem>>) semaphore(%arg5 : memref<!tpu.dma_semaphore, #tpu.memory_space<semaphore_mem>>)
    %scan3A_18 = arith.constant 1.600000e+01 : f32
    %scan3A_19 = arith.constant 0 : i32
    %scan3A_20 = arith.constant 8 : i32
    %scan3A_21 = arith.addi %scan3A_19, %scan3A_20 : i32
    %scan3A_22 = arith.constant 1 : i32
    %scan3A_23 = scf.for %scan3A_66 = %scan3A_19 to %scan3A_21 step %scan3A_22 iter_args(%scan3A_67 = %scan3A_18) -> (f32)  : i32 {
      %mul3A_68 = arith.constant 2 : i32
      %mul3A_69 = arith.muli %mul3A_68, %scan3A_66 : i32
      %add3A_70 = arith.constant 1 : i32
      %add3A_71 = arith.addi %mul3A_69, %add3A_70 : i32
      %mul3A_72 = arith.constant 1.500000e+00 : f32
      %mul3A_73 = arith.mulf %scan3A_67, %mul3A_72 : f32
      %mul3A_74 = arith.constant 1048576 : i32
      %mul3A_75 = arith.muli %add3A_71, %mul3A_74 : i32
      %scan3A_76 = arith.constant 0 : i32
      %scan3A_77 = arith.constant 0 : i32
      %scan3A_78 = arith.constant 128 : i32
      %scan3A_79 = arith.addi %scan3A_77, %scan3A_78 : i32
      %scan3A_80 = arith.constant 1 : i32
      scf.for %scan3A_140 = %scan3A_77 to %scan3A_79 step %scan3A_80  : i32 {
        %mul3A_141 = arith.constant 16 : i32
        %mul3A_142 = arith.muli %scan3A_140, %mul3A_141 : i32
        %get3A = arith.index_cast %mul3A_142 : i32 to index
        %get3A_143 = tpu.vector_load %arg9[%get3A] {strides = array<i32>} : memref<2048xf32, #tpu.memory_space<vmem>>, vector<16xf32>,
        %get3A_144 = vector.shape_cast %get3A_143 : vector<16xf32> to vector<16xf32>
        %mul3A_145 = vector.broadcast %mul3A_73 : f32 to vector<16xf32>
        %mul3A_146 = arith.mulf %get3A_144, %mul3A_145 : vector<16xf32>
        %get3A_147 = arith.index_cast %mul3A_142 : i32 to index
        %get3A_148 = tpu.vector_load %arg10[%get3A_147] {strides = array<i32>} : memref<2048xf32, #tpu.memory_space<vmem>>, vector<16xf32>,
        %get3A_149 = vector.shape_cast %get3A_148 : vector<16xf32> to vector<16xf32>
        %mul3A_150 = vector.broadcast %mul3A_73 : f32 to vector<16xf32>
        %mul3A_151 = arith.mulf %get3A_149, %mul3A_150 : vector<16xf32>
        %get3A_152 = arith.index_cast %mul3A_142 : i32 to index
        %get3A_153 = tpu.vector_load %arg11[%get3A_152] {strides = array<i32>} : memref<2048xf32, #tpu.memory_space<vmem>>, vector<16xf32>,
        %get3A_154 = vector.shape_cast %get3A_153 : vector<16xf32> to vector<16xf32>
        %mul3A_155 = vector.broadcast %mul3A_73 : f32 to vector<16xf32>
        %mul3A_156 = arith.mulf %get3A_154, %mul3A_155 : vector<16xf32>
        %convert_element_type3A_157 = arith.fptosi %mul3A_146 : vector<16xf32> to vector<16xi32>
        %convert_element_type3A_158 = arith.fptosi %mul3A_151 : vector<16xf32> to vector<16xi32>
        %convert_element_type3A_159 = arith.fptosi %mul3A_156 : vector<16xf32> to vector<16xi32>
        %convert_element_type3A_160 = arith.sitofp %convert_element_type3A_157 : vector<16xi32> to vector<16xf32>
        %sub3A = arith.subf %mul3A_146, %convert_element_type3A_160 : vector<16xf32>
        %convert_element_type3A_161 = arith.sitofp %convert_element_type3A_158 : vector<16xi32> to vector<16xf32>
        %sub3A_162 = arith.subf %mul3A_151, %convert_element_type3A_161 : vector<16xf32>
        %convert_element_type3A_163 = arith.sitofp %convert_element_type3A_159 : vector<16xi32> to vector<16xf32>
        %sub3A_164 = arith.subf %mul3A_156, %convert_element_type3A_163 : vector<16xf32>
        %sub3A_165 = arith.constant 1.000000e+00 : f32
        %sub3A_166 = vector.broadcast %sub3A_165 : f32 to vector<16xf32>
        %sub3A_167 = arith.subf %sub3A_166, %sub3A : vector<16xf32>
        %sub3A_168 = arith.constant 1.000000e+00 : f32
        %sub3A_169 = vector.broadcast %sub3A_168 : f32 to vector<16xf32>
        %sub3A_170 = arith.subf %sub3A_169, %sub3A_162 : vector<16xf32>
        %sub3A_171 = arith.constant 1.000000e+00 : f32
        %sub3A_172 = vector.broadcast %sub3A_171 : f32 to vector<16xf32>
        %sub3A_173 = arith.subf %sub3A_172, %sub3A_164 : vector<16xf32>
        %mul3A_174 = arith.constant -1640531535 : i32
        %mul3A_175 = vector.broadcast %mul3A_174 : i32 to vector<16xi32>
        %mul3A_176 = arith.muli %convert_element_type3A_158, %mul3A_175 : vector<16xi32>
        %mul3A_177 = arith.constant 805459861 : i32
        %mul3A_178 = vector.broadcast %mul3A_177 : i32 to vector<16xi32>
        %mul3A_179 = arith.muli %convert_element_type3A_159, %mul3A_178 : vector<16xi32>
        %add3A_180 = arith.constant 1 : i32
        %add3A_181 = vector.broadcast %add3A_180 : i32 to vector<16xi32>
        %add3A_182 = arith.addi %convert_element_type3A_157, %add3A_181 : vector<16xi32>
        %add3A_183 = arith.constant -1640531535 : i32
        %add3A_184 = vector.broadcast %add3A_183 : i32 to vector<16xi32>
        %add3A_185 = arith.addi %mul3A_176, %add3A_184 : vector<16xi32>
        %add3A_186 = arith.constant 805459861 : i32
        %add3A_187 = vector.broadcast %add3A_186 : i32 to vector<16xi32>
        %add3A_188 = arith.addi %mul3A_179, %add3A_187 : vector<16xi32>
        %xor3A = arith.xori %convert_element_type3A_157, %mul3A_176 : vector<16xi32>
        %xor3A_189 = arith.xori %convert_element_type3A_157, %add3A_185 : vector<16xi32>
        %xor3A_190 = arith.xori %add3A_182, %mul3A_176 : vector<16xi32>
        %xor3A_191 = arith.xori %add3A_182, %add3A_185 : vector<16xi32>
        %mul3A_192 = arith.mulf %sub3A_167, %sub3A_170 : vector<16xf32>
        %mul3A_193 = arith.mulf %sub3A_167, %sub3A_162 : vector<16xf32>
        %mul3A_194 = arith.mulf %sub3A, %sub3A_170 : vector<16xf32>
        %mul3A_195 = arith.mulf %sub3A, %sub3A_162 : vector<16xf32>
        %xor3A_196 = arith.xori %xor3A, %mul3A_179 : vector<16xi32>
        %and3A = arith.constant 1048575 : i32
        %and3A_197 = vector.broadcast %and3A : i32 to vector<16xi32>
        %and3A_198 = arith.andi %xor3A_196, %and3A_197 : vector<16xi32>
        %add3A_199 = vector.broadcast %mul3A_75 : i32 to vector<16xi32>
        %add3A_200 = arith.addi %and3A_198, %add3A_199 : vector<16xi32>
        %mul3A_201 = arith.constant 16 : i32
        %mul3A_202 = arith.muli %scan3A_140, %mul3A_201 : i32
        %add3A_203 = arith.constant 0 : i32
        %add3A_204 = arith.addi %add3A_203, %mul3A_202 : i32
        %swap3A = arith.index_cast %add3A_204 : i32 to index
        %swap3A_205 = tpu.vector_load %arg33[%swap3A] {strides = array<i32>} : memref<16384xi32, #tpu.memory_space<vmem>>, vector<16xi32>,
        %swap3A_206 = vector.shape_cast %swap3A_205 : vector<16xi32> to vector<16xi32>
        %swap3A_207 = vector.shape_cast %add3A_200 : vector<16xi32> to vector<16xi32>
        tpu.vector_store %arg33[%swap3A], %swap3A_207 {strides = array<i32>} : memref<16384xi32, #tpu.memory_space<vmem>>, vector<16xi32>,
        %mul3A_208 = arith.mulf %mul3A_192, %sub3A_173 : vector<16xf32>
        %swap3A_209 = arith.index_cast %mul3A_142 : i32 to index
        %swap3A_210 = tpu.vector_load %arg20[%swap3A_209] {strides = array<i32>} : memref<2048xf32, #tpu.memory_space<vmem>>, vector<16xf32>,
        %swap3A_211 = vector.shape_cast %swap3A_210 : vector<16xf32> to vector<16xf32>
        %swap3A_212 = vector.shape_cast %mul3A_208 : vector<16xf32> to vector<16xf32>
        tpu.vector_store %arg20[%swap3A_209], %swap3A_212 {strides = array<i32>} : memref<2048xf32, #tpu.memory_space<vmem>>, vector<16xf32>,
        %xor3A_213 = arith.xori %xor3A, %add3A_188 : vector<16xi32>
        %and3A_214 = arith.constant 1048575 : i32
        %and3A_215 = vector.broadcast %and3A_214 : i32 to vector<16xi32>
        %and3A_216 = arith.andi %xor3A_213, %and3A_215 : vector<16xi32>
        %add3A_217 = vector.broadcast %mul3A_75 : i32 to vector<16xi32>
        %add3A_218 = arith.addi %and3A_216, %add3A_217 : vector<16xi32>
        %mul3A_219 = arith.constant 16 : i32
        %mul3A_220 = arith.muli %scan3A_140, %mul3A_219 : i32
        %add3A_221 = arith.constant 2048 : i32
        %add3A_222 = arith.addi %add3A_221, %mul3A_220 : i32
        %swap3A_223 = arith.index_cast %add3A_222 : i32 to index
        %swap3A_224 = tpu.vector_load %arg33[%swap3A_223] {strides = array<i32>} : memref<16384xi32, #tpu.memory_space<vmem>>, vector<16xi32>,
        %swap3A_225 = vector.shape_cast %swap3A_224 : vector<16xi32> to vector<16xi32>
        %swap3A_226 = vector.shape_cast %add3A_218 : vector<16xi32> to vector<16xi32>
        tpu.vector_store %arg33[%swap3A_223], %swap3A_226 {strides = array<i32>} : memref<16384xi32, #tpu.memory_space<vmem>>, vector<16xi32>,
        %mul3A_227 = arith.mulf %mul3A_192, %sub3A_164 : vector<16xf32>
        %swap3A_228 = arith.index_cast %mul3A_142 : i32 to index
        %swap3A_229 = tpu.vector_load %arg21[%swap3A_228] {strides = array<i32>} : memref<2048xf32, #tpu.memory_space<vmem>>, vector<16xf32>,
        %swap3A_230 = vector.shape_cast %swap3A_229 : vector<16xf32> to vector<16xf32>
        %swap3A_231 = vector.shape_cast %mul3A_227 : vector<16xf32> to vector<16xf32>
        tpu.vector_store %arg21[%swap3A_228], %swap3A_231 {strides = array<i32>} : memref<2048xf32, #tpu.memory_space<vmem>>, vector<16xf32>,
        %xor3A_232 = arith.xori %xor3A_189, %mul3A_179 : vector<16xi32>
        %and3A_233 = arith.constant 1048575 : i32
        %and3A_234 = vector.broadcast %and3A_233 : i32 to vector<16xi32>
        %and3A_235 = arith.andi %xor3A_232, %and3A_234 : vector<16xi32>
        %add3A_236 = vector.broadcast %mul3A_75 : i32 to vector<16xi32>
        %add3A_237 = arith.addi %and3A_235, %add3A_236 : vector<16xi32>
        %mul3A_238 = arith.constant 16 : i32
        %mul3A_239 = arith.muli %scan3A_140, %mul3A_238 : i32
        %add3A_240 = arith.constant 4096 : i32
        %add3A_241 = arith.addi %add3A_240, %mul3A_239 : i32
        %swap3A_242 = arith.index_cast %add3A_241 : i32 to index
        %swap3A_243 = tpu.vector_load %arg33[%swap3A_242] {strides = array<i32>} : memref<16384xi32, #tpu.memory_space<vmem>>, vector<16xi32>,
        %swap3A_244 = vector.shape_cast %swap3A_243 : vector<16xi32> to vector<16xi32>
        %swap3A_245 = vector.shape_cast %add3A_237 : vector<16xi32> to vector<16xi32>
        tpu.vector_store %arg33[%swap3A_242], %swap3A_245 {strides = array<i32>} : memref<16384xi32, #tpu.memory_space<vmem>>, vector<16xi32>,
        %mul3A_246 = arith.mulf %mul3A_193, %sub3A_173 : vector<16xf32>
        %swap3A_247 = arith.index_cast %mul3A_142 : i32 to index
        %swap3A_248 = tpu.vector_load %arg22[%swap3A_247] {strides = array<i32>} : memref<2048xf32, #tpu.memory_space<vmem>>, vector<16xf32>,
        %swap3A_249 = vector.shape_cast %swap3A_248 : vector<16xf32> to vector<16xf32>
        %swap3A_250 = vector.shape_cast %mul3A_246 : vector<16xf32> to vector<16xf32>
        tpu.vector_store %arg22[%swap3A_247], %swap3A_250 {strides = array<i32>} : memref<2048xf32, #tpu.memory_space<vmem>>, vector<16xf32>,
        %xor3A_251 = arith.xori %xor3A_189, %add3A_188 : vector<16xi32>
        %and3A_252 = arith.constant 1048575 : i32
        %and3A_253 = vector.broadcast %and3A_252 : i32 to vector<16xi32>
        %and3A_254 = arith.andi %xor3A_251, %and3A_253 : vector<16xi32>
        %add3A_255 = vector.broadcast %mul3A_75 : i32 to vector<16xi32>
        %add3A_256 = arith.addi %and3A_254, %add3A_255 : vector<16xi32>
        %mul3A_257 = arith.constant 16 : i32
        %mul3A_258 = arith.muli %scan3A_140, %mul3A_257 : i32
        %add3A_259 = arith.constant 6144 : i32
        %add3A_260 = arith.addi %add3A_259, %mul3A_258 : i32
        %swap3A_261 = arith.index_cast %add3A_260 : i32 to index
        %swap3A_262 = tpu.vector_load %arg33[%swap3A_261] {strides = array<i32>} : memref<16384xi32, #tpu.memory_space<vmem>>, vector<16xi32>,
        %swap3A_263 = vector.shape_cast %swap3A_262 : vector<16xi32> to vector<16xi32>
        %swap3A_264 = vector.shape_cast %add3A_256 : vector<16xi32> to vector<16xi32>
        tpu.vector_store %arg33[%swap3A_261], %swap3A_264 {strides = array<i32>} : memref<16384xi32, #tpu.memory_space<vmem>>, vector<16xi32>,
        %mul3A_265 = arith.mulf %mul3A_193, %sub3A_164 : vector<16xf32>
        %swap3A_266 = arith.index_cast %mul3A_142 : i32 to index
        %swap3A_267 = tpu.vector_load %arg23[%swap3A_266] {strides = array<i32>} : memref<2048xf32, #tpu.memory_space<vmem>>, vector<16xf32>,
        %swap3A_268 = vector.shape_cast %swap3A_267 : vector<16xf32> to vector<16xf32>
        %swap3A_269 = vector.shape_cast %mul3A_265 : vector<16xf32> to vector<16xf32>
        tpu.vector_store %arg23[%swap3A_266], %swap3A_269 {strides = array<i32>} : memref<2048xf32, #tpu.memory_space<vmem>>, vector<16xf32>,
        %xor3A_270 = arith.xori %xor3A_190, %mul3A_179 : vector<16xi32>
        %and3A_271 = arith.constant 1048575 : i32
        %and3A_272 = vector.broadcast %and3A_271 : i32 to vector<16xi32>
        %and3A_273 = arith.andi %xor3A_270, %and3A_272 : vector<16xi32>
        %add3A_274 = vector.broadcast %mul3A_75 : i32 to vector<16xi32>
        %add3A_275 = arith.addi %and3A_273, %add3A_274 : vector<16xi32>
        %mul3A_276 = arith.constant 16 : i32
        %mul3A_277 = arith.muli %scan3A_140, %mul3A_276 : i32
        %add3A_278 = arith.constant 8192 : i32
        %add3A_279 = arith.addi %add3A_278, %mul3A_277 : i32
        %swap3A_280 = arith.index_cast %add3A_279 : i32 to index
        %swap3A_281 = tpu.vector_load %arg33[%swap3A_280] {strides = array<i32>} : memref<16384xi32, #tpu.memory_space<vmem>>, vector<16xi32>,
        %swap3A_282 = vector.shape_cast %swap3A_281 : vector<16xi32> to vector<16xi32>
        %swap3A_283 = vector.shape_cast %add3A_275 : vector<16xi32> to vector<16xi32>
        tpu.vector_store %arg33[%swap3A_280], %swap3A_283 {strides = array<i32>} : memref<16384xi32, #tpu.memory_space<vmem>>, vector<16xi32>,
        %mul3A_284 = arith.mulf %mul3A_194, %sub3A_173 : vector<16xf32>
        %swap3A_285 = arith.index_cast %mul3A_142 : i32 to index
        %swap3A_286 = tpu.vector_load %arg24[%swap3A_285] {strides = array<i32>} : memref<2048xf32, #tpu.memory_space<vmem>>, vector<16xf32>,
        %swap3A_287 = vector.shape_cast %swap3A_286 : vector<16xf32> to vector<16xf32>
        %swap3A_288 = vector.shape_cast %mul3A_284 : vector<16xf32> to vector<16xf32>
        tpu.vector_store %arg24[%swap3A_285], %swap3A_288 {strides = array<i32>} : memref<2048xf32, #tpu.memory_space<vmem>>, vector<16xf32>,
        %xor3A_289 = arith.xori %xor3A_190, %add3A_188 : vector<16xi32>
        %and3A_290 = arith.constant 1048575 : i32
        %and3A_291 = vector.broadcast %and3A_290 : i32 to vector<16xi32>
        %and3A_292 = arith.andi %xor3A_289, %and3A_291 : vector<16xi32>
        %add3A_293 = vector.broadcast %mul3A_75 : i32 to vector<16xi32>
        %add3A_294 = arith.addi %and3A_292, %add3A_293 : vector<16xi32>
        %mul3A_295 = arith.constant 16 : i32
        %mul3A_296 = arith.muli %scan3A_140, %mul3A_295 : i32
        %add3A_297 = arith.constant 10240 : i32
        %add3A_298 = arith.addi %add3A_297, %mul3A_296 : i32
        %swap3A_299 = arith.index_cast %add3A_298 : i32 to index
        %swap3A_300 = tpu.vector_load %arg33[%swap3A_299] {strides = array<i32>} : memref<16384xi32, #tpu.memory_space<vmem>>, vector<16xi32>,
        %swap3A_301 = vector.shape_cast %swap3A_300 : vector<16xi32> to vector<16xi32>
        %swap3A_302 = vector.shape_cast %add3A_294 : vector<16xi32> to vector<16xi32>
        tpu.vector_store %arg33[%swap3A_299], %swap3A_302 {strides = array<i32>} : memref<16384xi32, #tpu.memory_space<vmem>>, vector<16xi32>,
        %mul3A_303 = arith.mulf %mul3A_194, %sub3A_164 : vector<16xf32>
        %swap3A_304 = arith.index_cast %mul3A_142 : i32 to index
        %swap3A_305 = tpu.vector_load %arg25[%swap3A_304] {strides = array<i32>} : memref<2048xf32, #tpu.memory_space<vmem>>, vector<16xf32>,
        %swap3A_306 = vector.shape_cast %swap3A_305 : vector<16xf32> to vector<16xf32>
        %swap3A_307 = vector.shape_cast %mul3A_303 : vector<16xf32> to vector<16xf32>
        tpu.vector_store %arg25[%swap3A_304], %swap3A_307 {strides = array<i32>} : memref<2048xf32, #tpu.memory_space<vmem>>, vector<16xf32>,
        %xor3A_308 = arith.xori %xor3A_191, %mul3A_179 : vector<16xi32>
        %and3A_309 = arith.constant 1048575 : i32
        %and3A_310 = vector.broadcast %and3A_309 : i32 to vector<16xi32>
        %and3A_311 = arith.andi %xor3A_308, %and3A_310 : vector<16xi32>
        %add3A_312 = vector.broadcast %mul3A_75 : i32 to vector<16xi32>
        %add3A_313 = arith.addi %and3A_311, %add3A_312 : vector<16xi32>
        %mul3A_314 = arith.constant 16 : i32
        %mul3A_315 = arith.muli %scan3A_140, %mul3A_314 : i32
        %add3A_316 = arith.constant 12288 : i32
        %add3A_317 = arith.addi %add3A_316, %mul3A_315 : i32
        %swap3A_318 = arith.index_cast %add3A_317 : i32 to index
        %swap3A_319 = tpu.vector_load %arg33[%swap3A_318] {strides = array<i32>} : memref<16384xi32, #tpu.memory_space<vmem>>, vector<16xi32>,
        %swap3A_320 = vector.shape_cast %swap3A_319 : vector<16xi32> to vector<16xi32>
        %swap3A_321 = vector.shape_cast %add3A_313 : vector<16xi32> to vector<16xi32>
        tpu.vector_store %arg33[%swap3A_318], %swap3A_321 {strides = array<i32>} : memref<16384xi32, #tpu.memory_space<vmem>>, vector<16xi32>,
        %mul3A_322 = arith.mulf %mul3A_195, %sub3A_173 : vector<16xf32>
        %swap3A_323 = arith.index_cast %mul3A_142 : i32 to index
        %swap3A_324 = tpu.vector_load %arg26[%swap3A_323] {strides = array<i32>} : memref<2048xf32, #tpu.memory_space<vmem>>, vector<16xf32>,
        %swap3A_325 = vector.shape_cast %swap3A_324 : vector<16xf32> to vector<16xf32>
        %swap3A_326 = vector.shape_cast %mul3A_322 : vector<16xf32> to vector<16xf32>
        tpu.vector_store %arg26[%swap3A_323], %swap3A_326 {strides = array<i32>} : memref<2048xf32, #tpu.memory_space<vmem>>, vector<16xf32>,
        %xor3A_327 = arith.xori %xor3A_191, %add3A_188 : vector<16xi32>
        %and3A_328 = arith.constant 1048575 : i32
        %and3A_329 = vector.broadcast %and3A_328 : i32 to vector<16xi32>
        %and3A_330 = arith.andi %xor3A_327, %and3A_329 : vector<16xi32>
        %add3A_331 = vector.broadcast %mul3A_75 : i32 to vector<16xi32>
        %add3A_332 = arith.addi %and3A_330, %add3A_331 : vector<16xi32>
        %mul3A_333 = arith.constant 16 : i32
        %mul3A_334 = arith.muli %scan3A_140, %mul3A_333 : i32
        %add3A_335 = arith.constant 14336 : i32
        %add3A_336 = arith.addi %add3A_335, %mul3A_334 : i32
        %swap3A_337 = arith.index_cast %add3A_336 : i32 to index
        %swap3A_338 = tpu.vector_load %arg33[%swap3A_337] {strides = array<i32>} : memref<16384xi32, #tpu.memory_space<vmem>>, vector<16xi32>,
        %swap3A_339 = vector.shape_cast %swap3A_338 : vector<16xi32> to vector<16xi32>
        %swap3A_340 = vector.shape_cast %add3A_332 : vector<16xi32> to vector<16xi32>
        tpu.vector_store %arg33[%swap3A_337], %swap3A_340 {strides = array<i32>} : memref<16384xi32, #tpu.memory_space<vmem>>, vector<16xi32>,
        %mul3A_341 = arith.mulf %mul3A_195, %sub3A_164 : vector<16xf32>
        %swap3A_342 = arith.index_cast %mul3A_142 : i32 to index
        %swap3A_343 = tpu.vector_load %arg27[%swap3A_342] {strides = array<i32>} : memref<2048xf32, #tpu.memory_space<vmem>>, vector<16xf32>,
        %swap3A_344 = vector.shape_cast %swap3A_343 : vector<16xf32> to vector<16xf32>
        %swap3A_345 = vector.shape_cast %mul3A_341 : vector<16xf32> to vector<16xf32>
        tpu.vector_store %arg27[%swap3A_342], %swap3A_345 {strides = array<i32>} : memref<2048xf32, #tpu.memory_space<vmem>>, vector<16xf32>,
      }
      %scan3A_81 = arith.constant 128 : i32
      %dma_wait3A_82 = arith.constant 0 : i32
      %dma_wait3A_83 = tpu.memref_slice %arg3[%dma_wait3A_82] : memref<16777216xi32, #tpu.memory_space<hbm>> -> memref<16777216xi32, #tpu.memory_space<hbm>>
      tpu.wait_indirect_dma semaphore(%arg5 : memref<!tpu.dma_semaphore, #tpu.memory_space<semaphore_mem>>) src(%dma_wait3A_83 : memref<16777216xi32, #tpu.memory_space<hbm>>) dst(%arg34 : memref<16384xi32, #tpu.memory_space<vmem>>)
      %dma_start3A_84 = arith.constant 0 : i32
      %dma_start3A_85 = tpu.memref_slice %arg3[%dma_start3A_84] : memref<16777216xi32, #tpu.memory_space<hbm>> -> memref<16777216xi32, #tpu.memory_space<hbm>>
      tpu.enqueue_indirect_dma source(%dma_start3A_85 : memref<16777216xi32, #tpu.memory_space<hbm>>) target(%arg35 : memref<16384xi32, #tpu.memory_space<vmem>>) offsets(%arg33 : memref<16384xi32, #tpu.memory_space<vmem>>) semaphore(%arg6 : memref<!tpu.dma_semaphore, #tpu.memory_space<semaphore_mem>>)
      %gt3A = arith.constant 0 : i32
      %gt3A_86 = arith.cmpi sgt, %scan3A_66, %gt3A : i32
      %convert_element_type3A = arith.extui %gt3A_86 : i1 to i32
      %cond3A = arith.constant 0 : i32
      %cond3A_87 = arith.cmpi ne, %convert_element_type3A, %cond3A : i32
      scf.if %cond3A_87 {
        %dma_wait3A_140 = tpu.memref_slice %arg4[%add3A_4] : memref<4194304xf32, #tpu.memory_space<hbm>> -> memref<2048xf32, #tpu.memory_space<hbm>>
        %dma_wait3A_141 = tpu.memref_slice %arg4[%add3A_4] : memref<4194304xf32, #tpu.memory_space<hbm>> -> memref<2048xf32, #tpu.memory_space<hbm>>
        tpu.wait_dma2 semaphore(%arg7 : memref<!tpu.dma_semaphore, #tpu.memory_space<semaphore_mem>>) src(%arg28 : memref<2048xf32, #tpu.memory_space<vmem>>) dst(%dma_wait3A_141 : memref<2048xf32, #tpu.memory_space<hbm>>)
        %dma_wait3A_142 = tpu.memref_slice %arg4[%add3A_4] : memref<4194304xf32, #tpu.memory_space<hbm>> -> memref<2048xf32, #tpu.memory_space<hbm>>
        %dma_wait3A_143 = tpu.memref_slice %arg4[%add3A_4] : memref<4194304xf32, #tpu.memory_space<hbm>> -> memref<2048xf32, #tpu.memory_space<hbm>>
        tpu.wait_dma2 semaphore(%arg7 : memref<!tpu.dma_semaphore, #tpu.memory_space<semaphore_mem>>) src(%arg29 : memref<2048xf32, #tpu.memory_space<vmem>>) dst(%dma_wait3A_143 : memref<2048xf32, #tpu.memory_space<hbm>>)
      } else {
      }
      %scan3A_88 = arith.constant 0 : i32
      %scan3A_89 = arith.constant 0 : i32
      %scan3A_90 = arith.constant 128 : i32
      %scan3A_91 = arith.addi %scan3A_89, %scan3A_90 : i32
      %scan3A_92 = arith.constant 1 : i32
      scf.for %scan3A_140 = %scan3A_89 to %scan3A_91 step %scan3A_92  : i32 {
        %mul3A_141 = arith.constant 16 : i32
        %mul3A_142 = arith.muli %scan3A_140, %mul3A_141 : i32
        %broadcast_in_dim3A = arith.constant 0.000000e+00 : f32
        %broadcast_in_dim3A_143 = vector.broadcast %broadcast_in_dim3A : f32 to vector<16xf32>
        %broadcast_in_dim3A_144 = arith.constant 0.000000e+00 : f32
        %broadcast_in_dim3A_145 = vector.broadcast %broadcast_in_dim3A_144 : f32 to vector<16xf32>
        %get3A = arith.index_cast %mul3A_142 : i32 to index
        %get3A_146 = tpu.vector_load %arg12[%get3A] {strides = array<i32>} : memref<2048xf32, #tpu.memory_space<vmem>>, vector<16xf32>,
        %get3A_147 = vector.shape_cast %get3A_146 : vector<16xf32> to vector<16xf32>
        %mul3A_148 = arith.constant 16 : i32
        %mul3A_149 = arith.muli %scan3A_140, %mul3A_148 : i32
        %add3A_150 = arith.constant 0 : i32
        %add3A_151 = arith.addi %add3A_150, %mul3A_149 : i32
        %get3A_152 = arith.index_cast %add3A_151 : i32 to index
        %get3A_153 = tpu.vector_load %arg34[%get3A_152] {strides = array<i32>} : memref<16384xi32, #tpu.memory_space<vmem>>, vector<16xi32>,
        %get3A_154 = vector.shape_cast %get3A_153 : vector<16xi32> to vector<16xi32>
        %shift_left3A = arith.constant 16 : i32
        %shift_left3A_155 = vector.broadcast %shift_left3A : i32 to vector<16xi32>
        %shift_left3A_156 = arith.shli %get3A_154, %shift_left3A_155 : vector<16xi32>
        %bitcast_convert_type3A = tpu.bitcast %shift_left3A_156 : vector<16xi32> -> vector<16xf32>
        %and3A = arith.constant -65536 : i32
        %and3A_157 = vector.broadcast %and3A : i32 to vector<16xi32>
        %and3A_158 = arith.andi %get3A_154, %and3A_157 : vector<16xi32>
        %bitcast_convert_type3A_159 = tpu.bitcast %and3A_158 : vector<16xi32> -> vector<16xf32>
        %mul3A_160 = arith.mulf %get3A_147, %bitcast_convert_type3A : vector<16xf32>
        %add3A_161 = arith.addf %broadcast_in_dim3A_143, %mul3A_160 : vector<16xf32>
        %mul3A_162 = arith.mulf %get3A_147, %bitcast_convert_type3A_159 : vector<16xf32>
        %add3A_163 = arith.addf %broadcast_in_dim3A_145, %mul3A_162 : vector<16xf32>
        %get3A_164 = arith.index_cast %mul3A_142 : i32 to index
        %get3A_165 = tpu.vector_load %arg13[%get3A_164] {strides = array<i32>} : memref<2048xf32, #tpu.memory_space<vmem>>, vector<16xf32>,
        %get3A_166 = vector.shape_cast %get3A_165 : vector<16xf32> to vector<16xf32>
        %mul3A_167 = arith.constant 16 : i32
        %mul3A_168 = arith.muli %scan3A_140, %mul3A_167 : i32
        %add3A_169 = arith.constant 2048 : i32
        %add3A_170 = arith.addi %add3A_169, %mul3A_168 : i32
        %get3A_171 = arith.index_cast %add3A_170 : i32 to index
        %get3A_172 = tpu.vector_load %arg34[%get3A_171] {strides = array<i32>} : memref<16384xi32, #tpu.memory_space<vmem>>, vector<16xi32>,
        %get3A_173 = vector.shape_cast %get3A_172 : vector<16xi32> to vector<16xi32>
        %shift_left3A_174 = arith.constant 16 : i32
        %shift_left3A_175 = vector.broadcast %shift_left3A_174 : i32 to vector<16xi32>
        %shift_left3A_176 = arith.shli %get3A_173, %shift_left3A_175 : vector<16xi32>
        %bitcast_convert_type3A_177 = tpu.bitcast %shift_left3A_176 : vector<16xi32> -> vector<16xf32>
        %and3A_178 = arith.constant -65536 : i32
        %and3A_179 = vector.broadcast %and3A_178 : i32 to vector<16xi32>
        %and3A_180 = arith.andi %get3A_173, %and3A_179 : vector<16xi32>
        %bitcast_convert_type3A_181 = tpu.bitcast %and3A_180 : vector<16xi32> -> vector<16xf32>
        %mul3A_182 = arith.mulf %get3A_166, %bitcast_convert_type3A_177 : vector<16xf32>
        %add3A_183 = arith.addf %add3A_161, %mul3A_182 : vector<16xf32>
        %mul3A_184 = arith.mulf %get3A_166, %bitcast_convert_type3A_181 : vector<16xf32>
        %add3A_185 = arith.addf %add3A_163, %mul3A_184 : vector<16xf32>
        %get3A_186 = arith.index_cast %mul3A_142 : i32 to index
        %get3A_187 = tpu.vector_load %arg14[%get3A_186] {strides = array<i32>} : memref<2048xf32, #tpu.memory_space<vmem>>, vector<16xf32>,
        %get3A_188 = vector.shape_cast %get3A_187 : vector<16xf32> to vector<16xf32>
        %mul3A_189 = arith.constant 16 : i32
        %mul3A_190 = arith.muli %scan3A_140, %mul3A_189 : i32
        %add3A_191 = arith.constant 4096 : i32
        %add3A_192 = arith.addi %add3A_191, %mul3A_190 : i32
        %get3A_193 = arith.index_cast %add3A_192 : i32 to index
        %get3A_194 = tpu.vector_load %arg34[%get3A_193] {strides = array<i32>} : memref<16384xi32, #tpu.memory_space<vmem>>, vector<16xi32>,
        %get3A_195 = vector.shape_cast %get3A_194 : vector<16xi32> to vector<16xi32>
        %shift_left3A_196 = arith.constant 16 : i32
        %shift_left3A_197 = vector.broadcast %shift_left3A_196 : i32 to vector<16xi32>
        %shift_left3A_198 = arith.shli %get3A_195, %shift_left3A_197 : vector<16xi32>
        %bitcast_convert_type3A_199 = tpu.bitcast %shift_left3A_198 : vector<16xi32> -> vector<16xf32>
        %and3A_200 = arith.constant -65536 : i32
        %and3A_201 = vector.broadcast %and3A_200 : i32 to vector<16xi32>
        %and3A_202 = arith.andi %get3A_195, %and3A_201 : vector<16xi32>
        %bitcast_convert_type3A_203 = tpu.bitcast %and3A_202 : vector<16xi32> -> vector<16xf32>
        %mul3A_204 = arith.mulf %get3A_188, %bitcast_convert_type3A_199 : vector<16xf32>
        %add3A_205 = arith.addf %add3A_183, %mul3A_204 : vector<16xf32>
        %mul3A_206 = arith.mulf %get3A_188, %bitcast_convert_type3A_203 : vector<16xf32>
        %add3A_207 = arith.addf %add3A_185, %mul3A_206 : vector<16xf32>
        %get3A_208 = arith.index_cast %mul3A_142 : i32 to index
        %get3A_209 = tpu.vector_load %arg15[%get3A_208] {strides = array<i32>} : memref<2048xf32, #tpu.memory_space<vmem>>, vector<16xf32>,
        %get3A_210 = vector.shape_cast %get3A_209 : vector<16xf32> to vector<16xf32>
        %mul3A_211 = arith.constant 16 : i32
        %mul3A_212 = arith.muli %scan3A_140, %mul3A_211 : i32
        %add3A_213 = arith.constant 6144 : i32
        %add3A_214 = arith.addi %add3A_213, %mul3A_212 : i32
        %get3A_215 = arith.index_cast %add3A_214 : i32 to index
        %get3A_216 = tpu.vector_load %arg34[%get3A_215] {strides = array<i32>} : memref<16384xi32, #tpu.memory_space<vmem>>, vector<16xi32>,
        %get3A_217 = vector.shape_cast %get3A_216 : vector<16xi32> to vector<16xi32>
        %shift_left3A_218 = arith.constant 16 : i32
        %shift_left3A_219 = vector.broadcast %shift_left3A_218 : i32 to vector<16xi32>
        %shift_left3A_220 = arith.shli %get3A_217, %shift_left3A_219 : vector<16xi32>
        %bitcast_convert_type3A_221 = tpu.bitcast %shift_left3A_220 : vector<16xi32> -> vector<16xf32>
        %and3A_222 = arith.constant -65536 : i32
        %and3A_223 = vector.broadcast %and3A_222 : i32 to vector<16xi32>
        %and3A_224 = arith.andi %get3A_217, %and3A_223 : vector<16xi32>
        %bitcast_convert_type3A_225 = tpu.bitcast %and3A_224 : vector<16xi32> -> vector<16xf32>
        %mul3A_226 = arith.mulf %get3A_210, %bitcast_convert_type3A_221 : vector<16xf32>
        %add3A_227 = arith.addf %add3A_205, %mul3A_226 : vector<16xf32>
        %mul3A_228 = arith.mulf %get3A_210, %bitcast_convert_type3A_225 : vector<16xf32>
        %add3A_229 = arith.addf %add3A_207, %mul3A_228 : vector<16xf32>
        %get3A_230 = arith.index_cast %mul3A_142 : i32 to index
        %get3A_231 = tpu.vector_load %arg16[%get3A_230] {strides = array<i32>} : memref<2048xf32, #tpu.memory_space<vmem>>, vector<16xf32>,
        %get3A_232 = vector.shape_cast %get3A_231 : vector<16xf32> to vector<16xf32>
        %mul3A_233 = arith.constant 16 : i32
        %mul3A_234 = arith.muli %scan3A_140, %mul3A_233 : i32
        %add3A_235 = arith.constant 8192 : i32
        %add3A_236 = arith.addi %add3A_235, %mul3A_234 : i32
        %get3A_237 = arith.index_cast %add3A_236 : i32 to index
        %get3A_238 = tpu.vector_load %arg34[%get3A_237] {strides = array<i32>} : memref<16384xi32, #tpu.memory_space<vmem>>, vector<16xi32>,
        %get3A_239 = vector.shape_cast %get3A_238 : vector<16xi32> to vector<16xi32>
        %shift_left3A_240 = arith.constant 16 : i32
        %shift_left3A_241 = vector.broadcast %shift_left3A_240 : i32 to vector<16xi32>
        %shift_left3A_242 = arith.shli %get3A_239, %shift_left3A_241 : vector<16xi32>
        %bitcast_convert_type3A_243 = tpu.bitcast %shift_left3A_242 : vector<16xi32> -> vector<16xf32>
        %and3A_244 = arith.constant -65536 : i32
        %and3A_245 = vector.broadcast %and3A_244 : i32 to vector<16xi32>
        %and3A_246 = arith.andi %get3A_239, %and3A_245 : vector<16xi32>
        %bitcast_convert_type3A_247 = tpu.bitcast %and3A_246 : vector<16xi32> -> vector<16xf32>
        %mul3A_248 = arith.mulf %get3A_232, %bitcast_convert_type3A_243 : vector<16xf32>
        %add3A_249 = arith.addf %add3A_227, %mul3A_248 : vector<16xf32>
        %mul3A_250 = arith.mulf %get3A_232, %bitcast_convert_type3A_247 : vector<16xf32>
        %add3A_251 = arith.addf %add3A_229, %mul3A_250 : vector<16xf32>
        %get3A_252 = arith.index_cast %mul3A_142 : i32 to index
        %get3A_253 = tpu.vector_load %arg17[%get3A_252] {strides = array<i32>} : memref<2048xf32, #tpu.memory_space<vmem>>, vector<16xf32>,
        %get3A_254 = vector.shape_cast %get3A_253 : vector<16xf32> to vector<16xf32>
        %mul3A_255 = arith.constant 16 : i32
        %mul3A_256 = arith.muli %scan3A_140, %mul3A_255 : i32
        %add3A_257 = arith.constant 10240 : i32
        %add3A_258 = arith.addi %add3A_257, %mul3A_256 : i32
        %get3A_259 = arith.index_cast %add3A_258 : i32 to index
        %get3A_260 = tpu.vector_load %arg34[%get3A_259] {strides = array<i32>} : memref<16384xi32, #tpu.memory_space<vmem>>, vector<16xi32>,
        %get3A_261 = vector.shape_cast %get3A_260 : vector<16xi32> to vector<16xi32>
        %shift_left3A_262 = arith.constant 16 : i32
        %shift_left3A_263 = vector.broadcast %shift_left3A_262 : i32 to vector<16xi32>
        %shift_left3A_264 = arith.shli %get3A_261, %shift_left3A_263 : vector<16xi32>
        %bitcast_convert_type3A_265 = tpu.bitcast %shift_left3A_264 : vector<16xi32> -> vector<16xf32>
        %and3A_266 = arith.constant -65536 : i32
        %and3A_267 = vector.broadcast %and3A_266 : i32 to vector<16xi32>
        %and3A_268 = arith.andi %get3A_261, %and3A_267 : vector<16xi32>
        %bitcast_convert_type3A_269 = tpu.bitcast %and3A_268 : vector<16xi32> -> vector<16xf32>
        %mul3A_270 = arith.mulf %get3A_254, %bitcast_convert_type3A_265 : vector<16xf32>
        %add3A_271 = arith.addf %add3A_249, %mul3A_270 : vector<16xf32>
        %mul3A_272 = arith.mulf %get3A_254, %bitcast_convert_type3A_269 : vector<16xf32>
        %add3A_273 = arith.addf %add3A_251, %mul3A_272 : vector<16xf32>
        %get3A_274 = arith.index_cast %mul3A_142 : i32 to index
        %get3A_275 = tpu.vector_load %arg18[%get3A_274] {strides = array<i32>} : memref<2048xf32, #tpu.memory_space<vmem>>, vector<16xf32>,
        %get3A_276 = vector.shape_cast %get3A_275 : vector<16xf32> to vector<16xf32>
        %mul3A_277 = arith.constant 16 : i32
        %mul3A_278 = arith.muli %scan3A_140, %mul3A_277 : i32
        %add3A_279 = arith.constant 12288 : i32
        %add3A_280 = arith.addi %add3A_279, %mul3A_278 : i32
        %get3A_281 = arith.index_cast %add3A_280 : i32 to index
        %get3A_282 = tpu.vector_load %arg34[%get3A_281] {strides = array<i32>} : memref<16384xi32, #tpu.memory_space<vmem>>, vector<16xi32>,
        %get3A_283 = vector.shape_cast %get3A_282 : vector<16xi32> to vector<16xi32>
        %shift_left3A_284 = arith.constant 16 : i32
        %shift_left3A_285 = vector.broadcast %shift_left3A_284 : i32 to vector<16xi32>
        %shift_left3A_286 = arith.shli %get3A_283, %shift_left3A_285 : vector<16xi32>
        %bitcast_convert_type3A_287 = tpu.bitcast %shift_left3A_286 : vector<16xi32> -> vector<16xf32>
        %and3A_288 = arith.constant -65536 : i32
        %and3A_289 = vector.broadcast %and3A_288 : i32 to vector<16xi32>
        %and3A_290 = arith.andi %get3A_283, %and3A_289 : vector<16xi32>
        %bitcast_convert_type3A_291 = tpu.bitcast %and3A_290 : vector<16xi32> -> vector<16xf32>
        %mul3A_292 = arith.mulf %get3A_276, %bitcast_convert_type3A_287 : vector<16xf32>
        %add3A_293 = arith.addf %add3A_271, %mul3A_292 : vector<16xf32>
        %mul3A_294 = arith.mulf %get3A_276, %bitcast_convert_type3A_291 : vector<16xf32>
        %add3A_295 = arith.addf %add3A_273, %mul3A_294 : vector<16xf32>
        %get3A_296 = arith.index_cast %mul3A_142 : i32 to index
        %get3A_297 = tpu.vector_load %arg19[%get3A_296] {strides = array<i32>} : memref<2048xf32, #tpu.memory_space<vmem>>, vector<16xf32>,
        %get3A_298 = vector.shape_cast %get3A_297 : vector<16xf32> to vector<16xf32>
        %mul3A_299 = arith.constant 16 : i32
        %mul3A_300 = arith.muli %scan3A_140, %mul3A_299 : i32
        %add3A_301 = arith.constant 14336 : i32
        %add3A_302 = arith.addi %add3A_301, %mul3A_300 : i32
        %get3A_303 = arith.index_cast %add3A_302 : i32 to index
        %get3A_304 = tpu.vector_load %arg34[%get3A_303] {strides = array<i32>} : memref<16384xi32, #tpu.memory_space<vmem>>, vector<16xi32>,
        %get3A_305 = vector.shape_cast %get3A_304 : vector<16xi32> to vector<16xi32>
        %shift_left3A_306 = arith.constant 16 : i32
        %shift_left3A_307 = vector.broadcast %shift_left3A_306 : i32 to vector<16xi32>
        %shift_left3A_308 = arith.shli %get3A_305, %shift_left3A_307 : vector<16xi32>
        %bitcast_convert_type3A_309 = tpu.bitcast %shift_left3A_308 : vector<16xi32> -> vector<16xf32>
        %and3A_310 = arith.constant -65536 : i32
        %and3A_311 = vector.broadcast %and3A_310 : i32 to vector<16xi32>
        %and3A_312 = arith.andi %get3A_305, %and3A_311 : vector<16xi32>
        %bitcast_convert_type3A_313 = tpu.bitcast %and3A_312 : vector<16xi32> -> vector<16xf32>
        %mul3A_314 = arith.mulf %get3A_298, %bitcast_convert_type3A_309 : vector<16xf32>
        %add3A_315 = arith.addf %add3A_293, %mul3A_314 : vector<16xf32>
        %mul3A_316 = arith.mulf %get3A_298, %bitcast_convert_type3A_313 : vector<16xf32>
        %add3A_317 = arith.addf %add3A_295, %mul3A_316 : vector<16xf32>
        %swap3A = arith.index_cast %mul3A_142 : i32 to index
        %swap3A_318 = tpu.vector_load %arg28[%swap3A] {strides = array<i32>} : memref<2048xf32, #tpu.memory_space<vmem>>, vector<16xf32>,
        %swap3A_319 = vector.shape_cast %swap3A_318 : vector<16xf32> to vector<16xf32>
        %swap3A_320 = vector.shape_cast %add3A_315 : vector<16xf32> to vector<16xf32>
        tpu.vector_store %arg28[%swap3A], %swap3A_320 {strides = array<i32>} : memref<2048xf32, #tpu.memory_space<vmem>>, vector<16xf32>,
        %swap3A_321 = arith.index_cast %mul3A_142 : i32 to index
        %swap3A_322 = tpu.vector_load %arg29[%swap3A_321] {strides = array<i32>} : memref<2048xf32, #tpu.memory_space<vmem>>, vector<16xf32>,
        %swap3A_323 = vector.shape_cast %swap3A_322 : vector<16xf32> to vector<16xf32>
        %swap3A_324 = vector.shape_cast %add3A_317 : vector<16xf32> to vector<16xf32>
        tpu.vector_store %arg29[%swap3A_321], %swap3A_324 {strides = array<i32>} : memref<2048xf32, #tpu.memory_space<vmem>>, vector<16xf32>,
      }
      %scan3A_93 = arith.constant 128 : i32
      %mul3A_94 = arith.constant 2 : i32
      %mul3A_95 = arith.muli %mul3A_94, %mul3A_69 : i32
      %mul3A_96 = arith.constant 131072 : i32
      %mul3A_97 = arith.muli %mul3A_95, %mul3A_96 : i32
      %add3A_98 = arith.addi %mul3A_97, %add3A_4 : i32
      %dma_start3A_99 = tpu.memref_slice %arg4[%add3A_98] : memref<4194304xf32, #tpu.memory_space<hbm>> -> memref<2048xf32, #tpu.memory_space<hbm>>
      %dma_start3A_100 = tpu.memref_slice %arg4[%add3A_98] : memref<4194304xf32, #tpu.memory_space<hbm>> -> memref<2048xf32, #tpu.memory_space<hbm>>
      tpu.enqueue_dma source(%arg28 : memref<2048xf32, #tpu.memory_space<vmem>>) target(%dma_start3A_100 : memref<2048xf32, #tpu.memory_space<hbm>>) target_semaphore(%arg7 : memref<!tpu.dma_semaphore, #tpu.memory_space<semaphore_mem>>)
      %add3A_101 = arith.constant 131072 : i32
      %add3A_102 = arith.addi %add3A_98, %add3A_101 : i32
      %dma_start3A_103 = tpu.memref_slice %arg4[%add3A_102] : memref<4194304xf32, #tpu.memory_space<hbm>> -> memref<2048xf32, #tpu.memory_space<hbm>>
      %dma_start3A_104 = tpu.memref_slice %arg4[%add3A_102] : memref<4194304xf32, #tpu.memory_space<hbm>> -> memref<2048xf32, #tpu.memory_space<hbm>>
      tpu.enqueue_dma source(%arg29 : memref<2048xf32, #tpu.memory_space<vmem>>) target(%dma_start3A_104 : memref<2048xf32, #tpu.memory_space<hbm>>) target_semaphore(%arg7 : memref<!tpu.dma_semaphore, #tpu.memory_space<semaphore_mem>>)
      %lt3A = arith.constant 7 : i32
      %lt3A_105 = arith.cmpi slt, %scan3A_66, %lt3A : i32
      %convert_element_type3A_106 = arith.extui %lt3A_105 : i1 to i32
      %cond3A_107 = arith.constant 0 : i32
      %cond3A_108 = arith.cmpi ne, %convert_element_type3A_106, %cond3A_107 : i32
      scf.if %cond3A_108 {
        %add3A_140 = arith.constant 2 : i32
        %add3A_141 = arith.addi %mul3A_69, %add3A_140 : i32
        %mul3A_142 = arith.constant 2.250000e+00 : f32
        %mul3A_143 = arith.mulf %scan3A_67, %mul3A_142 : f32
        %mul3A_144 = arith.constant 1048576 : i32
        %mul3A_145 = arith.muli %add3A_141, %mul3A_144 : i32
        %scan3A_146 = arith.constant 0 : i32
        %scan3A_147 = arith.constant 0 : i32
        %scan3A_148 = arith.constant 128 : i32
        %scan3A_149 = arith.addi %scan3A_147, %scan3A_148 : i32
        %scan3A_150 = arith.constant 1 : i32
        scf.for %scan3A_152 = %scan3A_147 to %scan3A_149 step %scan3A_150  : i32 {
          %mul3A_153 = arith.constant 16 : i32
          %mul3A_154 = arith.muli %scan3A_152, %mul3A_153 : i32
          %get3A = arith.index_cast %mul3A_154 : i32 to index
          %get3A_155 = tpu.vector_load %arg9[%get3A] {strides = array<i32>} : memref<2048xf32, #tpu.memory_space<vmem>>, vector<16xf32>,
          %get3A_156 = vector.shape_cast %get3A_155 : vector<16xf32> to vector<16xf32>
          %mul3A_157 = vector.broadcast %mul3A_143 : f32 to vector<16xf32>
          %mul3A_158 = arith.mulf %get3A_156, %mul3A_157 : vector<16xf32>
          %get3A_159 = arith.index_cast %mul3A_154 : i32 to index
          %get3A_160 = tpu.vector_load %arg10[%get3A_159] {strides = array<i32>} : memref<2048xf32, #tpu.memory_space<vmem>>, vector<16xf32>,
          %get3A_161 = vector.shape_cast %get3A_160 : vector<16xf32> to vector<16xf32>
          %mul3A_162 = vector.broadcast %mul3A_143 : f32 to vector<16xf32>
          %mul3A_163 = arith.mulf %get3A_161, %mul3A_162 : vector<16xf32>
          %get3A_164 = arith.index_cast %mul3A_154 : i32 to index
          %get3A_165 = tpu.vector_load %arg11[%get3A_164] {strides = array<i32>} : memref<2048xf32, #tpu.memory_space<vmem>>, vector<16xf32>,
          %get3A_166 = vector.shape_cast %get3A_165 : vector<16xf32> to vector<16xf32>
          %mul3A_167 = vector.broadcast %mul3A_143 : f32 to vector<16xf32>
          %mul3A_168 = arith.mulf %get3A_166, %mul3A_167 : vector<16xf32>
          %convert_element_type3A_169 = arith.fptosi %mul3A_158 : vector<16xf32> to vector<16xi32>
          %convert_element_type3A_170 = arith.fptosi %mul3A_163 : vector<16xf32> to vector<16xi32>
          %convert_element_type3A_171 = arith.fptosi %mul3A_168 : vector<16xf32> to vector<16xi32>
          %convert_element_type3A_172 = arith.sitofp %convert_element_type3A_169 : vector<16xi32> to vector<16xf32>
          %sub3A = arith.subf %mul3A_158, %convert_element_type3A_172 : vector<16xf32>
          %convert_element_type3A_173 = arith.sitofp %convert_element_type3A_170 : vector<16xi32> to vector<16xf32>
          %sub3A_174 = arith.subf %mul3A_163, %convert_element_type3A_173 : vector<16xf32>
          %convert_element_type3A_175 = arith.sitofp %convert_element_type3A_171 : vector<16xi32> to vector<16xf32>
          %sub3A_176 = arith.subf %mul3A_168, %convert_element_type3A_175 : vector<16xf32>
          %sub3A_177 = arith.constant 1.000000e+00 : f32
          %sub3A_178 = vector.broadcast %sub3A_177 : f32 to vector<16xf32>
          %sub3A_179 = arith.subf %sub3A_178, %sub3A : vector<16xf32>
          %sub3A_180 = arith.constant 1.000000e+00 : f32
          %sub3A_181 = vector.broadcast %sub3A_180 : f32 to vector<16xf32>
          %sub3A_182 = arith.subf %sub3A_181, %sub3A_174 : vector<16xf32>
          %sub3A_183 = arith.constant 1.000000e+00 : f32
          %sub3A_184 = vector.broadcast %sub3A_183 : f32 to vector<16xf32>
          %sub3A_185 = arith.subf %sub3A_184, %sub3A_176 : vector<16xf32>
          %mul3A_186 = arith.constant -1640531535 : i32
          %mul3A_187 = vector.broadcast %mul3A_186 : i32 to vector<16xi32>
          %mul3A_188 = arith.muli %convert_element_type3A_170, %mul3A_187 : vector<16xi32>
          %mul3A_189 = arith.constant 805459861 : i32
          %mul3A_190 = vector.broadcast %mul3A_189 : i32 to vector<16xi32>
          %mul3A_191 = arith.muli %convert_element_type3A_171, %mul3A_190 : vector<16xi32>
          %add3A_192 = arith.constant 1 : i32
          %add3A_193 = vector.broadcast %add3A_192 : i32 to vector<16xi32>
          %add3A_194 = arith.addi %convert_element_type3A_169, %add3A_193 : vector<16xi32>
          %add3A_195 = arith.constant -1640531535 : i32
          %add3A_196 = vector.broadcast %add3A_195 : i32 to vector<16xi32>
          %add3A_197 = arith.addi %mul3A_188, %add3A_196 : vector<16xi32>
          %add3A_198 = arith.constant 805459861 : i32
          %add3A_199 = vector.broadcast %add3A_198 : i32 to vector<16xi32>
          %add3A_200 = arith.addi %mul3A_191, %add3A_199 : vector<16xi32>
          %xor3A = arith.xori %convert_element_type3A_169, %mul3A_188 : vector<16xi32>
          %xor3A_201 = arith.xori %convert_element_type3A_169, %add3A_197 : vector<16xi32>
          %xor3A_202 = arith.xori %add3A_194, %mul3A_188 : vector<16xi32>
          %xor3A_203 = arith.xori %add3A_194, %add3A_197 : vector<16xi32>
          %mul3A_204 = arith.mulf %sub3A_179, %sub3A_182 : vector<16xf32>
          %mul3A_205 = arith.mulf %sub3A_179, %sub3A_174 : vector<16xf32>
          %mul3A_206 = arith.mulf %sub3A, %sub3A_182 : vector<16xf32>
          %mul3A_207 = arith.mulf %sub3A, %sub3A_174 : vector<16xf32>
          %xor3A_208 = arith.xori %xor3A, %mul3A_191 : vector<16xi32>
          %and3A = arith.constant 1048575 : i32
          %and3A_209 = vector.broadcast %and3A : i32 to vector<16xi32>
          %and3A_210 = arith.andi %xor3A_208, %and3A_209 : vector<16xi32>
          %add3A_211 = vector.broadcast %mul3A_145 : i32 to vector<16xi32>
          %add3A_212 = arith.addi %and3A_210, %add3A_211 : vector<16xi32>
          %mul3A_213 = arith.constant 16 : i32
          %mul3A_214 = arith.muli %scan3A_152, %mul3A_213 : i32
          %add3A_215 = arith.constant 0 : i32
          %add3A_216 = arith.addi %add3A_215, %mul3A_214 : i32
          %swap3A = arith.index_cast %add3A_216 : i32 to index
          %swap3A_217 = tpu.vector_load %arg32[%swap3A] {strides = array<i32>} : memref<16384xi32, #tpu.memory_space<vmem>>, vector<16xi32>,
          %swap3A_218 = vector.shape_cast %swap3A_217 : vector<16xi32> to vector<16xi32>
          %swap3A_219 = vector.shape_cast %add3A_212 : vector<16xi32> to vector<16xi32>
          tpu.vector_store %arg32[%swap3A], %swap3A_219 {strides = array<i32>} : memref<16384xi32, #tpu.memory_space<vmem>>, vector<16xi32>,
          %mul3A_220 = arith.mulf %mul3A_204, %sub3A_185 : vector<16xf32>
          %swap3A_221 = arith.index_cast %mul3A_154 : i32 to index
          %swap3A_222 = tpu.vector_load %arg12[%swap3A_221] {strides = array<i32>} : memref<2048xf32, #tpu.memory_space<vmem>>, vector<16xf32>,
          %swap3A_223 = vector.shape_cast %swap3A_222 : vector<16xf32> to vector<16xf32>
          %swap3A_224 = vector.shape_cast %mul3A_220 : vector<16xf32> to vector<16xf32>
          tpu.vector_store %arg12[%swap3A_221], %swap3A_224 {strides = array<i32>} : memref<2048xf32, #tpu.memory_space<vmem>>, vector<16xf32>,
          %xor3A_225 = arith.xori %xor3A, %add3A_200 : vector<16xi32>
          %and3A_226 = arith.constant 1048575 : i32
          %and3A_227 = vector.broadcast %and3A_226 : i32 to vector<16xi32>
          %and3A_228 = arith.andi %xor3A_225, %and3A_227 : vector<16xi32>
          %add3A_229 = vector.broadcast %mul3A_145 : i32 to vector<16xi32>
          %add3A_230 = arith.addi %and3A_228, %add3A_229 : vector<16xi32>
          %mul3A_231 = arith.constant 16 : i32
          %mul3A_232 = arith.muli %scan3A_152, %mul3A_231 : i32
          %add3A_233 = arith.constant 2048 : i32
          %add3A_234 = arith.addi %add3A_233, %mul3A_232 : i32
          %swap3A_235 = arith.index_cast %add3A_234 : i32 to index
          %swap3A_236 = tpu.vector_load %arg32[%swap3A_235] {strides = array<i32>} : memref<16384xi32, #tpu.memory_space<vmem>>, vector<16xi32>,
          %swap3A_237 = vector.shape_cast %swap3A_236 : vector<16xi32> to vector<16xi32>
          %swap3A_238 = vector.shape_cast %add3A_230 : vector<16xi32> to vector<16xi32>
          tpu.vector_store %arg32[%swap3A_235], %swap3A_238 {strides = array<i32>} : memref<16384xi32, #tpu.memory_space<vmem>>, vector<16xi32>,
          %mul3A_239 = arith.mulf %mul3A_204, %sub3A_176 : vector<16xf32>
          %swap3A_240 = arith.index_cast %mul3A_154 : i32 to index
          %swap3A_241 = tpu.vector_load %arg13[%swap3A_240] {strides = array<i32>} : memref<2048xf32, #tpu.memory_space<vmem>>, vector<16xf32>,
          %swap3A_242 = vector.shape_cast %swap3A_241 : vector<16xf32> to vector<16xf32>
          %swap3A_243 = vector.shape_cast %mul3A_239 : vector<16xf32> to vector<16xf32>
          tpu.vector_store %arg13[%swap3A_240], %swap3A_243 {strides = array<i32>} : memref<2048xf32, #tpu.memory_space<vmem>>, vector<16xf32>,
          %xor3A_244 = arith.xori %xor3A_201, %mul3A_191 : vector<16xi32>
          %and3A_245 = arith.constant 1048575 : i32
          %and3A_246 = vector.broadcast %and3A_245 : i32 to vector<16xi32>
          %and3A_247 = arith.andi %xor3A_244, %and3A_246 : vector<16xi32>
          %add3A_248 = vector.broadcast %mul3A_145 : i32 to vector<16xi32>
          %add3A_249 = arith.addi %and3A_247, %add3A_248 : vector<16xi32>
          %mul3A_250 = arith.constant 16 : i32
          %mul3A_251 = arith.muli %scan3A_152, %mul3A_250 : i32
          %add3A_252 = arith.constant 4096 : i32
          %add3A_253 = arith.addi %add3A_252, %mul3A_251 : i32
          %swap3A_254 = arith.index_cast %add3A_253 : i32 to index
          %swap3A_255 = tpu.vector_load %arg32[%swap3A_254] {strides = array<i32>} : memref<16384xi32, #tpu.memory_space<vmem>>, vector<16xi32>,
          %swap3A_256 = vector.shape_cast %swap3A_255 : vector<16xi32> to vector<16xi32>
          %swap3A_257 = vector.shape_cast %add3A_249 : vector<16xi32> to vector<16xi32>
          tpu.vector_store %arg32[%swap3A_254], %swap3A_257 {strides = array<i32>} : memref<16384xi32, #tpu.memory_space<vmem>>, vector<16xi32>,
          %mul3A_258 = arith.mulf %mul3A_205, %sub3A_185 : vector<16xf32>
          %swap3A_259 = arith.index_cast %mul3A_154 : i32 to index
          %swap3A_260 = tpu.vector_load %arg14[%swap3A_259] {strides = array<i32>} : memref<2048xf32, #tpu.memory_space<vmem>>, vector<16xf32>,
          %swap3A_261 = vector.shape_cast %swap3A_260 : vector<16xf32> to vector<16xf32>
          %swap3A_262 = vector.shape_cast %mul3A_258 : vector<16xf32> to vector<16xf32>
          tpu.vector_store %arg14[%swap3A_259], %swap3A_262 {strides = array<i32>} : memref<2048xf32, #tpu.memory_space<vmem>>, vector<16xf32>,
          %xor3A_263 = arith.xori %xor3A_201, %add3A_200 : vector<16xi32>
          %and3A_264 = arith.constant 1048575 : i32
          %and3A_265 = vector.broadcast %and3A_264 : i32 to vector<16xi32>
          %and3A_266 = arith.andi %xor3A_263, %and3A_265 : vector<16xi32>
          %add3A_267 = vector.broadcast %mul3A_145 : i32 to vector<16xi32>
          %add3A_268 = arith.addi %and3A_266, %add3A_267 : vector<16xi32>
          %mul3A_269 = arith.constant 16 : i32
          %mul3A_270 = arith.muli %scan3A_152, %mul3A_269 : i32
          %add3A_271 = arith.constant 6144 : i32
          %add3A_272 = arith.addi %add3A_271, %mul3A_270 : i32
          %swap3A_273 = arith.index_cast %add3A_272 : i32 to index
          %swap3A_274 = tpu.vector_load %arg32[%swap3A_273] {strides = array<i32>} : memref<16384xi32, #tpu.memory_space<vmem>>, vector<16xi32>,
          %swap3A_275 = vector.shape_cast %swap3A_274 : vector<16xi32> to vector<16xi32>
          %swap3A_276 = vector.shape_cast %add3A_268 : vector<16xi32> to vector<16xi32>
          tpu.vector_store %arg32[%swap3A_273], %swap3A_276 {strides = array<i32>} : memref<16384xi32, #tpu.memory_space<vmem>>, vector<16xi32>,
          %mul3A_277 = arith.mulf %mul3A_205, %sub3A_176 : vector<16xf32>
          %swap3A_278 = arith.index_cast %mul3A_154 : i32 to index
          %swap3A_279 = tpu.vector_load %arg15[%swap3A_278] {strides = array<i32>} : memref<2048xf32, #tpu.memory_space<vmem>>, vector<16xf32>,
          %swap3A_280 = vector.shape_cast %swap3A_279 : vector<16xf32> to vector<16xf32>
          %swap3A_281 = vector.shape_cast %mul3A_277 : vector<16xf32> to vector<16xf32>
          tpu.vector_store %arg15[%swap3A_278], %swap3A_281 {strides = array<i32>} : memref<2048xf32, #tpu.memory_space<vmem>>, vector<16xf32>,
          %xor3A_282 = arith.xori %xor3A_202, %mul3A_191 : vector<16xi32>
          %and3A_283 = arith.constant 1048575 : i32
          %and3A_284 = vector.broadcast %and3A_283 : i32 to vector<16xi32>
          %and3A_285 = arith.andi %xor3A_282, %and3A_284 : vector<16xi32>
          %add3A_286 = vector.broadcast %mul3A_145 : i32 to vector<16xi32>
          %add3A_287 = arith.addi %and3A_285, %add3A_286 : vector<16xi32>
          %mul3A_288 = arith.constant 16 : i32
          %mul3A_289 = arith.muli %scan3A_152, %mul3A_288 : i32
          %add3A_290 = arith.constant 8192 : i32
          %add3A_291 = arith.addi %add3A_290, %mul3A_289 : i32
          %swap3A_292 = arith.index_cast %add3A_291 : i32 to index
          %swap3A_293 = tpu.vector_load %arg32[%swap3A_292] {strides = array<i32>} : memref<16384xi32, #tpu.memory_space<vmem>>, vector<16xi32>,
          %swap3A_294 = vector.shape_cast %swap3A_293 : vector<16xi32> to vector<16xi32>
          %swap3A_295 = vector.shape_cast %add3A_287 : vector<16xi32> to vector<16xi32>
          tpu.vector_store %arg32[%swap3A_292], %swap3A_295 {strides = array<i32>} : memref<16384xi32, #tpu.memory_space<vmem>>, vector<16xi32>,
          %mul3A_296 = arith.mulf %mul3A_206, %sub3A_185 : vector<16xf32>
          %swap3A_297 = arith.index_cast %mul3A_154 : i32 to index
          %swap3A_298 = tpu.vector_load %arg16[%swap3A_297] {strides = array<i32>} : memref<2048xf32, #tpu.memory_space<vmem>>, vector<16xf32>,
          %swap3A_299 = vector.shape_cast %swap3A_298 : vector<16xf32> to vector<16xf32>
          %swap3A_300 = vector.shape_cast %mul3A_296 : vector<16xf32> to vector<16xf32>
          tpu.vector_store %arg16[%swap3A_297], %swap3A_300 {strides = array<i32>} : memref<2048xf32, #tpu.memory_space<vmem>>, vector<16xf32>,
          %xor3A_301 = arith.xori %xor3A_202, %add3A_200 : vector<16xi32>
          %and3A_302 = arith.constant 1048575 : i32
          %and3A_303 = vector.broadcast %and3A_302 : i32 to vector<16xi32>
          %and3A_304 = arith.andi %xor3A_301, %and3A_303 : vector<16xi32>
          %add3A_305 = vector.broadcast %mul3A_145 : i32 to vector<16xi32>
          %add3A_306 = arith.addi %and3A_304, %add3A_305 : vector<16xi32>
          %mul3A_307 = arith.constant 16 : i32
          %mul3A_308 = arith.muli %scan3A_152, %mul3A_307 : i32
          %add3A_309 = arith.constant 10240 : i32
          %add3A_310 = arith.addi %add3A_309, %mul3A_308 : i32
          %swap3A_311 = arith.index_cast %add3A_310 : i32 to index
          %swap3A_312 = tpu.vector_load %arg32[%swap3A_311] {strides = array<i32>} : memref<16384xi32, #tpu.memory_space<vmem>>, vector<16xi32>,
          %swap3A_313 = vector.shape_cast %swap3A_312 : vector<16xi32> to vector<16xi32>
          %swap3A_314 = vector.shape_cast %add3A_306 : vector<16xi32> to vector<16xi32>
          tpu.vector_store %arg32[%swap3A_311], %swap3A_314 {strides = array<i32>} : memref<16384xi32, #tpu.memory_space<vmem>>, vector<16xi32>,
          %mul3A_315 = arith.mulf %mul3A_206, %sub3A_176 : vector<16xf32>
          %swap3A_316 = arith.index_cast %mul3A_154 : i32 to index
          %swap3A_317 = tpu.vector_load %arg17[%swap3A_316] {strides = array<i32>} : memref<2048xf32, #tpu.memory_space<vmem>>, vector<16xf32>,
          %swap3A_318 = vector.shape_cast %swap3A_317 : vector<16xf32> to vector<16xf32>
          %swap3A_319 = vector.shape_cast %mul3A_315 : vector<16xf32> to vector<16xf32>
          tpu.vector_store %arg17[%swap3A_316], %swap3A_319 {strides = array<i32>} : memref<2048xf32, #tpu.memory_space<vmem>>, vector<16xf32>,
          %xor3A_320 = arith.xori %xor3A_203, %mul3A_191 : vector<16xi32>
          %and3A_321 = arith.constant 1048575 : i32
          %and3A_322 = vector.broadcast %and3A_321 : i32 to vector<16xi32>
          %and3A_323 = arith.andi %xor3A_320, %and3A_322 : vector<16xi32>
          %add3A_324 = vector.broadcast %mul3A_145 : i32 to vector<16xi32>
          %add3A_325 = arith.addi %and3A_323, %add3A_324 : vector<16xi32>
          %mul3A_326 = arith.constant 16 : i32
          %mul3A_327 = arith.muli %scan3A_152, %mul3A_326 : i32
          %add3A_328 = arith.constant 12288 : i32
          %add3A_329 = arith.addi %add3A_328, %mul3A_327 : i32
          %swap3A_330 = arith.index_cast %add3A_329 : i32 to index
          %swap3A_331 = tpu.vector_load %arg32[%swap3A_330] {strides = array<i32>} : memref<16384xi32, #tpu.memory_space<vmem>>, vector<16xi32>,
          %swap3A_332 = vector.shape_cast %swap3A_331 : vector<16xi32> to vector<16xi32>
          %swap3A_333 = vector.shape_cast %add3A_325 : vector<16xi32> to vector<16xi32>
          tpu.vector_store %arg32[%swap3A_330], %swap3A_333 {strides = array<i32>} : memref<16384xi32, #tpu.memory_space<vmem>>, vector<16xi32>,
          %mul3A_334 = arith.mulf %mul3A_207, %sub3A_185 : vector<16xf32>
          %swap3A_335 = arith.index_cast %mul3A_154 : i32 to index
          %swap3A_336 = tpu.vector_load %arg18[%swap3A_335] {strides = array<i32>} : memref<2048xf32, #tpu.memory_space<vmem>>, vector<16xf32>,
          %swap3A_337 = vector.shape_cast %swap3A_336 : vector<16xf32> to vector<16xf32>
          %swap3A_338 = vector.shape_cast %mul3A_334 : vector<16xf32> to vector<16xf32>
          tpu.vector_store %arg18[%swap3A_335], %swap3A_338 {strides = array<i32>} : memref<2048xf32, #tpu.memory_space<vmem>>, vector<16xf32>,
          %xor3A_339 = arith.xori %xor3A_203, %add3A_200 : vector<16xi32>
          %and3A_340 = arith.constant 1048575 : i32
          %and3A_341 = vector.broadcast %and3A_340 : i32 to vector<16xi32>
          %and3A_342 = arith.andi %xor3A_339, %and3A_341 : vector<16xi32>
          %add3A_343 = vector.broadcast %mul3A_145 : i32 to vector<16xi32>
          %add3A_344 = arith.addi %and3A_342, %add3A_343 : vector<16xi32>
          %mul3A_345 = arith.constant 16 : i32
          %mul3A_346 = arith.muli %scan3A_152, %mul3A_345 : i32
          %add3A_347 = arith.constant 14336 : i32
          %add3A_348 = arith.addi %add3A_347, %mul3A_346 : i32
          %swap3A_349 = arith.index_cast %add3A_348 : i32 to index
          %swap3A_350 = tpu.vector_load %arg32[%swap3A_349] {strides = array<i32>} : memref<16384xi32, #tpu.memory_space<vmem>>, vector<16xi32>,
          %swap3A_351 = vector.shape_cast %swap3A_350 : vector<16xi32> to vector<16xi32>
          %swap3A_352 = vector.shape_cast %add3A_344 : vector<16xi32> to vector<16xi32>
          tpu.vector_store %arg32[%swap3A_349], %swap3A_352 {strides = array<i32>} : memref<16384xi32, #tpu.memory_space<vmem>>, vector<16xi32>,
          %mul3A_353 = arith.mulf %mul3A_207, %sub3A_176 : vector<16xf32>
          %swap3A_354 = arith.index_cast %mul3A_154 : i32 to index
          %swap3A_355 = tpu.vector_load %arg19[%swap3A_354] {strides = array<i32>} : memref<2048xf32, #tpu.memory_space<vmem>>, vector<16xf32>,
          %swap3A_356 = vector.shape_cast %swap3A_355 : vector<16xf32> to vector<16xf32>
          %swap3A_357 = vector.shape_cast %mul3A_353 : vector<16xf32> to vector<16xf32>
          tpu.vector_store %arg19[%swap3A_354], %swap3A_357 {strides = array<i32>} : memref<2048xf32, #tpu.memory_space<vmem>>, vector<16xf32>,
        }
        %scan3A_151 = arith.constant 128 : i32
      } else {
      }
      %dma_wait3A_109 = arith.constant 0 : i32
      %dma_wait3A_110 = tpu.memref_slice %arg3[%dma_wait3A_109] : memref<16777216xi32, #tpu.memory_space<hbm>> -> memref<16777216xi32, #tpu.memory_space<hbm>>
      tpu.wait_indirect_dma semaphore(%arg6 : memref<!tpu.dma_semaphore, #tpu.memory_space<semaphore_mem>>) src(%dma_wait3A_110 : memref<16777216xi32, #tpu.memory_space<hbm>>) dst(%arg35 : memref<16384xi32, #tpu.memory_space<vmem>>)
      %lt3A_111 = arith.constant 7 : i32
      %lt3A_112 = arith.cmpi slt, %scan3A_66, %lt3A_111 : i32
      %convert_element_type3A_113 = arith.extui %lt3A_112 : i1 to i32
      %cond3A_114 = arith.constant 0 : i32
      %cond3A_115 = arith.cmpi ne, %convert_element_type3A_113, %cond3A_114 : i32
      scf.if %cond3A_115 {
        %dma_start3A_140 = arith.constant 0 : i32
        %dma_start3A_141 = tpu.memref_slice %arg3[%dma_start3A_140] : memref<16777216xi32, #tpu.memory_space<hbm>> -> memref<16777216xi32, #tpu.memory_space<hbm>>
        tpu.enqueue_indirect_dma source(%dma_start3A_141 : memref<16777216xi32, #tpu.memory_space<hbm>>) target(%arg34 : memref<16384xi32, #tpu.memory_space<vmem>>) offsets(%arg32 : memref<16384xi32, #tpu.memory_space<vmem>>) semaphore(%arg5 : memref<!tpu.dma_semaphore, #tpu.memory_space<semaphore_mem>>)
      } else {
      }
      %gt3A_116 = arith.constant 0 : i32
      %gt3A_117 = arith.cmpi sgt, %scan3A_66, %gt3A_116 : i32
      %convert_element_type3A_118 = arith.extui %gt3A_117 : i1 to i32
      %cond3A_119 = arith.constant 0 : i32
      %cond3A_120 = arith.cmpi ne, %convert_element_type3A_118, %cond3A_119 : i32
      scf.if %cond3A_120 {
        %dma_wait3A_140 = tpu.memref_slice %arg4[%add3A_4] : memref<4194304xf32, #tpu.memory_space<hbm>> -> memref<2048xf32, #tpu.memory_space<hbm>>
        %dma_wait3A_141 = tpu.memref_slice %arg4[%add3A_4] : memref<4194304xf32, #tpu.memory_space<hbm>> -> memref<2048xf32, #tpu.memory_space<hbm>>
        tpu.wait_dma2 semaphore(%arg8 : memref<!tpu.dma_semaphore, #tpu.memory_space<semaphore_mem>>) src(%arg30 : memref<2048xf32, #tpu.memory_space<vmem>>) dst(%dma_wait3A_141 : memref<2048xf32, #tpu.memory_space<hbm>>)
        %dma_wait3A_142 = tpu.memref_slice %arg4[%add3A_4] : memref<4194304xf32, #tpu.memory_space<hbm>> -> memref<2048xf32, #tpu.memory_space<hbm>>
        %dma_wait3A_143 = tpu.memref_slice %arg4[%add3A_4] : memref<4194304xf32, #tpu.memory_space<hbm>> -> memref<2048xf32, #tpu.memory_space<hbm>>
        tpu.wait_dma2 semaphore(%arg8 : memref<!tpu.dma_semaphore, #tpu.memory_space<semaphore_mem>>) src(%arg31 : memref<2048xf32, #tpu.memory_space<vmem>>) dst(%dma_wait3A_143 : memref<2048xf32, #tpu.memory_space<hbm>>)
      } else {
      }
      %scan3A_121 = arith.constant 0 : i32
      %scan3A_122 = arith.constant 0 : i32
      %scan3A_123 = arith.constant 128 : i32
      %scan3A_124 = arith.addi %scan3A_122, %scan3A_123 : i32
      %scan3A_125 = arith.constant 1 : i32
      scf.for %scan3A_140 = %scan3A_122 to %scan3A_124 step %scan3A_125  : i32 {
        %mul3A_141 = arith.constant 16 : i32
        %mul3A_142 = arith.muli %scan3A_140, %mul3A_141 : i32
        %broadcast_in_dim3A = arith.constant 0.000000e+00 : f32
        %broadcast_in_dim3A_143 = vector.broadcast %broadcast_in_dim3A : f32 to vector<16xf32>
        %broadcast_in_dim3A_144 = arith.constant 0.000000e+00 : f32
        %broadcast_in_dim3A_145 = vector.broadcast %broadcast_in_dim3A_144 : f32 to vector<16xf32>
        %get3A = arith.index_cast %mul3A_142 : i32 to index
        %get3A_146 = tpu.vector_load %arg20[%get3A] {strides = array<i32>} : memref<2048xf32, #tpu.memory_space<vmem>>, vector<16xf32>,
        %get3A_147 = vector.shape_cast %get3A_146 : vector<16xf32> to vector<16xf32>
        %mul3A_148 = arith.constant 16 : i32
        %mul3A_149 = arith.muli %scan3A_140, %mul3A_148 : i32
        %add3A_150 = arith.constant 0 : i32
        %add3A_151 = arith.addi %add3A_150, %mul3A_149 : i32
        %get3A_152 = arith.index_cast %add3A_151 : i32 to index
        %get3A_153 = tpu.vector_load %arg35[%get3A_152] {strides = array<i32>} : memref<16384xi32, #tpu.memory_space<vmem>>, vector<16xi32>,
        %get3A_154 = vector.shape_cast %get3A_153 : vector<16xi32> to vector<16xi32>
        %shift_left3A = arith.constant 16 : i32
        %shift_left3A_155 = vector.broadcast %shift_left3A : i32 to vector<16xi32>
        %shift_left3A_156 = arith.shli %get3A_154, %shift_left3A_155 : vector<16xi32>
        %bitcast_convert_type3A = tpu.bitcast %shift_left3A_156 : vector<16xi32> -> vector<16xf32>
        %and3A = arith.constant -65536 : i32
        %and3A_157 = vector.broadcast %and3A : i32 to vector<16xi32>
        %and3A_158 = arith.andi %get3A_154, %and3A_157 : vector<16xi32>
        %bitcast_convert_type3A_159 = tpu.bitcast %and3A_158 : vector<16xi32> -> vector<16xf32>
        %mul3A_160 = arith.mulf %get3A_147, %bitcast_convert_type3A : vector<16xf32>
        %add3A_161 = arith.addf %broadcast_in_dim3A_143, %mul3A_160 : vector<16xf32>
        %mul3A_162 = arith.mulf %get3A_147, %bitcast_convert_type3A_159 : vector<16xf32>
        %add3A_163 = arith.addf %broadcast_in_dim3A_145, %mul3A_162 : vector<16xf32>
        %get3A_164 = arith.index_cast %mul3A_142 : i32 to index
        %get3A_165 = tpu.vector_load %arg21[%get3A_164] {strides = array<i32>} : memref<2048xf32, #tpu.memory_space<vmem>>, vector<16xf32>,
        %get3A_166 = vector.shape_cast %get3A_165 : vector<16xf32> to vector<16xf32>
        %mul3A_167 = arith.constant 16 : i32
        %mul3A_168 = arith.muli %scan3A_140, %mul3A_167 : i32
        %add3A_169 = arith.constant 2048 : i32
        %add3A_170 = arith.addi %add3A_169, %mul3A_168 : i32
        %get3A_171 = arith.index_cast %add3A_170 : i32 to index
        %get3A_172 = tpu.vector_load %arg35[%get3A_171] {strides = array<i32>} : memref<16384xi32, #tpu.memory_space<vmem>>, vector<16xi32>,
        %get3A_173 = vector.shape_cast %get3A_172 : vector<16xi32> to vector<16xi32>
        %shift_left3A_174 = arith.constant 16 : i32
        %shift_left3A_175 = vector.broadcast %shift_left3A_174 : i32 to vector<16xi32>
        %shift_left3A_176 = arith.shli %get3A_173, %shift_left3A_175 : vector<16xi32>
        %bitcast_convert_type3A_177 = tpu.bitcast %shift_left3A_176 : vector<16xi32> -> vector<16xf32>
        %and3A_178 = arith.constant -65536 : i32
        %and3A_179 = vector.broadcast %and3A_178 : i32 to vector<16xi32>
        %and3A_180 = arith.andi %get3A_173, %and3A_179 : vector<16xi32>
        %bitcast_convert_type3A_181 = tpu.bitcast %and3A_180 : vector<16xi32> -> vector<16xf32>
        %mul3A_182 = arith.mulf %get3A_166, %bitcast_convert_type3A_177 : vector<16xf32>
        %add3A_183 = arith.addf %add3A_161, %mul3A_182 : vector<16xf32>
        %mul3A_184 = arith.mulf %get3A_166, %bitcast_convert_type3A_181 : vector<16xf32>
        %add3A_185 = arith.addf %add3A_163, %mul3A_184 : vector<16xf32>
        %get3A_186 = arith.index_cast %mul3A_142 : i32 to index
        %get3A_187 = tpu.vector_load %arg22[%get3A_186] {strides = array<i32>} : memref<2048xf32, #tpu.memory_space<vmem>>, vector<16xf32>,
        %get3A_188 = vector.shape_cast %get3A_187 : vector<16xf32> to vector<16xf32>
        %mul3A_189 = arith.constant 16 : i32
        %mul3A_190 = arith.muli %scan3A_140, %mul3A_189 : i32
        %add3A_191 = arith.constant 4096 : i32
        %add3A_192 = arith.addi %add3A_191, %mul3A_190 : i32
        %get3A_193 = arith.index_cast %add3A_192 : i32 to index
        %get3A_194 = tpu.vector_load %arg35[%get3A_193] {strides = array<i32>} : memref<16384xi32, #tpu.memory_space<vmem>>, vector<16xi32>,
        %get3A_195 = vector.shape_cast %get3A_194 : vector<16xi32> to vector<16xi32>
        %shift_left3A_196 = arith.constant 16 : i32
        %shift_left3A_197 = vector.broadcast %shift_left3A_196 : i32 to vector<16xi32>
        %shift_left3A_198 = arith.shli %get3A_195, %shift_left3A_197 : vector<16xi32>
        %bitcast_convert_type3A_199 = tpu.bitcast %shift_left3A_198 : vector<16xi32> -> vector<16xf32>
        %and3A_200 = arith.constant -65536 : i32
        %and3A_201 = vector.broadcast %and3A_200 : i32 to vector<16xi32>
        %and3A_202 = arith.andi %get3A_195, %and3A_201 : vector<16xi32>
        %bitcast_convert_type3A_203 = tpu.bitcast %and3A_202 : vector<16xi32> -> vector<16xf32>
        %mul3A_204 = arith.mulf %get3A_188, %bitcast_convert_type3A_199 : vector<16xf32>
        %add3A_205 = arith.addf %add3A_183, %mul3A_204 : vector<16xf32>
        %mul3A_206 = arith.mulf %get3A_188, %bitcast_convert_type3A_203 : vector<16xf32>
        %add3A_207 = arith.addf %add3A_185, %mul3A_206 : vector<16xf32>
        %get3A_208 = arith.index_cast %mul3A_142 : i32 to index
        %get3A_209 = tpu.vector_load %arg23[%get3A_208] {strides = array<i32>} : memref<2048xf32, #tpu.memory_space<vmem>>, vector<16xf32>,
        %get3A_210 = vector.shape_cast %get3A_209 : vector<16xf32> to vector<16xf32>
        %mul3A_211 = arith.constant 16 : i32
        %mul3A_212 = arith.muli %scan3A_140, %mul3A_211 : i32
        %add3A_213 = arith.constant 6144 : i32
        %add3A_214 = arith.addi %add3A_213, %mul3A_212 : i32
        %get3A_215 = arith.index_cast %add3A_214 : i32 to index
        %get3A_216 = tpu.vector_load %arg35[%get3A_215] {strides = array<i32>} : memref<16384xi32, #tpu.memory_space<vmem>>, vector<16xi32>,
        %get3A_217 = vector.shape_cast %get3A_216 : vector<16xi32> to vector<16xi32>
        %shift_left3A_218 = arith.constant 16 : i32
        %shift_left3A_219 = vector.broadcast %shift_left3A_218 : i32 to vector<16xi32>
        %shift_left3A_220 = arith.shli %get3A_217, %shift_left3A_219 : vector<16xi32>
        %bitcast_convert_type3A_221 = tpu.bitcast %shift_left3A_220 : vector<16xi32> -> vector<16xf32>
        %and3A_222 = arith.constant -65536 : i32
        %and3A_223 = vector.broadcast %and3A_222 : i32 to vector<16xi32>
        %and3A_224 = arith.andi %get3A_217, %and3A_223 : vector<16xi32>
        %bitcast_convert_type3A_225 = tpu.bitcast %and3A_224 : vector<16xi32> -> vector<16xf32>
        %mul3A_226 = arith.mulf %get3A_210, %bitcast_convert_type3A_221 : vector<16xf32>
        %add3A_227 = arith.addf %add3A_205, %mul3A_226 : vector<16xf32>
        %mul3A_228 = arith.mulf %get3A_210, %bitcast_convert_type3A_225 : vector<16xf32>
        %add3A_229 = arith.addf %add3A_207, %mul3A_228 : vector<16xf32>
        %get3A_230 = arith.index_cast %mul3A_142 : i32 to index
        %get3A_231 = tpu.vector_load %arg24[%get3A_230] {strides = array<i32>} : memref<2048xf32, #tpu.memory_space<vmem>>, vector<16xf32>,
        %get3A_232 = vector.shape_cast %get3A_231 : vector<16xf32> to vector<16xf32>
        %mul3A_233 = arith.constant 16 : i32
        %mul3A_234 = arith.muli %scan3A_140, %mul3A_233 : i32
        %add3A_235 = arith.constant 8192 : i32
        %add3A_236 = arith.addi %add3A_235, %mul3A_234 : i32
        %get3A_237 = arith.index_cast %add3A_236 : i32 to index
        %get3A_238 = tpu.vector_load %arg35[%get3A_237] {strides = array<i32>} : memref<16384xi32, #tpu.memory_space<vmem>>, vector<16xi32>,
        %get3A_239 = vector.shape_cast %get3A_238 : vector<16xi32> to vector<16xi32>
        %shift_left3A_240 = arith.constant 16 : i32
        %shift_left3A_241 = vector.broadcast %shift_left3A_240 : i32 to vector<16xi32>
        %shift_left3A_242 = arith.shli %get3A_239, %shift_left3A_241 : vector<16xi32>
        %bitcast_convert_type3A_243 = tpu.bitcast %shift_left3A_242 : vector<16xi32> -> vector<16xf32>
        %and3A_244 = arith.constant -65536 : i32
        %and3A_245 = vector.broadcast %and3A_244 : i32 to vector<16xi32>
        %and3A_246 = arith.andi %get3A_239, %and3A_245 : vector<16xi32>
        %bitcast_convert_type3A_247 = tpu.bitcast %and3A_246 : vector<16xi32> -> vector<16xf32>
        %mul3A_248 = arith.mulf %get3A_232, %bitcast_convert_type3A_243 : vector<16xf32>
        %add3A_249 = arith.addf %add3A_227, %mul3A_248 : vector<16xf32>
        %mul3A_250 = arith.mulf %get3A_232, %bitcast_convert_type3A_247 : vector<16xf32>
        %add3A_251 = arith.addf %add3A_229, %mul3A_250 : vector<16xf32>
        %get3A_252 = arith.index_cast %mul3A_142 : i32 to index
        %get3A_253 = tpu.vector_load %arg25[%get3A_252] {strides = array<i32>} : memref<2048xf32, #tpu.memory_space<vmem>>, vector<16xf32>,
        %get3A_254 = vector.shape_cast %get3A_253 : vector<16xf32> to vector<16xf32>
        %mul3A_255 = arith.constant 16 : i32
        %mul3A_256 = arith.muli %scan3A_140, %mul3A_255 : i32
        %add3A_257 = arith.constant 10240 : i32
        %add3A_258 = arith.addi %add3A_257, %mul3A_256 : i32
        %get3A_259 = arith.index_cast %add3A_258 : i32 to index
        %get3A_260 = tpu.vector_load %arg35[%get3A_259] {strides = array<i32>} : memref<16384xi32, #tpu.memory_space<vmem>>, vector<16xi32>,
        %get3A_261 = vector.shape_cast %get3A_260 : vector<16xi32> to vector<16xi32>
        %shift_left3A_262 = arith.constant 16 : i32
        %shift_left3A_263 = vector.broadcast %shift_left3A_262 : i32 to vector<16xi32>
        %shift_left3A_264 = arith.shli %get3A_261, %shift_left3A_263 : vector<16xi32>
        %bitcast_convert_type3A_265 = tpu.bitcast %shift_left3A_264 : vector<16xi32> -> vector<16xf32>
        %and3A_266 = arith.constant -65536 : i32
        %and3A_267 = vector.broadcast %and3A_266 : i32 to vector<16xi32>
        %and3A_268 = arith.andi %get3A_261, %and3A_267 : vector<16xi32>
        %bitcast_convert_type3A_269 = tpu.bitcast %and3A_268 : vector<16xi32> -> vector<16xf32>
        %mul3A_270 = arith.mulf %get3A_254, %bitcast_convert_type3A_265 : vector<16xf32>
        %add3A_271 = arith.addf %add3A_249, %mul3A_270 : vector<16xf32>
        %mul3A_272 = arith.mulf %get3A_254, %bitcast_convert_type3A_269 : vector<16xf32>
        %add3A_273 = arith.addf %add3A_251, %mul3A_272 : vector<16xf32>
        %get3A_274 = arith.index_cast %mul3A_142 : i32 to index
        %get3A_275 = tpu.vector_load %arg26[%get3A_274] {strides = array<i32>} : memref<2048xf32, #tpu.memory_space<vmem>>, vector<16xf32>,
        %get3A_276 = vector.shape_cast %get3A_275 : vector<16xf32> to vector<16xf32>
        %mul3A_277 = arith.constant 16 : i32
        %mul3A_278 = arith.muli %scan3A_140, %mul3A_277 : i32
        %add3A_279 = arith.constant 12288 : i32
        %add3A_280 = arith.addi %add3A_279, %mul3A_278 : i32
        %get3A_281 = arith.index_cast %add3A_280 : i32 to index
        %get3A_282 = tpu.vector_load %arg35[%get3A_281] {strides = array<i32>} : memref<16384xi32, #tpu.memory_space<vmem>>, vector<16xi32>,
        %get3A_283 = vector.shape_cast %get3A_282 : vector<16xi32> to vector<16xi32>
        %shift_left3A_284 = arith.constant 16 : i32
        %shift_left3A_285 = vector.broadcast %shift_left3A_284 : i32 to vector<16xi32>
        %shift_left3A_286 = arith.shli %get3A_283, %shift_left3A_285 : vector<16xi32>
        %bitcast_convert_type3A_287 = tpu.bitcast %shift_left3A_286 : vector<16xi32> -> vector<16xf32>
        %and3A_288 = arith.constant -65536 : i32
        %and3A_289 = vector.broadcast %and3A_288 : i32 to vector<16xi32>
        %and3A_290 = arith.andi %get3A_283, %and3A_289 : vector<16xi32>
        %bitcast_convert_type3A_291 = tpu.bitcast %and3A_290 : vector<16xi32> -> vector<16xf32>
        %mul3A_292 = arith.mulf %get3A_276, %bitcast_convert_type3A_287 : vector<16xf32>
        %add3A_293 = arith.addf %add3A_271, %mul3A_292 : vector<16xf32>
        %mul3A_294 = arith.mulf %get3A_276, %bitcast_convert_type3A_291 : vector<16xf32>
        %add3A_295 = arith.addf %add3A_273, %mul3A_294 : vector<16xf32>
        %get3A_296 = arith.index_cast %mul3A_142 : i32 to index
        %get3A_297 = tpu.vector_load %arg27[%get3A_296] {strides = array<i32>} : memref<2048xf32, #tpu.memory_space<vmem>>, vector<16xf32>,
        %get3A_298 = vector.shape_cast %get3A_297 : vector<16xf32> to vector<16xf32>
        %mul3A_299 = arith.constant 16 : i32
        %mul3A_300 = arith.muli %scan3A_140, %mul3A_299 : i32
        %add3A_301 = arith.constant 14336 : i32
        %add3A_302 = arith.addi %add3A_301, %mul3A_300 : i32
        %get3A_303 = arith.index_cast %add3A_302 : i32 to index
        %get3A_304 = tpu.vector_load %arg35[%get3A_303] {strides = array<i32>} : memref<16384xi32, #tpu.memory_space<vmem>>, vector<16xi32>,
        %get3A_305 = vector.shape_cast %get3A_304 : vector<16xi32> to vector<16xi32>
        %shift_left3A_306 = arith.constant 16 : i32
        %shift_left3A_307 = vector.broadcast %shift_left3A_306 : i32 to vector<16xi32>
        %shift_left3A_308 = arith.shli %get3A_305, %shift_left3A_307 : vector<16xi32>
        %bitcast_convert_type3A_309 = tpu.bitcast %shift_left3A_308 : vector<16xi32> -> vector<16xf32>
        %and3A_310 = arith.constant -65536 : i32
        %and3A_311 = vector.broadcast %and3A_310 : i32 to vector<16xi32>
        %and3A_312 = arith.andi %get3A_305, %and3A_311 : vector<16xi32>
        %bitcast_convert_type3A_313 = tpu.bitcast %and3A_312 : vector<16xi32> -> vector<16xf32>
        %mul3A_314 = arith.mulf %get3A_298, %bitcast_convert_type3A_309 : vector<16xf32>
        %add3A_315 = arith.addf %add3A_293, %mul3A_314 : vector<16xf32>
        %mul3A_316 = arith.mulf %get3A_298, %bitcast_convert_type3A_313 : vector<16xf32>
        %add3A_317 = arith.addf %add3A_295, %mul3A_316 : vector<16xf32>
        %swap3A = arith.index_cast %mul3A_142 : i32 to index
        %swap3A_318 = tpu.vector_load %arg30[%swap3A] {strides = array<i32>} : memref<2048xf32, #tpu.memory_space<vmem>>, vector<16xf32>,
        %swap3A_319 = vector.shape_cast %swap3A_318 : vector<16xf32> to vector<16xf32>
        %swap3A_320 = vector.shape_cast %add3A_315 : vector<16xf32> to vector<16xf32>
        tpu.vector_store %arg30[%swap3A], %swap3A_320 {strides = array<i32>} : memref<2048xf32, #tpu.memory_space<vmem>>, vector<16xf32>,
        %swap3A_321 = arith.index_cast %mul3A_142 : i32 to index
        %swap3A_322 = tpu.vector_load %arg31[%swap3A_321] {strides = array<i32>} : memref<2048xf32, #tpu.memory_space<vmem>>, vector<16xf32>,
        %swap3A_323 = vector.shape_cast %swap3A_322 : vector<16xf32> to vector<16xf32>
        %swap3A_324 = vector.shape_cast %add3A_317 : vector<16xf32> to vector<16xf32>
        tpu.vector_store %arg31[%swap3A_321], %swap3A_324 {strides = array<i32>} : memref<2048xf32, #tpu.memory_space<vmem>>, vector<16xf32>,
      }
      %scan3A_126 = arith.constant 128 : i32
      %mul3A_127 = arith.constant 2 : i32
      %mul3A_128 = arith.muli %mul3A_127, %add3A_71 : i32
      %mul3A_129 = arith.constant 131072 : i32
      %mul3A_130 = arith.muli %mul3A_128, %mul3A_129 : i32
      %add3A_131 = arith.addi %mul3A_130, %add3A_4 : i32
      %dma_start3A_132 = tpu.memref_slice %arg4[%add3A_131] : memref<4194304xf32, #tpu.memory_space<hbm>> -> memref<2048xf32, #tpu.memory_space<hbm>>
      %dma_start3A_133 = tpu.memref_slice %arg4[%add3A_131] : memref<4194304xf32, #tpu.memory_space<hbm>> -> memref<2048xf32, #tpu.memory_space<hbm>>
      tpu.enqueue_dma source(%arg30 : memref<2048xf32, #tpu.memory_space<vmem>>) target(%dma_start3A_133 : memref<2048xf32, #tpu.memory_space<hbm>>) target_semaphore(%arg8 : memref<!tpu.dma_semaphore, #tpu.memory_space<semaphore_mem>>)
      %add3A_134 = arith.constant 131072 : i32
      %add3A_135 = arith.addi %add3A_131, %add3A_134 : i32
      %dma_start3A_136 = tpu.memref_slice %arg4[%add3A_135] : memref<4194304xf32, #tpu.memory_space<hbm>> -> memref<2048xf32, #tpu.memory_space<hbm>>
      %dma_start3A_137 = tpu.memref_slice %arg4[%add3A_135] : memref<4194304xf32, #tpu.memory_space<hbm>> -> memref<2048xf32, #tpu.memory_space<hbm>>
      tpu.enqueue_dma source(%arg31 : memref<2048xf32, #tpu.memory_space<vmem>>) target(%dma_start3A_137 : memref<2048xf32, #tpu.memory_space<hbm>>) target_semaphore(%arg8 : memref<!tpu.dma_semaphore, #tpu.memory_space<semaphore_mem>>)
      %mul3A_138 = arith.constant 2.250000e+00 : f32
      %mul3A_139 = arith.mulf %scan3A_67, %mul3A_138 : f32
      scf.yield %mul3A_139 : f32
    }
    %scan3A_24 = arith.constant 8 : i32
    %dma_wait3A = tpu.memref_slice %arg4[%add3A_4] : memref<4194304xf32, #tpu.memory_space<hbm>> -> memref<2048xf32, #tpu.memory_space<hbm>>
    %dma_wait3A_25 = tpu.memref_slice %arg4[%add3A_4] : memref<4194304xf32, #tpu.memory_space<hbm>> -> memref<2048xf32, #tpu.memory_space<hbm>>
    tpu.wait_dma2 semaphore(%arg7 : memref<!tpu.dma_semaphore, #tpu.memory_space<semaphore_mem>>) src(%arg28 : memref<2048xf32, #tpu.memory_space<vmem>>) dst(%dma_wait3A_25 : memref<2048xf32, #tpu.memory_space<hbm>>)
    %dma_wait3A_26 = tpu.memref_slice %arg4[%add3A_4] : memref<4194304xf32, #tpu.memory_space<hbm>> -> memref<2048xf32, #tpu.memory_space<hbm>>
    %dma_wait3A_27 = tpu.memref_slice %arg4[%add3A_4] : memref<4194304xf32, #tpu.memory_space<hbm>> -> memref<2048xf32, #tpu.memory_space<hbm>>
    tpu.wait_dma2 semaphore(%arg7 : memref<!tpu.dma_semaphore, #tpu.memory_space<semaphore_mem>>) src(%arg29 : memref<2048xf32, #tpu.memory_space<vmem>>) dst(%dma_wait3A_27 : memref<2048xf32, #tpu.memory_space<hbm>>)
    %dma_wait3A_28 = tpu.memref_slice %arg4[%add3A_4] : memref<4194304xf32, #tpu.memory_space<hbm>> -> memref<2048xf32, #tpu.memory_space<hbm>>
    %dma_wait3A_29 = tpu.memref_slice %arg4[%add3A_4] : memref<4194304xf32, #tpu.memory_space<hbm>> -> memref<2048xf32, #tpu.memory_space<hbm>>
    tpu.wait_dma2 semaphore(%arg8 : memref<!tpu.dma_semaphore, #tpu.memory_space<semaphore_mem>>) src(%arg30 : memref<2048xf32, #tpu.memory_space<vmem>>) dst(%dma_wait3A_29 : memref<2048xf32, #tpu.memory_space<hbm>>)
    %dma_wait3A_30 = tpu.memref_slice %arg4[%add3A_4] : memref<4194304xf32, #tpu.memory_space<hbm>> -> memref<2048xf32, #tpu.memory_space<hbm>>
    %dma_wait3A_31 = tpu.memref_slice %arg4[%add3A_4] : memref<4194304xf32, #tpu.memory_space<hbm>> -> memref<2048xf32, #tpu.memory_space<hbm>>
    tpu.wait_dma2 semaphore(%arg8 : memref<!tpu.dma_semaphore, #tpu.memory_space<semaphore_mem>>) src(%arg31 : memref<2048xf32, #tpu.memory_space<vmem>>) dst(%dma_wait3A_31 : memref<2048xf32, #tpu.memory_space<hbm>>)
    %mul3A_32 = arith.constant 4096 : i32
    %mul3A_33 = arith.muli %add3A, %mul3A_32 : i32
    %add3A_34 = arith.constant 2048 : i32
    %add3A_35 = arith.addi %mul3A_33, %add3A_34 : i32
    %add3A_36 = arith.constant 0 : i32
    %add3A_37 = arith.addi %add3A_36, %add3A_35 : i32
    "tpu.region"() ({
      %run_scoped3A = tpu.sem_alloc : memref<!tpu.dma_semaphore, #tpu.memory_space<semaphore_mem>>
      %dma_start3A_66 = tpu.memref_slice %arg2[%add3A_37] : memref<393216xf32, #tpu.memory_space<hbm>> -> memref<2048xf32, #tpu.memory_space<hbm>>
      %dma_start3A_67 = tpu.memref_slice %arg2[%add3A_37] : memref<393216xf32, #tpu.memory_space<hbm>> -> memref<2048xf32, #tpu.memory_space<hbm>>
      tpu.enqueue_dma source(%dma_start3A_67 : memref<2048xf32, #tpu.memory_space<hbm>>) target(%arg9 : memref<2048xf32, #tpu.memory_space<vmem>>) target_semaphore(%run_scoped3A : memref<!tpu.dma_semaphore, #tpu.memory_space<semaphore_mem>>)
      %dma_wait3A_68 = tpu.memref_slice %arg2[%add3A_37] : memref<393216xf32, #tpu.memory_space<hbm>> -> memref<2048xf32, #tpu.memory_space<hbm>>
      %dma_wait3A_69 = tpu.memref_slice %arg2[%add3A_37] : memref<393216xf32, #tpu.memory_space<hbm>> -> memref<2048xf32, #tpu.memory_space<hbm>>
      tpu.wait_dma2 semaphore(%run_scoped3A : memref<!tpu.dma_semaphore, #tpu.memory_space<semaphore_mem>>) src(%dma_wait3A_69 : memref<2048xf32, #tpu.memory_space<hbm>>) dst(%arg9 : memref<2048xf32, #tpu.memory_space<vmem>>)
      tpu.yield
    }) : () -> ()
    %add3A_38 = arith.constant 131072 : i32
    %add3A_39 = arith.addi %add3A_38, %add3A_35 : i32
    "tpu.region"() ({
      %run_scoped3A = tpu.sem_alloc : memref<!tpu.dma_semaphore, #tpu.memory_space<semaphore_mem>>
      %dma_start3A_66 = tpu.memref_slice %arg2[%add3A_39] : memref<393216xf32, #tpu.memory_space<hbm>> -> memref<2048xf32, #tpu.memory_space<hbm>>
      %dma_start3A_67 = tpu.memref_slice %arg2[%add3A_39] : memref<393216xf32, #tpu.memory_space<hbm>> -> memref<2048xf32, #tpu.memory_space<hbm>>
      tpu.enqueue_dma source(%dma_start3A_67 : memref<2048xf32, #tpu.memory_space<hbm>>) target(%arg10 : memref<2048xf32, #tpu.memory_space<vmem>>) target_semaphore(%run_scoped3A : memref<!tpu.dma_semaphore, #tpu.memory_space<semaphore_mem>>)
      %dma_wait3A_68 = tpu.memref_slice %arg2[%add3A_39] : memref<393216xf32, #tpu.memory_space<hbm>> -> memref<2048xf32, #tpu.memory_space<hbm>>
      %dma_wait3A_69 = tpu.memref_slice %arg2[%add3A_39] : memref<393216xf32, #tpu.memory_space<hbm>> -> memref<2048xf32, #tpu.memory_space<hbm>>
      tpu.wait_dma2 semaphore(%run_scoped3A : memref<!tpu.dma_semaphore, #tpu.memory_space<semaphore_mem>>) src(%dma_wait3A_69 : memref<2048xf32, #tpu.memory_space<hbm>>) dst(%arg10 : memref<2048xf32, #tpu.memory_space<vmem>>)
      tpu.yield
    }) : () -> ()
    %add3A_40 = arith.constant 262144 : i32
    %add3A_41 = arith.addi %add3A_40, %add3A_35 : i32
    "tpu.region"() ({
      %run_scoped3A = tpu.sem_alloc : memref<!tpu.dma_semaphore, #tpu.memory_space<semaphore_mem>>
      %dma_start3A_66 = tpu.memref_slice %arg2[%add3A_41] : memref<393216xf32, #tpu.memory_space<hbm>> -> memref<2048xf32, #tpu.memory_space<hbm>>
      %dma_start3A_67 = tpu.memref_slice %arg2[%add3A_41] : memref<393216xf32, #tpu.memory_space<hbm>> -> memref<2048xf32, #tpu.memory_space<hbm>>
      tpu.enqueue_dma source(%dma_start3A_67 : memref<2048xf32, #tpu.memory_space<hbm>>) target(%arg11 : memref<2048xf32, #tpu.memory_space<vmem>>) target_semaphore(%run_scoped3A : memref<!tpu.dma_semaphore, #tpu.memory_space<semaphore_mem>>)
      %dma_wait3A_68 = tpu.memref_slice %arg2[%add3A_41] : memref<393216xf32, #tpu.memory_space<hbm>> -> memref<2048xf32, #tpu.memory_space<hbm>>
      %dma_wait3A_69 = tpu.memref_slice %arg2[%add3A_41] : memref<393216xf32, #tpu.memory_space<hbm>> -> memref<2048xf32, #tpu.memory_space<hbm>>
      tpu.wait_dma2 semaphore(%run_scoped3A : memref<!tpu.dma_semaphore, #tpu.memory_space<semaphore_mem>>) src(%dma_wait3A_69 : memref<2048xf32, #tpu.memory_space<hbm>>) dst(%arg11 : memref<2048xf32, #tpu.memory_space<vmem>>)
      tpu.yield
    }) : () -> ()
    %scan3A_42 = arith.constant 0 : i32
    %scan3A_43 = arith.constant 1.600000e+01 : f32
    %scan3A_44 = arith.constant 0 : i32
    %scan3A_45 = arith.constant 128 : i32
    %scan3A_46 = arith.addi %scan3A_44, %scan3A_45 : i32
    %scan3A_47 = arith.constant 1 : i32
    scf.for %scan3A_66 = %scan3A_44 to %scan3A_46 step %scan3A_47  : i32 {
      %mul3A_67 = arith.constant 16 : i32
      %mul3A_68 = arith.muli %scan3A_66, %mul3A_67 : i32
      %get3A = arith.index_cast %mul3A_68 : i32 to index
      %get3A_69 = tpu.vector_load %arg9[%get3A] {strides = array<i32>} : memref<2048xf32, #tpu.memory_space<vmem>>, vector<16xf32>,
      %get3A_70 = vector.shape_cast %get3A_69 : vector<16xf32> to vector<16xf32>
      %mul3A_71 = vector.broadcast %scan3A_43 : f32 to vector<16xf32>
      %mul3A_72 = arith.mulf %get3A_70, %mul3A_71 : vector<16xf32>
      %get3A_73 = arith.index_cast %mul3A_68 : i32 to index
      %get3A_74 = tpu.vector_load %arg10[%get3A_73] {strides = array<i32>} : memref<2048xf32, #tpu.memory_space<vmem>>, vector<16xf32>,
      %get3A_75 = vector.shape_cast %get3A_74 : vector<16xf32> to vector<16xf32>
      %mul3A_76 = vector.broadcast %scan3A_43 : f32 to vector<16xf32>
      %mul3A_77 = arith.mulf %get3A_75, %mul3A_76 : vector<16xf32>
      %get3A_78 = arith.index_cast %mul3A_68 : i32 to index
      %get3A_79 = tpu.vector_load %arg11[%get3A_78] {strides = array<i32>} : memref<2048xf32, #tpu.memory_space<vmem>>, vector<16xf32>,
      %get3A_80 = vector.shape_cast %get3A_79 : vector<16xf32> to vector<16xf32>
      %mul3A_81 = vector.broadcast %scan3A_43 : f32 to vector<16xf32>
      %mul3A_82 = arith.mulf %get3A_80, %mul3A_81 : vector<16xf32>
      %convert_element_type3A = arith.fptosi %mul3A_72 : vector<16xf32> to vector<16xi32>
      %convert_element_type3A_83 = arith.fptosi %mul3A_77 : vector<16xf32> to vector<16xi32>
      %convert_element_type3A_84 = arith.fptosi %mul3A_82 : vector<16xf32> to vector<16xi32>
      %convert_element_type3A_85 = arith.sitofp %convert_element_type3A : vector<16xi32> to vector<16xf32>
      %sub3A = arith.subf %mul3A_72, %convert_element_type3A_85 : vector<16xf32>
      %convert_element_type3A_86 = arith.sitofp %convert_element_type3A_83 : vector<16xi32> to vector<16xf32>
      %sub3A_87 = arith.subf %mul3A_77, %convert_element_type3A_86 : vector<16xf32>
      %convert_element_type3A_88 = arith.sitofp %convert_element_type3A_84 : vector<16xi32> to vector<16xf32>
      %sub3A_89 = arith.subf %mul3A_82, %convert_element_type3A_88 : vector<16xf32>
      %sub3A_90 = arith.constant 1.000000e+00 : f32
      %sub3A_91 = vector.broadcast %sub3A_90 : f32 to vector<16xf32>
      %sub3A_92 = arith.subf %sub3A_91, %sub3A : vector<16xf32>
      %sub3A_93 = arith.constant 1.000000e+00 : f32
      %sub3A_94 = vector.broadcast %sub3A_93 : f32 to vector<16xf32>
      %sub3A_95 = arith.subf %sub3A_94, %sub3A_87 : vector<16xf32>
      %sub3A_96 = arith.constant 1.000000e+00 : f32
      %sub3A_97 = vector.broadcast %sub3A_96 : f32 to vector<16xf32>
      %sub3A_98 = arith.subf %sub3A_97, %sub3A_89 : vector<16xf32>
      %mul3A_99 = arith.constant -1640531535 : i32
      %mul3A_100 = vector.broadcast %mul3A_99 : i32 to vector<16xi32>
      %mul3A_101 = arith.muli %convert_element_type3A_83, %mul3A_100 : vector<16xi32>
      %mul3A_102 = arith.constant 805459861 : i32
      %mul3A_103 = vector.broadcast %mul3A_102 : i32 to vector<16xi32>
      %mul3A_104 = arith.muli %convert_element_type3A_84, %mul3A_103 : vector<16xi32>
      %add3A_105 = arith.constant 1 : i32
      %add3A_106 = vector.broadcast %add3A_105 : i32 to vector<16xi32>
      %add3A_107 = arith.addi %convert_element_type3A, %add3A_106 : vector<16xi32>
      %add3A_108 = arith.constant -1640531535 : i32
      %add3A_109 = vector.broadcast %add3A_108 : i32 to vector<16xi32>
      %add3A_110 = arith.addi %mul3A_101, %add3A_109 : vector<16xi32>
      %add3A_111 = arith.constant 805459861 : i32
      %add3A_112 = vector.broadcast %add3A_111 : i32 to vector<16xi32>
      %add3A_113 = arith.addi %mul3A_104, %add3A_112 : vector<16xi32>
      %xor3A = arith.xori %convert_element_type3A, %mul3A_101 : vector<16xi32>
      %xor3A_114 = arith.xori %convert_element_type3A, %add3A_110 : vector<16xi32>
      %xor3A_115 = arith.xori %add3A_107, %mul3A_101 : vector<16xi32>
      %xor3A_116 = arith.xori %add3A_107, %add3A_110 : vector<16xi32>
      %mul3A_117 = arith.mulf %sub3A_92, %sub3A_95 : vector<16xf32>
      %mul3A_118 = arith.mulf %sub3A_92, %sub3A_87 : vector<16xf32>
      %mul3A_119 = arith.mulf %sub3A, %sub3A_95 : vector<16xf32>
      %mul3A_120 = arith.mulf %sub3A, %sub3A_87 : vector<16xf32>
      %xor3A_121 = arith.xori %xor3A, %mul3A_104 : vector<16xi32>
      %and3A = arith.constant 1048575 : i32
      %and3A_122 = vector.broadcast %and3A : i32 to vector<16xi32>
      %and3A_123 = arith.andi %xor3A_121, %and3A_122 : vector<16xi32>
      %add3A_124 = arith.constant 0 : i32
      %add3A_125 = vector.broadcast %add3A_124 : i32 to vector<16xi32>
      %add3A_126 = arith.addi %and3A_123, %add3A_125 : vector<16xi32>
      %mul3A_127 = arith.constant 16 : i32
      %mul3A_128 = arith.muli %scan3A_66, %mul3A_127 : i32
      %add3A_129 = arith.constant 0 : i32
      %add3A_130 = arith.addi %add3A_129, %mul3A_128 : i32
      %swap3A = arith.index_cast %add3A_130 : i32 to index
      %swap3A_131 = tpu.vector_load %arg32[%swap3A] {strides = array<i32>} : memref<16384xi32, #tpu.memory_space<vmem>>, vector<16xi32>,
      %swap3A_132 = vector.shape_cast %swap3A_131 : vector<16xi32> to vector<16xi32>
      %swap3A_133 = vector.shape_cast %add3A_126 : vector<16xi32> to vector<16xi32>
      tpu.vector_store %arg32[%swap3A], %swap3A_133 {strides = array<i32>} : memref<16384xi32, #tpu.memory_space<vmem>>, vector<16xi32>,
      %mul3A_134 = arith.mulf %mul3A_117, %sub3A_98 : vector<16xf32>
      %swap3A_135 = arith.index_cast %mul3A_68 : i32 to index
      %swap3A_136 = tpu.vector_load %arg12[%swap3A_135] {strides = array<i32>} : memref<2048xf32, #tpu.memory_space<vmem>>, vector<16xf32>,
      %swap3A_137 = vector.shape_cast %swap3A_136 : vector<16xf32> to vector<16xf32>
      %swap3A_138 = vector.shape_cast %mul3A_134 : vector<16xf32> to vector<16xf32>
      tpu.vector_store %arg12[%swap3A_135], %swap3A_138 {strides = array<i32>} : memref<2048xf32, #tpu.memory_space<vmem>>, vector<16xf32>,
      %xor3A_139 = arith.xori %xor3A, %add3A_113 : vector<16xi32>
      %and3A_140 = arith.constant 1048575 : i32
      %and3A_141 = vector.broadcast %and3A_140 : i32 to vector<16xi32>
      %and3A_142 = arith.andi %xor3A_139, %and3A_141 : vector<16xi32>
      %add3A_143 = arith.constant 0 : i32
      %add3A_144 = vector.broadcast %add3A_143 : i32 to vector<16xi32>
      %add3A_145 = arith.addi %and3A_142, %add3A_144 : vector<16xi32>
      %mul3A_146 = arith.constant 16 : i32
      %mul3A_147 = arith.muli %scan3A_66, %mul3A_146 : i32
      %add3A_148 = arith.constant 2048 : i32
      %add3A_149 = arith.addi %add3A_148, %mul3A_147 : i32
      %swap3A_150 = arith.index_cast %add3A_149 : i32 to index
      %swap3A_151 = tpu.vector_load %arg32[%swap3A_150] {strides = array<i32>} : memref<16384xi32, #tpu.memory_space<vmem>>, vector<16xi32>,
      %swap3A_152 = vector.shape_cast %swap3A_151 : vector<16xi32> to vector<16xi32>
      %swap3A_153 = vector.shape_cast %add3A_145 : vector<16xi32> to vector<16xi32>
      tpu.vector_store %arg32[%swap3A_150], %swap3A_153 {strides = array<i32>} : memref<16384xi32, #tpu.memory_space<vmem>>, vector<16xi32>,
      %mul3A_154 = arith.mulf %mul3A_117, %sub3A_89 : vector<16xf32>
      %swap3A_155 = arith.index_cast %mul3A_68 : i32 to index
      %swap3A_156 = tpu.vector_load %arg13[%swap3A_155] {strides = array<i32>} : memref<2048xf32, #tpu.memory_space<vmem>>, vector<16xf32>,
      %swap3A_157 = vector.shape_cast %swap3A_156 : vector<16xf32> to vector<16xf32>
      %swap3A_158 = vector.shape_cast %mul3A_154 : vector<16xf32> to vector<16xf32>
      tpu.vector_store %arg13[%swap3A_155], %swap3A_158 {strides = array<i32>} : memref<2048xf32, #tpu.memory_space<vmem>>, vector<16xf32>,
      %xor3A_159 = arith.xori %xor3A_114, %mul3A_104 : vector<16xi32>
      %and3A_160 = arith.constant 1048575 : i32
      %and3A_161 = vector.broadcast %and3A_160 : i32 to vector<16xi32>
      %and3A_162 = arith.andi %xor3A_159, %and3A_161 : vector<16xi32>
      %add3A_163 = arith.constant 0 : i32
      %add3A_164 = vector.broadcast %add3A_163 : i32 to vector<16xi32>
      %add3A_165 = arith.addi %and3A_162, %add3A_164 : vector<16xi32>
      %mul3A_166 = arith.constant 16 : i32
      %mul3A_167 = arith.muli %scan3A_66, %mul3A_166 : i32
      %add3A_168 = arith.constant 4096 : i32
      %add3A_169 = arith.addi %add3A_168, %mul3A_167 : i32
      %swap3A_170 = arith.index_cast %add3A_169 : i32 to index
      %swap3A_171 = tpu.vector_load %arg32[%swap3A_170] {strides = array<i32>} : memref<16384xi32, #tpu.memory_space<vmem>>, vector<16xi32>,
      %swap3A_172 = vector.shape_cast %swap3A_171 : vector<16xi32> to vector<16xi32>
      %swap3A_173 = vector.shape_cast %add3A_165 : vector<16xi32> to vector<16xi32>
      tpu.vector_store %arg32[%swap3A_170], %swap3A_173 {strides = array<i32>} : memref<16384xi32, #tpu.memory_space<vmem>>, vector<16xi32>,
      %mul3A_174 = arith.mulf %mul3A_118, %sub3A_98 : vector<16xf32>
      %swap3A_175 = arith.index_cast %mul3A_68 : i32 to index
      %swap3A_176 = tpu.vector_load %arg14[%swap3A_175] {strides = array<i32>} : memref<2048xf32, #tpu.memory_space<vmem>>, vector<16xf32>,
      %swap3A_177 = vector.shape_cast %swap3A_176 : vector<16xf32> to vector<16xf32>
      %swap3A_178 = vector.shape_cast %mul3A_174 : vector<16xf32> to vector<16xf32>
      tpu.vector_store %arg14[%swap3A_175], %swap3A_178 {strides = array<i32>} : memref<2048xf32, #tpu.memory_space<vmem>>, vector<16xf32>,
      %xor3A_179 = arith.xori %xor3A_114, %add3A_113 : vector<16xi32>
      %and3A_180 = arith.constant 1048575 : i32
      %and3A_181 = vector.broadcast %and3A_180 : i32 to vector<16xi32>
      %and3A_182 = arith.andi %xor3A_179, %and3A_181 : vector<16xi32>
      %add3A_183 = arith.constant 0 : i32
      %add3A_184 = vector.broadcast %add3A_183 : i32 to vector<16xi32>
      %add3A_185 = arith.addi %and3A_182, %add3A_184 : vector<16xi32>
      %mul3A_186 = arith.constant 16 : i32
      %mul3A_187 = arith.muli %scan3A_66, %mul3A_186 : i32
      %add3A_188 = arith.constant 6144 : i32
      %add3A_189 = arith.addi %add3A_188, %mul3A_187 : i32
      %swap3A_190 = arith.index_cast %add3A_189 : i32 to index
      %swap3A_191 = tpu.vector_load %arg32[%swap3A_190] {strides = array<i32>} : memref<16384xi32, #tpu.memory_space<vmem>>, vector<16xi32>,
      %swap3A_192 = vector.shape_cast %swap3A_191 : vector<16xi32> to vector<16xi32>
      %swap3A_193 = vector.shape_cast %add3A_185 : vector<16xi32> to vector<16xi32>
      tpu.vector_store %arg32[%swap3A_190], %swap3A_193 {strides = array<i32>} : memref<16384xi32, #tpu.memory_space<vmem>>, vector<16xi32>,
      %mul3A_194 = arith.mulf %mul3A_118, %sub3A_89 : vector<16xf32>
      %swap3A_195 = arith.index_cast %mul3A_68 : i32 to index
      %swap3A_196 = tpu.vector_load %arg15[%swap3A_195] {strides = array<i32>} : memref<2048xf32, #tpu.memory_space<vmem>>, vector<16xf32>,
      %swap3A_197 = vector.shape_cast %swap3A_196 : vector<16xf32> to vector<16xf32>
      %swap3A_198 = vector.shape_cast %mul3A_194 : vector<16xf32> to vector<16xf32>
      tpu.vector_store %arg15[%swap3A_195], %swap3A_198 {strides = array<i32>} : memref<2048xf32, #tpu.memory_space<vmem>>, vector<16xf32>,
      %xor3A_199 = arith.xori %xor3A_115, %mul3A_104 : vector<16xi32>
      %and3A_200 = arith.constant 1048575 : i32
      %and3A_201 = vector.broadcast %and3A_200 : i32 to vector<16xi32>
      %and3A_202 = arith.andi %xor3A_199, %and3A_201 : vector<16xi32>
      %add3A_203 = arith.constant 0 : i32
      %add3A_204 = vector.broadcast %add3A_203 : i32 to vector<16xi32>
      %add3A_205 = arith.addi %and3A_202, %add3A_204 : vector<16xi32>
      %mul3A_206 = arith.constant 16 : i32
      %mul3A_207 = arith.muli %scan3A_66, %mul3A_206 : i32
      %add3A_208 = arith.constant 8192 : i32
      %add3A_209 = arith.addi %add3A_208, %mul3A_207 : i32
      %swap3A_210 = arith.index_cast %add3A_209 : i32 to index
      %swap3A_211 = tpu.vector_load %arg32[%swap3A_210] {strides = array<i32>} : memref<16384xi32, #tpu.memory_space<vmem>>, vector<16xi32>,
      %swap3A_212 = vector.shape_cast %swap3A_211 : vector<16xi32> to vector<16xi32>
      %swap3A_213 = vector.shape_cast %add3A_205 : vector<16xi32> to vector<16xi32>
      tpu.vector_store %arg32[%swap3A_210], %swap3A_213 {strides = array<i32>} : memref<16384xi32, #tpu.memory_space<vmem>>, vector<16xi32>,
      %mul3A_214 = arith.mulf %mul3A_119, %sub3A_98 : vector<16xf32>
      %swap3A_215 = arith.index_cast %mul3A_68 : i32 to index
      %swap3A_216 = tpu.vector_load %arg16[%swap3A_215] {strides = array<i32>} : memref<2048xf32, #tpu.memory_space<vmem>>, vector<16xf32>,
      %swap3A_217 = vector.shape_cast %swap3A_216 : vector<16xf32> to vector<16xf32>
      %swap3A_218 = vector.shape_cast %mul3A_214 : vector<16xf32> to vector<16xf32>
      tpu.vector_store %arg16[%swap3A_215], %swap3A_218 {strides = array<i32>} : memref<2048xf32, #tpu.memory_space<vmem>>, vector<16xf32>,
      %xor3A_219 = arith.xori %xor3A_115, %add3A_113 : vector<16xi32>
      %and3A_220 = arith.constant 1048575 : i32
      %and3A_221 = vector.broadcast %and3A_220 : i32 to vector<16xi32>
      %and3A_222 = arith.andi %xor3A_219, %and3A_221 : vector<16xi32>
      %add3A_223 = arith.constant 0 : i32
      %add3A_224 = vector.broadcast %add3A_223 : i32 to vector<16xi32>
      %add3A_225 = arith.addi %and3A_222, %add3A_224 : vector<16xi32>
      %mul3A_226 = arith.constant 16 : i32
      %mul3A_227 = arith.muli %scan3A_66, %mul3A_226 : i32
      %add3A_228 = arith.constant 10240 : i32
      %add3A_229 = arith.addi %add3A_228, %mul3A_227 : i32
      %swap3A_230 = arith.index_cast %add3A_229 : i32 to index
      %swap3A_231 = tpu.vector_load %arg32[%swap3A_230] {strides = array<i32>} : memref<16384xi32, #tpu.memory_space<vmem>>, vector<16xi32>,
      %swap3A_232 = vector.shape_cast %swap3A_231 : vector<16xi32> to vector<16xi32>
      %swap3A_233 = vector.shape_cast %add3A_225 : vector<16xi32> to vector<16xi32>
      tpu.vector_store %arg32[%swap3A_230], %swap3A_233 {strides = array<i32>} : memref<16384xi32, #tpu.memory_space<vmem>>, vector<16xi32>,
      %mul3A_234 = arith.mulf %mul3A_119, %sub3A_89 : vector<16xf32>
      %swap3A_235 = arith.index_cast %mul3A_68 : i32 to index
      %swap3A_236 = tpu.vector_load %arg17[%swap3A_235] {strides = array<i32>} : memref<2048xf32, #tpu.memory_space<vmem>>, vector<16xf32>,
      %swap3A_237 = vector.shape_cast %swap3A_236 : vector<16xf32> to vector<16xf32>
      %swap3A_238 = vector.shape_cast %mul3A_234 : vector<16xf32> to vector<16xf32>
      tpu.vector_store %arg17[%swap3A_235], %swap3A_238 {strides = array<i32>} : memref<2048xf32, #tpu.memory_space<vmem>>, vector<16xf32>,
      %xor3A_239 = arith.xori %xor3A_116, %mul3A_104 : vector<16xi32>
      %and3A_240 = arith.constant 1048575 : i32
      %and3A_241 = vector.broadcast %and3A_240 : i32 to vector<16xi32>
      %and3A_242 = arith.andi %xor3A_239, %and3A_241 : vector<16xi32>
      %add3A_243 = arith.constant 0 : i32
      %add3A_244 = vector.broadcast %add3A_243 : i32 to vector<16xi32>
      %add3A_245 = arith.addi %and3A_242, %add3A_244 : vector<16xi32>
      %mul3A_246 = arith.constant 16 : i32
      %mul3A_247 = arith.muli %scan3A_66, %mul3A_246 : i32
      %add3A_248 = arith.constant 12288 : i32
      %add3A_249 = arith.addi %add3A_248, %mul3A_247 : i32
      %swap3A_250 = arith.index_cast %add3A_249 : i32 to index
      %swap3A_251 = tpu.vector_load %arg32[%swap3A_250] {strides = array<i32>} : memref<16384xi32, #tpu.memory_space<vmem>>, vector<16xi32>,
      %swap3A_252 = vector.shape_cast %swap3A_251 : vector<16xi32> to vector<16xi32>
      %swap3A_253 = vector.shape_cast %add3A_245 : vector<16xi32> to vector<16xi32>
      tpu.vector_store %arg32[%swap3A_250], %swap3A_253 {strides = array<i32>} : memref<16384xi32, #tpu.memory_space<vmem>>, vector<16xi32>,
      %mul3A_254 = arith.mulf %mul3A_120, %sub3A_98 : vector<16xf32>
      %swap3A_255 = arith.index_cast %mul3A_68 : i32 to index
      %swap3A_256 = tpu.vector_load %arg18[%swap3A_255] {strides = array<i32>} : memref<2048xf32, #tpu.memory_space<vmem>>, vector<16xf32>,
      %swap3A_257 = vector.shape_cast %swap3A_256 : vector<16xf32> to vector<16xf32>
      %swap3A_258 = vector.shape_cast %mul3A_254 : vector<16xf32> to vector<16xf32>
      tpu.vector_store %arg18[%swap3A_255], %swap3A_258 {strides = array<i32>} : memref<2048xf32, #tpu.memory_space<vmem>>, vector<16xf32>,
      %xor3A_259 = arith.xori %xor3A_116, %add3A_113 : vector<16xi32>
      %and3A_260 = arith.constant 1048575 : i32
      %and3A_261 = vector.broadcast %and3A_260 : i32 to vector<16xi32>
      %and3A_262 = arith.andi %xor3A_259, %and3A_261 : vector<16xi32>
      %add3A_263 = arith.constant 0 : i32
      %add3A_264 = vector.broadcast %add3A_263 : i32 to vector<16xi32>
      %add3A_265 = arith.addi %and3A_262, %add3A_264 : vector<16xi32>
      %mul3A_266 = arith.constant 16 : i32
      %mul3A_267 = arith.muli %scan3A_66, %mul3A_266 : i32
      %add3A_268 = arith.constant 14336 : i32
      %add3A_269 = arith.addi %add3A_268, %mul3A_267 : i32
      %swap3A_270 = arith.index_cast %add3A_269 : i32 to index
      %swap3A_271 = tpu.vector_load %arg32[%swap3A_270] {strides = array<i32>} : memref<16384xi32, #tpu.memory_space<vmem>>, vector<16xi32>,
      %swap3A_272 = vector.shape_cast %swap3A_271 : vector<16xi32> to vector<16xi32>
      %swap3A_273 = vector.shape_cast %add3A_265 : vector<16xi32> to vector<16xi32>
      tpu.vector_store %arg32[%swap3A_270], %swap3A_273 {strides = array<i32>} : memref<16384xi32, #tpu.memory_space<vmem>>, vector<16xi32>,
      %mul3A_274 = arith.mulf %mul3A_120, %sub3A_89 : vector<16xf32>
      %swap3A_275 = arith.index_cast %mul3A_68 : i32 to index
      %swap3A_276 = tpu.vector_load %arg19[%swap3A_275] {strides = array<i32>} : memref<2048xf32, #tpu.memory_space<vmem>>, vector<16xf32>,
      %swap3A_277 = vector.shape_cast %swap3A_276 : vector<16xf32> to vector<16xf32>
      %swap3A_278 = vector.shape_cast %mul3A_274 : vector<16xf32> to vector<16xf32>
      tpu.vector_store %arg19[%swap3A_275], %swap3A_278 {strides = array<i32>} : memref<2048xf32, #tpu.memory_space<vmem>>, vector<16xf32>,
    }
    %scan3A_48 = arith.constant 128 : i32
    %dma_start3A_49 = arith.constant 0 : i32
    %dma_start3A_50 = tpu.memref_slice %arg3[%dma_start3A_49] : memref<16777216xi32, #tpu.memory_space<hbm>> -> memref<16777216xi32, #tpu.memory_space<hbm>>
    tpu.enqueue_indirect_dma source(%dma_start3A_50 : memref<16777216xi32, #tpu.memory_space<hbm>>) target(%arg34 : memref<16384xi32, #tpu.memory_space<vmem>>) offsets(%arg32 : memref<16384xi32, #tpu.memory_space<vmem>>) semaphore(%arg5 : memref<!tpu.dma_semaphore, #tpu.memory_space<semaphore_mem>>)
    %scan3A_51 = arith.constant 1.600000e+01 : f32
    %scan3A_52 = arith.constant 0 : i32
    %scan3A_53 = arith.constant 8 : i32
    %scan3A_54 = arith.addi %scan3A_52, %scan3A_53 : i32
    %scan3A_55 = arith.constant 1 : i32
    %scan3A_56 = scf.for %scan3A_66 = %scan3A_52 to %scan3A_54 step %scan3A_55 iter_args(%scan3A_67 = %scan3A_51) -> (f32)  : i32 {
      %mul3A_68 = arith.constant 2 : i32
      %mul3A_69 = arith.muli %mul3A_68, %scan3A_66 : i32
      %add3A_70 = arith.constant 1 : i32
      %add3A_71 = arith.addi %mul3A_69, %add3A_70 : i32
      %mul3A_72 = arith.constant 1.500000e+00 : f32
      %mul3A_73 = arith.mulf %scan3A_67, %mul3A_72 : f32
      %mul3A_74 = arith.constant 1048576 : i32
      %mul3A_75 = arith.muli %add3A_71, %mul3A_74 : i32
      %scan3A_76 = arith.constant 0 : i32
      %scan3A_77 = arith.constant 0 : i32
      %scan3A_78 = arith.constant 128 : i32
      %scan3A_79 = arith.addi %scan3A_77, %scan3A_78 : i32
      %scan3A_80 = arith.constant 1 : i32
      scf.for %scan3A_140 = %scan3A_77 to %scan3A_79 step %scan3A_80  : i32 {
        %mul3A_141 = arith.constant 16 : i32
        %mul3A_142 = arith.muli %scan3A_140, %mul3A_141 : i32
        %get3A = arith.index_cast %mul3A_142 : i32 to index
        %get3A_143 = tpu.vector_load %arg9[%get3A] {strides = array<i32>} : memref<2048xf32, #tpu.memory_space<vmem>>, vector<16xf32>,
        %get3A_144 = vector.shape_cast %get3A_143 : vector<16xf32> to vector<16xf32>
        %mul3A_145 = vector.broadcast %mul3A_73 : f32 to vector<16xf32>
        %mul3A_146 = arith.mulf %get3A_144, %mul3A_145 : vector<16xf32>
        %get3A_147 = arith.index_cast %mul3A_142 : i32 to index
        %get3A_148 = tpu.vector_load %arg10[%get3A_147] {strides = array<i32>} : memref<2048xf32, #tpu.memory_space<vmem>>, vector<16xf32>,
        %get3A_149 = vector.shape_cast %get3A_148 : vector<16xf32> to vector<16xf32>
        %mul3A_150 = vector.broadcast %mul3A_73 : f32 to vector<16xf32>
        %mul3A_151 = arith.mulf %get3A_149, %mul3A_150 : vector<16xf32>
        %get3A_152 = arith.index_cast %mul3A_142 : i32 to index
        %get3A_153 = tpu.vector_load %arg11[%get3A_152] {strides = array<i32>} : memref<2048xf32, #tpu.memory_space<vmem>>, vector<16xf32>,
        %get3A_154 = vector.shape_cast %get3A_153 : vector<16xf32> to vector<16xf32>
        %mul3A_155 = vector.broadcast %mul3A_73 : f32 to vector<16xf32>
        %mul3A_156 = arith.mulf %get3A_154, %mul3A_155 : vector<16xf32>
        %convert_element_type3A_157 = arith.fptosi %mul3A_146 : vector<16xf32> to vector<16xi32>
        %convert_element_type3A_158 = arith.fptosi %mul3A_151 : vector<16xf32> to vector<16xi32>
        %convert_element_type3A_159 = arith.fptosi %mul3A_156 : vector<16xf32> to vector<16xi32>
        %convert_element_type3A_160 = arith.sitofp %convert_element_type3A_157 : vector<16xi32> to vector<16xf32>
        %sub3A = arith.subf %mul3A_146, %convert_element_type3A_160 : vector<16xf32>
        %convert_element_type3A_161 = arith.sitofp %convert_element_type3A_158 : vector<16xi32> to vector<16xf32>
        %sub3A_162 = arith.subf %mul3A_151, %convert_element_type3A_161 : vector<16xf32>
        %convert_element_type3A_163 = arith.sitofp %convert_element_type3A_159 : vector<16xi32> to vector<16xf32>
        %sub3A_164 = arith.subf %mul3A_156, %convert_element_type3A_163 : vector<16xf32>
        %sub3A_165 = arith.constant 1.000000e+00 : f32
        %sub3A_166 = vector.broadcast %sub3A_165 : f32 to vector<16xf32>
        %sub3A_167 = arith.subf %sub3A_166, %sub3A : vector<16xf32>
        %sub3A_168 = arith.constant 1.000000e+00 : f32
        %sub3A_169 = vector.broadcast %sub3A_168 : f32 to vector<16xf32>
        %sub3A_170 = arith.subf %sub3A_169, %sub3A_162 : vector<16xf32>
        %sub3A_171 = arith.constant 1.000000e+00 : f32
        %sub3A_172 = vector.broadcast %sub3A_171 : f32 to vector<16xf32>
        %sub3A_173 = arith.subf %sub3A_172, %sub3A_164 : vector<16xf32>
        %mul3A_174 = arith.constant -1640531535 : i32
        %mul3A_175 = vector.broadcast %mul3A_174 : i32 to vector<16xi32>
        %mul3A_176 = arith.muli %convert_element_type3A_158, %mul3A_175 : vector<16xi32>
        %mul3A_177 = arith.constant 805459861 : i32
        %mul3A_178 = vector.broadcast %mul3A_177 : i32 to vector<16xi32>
        %mul3A_179 = arith.muli %convert_element_type3A_159, %mul3A_178 : vector<16xi32>
        %add3A_180 = arith.constant 1 : i32
        %add3A_181 = vector.broadcast %add3A_180 : i32 to vector<16xi32>
        %add3A_182 = arith.addi %convert_element_type3A_157, %add3A_181 : vector<16xi32>
        %add3A_183 = arith.constant -1640531535 : i32
        %add3A_184 = vector.broadcast %add3A_183 : i32 to vector<16xi32>
        %add3A_185 = arith.addi %mul3A_176, %add3A_184 : vector<16xi32>
        %add3A_186 = arith.constant 805459861 : i32
        %add3A_187 = vector.broadcast %add3A_186 : i32 to vector<16xi32>
        %add3A_188 = arith.addi %mul3A_179, %add3A_187 : vector<16xi32>
        %xor3A = arith.xori %convert_element_type3A_157, %mul3A_176 : vector<16xi32>
        %xor3A_189 = arith.xori %convert_element_type3A_157, %add3A_185 : vector<16xi32>
        %xor3A_190 = arith.xori %add3A_182, %mul3A_176 : vector<16xi32>
        %xor3A_191 = arith.xori %add3A_182, %add3A_185 : vector<16xi32>
        %mul3A_192 = arith.mulf %sub3A_167, %sub3A_170 : vector<16xf32>
        %mul3A_193 = arith.mulf %sub3A_167, %sub3A_162 : vector<16xf32>
        %mul3A_194 = arith.mulf %sub3A, %sub3A_170 : vector<16xf32>
        %mul3A_195 = arith.mulf %sub3A, %sub3A_162 : vector<16xf32>
        %xor3A_196 = arith.xori %xor3A, %mul3A_179 : vector<16xi32>
        %and3A = arith.constant 1048575 : i32
        %and3A_197 = vector.broadcast %and3A : i32 to vector<16xi32>
        %and3A_198 = arith.andi %xor3A_196, %and3A_197 : vector<16xi32>
        %add3A_199 = vector.broadcast %mul3A_75 : i32 to vector<16xi32>
        %add3A_200 = arith.addi %and3A_198, %add3A_199 : vector<16xi32>
        %mul3A_201 = arith.constant 16 : i32
        %mul3A_202 = arith.muli %scan3A_140, %mul3A_201 : i32
        %add3A_203 = arith.constant 0 : i32
        %add3A_204 = arith.addi %add3A_203, %mul3A_202 : i32
        %swap3A = arith.index_cast %add3A_204 : i32 to index
        %swap3A_205 = tpu.vector_load %arg33[%swap3A] {strides = array<i32>} : memref<16384xi32, #tpu.memory_space<vmem>>, vector<16xi32>,
        %swap3A_206 = vector.shape_cast %swap3A_205 : vector<16xi32> to vector<16xi32>
        %swap3A_207 = vector.shape_cast %add3A_200 : vector<16xi32> to vector<16xi32>
        tpu.vector_store %arg33[%swap3A], %swap3A_207 {strides = array<i32>} : memref<16384xi32, #tpu.memory_space<vmem>>, vector<16xi32>,
        %mul3A_208 = arith.mulf %mul3A_192, %sub3A_173 : vector<16xf32>
        %swap3A_209 = arith.index_cast %mul3A_142 : i32 to index
        %swap3A_210 = tpu.vector_load %arg20[%swap3A_209] {strides = array<i32>} : memref<2048xf32, #tpu.memory_space<vmem>>, vector<16xf32>,
        %swap3A_211 = vector.shape_cast %swap3A_210 : vector<16xf32> to vector<16xf32>
        %swap3A_212 = vector.shape_cast %mul3A_208 : vector<16xf32> to vector<16xf32>
        tpu.vector_store %arg20[%swap3A_209], %swap3A_212 {strides = array<i32>} : memref<2048xf32, #tpu.memory_space<vmem>>, vector<16xf32>,
        %xor3A_213 = arith.xori %xor3A, %add3A_188 : vector<16xi32>
        %and3A_214 = arith.constant 1048575 : i32
        %and3A_215 = vector.broadcast %and3A_214 : i32 to vector<16xi32>
        %and3A_216 = arith.andi %xor3A_213, %and3A_215 : vector<16xi32>
        %add3A_217 = vector.broadcast %mul3A_75 : i32 to vector<16xi32>
        %add3A_218 = arith.addi %and3A_216, %add3A_217 : vector<16xi32>
        %mul3A_219 = arith.constant 16 : i32
        %mul3A_220 = arith.muli %scan3A_140, %mul3A_219 : i32
        %add3A_221 = arith.constant 2048 : i32
        %add3A_222 = arith.addi %add3A_221, %mul3A_220 : i32
        %swap3A_223 = arith.index_cast %add3A_222 : i32 to index
        %swap3A_224 = tpu.vector_load %arg33[%swap3A_223] {strides = array<i32>} : memref<16384xi32, #tpu.memory_space<vmem>>, vector<16xi32>,
        %swap3A_225 = vector.shape_cast %swap3A_224 : vector<16xi32> to vector<16xi32>
        %swap3A_226 = vector.shape_cast %add3A_218 : vector<16xi32> to vector<16xi32>
        tpu.vector_store %arg33[%swap3A_223], %swap3A_226 {strides = array<i32>} : memref<16384xi32, #tpu.memory_space<vmem>>, vector<16xi32>,
        %mul3A_227 = arith.mulf %mul3A_192, %sub3A_164 : vector<16xf32>
        %swap3A_228 = arith.index_cast %mul3A_142 : i32 to index
        %swap3A_229 = tpu.vector_load %arg21[%swap3A_228] {strides = array<i32>} : memref<2048xf32, #tpu.memory_space<vmem>>, vector<16xf32>,
        %swap3A_230 = vector.shape_cast %swap3A_229 : vector<16xf32> to vector<16xf32>
        %swap3A_231 = vector.shape_cast %mul3A_227 : vector<16xf32> to vector<16xf32>
        tpu.vector_store %arg21[%swap3A_228], %swap3A_231 {strides = array<i32>} : memref<2048xf32, #tpu.memory_space<vmem>>, vector<16xf32>,
        %xor3A_232 = arith.xori %xor3A_189, %mul3A_179 : vector<16xi32>
        %and3A_233 = arith.constant 1048575 : i32
        %and3A_234 = vector.broadcast %and3A_233 : i32 to vector<16xi32>
        %and3A_235 = arith.andi %xor3A_232, %and3A_234 : vector<16xi32>
        %add3A_236 = vector.broadcast %mul3A_75 : i32 to vector<16xi32>
        %add3A_237 = arith.addi %and3A_235, %add3A_236 : vector<16xi32>
        %mul3A_238 = arith.constant 16 : i32
        %mul3A_239 = arith.muli %scan3A_140, %mul3A_238 : i32
        %add3A_240 = arith.constant 4096 : i32
        %add3A_241 = arith.addi %add3A_240, %mul3A_239 : i32
        %swap3A_242 = arith.index_cast %add3A_241 : i32 to index
        %swap3A_243 = tpu.vector_load %arg33[%swap3A_242] {strides = array<i32>} : memref<16384xi32, #tpu.memory_space<vmem>>, vector<16xi32>,
        %swap3A_244 = vector.shape_cast %swap3A_243 : vector<16xi32> to vector<16xi32>
        %swap3A_245 = vector.shape_cast %add3A_237 : vector<16xi32> to vector<16xi32>
        tpu.vector_store %arg33[%swap3A_242], %swap3A_245 {strides = array<i32>} : memref<16384xi32, #tpu.memory_space<vmem>>, vector<16xi32>,
        %mul3A_246 = arith.mulf %mul3A_193, %sub3A_173 : vector<16xf32>
        %swap3A_247 = arith.index_cast %mul3A_142 : i32 to index
        %swap3A_248 = tpu.vector_load %arg22[%swap3A_247] {strides = array<i32>} : memref<2048xf32, #tpu.memory_space<vmem>>, vector<16xf32>,
        %swap3A_249 = vector.shape_cast %swap3A_248 : vector<16xf32> to vector<16xf32>
        %swap3A_250 = vector.shape_cast %mul3A_246 : vector<16xf32> to vector<16xf32>
        tpu.vector_store %arg22[%swap3A_247], %swap3A_250 {strides = array<i32>} : memref<2048xf32, #tpu.memory_space<vmem>>, vector<16xf32>,
        %xor3A_251 = arith.xori %xor3A_189, %add3A_188 : vector<16xi32>
        %and3A_252 = arith.constant 1048575 : i32
        %and3A_253 = vector.broadcast %and3A_252 : i32 to vector<16xi32>
        %and3A_254 = arith.andi %xor3A_251, %and3A_253 : vector<16xi32>
        %add3A_255 = vector.broadcast %mul3A_75 : i32 to vector<16xi32>
        %add3A_256 = arith.addi %and3A_254, %add3A_255 : vector<16xi32>
        %mul3A_257 = arith.constant 16 : i32
        %mul3A_258 = arith.muli %scan3A_140, %mul3A_257 : i32
        %add3A_259 = arith.constant 6144 : i32
        %add3A_260 = arith.addi %add3A_259, %mul3A_258 : i32
        %swap3A_261 = arith.index_cast %add3A_260 : i32 to index
        %swap3A_262 = tpu.vector_load %arg33[%swap3A_261] {strides = array<i32>} : memref<16384xi32, #tpu.memory_space<vmem>>, vector<16xi32>,
        %swap3A_263 = vector.shape_cast %swap3A_262 : vector<16xi32> to vector<16xi32>
        %swap3A_264 = vector.shape_cast %add3A_256 : vector<16xi32> to vector<16xi32>
        tpu.vector_store %arg33[%swap3A_261], %swap3A_264 {strides = array<i32>} : memref<16384xi32, #tpu.memory_space<vmem>>, vector<16xi32>,
        %mul3A_265 = arith.mulf %mul3A_193, %sub3A_164 : vector<16xf32>
        %swap3A_266 = arith.index_cast %mul3A_142 : i32 to index
        %swap3A_267 = tpu.vector_load %arg23[%swap3A_266] {strides = array<i32>} : memref<2048xf32, #tpu.memory_space<vmem>>, vector<16xf32>,
        %swap3A_268 = vector.shape_cast %swap3A_267 : vector<16xf32> to vector<16xf32>
        %swap3A_269 = vector.shape_cast %mul3A_265 : vector<16xf32> to vector<16xf32>
        tpu.vector_store %arg23[%swap3A_266], %swap3A_269 {strides = array<i32>} : memref<2048xf32, #tpu.memory_space<vmem>>, vector<16xf32>,
        %xor3A_270 = arith.xori %xor3A_190, %mul3A_179 : vector<16xi32>
        %and3A_271 = arith.constant 1048575 : i32
        %and3A_272 = vector.broadcast %and3A_271 : i32 to vector<16xi32>
        %and3A_273 = arith.andi %xor3A_270, %and3A_272 : vector<16xi32>
        %add3A_274 = vector.broadcast %mul3A_75 : i32 to vector<16xi32>
        %add3A_275 = arith.addi %and3A_273, %add3A_274 : vector<16xi32>
        %mul3A_276 = arith.constant 16 : i32
        %mul3A_277 = arith.muli %scan3A_140, %mul3A_276 : i32
        %add3A_278 = arith.constant 8192 : i32
        %add3A_279 = arith.addi %add3A_278, %mul3A_277 : i32
        %swap3A_280 = arith.index_cast %add3A_279 : i32 to index
        %swap3A_281 = tpu.vector_load %arg33[%swap3A_280] {strides = array<i32>} : memref<16384xi32, #tpu.memory_space<vmem>>, vector<16xi32>,
        %swap3A_282 = vector.shape_cast %swap3A_281 : vector<16xi32> to vector<16xi32>
        %swap3A_283 = vector.shape_cast %add3A_275 : vector<16xi32> to vector<16xi32>
        tpu.vector_store %arg33[%swap3A_280], %swap3A_283 {strides = array<i32>} : memref<16384xi32, #tpu.memory_space<vmem>>, vector<16xi32>,
        %mul3A_284 = arith.mulf %mul3A_194, %sub3A_173 : vector<16xf32>
        %swap3A_285 = arith.index_cast %mul3A_142 : i32 to index
        %swap3A_286 = tpu.vector_load %arg24[%swap3A_285] {strides = array<i32>} : memref<2048xf32, #tpu.memory_space<vmem>>, vector<16xf32>,
        %swap3A_287 = vector.shape_cast %swap3A_286 : vector<16xf32> to vector<16xf32>
        %swap3A_288 = vector.shape_cast %mul3A_284 : vector<16xf32> to vector<16xf32>
        tpu.vector_store %arg24[%swap3A_285], %swap3A_288 {strides = array<i32>} : memref<2048xf32, #tpu.memory_space<vmem>>, vector<16xf32>,
        %xor3A_289 = arith.xori %xor3A_190, %add3A_188 : vector<16xi32>
        %and3A_290 = arith.constant 1048575 : i32
        %and3A_291 = vector.broadcast %and3A_290 : i32 to vector<16xi32>
        %and3A_292 = arith.andi %xor3A_289, %and3A_291 : vector<16xi32>
        %add3A_293 = vector.broadcast %mul3A_75 : i32 to vector<16xi32>
        %add3A_294 = arith.addi %and3A_292, %add3A_293 : vector<16xi32>
        %mul3A_295 = arith.constant 16 : i32
        %mul3A_296 = arith.muli %scan3A_140, %mul3A_295 : i32
        %add3A_297 = arith.constant 10240 : i32
        %add3A_298 = arith.addi %add3A_297, %mul3A_296 : i32
        %swap3A_299 = arith.index_cast %add3A_298 : i32 to index
        %swap3A_300 = tpu.vector_load %arg33[%swap3A_299] {strides = array<i32>} : memref<16384xi32, #tpu.memory_space<vmem>>, vector<16xi32>,
        %swap3A_301 = vector.shape_cast %swap3A_300 : vector<16xi32> to vector<16xi32>
        %swap3A_302 = vector.shape_cast %add3A_294 : vector<16xi32> to vector<16xi32>
        tpu.vector_store %arg33[%swap3A_299], %swap3A_302 {strides = array<i32>} : memref<16384xi32, #tpu.memory_space<vmem>>, vector<16xi32>,
        %mul3A_303 = arith.mulf %mul3A_194, %sub3A_164 : vector<16xf32>
        %swap3A_304 = arith.index_cast %mul3A_142 : i32 to index
        %swap3A_305 = tpu.vector_load %arg25[%swap3A_304] {strides = array<i32>} : memref<2048xf32, #tpu.memory_space<vmem>>, vector<16xf32>,
        %swap3A_306 = vector.shape_cast %swap3A_305 : vector<16xf32> to vector<16xf32>
        %swap3A_307 = vector.shape_cast %mul3A_303 : vector<16xf32> to vector<16xf32>
        tpu.vector_store %arg25[%swap3A_304], %swap3A_307 {strides = array<i32>} : memref<2048xf32, #tpu.memory_space<vmem>>, vector<16xf32>,
        %xor3A_308 = arith.xori %xor3A_191, %mul3A_179 : vector<16xi32>
        %and3A_309 = arith.constant 1048575 : i32
        %and3A_310 = vector.broadcast %and3A_309 : i32 to vector<16xi32>
        %and3A_311 = arith.andi %xor3A_308, %and3A_310 : vector<16xi32>
        %add3A_312 = vector.broadcast %mul3A_75 : i32 to vector<16xi32>
        %add3A_313 = arith.addi %and3A_311, %add3A_312 : vector<16xi32>
        %mul3A_314 = arith.constant 16 : i32
        %mul3A_315 = arith.muli %scan3A_140, %mul3A_314 : i32
        %add3A_316 = arith.constant 12288 : i32
        %add3A_317 = arith.addi %add3A_316, %mul3A_315 : i32
        %swap3A_318 = arith.index_cast %add3A_317 : i32 to index
        %swap3A_319 = tpu.vector_load %arg33[%swap3A_318] {strides = array<i32>} : memref<16384xi32, #tpu.memory_space<vmem>>, vector<16xi32>,
        %swap3A_320 = vector.shape_cast %swap3A_319 : vector<16xi32> to vector<16xi32>
        %swap3A_321 = vector.shape_cast %add3A_313 : vector<16xi32> to vector<16xi32>
        tpu.vector_store %arg33[%swap3A_318], %swap3A_321 {strides = array<i32>} : memref<16384xi32, #tpu.memory_space<vmem>>, vector<16xi32>,
        %mul3A_322 = arith.mulf %mul3A_195, %sub3A_173 : vector<16xf32>
        %swap3A_323 = arith.index_cast %mul3A_142 : i32 to index
        %swap3A_324 = tpu.vector_load %arg26[%swap3A_323] {strides = array<i32>} : memref<2048xf32, #tpu.memory_space<vmem>>, vector<16xf32>,
        %swap3A_325 = vector.shape_cast %swap3A_324 : vector<16xf32> to vector<16xf32>
        %swap3A_326 = vector.shape_cast %mul3A_322 : vector<16xf32> to vector<16xf32>
        tpu.vector_store %arg26[%swap3A_323], %swap3A_326 {strides = array<i32>} : memref<2048xf32, #tpu.memory_space<vmem>>, vector<16xf32>,
        %xor3A_327 = arith.xori %xor3A_191, %add3A_188 : vector<16xi32>
        %and3A_328 = arith.constant 1048575 : i32
        %and3A_329 = vector.broadcast %and3A_328 : i32 to vector<16xi32>
        %and3A_330 = arith.andi %xor3A_327, %and3A_329 : vector<16xi32>
        %add3A_331 = vector.broadcast %mul3A_75 : i32 to vector<16xi32>
        %add3A_332 = arith.addi %and3A_330, %add3A_331 : vector<16xi32>
        %mul3A_333 = arith.constant 16 : i32
        %mul3A_334 = arith.muli %scan3A_140, %mul3A_333 : i32
        %add3A_335 = arith.constant 14336 : i32
        %add3A_336 = arith.addi %add3A_335, %mul3A_334 : i32
        %swap3A_337 = arith.index_cast %add3A_336 : i32 to index
        %swap3A_338 = tpu.vector_load %arg33[%swap3A_337] {strides = array<i32>} : memref<16384xi32, #tpu.memory_space<vmem>>, vector<16xi32>,
        %swap3A_339 = vector.shape_cast %swap3A_338 : vector<16xi32> to vector<16xi32>
        %swap3A_340 = vector.shape_cast %add3A_332 : vector<16xi32> to vector<16xi32>
        tpu.vector_store %arg33[%swap3A_337], %swap3A_340 {strides = array<i32>} : memref<16384xi32, #tpu.memory_space<vmem>>, vector<16xi32>,
        %mul3A_341 = arith.mulf %mul3A_195, %sub3A_164 : vector<16xf32>
        %swap3A_342 = arith.index_cast %mul3A_142 : i32 to index
        %swap3A_343 = tpu.vector_load %arg27[%swap3A_342] {strides = array<i32>} : memref<2048xf32, #tpu.memory_space<vmem>>, vector<16xf32>,
        %swap3A_344 = vector.shape_cast %swap3A_343 : vector<16xf32> to vector<16xf32>
        %swap3A_345 = vector.shape_cast %mul3A_341 : vector<16xf32> to vector<16xf32>
        tpu.vector_store %arg27[%swap3A_342], %swap3A_345 {strides = array<i32>} : memref<2048xf32, #tpu.memory_space<vmem>>, vector<16xf32>,
      }
      %scan3A_81 = arith.constant 128 : i32
      %dma_wait3A_82 = arith.constant 0 : i32
      %dma_wait3A_83 = tpu.memref_slice %arg3[%dma_wait3A_82] : memref<16777216xi32, #tpu.memory_space<hbm>> -> memref<16777216xi32, #tpu.memory_space<hbm>>
      tpu.wait_indirect_dma semaphore(%arg5 : memref<!tpu.dma_semaphore, #tpu.memory_space<semaphore_mem>>) src(%dma_wait3A_83 : memref<16777216xi32, #tpu.memory_space<hbm>>) dst(%arg34 : memref<16384xi32, #tpu.memory_space<vmem>>)
      %dma_start3A_84 = arith.constant 0 : i32
      %dma_start3A_85 = tpu.memref_slice %arg3[%dma_start3A_84] : memref<16777216xi32, #tpu.memory_space<hbm>> -> memref<16777216xi32, #tpu.memory_space<hbm>>
      tpu.enqueue_indirect_dma source(%dma_start3A_85 : memref<16777216xi32, #tpu.memory_space<hbm>>) target(%arg35 : memref<16384xi32, #tpu.memory_space<vmem>>) offsets(%arg33 : memref<16384xi32, #tpu.memory_space<vmem>>) semaphore(%arg6 : memref<!tpu.dma_semaphore, #tpu.memory_space<semaphore_mem>>)
      %gt3A = arith.constant 0 : i32
      %gt3A_86 = arith.cmpi sgt, %scan3A_66, %gt3A : i32
      %convert_element_type3A = arith.extui %gt3A_86 : i1 to i32
      %cond3A = arith.constant 0 : i32
      %cond3A_87 = arith.cmpi ne, %convert_element_type3A, %cond3A : i32
      scf.if %cond3A_87 {
        %dma_wait3A_140 = tpu.memref_slice %arg4[%add3A_35] : memref<4194304xf32, #tpu.memory_space<hbm>> -> memref<2048xf32, #tpu.memory_space<hbm>>
        %dma_wait3A_141 = tpu.memref_slice %arg4[%add3A_35] : memref<4194304xf32, #tpu.memory_space<hbm>> -> memref<2048xf32, #tpu.memory_space<hbm>>
        tpu.wait_dma2 semaphore(%arg7 : memref<!tpu.dma_semaphore, #tpu.memory_space<semaphore_mem>>) src(%arg28 : memref<2048xf32, #tpu.memory_space<vmem>>) dst(%dma_wait3A_141 : memref<2048xf32, #tpu.memory_space<hbm>>)
        %dma_wait3A_142 = tpu.memref_slice %arg4[%add3A_35] : memref<4194304xf32, #tpu.memory_space<hbm>> -> memref<2048xf32, #tpu.memory_space<hbm>>
        %dma_wait3A_143 = tpu.memref_slice %arg4[%add3A_35] : memref<4194304xf32, #tpu.memory_space<hbm>> -> memref<2048xf32, #tpu.memory_space<hbm>>
        tpu.wait_dma2 semaphore(%arg7 : memref<!tpu.dma_semaphore, #tpu.memory_space<semaphore_mem>>) src(%arg29 : memref<2048xf32, #tpu.memory_space<vmem>>) dst(%dma_wait3A_143 : memref<2048xf32, #tpu.memory_space<hbm>>)
      } else {
      }
      %scan3A_88 = arith.constant 0 : i32
      %scan3A_89 = arith.constant 0 : i32
      %scan3A_90 = arith.constant 128 : i32
      %scan3A_91 = arith.addi %scan3A_89, %scan3A_90 : i32
      %scan3A_92 = arith.constant 1 : i32
      scf.for %scan3A_140 = %scan3A_89 to %scan3A_91 step %scan3A_92  : i32 {
        %mul3A_141 = arith.constant 16 : i32
        %mul3A_142 = arith.muli %scan3A_140, %mul3A_141 : i32
        %broadcast_in_dim3A = arith.constant 0.000000e+00 : f32
        %broadcast_in_dim3A_143 = vector.broadcast %broadcast_in_dim3A : f32 to vector<16xf32>
        %broadcast_in_dim3A_144 = arith.constant 0.000000e+00 : f32
        %broadcast_in_dim3A_145 = vector.broadcast %broadcast_in_dim3A_144 : f32 to vector<16xf32>
        %get3A = arith.index_cast %mul3A_142 : i32 to index
        %get3A_146 = tpu.vector_load %arg12[%get3A] {strides = array<i32>} : memref<2048xf32, #tpu.memory_space<vmem>>, vector<16xf32>,
        %get3A_147 = vector.shape_cast %get3A_146 : vector<16xf32> to vector<16xf32>
        %mul3A_148 = arith.constant 16 : i32
        %mul3A_149 = arith.muli %scan3A_140, %mul3A_148 : i32
        %add3A_150 = arith.constant 0 : i32
        %add3A_151 = arith.addi %add3A_150, %mul3A_149 : i32
        %get3A_152 = arith.index_cast %add3A_151 : i32 to index
        %get3A_153 = tpu.vector_load %arg34[%get3A_152] {strides = array<i32>} : memref<16384xi32, #tpu.memory_space<vmem>>, vector<16xi32>,
        %get3A_154 = vector.shape_cast %get3A_153 : vector<16xi32> to vector<16xi32>
        %shift_left3A = arith.constant 16 : i32
        %shift_left3A_155 = vector.broadcast %shift_left3A : i32 to vector<16xi32>
        %shift_left3A_156 = arith.shli %get3A_154, %shift_left3A_155 : vector<16xi32>
        %bitcast_convert_type3A = tpu.bitcast %shift_left3A_156 : vector<16xi32> -> vector<16xf32>
        %and3A = arith.constant -65536 : i32
        %and3A_157 = vector.broadcast %and3A : i32 to vector<16xi32>
        %and3A_158 = arith.andi %get3A_154, %and3A_157 : vector<16xi32>
        %bitcast_convert_type3A_159 = tpu.bitcast %and3A_158 : vector<16xi32> -> vector<16xf32>
        %mul3A_160 = arith.mulf %get3A_147, %bitcast_convert_type3A : vector<16xf32>
        %add3A_161 = arith.addf %broadcast_in_dim3A_143, %mul3A_160 : vector<16xf32>
        %mul3A_162 = arith.mulf %get3A_147, %bitcast_convert_type3A_159 : vector<16xf32>
        %add3A_163 = arith.addf %broadcast_in_dim3A_145, %mul3A_162 : vector<16xf32>
        %get3A_164 = arith.index_cast %mul3A_142 : i32 to index
        %get3A_165 = tpu.vector_load %arg13[%get3A_164] {strides = array<i32>} : memref<2048xf32, #tpu.memory_space<vmem>>, vector<16xf32>,
        %get3A_166 = vector.shape_cast %get3A_165 : vector<16xf32> to vector<16xf32>
        %mul3A_167 = arith.constant 16 : i32
        %mul3A_168 = arith.muli %scan3A_140, %mul3A_167 : i32
        %add3A_169 = arith.constant 2048 : i32
        %add3A_170 = arith.addi %add3A_169, %mul3A_168 : i32
        %get3A_171 = arith.index_cast %add3A_170 : i32 to index
        %get3A_172 = tpu.vector_load %arg34[%get3A_171] {strides = array<i32>} : memref<16384xi32, #tpu.memory_space<vmem>>, vector<16xi32>,
        %get3A_173 = vector.shape_cast %get3A_172 : vector<16xi32> to vector<16xi32>
        %shift_left3A_174 = arith.constant 16 : i32
        %shift_left3A_175 = vector.broadcast %shift_left3A_174 : i32 to vector<16xi32>
        %shift_left3A_176 = arith.shli %get3A_173, %shift_left3A_175 : vector<16xi32>
        %bitcast_convert_type3A_177 = tpu.bitcast %shift_left3A_176 : vector<16xi32> -> vector<16xf32>
        %and3A_178 = arith.constant -65536 : i32
        %and3A_179 = vector.broadcast %and3A_178 : i32 to vector<16xi32>
        %and3A_180 = arith.andi %get3A_173, %and3A_179 : vector<16xi32>
        %bitcast_convert_type3A_181 = tpu.bitcast %and3A_180 : vector<16xi32> -> vector<16xf32>
        %mul3A_182 = arith.mulf %get3A_166, %bitcast_convert_type3A_177 : vector<16xf32>
        %add3A_183 = arith.addf %add3A_161, %mul3A_182 : vector<16xf32>
        %mul3A_184 = arith.mulf %get3A_166, %bitcast_convert_type3A_181 : vector<16xf32>
        %add3A_185 = arith.addf %add3A_163, %mul3A_184 : vector<16xf32>
        %get3A_186 = arith.index_cast %mul3A_142 : i32 to index
        %get3A_187 = tpu.vector_load %arg14[%get3A_186] {strides = array<i32>} : memref<2048xf32, #tpu.memory_space<vmem>>, vector<16xf32>,
        %get3A_188 = vector.shape_cast %get3A_187 : vector<16xf32> to vector<16xf32>
        %mul3A_189 = arith.constant 16 : i32
        %mul3A_190 = arith.muli %scan3A_140, %mul3A_189 : i32
        %add3A_191 = arith.constant 4096 : i32
        %add3A_192 = arith.addi %add3A_191, %mul3A_190 : i32
        %get3A_193 = arith.index_cast %add3A_192 : i32 to index
        %get3A_194 = tpu.vector_load %arg34[%get3A_193] {strides = array<i32>} : memref<16384xi32, #tpu.memory_space<vmem>>, vector<16xi32>,
        %get3A_195 = vector.shape_cast %get3A_194 : vector<16xi32> to vector<16xi32>
        %shift_left3A_196 = arith.constant 16 : i32
        %shift_left3A_197 = vector.broadcast %shift_left3A_196 : i32 to vector<16xi32>
        %shift_left3A_198 = arith.shli %get3A_195, %shift_left3A_197 : vector<16xi32>
        %bitcast_convert_type3A_199 = tpu.bitcast %shift_left3A_198 : vector<16xi32> -> vector<16xf32>
        %and3A_200 = arith.constant -65536 : i32
        %and3A_201 = vector.broadcast %and3A_200 : i32 to vector<16xi32>
        %and3A_202 = arith.andi %get3A_195, %and3A_201 : vector<16xi32>
        %bitcast_convert_type3A_203 = tpu.bitcast %and3A_202 : vector<16xi32> -> vector<16xf32>
        %mul3A_204 = arith.mulf %get3A_188, %bitcast_convert_type3A_199 : vector<16xf32>
        %add3A_205 = arith.addf %add3A_183, %mul3A_204 : vector<16xf32>
        %mul3A_206 = arith.mulf %get3A_188, %bitcast_convert_type3A_203 : vector<16xf32>
        %add3A_207 = arith.addf %add3A_185, %mul3A_206 : vector<16xf32>
        %get3A_208 = arith.index_cast %mul3A_142 : i32 to index
        %get3A_209 = tpu.vector_load %arg15[%get3A_208] {strides = array<i32>} : memref<2048xf32, #tpu.memory_space<vmem>>, vector<16xf32>,
        %get3A_210 = vector.shape_cast %get3A_209 : vector<16xf32> to vector<16xf32>
        %mul3A_211 = arith.constant 16 : i32
        %mul3A_212 = arith.muli %scan3A_140, %mul3A_211 : i32
        %add3A_213 = arith.constant 6144 : i32
        %add3A_214 = arith.addi %add3A_213, %mul3A_212 : i32
        %get3A_215 = arith.index_cast %add3A_214 : i32 to index
        %get3A_216 = tpu.vector_load %arg34[%get3A_215] {strides = array<i32>} : memref<16384xi32, #tpu.memory_space<vmem>>, vector<16xi32>,
        %get3A_217 = vector.shape_cast %get3A_216 : vector<16xi32> to vector<16xi32>
        %shift_left3A_218 = arith.constant 16 : i32
        %shift_left3A_219 = vector.broadcast %shift_left3A_218 : i32 to vector<16xi32>
        %shift_left3A_220 = arith.shli %get3A_217, %shift_left3A_219 : vector<16xi32>
        %bitcast_convert_type3A_221 = tpu.bitcast %shift_left3A_220 : vector<16xi32> -> vector<16xf32>
        %and3A_222 = arith.constant -65536 : i32
        %and3A_223 = vector.broadcast %and3A_222 : i32 to vector<16xi32>
        %and3A_224 = arith.andi %get3A_217, %and3A_223 : vector<16xi32>
        %bitcast_convert_type3A_225 = tpu.bitcast %and3A_224 : vector<16xi32> -> vector<16xf32>
        %mul3A_226 = arith.mulf %get3A_210, %bitcast_convert_type3A_221 : vector<16xf32>
        %add3A_227 = arith.addf %add3A_205, %mul3A_226 : vector<16xf32>
        %mul3A_228 = arith.mulf %get3A_210, %bitcast_convert_type3A_225 : vector<16xf32>
        %add3A_229 = arith.addf %add3A_207, %mul3A_228 : vector<16xf32>
        %get3A_230 = arith.index_cast %mul3A_142 : i32 to index
        %get3A_231 = tpu.vector_load %arg16[%get3A_230] {strides = array<i32>} : memref<2048xf32, #tpu.memory_space<vmem>>, vector<16xf32>,
        %get3A_232 = vector.shape_cast %get3A_231 : vector<16xf32> to vector<16xf32>
        %mul3A_233 = arith.constant 16 : i32
        %mul3A_234 = arith.muli %scan3A_140, %mul3A_233 : i32
        %add3A_235 = arith.constant 8192 : i32
        %add3A_236 = arith.addi %add3A_235, %mul3A_234 : i32
        %get3A_237 = arith.index_cast %add3A_236 : i32 to index
        %get3A_238 = tpu.vector_load %arg34[%get3A_237] {strides = array<i32>} : memref<16384xi32, #tpu.memory_space<vmem>>, vector<16xi32>,
        %get3A_239 = vector.shape_cast %get3A_238 : vector<16xi32> to vector<16xi32>
        %shift_left3A_240 = arith.constant 16 : i32
        %shift_left3A_241 = vector.broadcast %shift_left3A_240 : i32 to vector<16xi32>
        %shift_left3A_242 = arith.shli %get3A_239, %shift_left3A_241 : vector<16xi32>
        %bitcast_convert_type3A_243 = tpu.bitcast %shift_left3A_242 : vector<16xi32> -> vector<16xf32>
        %and3A_244 = arith.constant -65536 : i32
        %and3A_245 = vector.broadcast %and3A_244 : i32 to vector<16xi32>
        %and3A_246 = arith.andi %get3A_239, %and3A_245 : vector<16xi32>
        %bitcast_convert_type3A_247 = tpu.bitcast %and3A_246 : vector<16xi32> -> vector<16xf32>
        %mul3A_248 = arith.mulf %get3A_232, %bitcast_convert_type3A_243 : vector<16xf32>
        %add3A_249 = arith.addf %add3A_227, %mul3A_248 : vector<16xf32>
        %mul3A_250 = arith.mulf %get3A_232, %bitcast_convert_type3A_247 : vector<16xf32>
        %add3A_251 = arith.addf %add3A_229, %mul3A_250 : vector<16xf32>
        %get3A_252 = arith.index_cast %mul3A_142 : i32 to index
        %get3A_253 = tpu.vector_load %arg17[%get3A_252] {strides = array<i32>} : memref<2048xf32, #tpu.memory_space<vmem>>, vector<16xf32>,
        %get3A_254 = vector.shape_cast %get3A_253 : vector<16xf32> to vector<16xf32>
        %mul3A_255 = arith.constant 16 : i32
        %mul3A_256 = arith.muli %scan3A_140, %mul3A_255 : i32
        %add3A_257 = arith.constant 10240 : i32
        %add3A_258 = arith.addi %add3A_257, %mul3A_256 : i32
        %get3A_259 = arith.index_cast %add3A_258 : i32 to index
        %get3A_260 = tpu.vector_load %arg34[%get3A_259] {strides = array<i32>} : memref<16384xi32, #tpu.memory_space<vmem>>, vector<16xi32>,
        %get3A_261 = vector.shape_cast %get3A_260 : vector<16xi32> to vector<16xi32>
        %shift_left3A_262 = arith.constant 16 : i32
        %shift_left3A_263 = vector.broadcast %shift_left3A_262 : i32 to vector<16xi32>
        %shift_left3A_264 = arith.shli %get3A_261, %shift_left3A_263 : vector<16xi32>
        %bitcast_convert_type3A_265 = tpu.bitcast %shift_left3A_264 : vector<16xi32> -> vector<16xf32>
        %and3A_266 = arith.constant -65536 : i32
        %and3A_267 = vector.broadcast %and3A_266 : i32 to vector<16xi32>
        %and3A_268 = arith.andi %get3A_261, %and3A_267 : vector<16xi32>
        %bitcast_convert_type3A_269 = tpu.bitcast %and3A_268 : vector<16xi32> -> vector<16xf32>
        %mul3A_270 = arith.mulf %get3A_254, %bitcast_convert_type3A_265 : vector<16xf32>
        %add3A_271 = arith.addf %add3A_249, %mul3A_270 : vector<16xf32>
        %mul3A_272 = arith.mulf %get3A_254, %bitcast_convert_type3A_269 : vector<16xf32>
        %add3A_273 = arith.addf %add3A_251, %mul3A_272 : vector<16xf32>
        %get3A_274 = arith.index_cast %mul3A_142 : i32 to index
        %get3A_275 = tpu.vector_load %arg18[%get3A_274] {strides = array<i32>} : memref<2048xf32, #tpu.memory_space<vmem>>, vector<16xf32>,
        %get3A_276 = vector.shape_cast %get3A_275 : vector<16xf32> to vector<16xf32>
        %mul3A_277 = arith.constant 16 : i32
        %mul3A_278 = arith.muli %scan3A_140, %mul3A_277 : i32
        %add3A_279 = arith.constant 12288 : i32
        %add3A_280 = arith.addi %add3A_279, %mul3A_278 : i32
        %get3A_281 = arith.index_cast %add3A_280 : i32 to index
        %get3A_282 = tpu.vector_load %arg34[%get3A_281] {strides = array<i32>} : memref<16384xi32, #tpu.memory_space<vmem>>, vector<16xi32>,
        %get3A_283 = vector.shape_cast %get3A_282 : vector<16xi32> to vector<16xi32>
        %shift_left3A_284 = arith.constant 16 : i32
        %shift_left3A_285 = vector.broadcast %shift_left3A_284 : i32 to vector<16xi32>
        %shift_left3A_286 = arith.shli %get3A_283, %shift_left3A_285 : vector<16xi32>
        %bitcast_convert_type3A_287 = tpu.bitcast %shift_left3A_286 : vector<16xi32> -> vector<16xf32>
        %and3A_288 = arith.constant -65536 : i32
        %and3A_289 = vector.broadcast %and3A_288 : i32 to vector<16xi32>
        %and3A_290 = arith.andi %get3A_283, %and3A_289 : vector<16xi32>
        %bitcast_convert_type3A_291 = tpu.bitcast %and3A_290 : vector<16xi32> -> vector<16xf32>
        %mul3A_292 = arith.mulf %get3A_276, %bitcast_convert_type3A_287 : vector<16xf32>
        %add3A_293 = arith.addf %add3A_271, %mul3A_292 : vector<16xf32>
        %mul3A_294 = arith.mulf %get3A_276, %bitcast_convert_type3A_291 : vector<16xf32>
        %add3A_295 = arith.addf %add3A_273, %mul3A_294 : vector<16xf32>
        %get3A_296 = arith.index_cast %mul3A_142 : i32 to index
        %get3A_297 = tpu.vector_load %arg19[%get3A_296] {strides = array<i32>} : memref<2048xf32, #tpu.memory_space<vmem>>, vector<16xf32>,
        %get3A_298 = vector.shape_cast %get3A_297 : vector<16xf32> to vector<16xf32>
        %mul3A_299 = arith.constant 16 : i32
        %mul3A_300 = arith.muli %scan3A_140, %mul3A_299 : i32
        %add3A_301 = arith.constant 14336 : i32
        %add3A_302 = arith.addi %add3A_301, %mul3A_300 : i32
        %get3A_303 = arith.index_cast %add3A_302 : i32 to index
        %get3A_304 = tpu.vector_load %arg34[%get3A_303] {strides = array<i32>} : memref<16384xi32, #tpu.memory_space<vmem>>, vector<16xi32>,
        %get3A_305 = vector.shape_cast %get3A_304 : vector<16xi32> to vector<16xi32>
        %shift_left3A_306 = arith.constant 16 : i32
        %shift_left3A_307 = vector.broadcast %shift_left3A_306 : i32 to vector<16xi32>
        %shift_left3A_308 = arith.shli %get3A_305, %shift_left3A_307 : vector<16xi32>
        %bitcast_convert_type3A_309 = tpu.bitcast %shift_left3A_308 : vector<16xi32> -> vector<16xf32>
        %and3A_310 = arith.constant -65536 : i32
        %and3A_311 = vector.broadcast %and3A_310 : i32 to vector<16xi32>
        %and3A_312 = arith.andi %get3A_305, %and3A_311 : vector<16xi32>
        %bitcast_convert_type3A_313 = tpu.bitcast %and3A_312 : vector<16xi32> -> vector<16xf32>
        %mul3A_314 = arith.mulf %get3A_298, %bitcast_convert_type3A_309 : vector<16xf32>
        %add3A_315 = arith.addf %add3A_293, %mul3A_314 : vector<16xf32>
        %mul3A_316 = arith.mulf %get3A_298, %bitcast_convert_type3A_313 : vector<16xf32>
        %add3A_317 = arith.addf %add3A_295, %mul3A_316 : vector<16xf32>
        %swap3A = arith.index_cast %mul3A_142 : i32 to index
        %swap3A_318 = tpu.vector_load %arg28[%swap3A] {strides = array<i32>} : memref<2048xf32, #tpu.memory_space<vmem>>, vector<16xf32>,
        %swap3A_319 = vector.shape_cast %swap3A_318 : vector<16xf32> to vector<16xf32>
        %swap3A_320 = vector.shape_cast %add3A_315 : vector<16xf32> to vector<16xf32>
        tpu.vector_store %arg28[%swap3A], %swap3A_320 {strides = array<i32>} : memref<2048xf32, #tpu.memory_space<vmem>>, vector<16xf32>,
        %swap3A_321 = arith.index_cast %mul3A_142 : i32 to index
        %swap3A_322 = tpu.vector_load %arg29[%swap3A_321] {strides = array<i32>} : memref<2048xf32, #tpu.memory_space<vmem>>, vector<16xf32>,
        %swap3A_323 = vector.shape_cast %swap3A_322 : vector<16xf32> to vector<16xf32>
        %swap3A_324 = vector.shape_cast %add3A_317 : vector<16xf32> to vector<16xf32>
        tpu.vector_store %arg29[%swap3A_321], %swap3A_324 {strides = array<i32>} : memref<2048xf32, #tpu.memory_space<vmem>>, vector<16xf32>,
      }
      %scan3A_93 = arith.constant 128 : i32
      %mul3A_94 = arith.constant 2 : i32
      %mul3A_95 = arith.muli %mul3A_94, %mul3A_69 : i32
      %mul3A_96 = arith.constant 131072 : i32
      %mul3A_97 = arith.muli %mul3A_95, %mul3A_96 : i32
      %add3A_98 = arith.addi %mul3A_97, %add3A_35 : i32
      %dma_start3A_99 = tpu.memref_slice %arg4[%add3A_98] : memref<4194304xf32, #tpu.memory_space<hbm>> -> memref<2048xf32, #tpu.memory_space<hbm>>
      %dma_start3A_100 = tpu.memref_slice %arg4[%add3A_98] : memref<4194304xf32, #tpu.memory_space<hbm>> -> memref<2048xf32, #tpu.memory_space<hbm>>
      tpu.enqueue_dma source(%arg28 : memref<2048xf32, #tpu.memory_space<vmem>>) target(%dma_start3A_100 : memref<2048xf32, #tpu.memory_space<hbm>>) target_semaphore(%arg7 : memref<!tpu.dma_semaphore, #tpu.memory_space<semaphore_mem>>)
      %add3A_101 = arith.constant 131072 : i32
      %add3A_102 = arith.addi %add3A_98, %add3A_101 : i32
      %dma_start3A_103 = tpu.memref_slice %arg4[%add3A_102] : memref<4194304xf32, #tpu.memory_space<hbm>> -> memref<2048xf32, #tpu.memory_space<hbm>>
      %dma_start3A_104 = tpu.memref_slice %arg4[%add3A_102] : memref<4194304xf32, #tpu.memory_space<hbm>> -> memref<2048xf32, #tpu.memory_space<hbm>>
      tpu.enqueue_dma source(%arg29 : memref<2048xf32, #tpu.memory_space<vmem>>) target(%dma_start3A_104 : memref<2048xf32, #tpu.memory_space<hbm>>) target_semaphore(%arg7 : memref<!tpu.dma_semaphore, #tpu.memory_space<semaphore_mem>>)
      %lt3A = arith.constant 7 : i32
      %lt3A_105 = arith.cmpi slt, %scan3A_66, %lt3A : i32
      %convert_element_type3A_106 = arith.extui %lt3A_105 : i1 to i32
      %cond3A_107 = arith.constant 0 : i32
      %cond3A_108 = arith.cmpi ne, %convert_element_type3A_106, %cond3A_107 : i32
      scf.if %cond3A_108 {
        %add3A_140 = arith.constant 2 : i32
        %add3A_141 = arith.addi %mul3A_69, %add3A_140 : i32
        %mul3A_142 = arith.constant 2.250000e+00 : f32
        %mul3A_143 = arith.mulf %scan3A_67, %mul3A_142 : f32
        %mul3A_144 = arith.constant 1048576 : i32
        %mul3A_145 = arith.muli %add3A_141, %mul3A_144 : i32
        %scan3A_146 = arith.constant 0 : i32
        %scan3A_147 = arith.constant 0 : i32
        %scan3A_148 = arith.constant 128 : i32
        %scan3A_149 = arith.addi %scan3A_147, %scan3A_148 : i32
        %scan3A_150 = arith.constant 1 : i32
        scf.for %scan3A_152 = %scan3A_147 to %scan3A_149 step %scan3A_150  : i32 {
          %mul3A_153 = arith.constant 16 : i32
          %mul3A_154 = arith.muli %scan3A_152, %mul3A_153 : i32
          %get3A = arith.index_cast %mul3A_154 : i32 to index
          %get3A_155 = tpu.vector_load %arg9[%get3A] {strides = array<i32>} : memref<2048xf32, #tpu.memory_space<vmem>>, vector<16xf32>,
          %get3A_156 = vector.shape_cast %get3A_155 : vector<16xf32> to vector<16xf32>
          %mul3A_157 = vector.broadcast %mul3A_143 : f32 to vector<16xf32>
          %mul3A_158 = arith.mulf %get3A_156, %mul3A_157 : vector<16xf32>
          %get3A_159 = arith.index_cast %mul3A_154 : i32 to index
          %get3A_160 = tpu.vector_load %arg10[%get3A_159] {strides = array<i32>} : memref<2048xf32, #tpu.memory_space<vmem>>, vector<16xf32>,
          %get3A_161 = vector.shape_cast %get3A_160 : vector<16xf32> to vector<16xf32>
          %mul3A_162 = vector.broadcast %mul3A_143 : f32 to vector<16xf32>
          %mul3A_163 = arith.mulf %get3A_161, %mul3A_162 : vector<16xf32>
          %get3A_164 = arith.index_cast %mul3A_154 : i32 to index
          %get3A_165 = tpu.vector_load %arg11[%get3A_164] {strides = array<i32>} : memref<2048xf32, #tpu.memory_space<vmem>>, vector<16xf32>,
          %get3A_166 = vector.shape_cast %get3A_165 : vector<16xf32> to vector<16xf32>
          %mul3A_167 = vector.broadcast %mul3A_143 : f32 to vector<16xf32>
          %mul3A_168 = arith.mulf %get3A_166, %mul3A_167 : vector<16xf32>
          %convert_element_type3A_169 = arith.fptosi %mul3A_158 : vector<16xf32> to vector<16xi32>
          %convert_element_type3A_170 = arith.fptosi %mul3A_163 : vector<16xf32> to vector<16xi32>
          %convert_element_type3A_171 = arith.fptosi %mul3A_168 : vector<16xf32> to vector<16xi32>
          %convert_element_type3A_172 = arith.sitofp %convert_element_type3A_169 : vector<16xi32> to vector<16xf32>
          %sub3A = arith.subf %mul3A_158, %convert_element_type3A_172 : vector<16xf32>
          %convert_element_type3A_173 = arith.sitofp %convert_element_type3A_170 : vector<16xi32> to vector<16xf32>
          %sub3A_174 = arith.subf %mul3A_163, %convert_element_type3A_173 : vector<16xf32>
          %convert_element_type3A_175 = arith.sitofp %convert_element_type3A_171 : vector<16xi32> to vector<16xf32>
          %sub3A_176 = arith.subf %mul3A_168, %convert_element_type3A_175 : vector<16xf32>
          %sub3A_177 = arith.constant 1.000000e+00 : f32
          %sub3A_178 = vector.broadcast %sub3A_177 : f32 to vector<16xf32>
          %sub3A_179 = arith.subf %sub3A_178, %sub3A : vector<16xf32>
          %sub3A_180 = arith.constant 1.000000e+00 : f32
          %sub3A_181 = vector.broadcast %sub3A_180 : f32 to vector<16xf32>
          %sub3A_182 = arith.subf %sub3A_181, %sub3A_174 : vector<16xf32>
          %sub3A_183 = arith.constant 1.000000e+00 : f32
          %sub3A_184 = vector.broadcast %sub3A_183 : f32 to vector<16xf32>
          %sub3A_185 = arith.subf %sub3A_184, %sub3A_176 : vector<16xf32>
          %mul3A_186 = arith.constant -1640531535 : i32
          %mul3A_187 = vector.broadcast %mul3A_186 : i32 to vector<16xi32>
          %mul3A_188 = arith.muli %convert_element_type3A_170, %mul3A_187 : vector<16xi32>
          %mul3A_189 = arith.constant 805459861 : i32
          %mul3A_190 = vector.broadcast %mul3A_189 : i32 to vector<16xi32>
          %mul3A_191 = arith.muli %convert_element_type3A_171, %mul3A_190 : vector<16xi32>
          %add3A_192 = arith.constant 1 : i32
          %add3A_193 = vector.broadcast %add3A_192 : i32 to vector<16xi32>
          %add3A_194 = arith.addi %convert_element_type3A_169, %add3A_193 : vector<16xi32>
          %add3A_195 = arith.constant -1640531535 : i32
          %add3A_196 = vector.broadcast %add3A_195 : i32 to vector<16xi32>
          %add3A_197 = arith.addi %mul3A_188, %add3A_196 : vector<16xi32>
          %add3A_198 = arith.constant 805459861 : i32
          %add3A_199 = vector.broadcast %add3A_198 : i32 to vector<16xi32>
          %add3A_200 = arith.addi %mul3A_191, %add3A_199 : vector<16xi32>
          %xor3A = arith.xori %convert_element_type3A_169, %mul3A_188 : vector<16xi32>
          %xor3A_201 = arith.xori %convert_element_type3A_169, %add3A_197 : vector<16xi32>
          %xor3A_202 = arith.xori %add3A_194, %mul3A_188 : vector<16xi32>
          %xor3A_203 = arith.xori %add3A_194, %add3A_197 : vector<16xi32>
          %mul3A_204 = arith.mulf %sub3A_179, %sub3A_182 : vector<16xf32>
          %mul3A_205 = arith.mulf %sub3A_179, %sub3A_174 : vector<16xf32>
          %mul3A_206 = arith.mulf %sub3A, %sub3A_182 : vector<16xf32>
          %mul3A_207 = arith.mulf %sub3A, %sub3A_174 : vector<16xf32>
          %xor3A_208 = arith.xori %xor3A, %mul3A_191 : vector<16xi32>
          %and3A = arith.constant 1048575 : i32
          %and3A_209 = vector.broadcast %and3A : i32 to vector<16xi32>
          %and3A_210 = arith.andi %xor3A_208, %and3A_209 : vector<16xi32>
          %add3A_211 = vector.broadcast %mul3A_145 : i32 to vector<16xi32>
          %add3A_212 = arith.addi %and3A_210, %add3A_211 : vector<16xi32>
          %mul3A_213 = arith.constant 16 : i32
          %mul3A_214 = arith.muli %scan3A_152, %mul3A_213 : i32
          %add3A_215 = arith.constant 0 : i32
          %add3A_216 = arith.addi %add3A_215, %mul3A_214 : i32
          %swap3A = arith.index_cast %add3A_216 : i32 to index
          %swap3A_217 = tpu.vector_load %arg32[%swap3A] {strides = array<i32>} : memref<16384xi32, #tpu.memory_space<vmem>>, vector<16xi32>,
          %swap3A_218 = vector.shape_cast %swap3A_217 : vector<16xi32> to vector<16xi32>
          %swap3A_219 = vector.shape_cast %add3A_212 : vector<16xi32> to vector<16xi32>
          tpu.vector_store %arg32[%swap3A], %swap3A_219 {strides = array<i32>} : memref<16384xi32, #tpu.memory_space<vmem>>, vector<16xi32>,
          %mul3A_220 = arith.mulf %mul3A_204, %sub3A_185 : vector<16xf32>
          %swap3A_221 = arith.index_cast %mul3A_154 : i32 to index
          %swap3A_222 = tpu.vector_load %arg12[%swap3A_221] {strides = array<i32>} : memref<2048xf32, #tpu.memory_space<vmem>>, vector<16xf32>,
          %swap3A_223 = vector.shape_cast %swap3A_222 : vector<16xf32> to vector<16xf32>
          %swap3A_224 = vector.shape_cast %mul3A_220 : vector<16xf32> to vector<16xf32>
          tpu.vector_store %arg12[%swap3A_221], %swap3A_224 {strides = array<i32>} : memref<2048xf32, #tpu.memory_space<vmem>>, vector<16xf32>,
          %xor3A_225 = arith.xori %xor3A, %add3A_200 : vector<16xi32>
          %and3A_226 = arith.constant 1048575 : i32
          %and3A_227 = vector.broadcast %and3A_226 : i32 to vector<16xi32>
          %and3A_228 = arith.andi %xor3A_225, %and3A_227 : vector<16xi32>
          %add3A_229 = vector.broadcast %mul3A_145 : i32 to vector<16xi32>
          %add3A_230 = arith.addi %and3A_228, %add3A_229 : vector<16xi32>
          %mul3A_231 = arith.constant 16 : i32
          %mul3A_232 = arith.muli %scan3A_152, %mul3A_231 : i32
          %add3A_233 = arith.constant 2048 : i32
          %add3A_234 = arith.addi %add3A_233, %mul3A_232 : i32
          %swap3A_235 = arith.index_cast %add3A_234 : i32 to index
          %swap3A_236 = tpu.vector_load %arg32[%swap3A_235] {strides = array<i32>} : memref<16384xi32, #tpu.memory_space<vmem>>, vector<16xi32>,
          %swap3A_237 = vector.shape_cast %swap3A_236 : vector<16xi32> to vector<16xi32>
          %swap3A_238 = vector.shape_cast %add3A_230 : vector<16xi32> to vector<16xi32>
          tpu.vector_store %arg32[%swap3A_235], %swap3A_238 {strides = array<i32>} : memref<16384xi32, #tpu.memory_space<vmem>>, vector<16xi32>,
          %mul3A_239 = arith.mulf %mul3A_204, %sub3A_176 : vector<16xf32>
          %swap3A_240 = arith.index_cast %mul3A_154 : i32 to index
          %swap3A_241 = tpu.vector_load %arg13[%swap3A_240] {strides = array<i32>} : memref<2048xf32, #tpu.memory_space<vmem>>, vector<16xf32>,
          %swap3A_242 = vector.shape_cast %swap3A_241 : vector<16xf32> to vector<16xf32>
          %swap3A_243 = vector.shape_cast %mul3A_239 : vector<16xf32> to vector<16xf32>
          tpu.vector_store %arg13[%swap3A_240], %swap3A_243 {strides = array<i32>} : memref<2048xf32, #tpu.memory_space<vmem>>, vector<16xf32>,
          %xor3A_244 = arith.xori %xor3A_201, %mul3A_191 : vector<16xi32>
          %and3A_245 = arith.constant 1048575 : i32
          %and3A_246 = vector.broadcast %and3A_245 : i32 to vector<16xi32>
          %and3A_247 = arith.andi %xor3A_244, %and3A_246 : vector<16xi32>
          %add3A_248 = vector.broadcast %mul3A_145 : i32 to vector<16xi32>
          %add3A_249 = arith.addi %and3A_247, %add3A_248 : vector<16xi32>
          %mul3A_250 = arith.constant 16 : i32
          %mul3A_251 = arith.muli %scan3A_152, %mul3A_250 : i32
          %add3A_252 = arith.constant 4096 : i32
          %add3A_253 = arith.addi %add3A_252, %mul3A_251 : i32
          %swap3A_254 = arith.index_cast %add3A_253 : i32 to index
          %swap3A_255 = tpu.vector_load %arg32[%swap3A_254] {strides = array<i32>} : memref<16384xi32, #tpu.memory_space<vmem>>, vector<16xi32>,
          %swap3A_256 = vector.shape_cast %swap3A_255 : vector<16xi32> to vector<16xi32>
          %swap3A_257 = vector.shape_cast %add3A_249 : vector<16xi32> to vector<16xi32>
          tpu.vector_store %arg32[%swap3A_254], %swap3A_257 {strides = array<i32>} : memref<16384xi32, #tpu.memory_space<vmem>>, vector<16xi32>,
          %mul3A_258 = arith.mulf %mul3A_205, %sub3A_185 : vector<16xf32>
          %swap3A_259 = arith.index_cast %mul3A_154 : i32 to index
          %swap3A_260 = tpu.vector_load %arg14[%swap3A_259] {strides = array<i32>} : memref<2048xf32, #tpu.memory_space<vmem>>, vector<16xf32>,
          %swap3A_261 = vector.shape_cast %swap3A_260 : vector<16xf32> to vector<16xf32>
          %swap3A_262 = vector.shape_cast %mul3A_258 : vector<16xf32> to vector<16xf32>
          tpu.vector_store %arg14[%swap3A_259], %swap3A_262 {strides = array<i32>} : memref<2048xf32, #tpu.memory_space<vmem>>, vector<16xf32>,
          %xor3A_263 = arith.xori %xor3A_201, %add3A_200 : vector<16xi32>
          %and3A_264 = arith.constant 1048575 : i32
          %and3A_265 = vector.broadcast %and3A_264 : i32 to vector<16xi32>
          %and3A_266 = arith.andi %xor3A_263, %and3A_265 : vector<16xi32>
          %add3A_267 = vector.broadcast %mul3A_145 : i32 to vector<16xi32>
          %add3A_268 = arith.addi %and3A_266, %add3A_267 : vector<16xi32>
          %mul3A_269 = arith.constant 16 : i32
          %mul3A_270 = arith.muli %scan3A_152, %mul3A_269 : i32
          %add3A_271 = arith.constant 6144 : i32
          %add3A_272 = arith.addi %add3A_271, %mul3A_270 : i32
          %swap3A_273 = arith.index_cast %add3A_272 : i32 to index
          %swap3A_274 = tpu.vector_load %arg32[%swap3A_273] {strides = array<i32>} : memref<16384xi32, #tpu.memory_space<vmem>>, vector<16xi32>,
          %swap3A_275 = vector.shape_cast %swap3A_274 : vector<16xi32> to vector<16xi32>
          %swap3A_276 = vector.shape_cast %add3A_268 : vector<16xi32> to vector<16xi32>
          tpu.vector_store %arg32[%swap3A_273], %swap3A_276 {strides = array<i32>} : memref<16384xi32, #tpu.memory_space<vmem>>, vector<16xi32>,
          %mul3A_277 = arith.mulf %mul3A_205, %sub3A_176 : vector<16xf32>
          %swap3A_278 = arith.index_cast %mul3A_154 : i32 to index
          %swap3A_279 = tpu.vector_load %arg15[%swap3A_278] {strides = array<i32>} : memref<2048xf32, #tpu.memory_space<vmem>>, vector<16xf32>,
          %swap3A_280 = vector.shape_cast %swap3A_279 : vector<16xf32> to vector<16xf32>
          %swap3A_281 = vector.shape_cast %mul3A_277 : vector<16xf32> to vector<16xf32>
          tpu.vector_store %arg15[%swap3A_278], %swap3A_281 {strides = array<i32>} : memref<2048xf32, #tpu.memory_space<vmem>>, vector<16xf32>,
          %xor3A_282 = arith.xori %xor3A_202, %mul3A_191 : vector<16xi32>
          %and3A_283 = arith.constant 1048575 : i32
          %and3A_284 = vector.broadcast %and3A_283 : i32 to vector<16xi32>
          %and3A_285 = arith.andi %xor3A_282, %and3A_284 : vector<16xi32>
          %add3A_286 = vector.broadcast %mul3A_145 : i32 to vector<16xi32>
          %add3A_287 = arith.addi %and3A_285, %add3A_286 : vector<16xi32>
          %mul3A_288 = arith.constant 16 : i32
          %mul3A_289 = arith.muli %scan3A_152, %mul3A_288 : i32
          %add3A_290 = arith.constant 8192 : i32
          %add3A_291 = arith.addi %add3A_290, %mul3A_289 : i32
          %swap3A_292 = arith.index_cast %add3A_291 : i32 to index
          %swap3A_293 = tpu.vector_load %arg32[%swap3A_292] {strides = array<i32>} : memref<16384xi32, #tpu.memory_space<vmem>>, vector<16xi32>,
          %swap3A_294 = vector.shape_cast %swap3A_293 : vector<16xi32> to vector<16xi32>
          %swap3A_295 = vector.shape_cast %add3A_287 : vector<16xi32> to vector<16xi32>
          tpu.vector_store %arg32[%swap3A_292], %swap3A_295 {strides = array<i32>} : memref<16384xi32, #tpu.memory_space<vmem>>, vector<16xi32>,
          %mul3A_296 = arith.mulf %mul3A_206, %sub3A_185 : vector<16xf32>
          %swap3A_297 = arith.index_cast %mul3A_154 : i32 to index
          %swap3A_298 = tpu.vector_load %arg16[%swap3A_297] {strides = array<i32>} : memref<2048xf32, #tpu.memory_space<vmem>>, vector<16xf32>,
          %swap3A_299 = vector.shape_cast %swap3A_298 : vector<16xf32> to vector<16xf32>
          %swap3A_300 = vector.shape_cast %mul3A_296 : vector<16xf32> to vector<16xf32>
          tpu.vector_store %arg16[%swap3A_297], %swap3A_300 {strides = array<i32>} : memref<2048xf32, #tpu.memory_space<vmem>>, vector<16xf32>,
          %xor3A_301 = arith.xori %xor3A_202, %add3A_200 : vector<16xi32>
          %and3A_302 = arith.constant 1048575 : i32
          %and3A_303 = vector.broadcast %and3A_302 : i32 to vector<16xi32>
          %and3A_304 = arith.andi %xor3A_301, %and3A_303 : vector<16xi32>
          %add3A_305 = vector.broadcast %mul3A_145 : i32 to vector<16xi32>
          %add3A_306 = arith.addi %and3A_304, %add3A_305 : vector<16xi32>
          %mul3A_307 = arith.constant 16 : i32
          %mul3A_308 = arith.muli %scan3A_152, %mul3A_307 : i32
          %add3A_309 = arith.constant 10240 : i32
          %add3A_310 = arith.addi %add3A_309, %mul3A_308 : i32
          %swap3A_311 = arith.index_cast %add3A_310 : i32 to index
          %swap3A_312 = tpu.vector_load %arg32[%swap3A_311] {strides = array<i32>} : memref<16384xi32, #tpu.memory_space<vmem>>, vector<16xi32>,
          %swap3A_313 = vector.shape_cast %swap3A_312 : vector<16xi32> to vector<16xi32>
          %swap3A_314 = vector.shape_cast %add3A_306 : vector<16xi32> to vector<16xi32>
          tpu.vector_store %arg32[%swap3A_311], %swap3A_314 {strides = array<i32>} : memref<16384xi32, #tpu.memory_space<vmem>>, vector<16xi32>,
          %mul3A_315 = arith.mulf %mul3A_206, %sub3A_176 : vector<16xf32>
          %swap3A_316 = arith.index_cast %mul3A_154 : i32 to index
          %swap3A_317 = tpu.vector_load %arg17[%swap3A_316] {strides = array<i32>} : memref<2048xf32, #tpu.memory_space<vmem>>, vector<16xf32>,
          %swap3A_318 = vector.shape_cast %swap3A_317 : vector<16xf32> to vector<16xf32>
          %swap3A_319 = vector.shape_cast %mul3A_315 : vector<16xf32> to vector<16xf32>
          tpu.vector_store %arg17[%swap3A_316], %swap3A_319 {strides = array<i32>} : memref<2048xf32, #tpu.memory_space<vmem>>, vector<16xf32>,
          %xor3A_320 = arith.xori %xor3A_203, %mul3A_191 : vector<16xi32>
          %and3A_321 = arith.constant 1048575 : i32
          %and3A_322 = vector.broadcast %and3A_321 : i32 to vector<16xi32>
          %and3A_323 = arith.andi %xor3A_320, %and3A_322 : vector<16xi32>
          %add3A_324 = vector.broadcast %mul3A_145 : i32 to vector<16xi32>
          %add3A_325 = arith.addi %and3A_323, %add3A_324 : vector<16xi32>
          %mul3A_326 = arith.constant 16 : i32
          %mul3A_327 = arith.muli %scan3A_152, %mul3A_326 : i32
          %add3A_328 = arith.constant 12288 : i32
          %add3A_329 = arith.addi %add3A_328, %mul3A_327 : i32
          %swap3A_330 = arith.index_cast %add3A_329 : i32 to index
          %swap3A_331 = tpu.vector_load %arg32[%swap3A_330] {strides = array<i32>} : memref<16384xi32, #tpu.memory_space<vmem>>, vector<16xi32>,
          %swap3A_332 = vector.shape_cast %swap3A_331 : vector<16xi32> to vector<16xi32>
          %swap3A_333 = vector.shape_cast %add3A_325 : vector<16xi32> to vector<16xi32>
          tpu.vector_store %arg32[%swap3A_330], %swap3A_333 {strides = array<i32>} : memref<16384xi32, #tpu.memory_space<vmem>>, vector<16xi32>,
          %mul3A_334 = arith.mulf %mul3A_207, %sub3A_185 : vector<16xf32>
          %swap3A_335 = arith.index_cast %mul3A_154 : i32 to index
          %swap3A_336 = tpu.vector_load %arg18[%swap3A_335] {strides = array<i32>} : memref<2048xf32, #tpu.memory_space<vmem>>, vector<16xf32>,
          %swap3A_337 = vector.shape_cast %swap3A_336 : vector<16xf32> to vector<16xf32>
          %swap3A_338 = vector.shape_cast %mul3A_334 : vector<16xf32> to vector<16xf32>
          tpu.vector_store %arg18[%swap3A_335], %swap3A_338 {strides = array<i32>} : memref<2048xf32, #tpu.memory_space<vmem>>, vector<16xf32>,
          %xor3A_339 = arith.xori %xor3A_203, %add3A_200 : vector<16xi32>
          %and3A_340 = arith.constant 1048575 : i32
          %and3A_341 = vector.broadcast %and3A_340 : i32 to vector<16xi32>
          %and3A_342 = arith.andi %xor3A_339, %and3A_341 : vector<16xi32>
          %add3A_343 = vector.broadcast %mul3A_145 : i32 to vector<16xi32>
          %add3A_344 = arith.addi %and3A_342, %add3A_343 : vector<16xi32>
          %mul3A_345 = arith.constant 16 : i32
          %mul3A_346 = arith.muli %scan3A_152, %mul3A_345 : i32
          %add3A_347 = arith.constant 14336 : i32
          %add3A_348 = arith.addi %add3A_347, %mul3A_346 : i32
          %swap3A_349 = arith.index_cast %add3A_348 : i32 to index
          %swap3A_350 = tpu.vector_load %arg32[%swap3A_349] {strides = array<i32>} : memref<16384xi32, #tpu.memory_space<vmem>>, vector<16xi32>,
          %swap3A_351 = vector.shape_cast %swap3A_350 : vector<16xi32> to vector<16xi32>
          %swap3A_352 = vector.shape_cast %add3A_344 : vector<16xi32> to vector<16xi32>
          tpu.vector_store %arg32[%swap3A_349], %swap3A_352 {strides = array<i32>} : memref<16384xi32, #tpu.memory_space<vmem>>, vector<16xi32>,
          %mul3A_353 = arith.mulf %mul3A_207, %sub3A_176 : vector<16xf32>
          %swap3A_354 = arith.index_cast %mul3A_154 : i32 to index
          %swap3A_355 = tpu.vector_load %arg19[%swap3A_354] {strides = array<i32>} : memref<2048xf32, #tpu.memory_space<vmem>>, vector<16xf32>,
          %swap3A_356 = vector.shape_cast %swap3A_355 : vector<16xf32> to vector<16xf32>
          %swap3A_357 = vector.shape_cast %mul3A_353 : vector<16xf32> to vector<16xf32>
          tpu.vector_store %arg19[%swap3A_354], %swap3A_357 {strides = array<i32>} : memref<2048xf32, #tpu.memory_space<vmem>>, vector<16xf32>,
        }
        %scan3A_151 = arith.constant 128 : i32
      } else {
      }
      %dma_wait3A_109 = arith.constant 0 : i32
      %dma_wait3A_110 = tpu.memref_slice %arg3[%dma_wait3A_109] : memref<16777216xi32, #tpu.memory_space<hbm>> -> memref<16777216xi32, #tpu.memory_space<hbm>>
      tpu.wait_indirect_dma semaphore(%arg6 : memref<!tpu.dma_semaphore, #tpu.memory_space<semaphore_mem>>) src(%dma_wait3A_110 : memref<16777216xi32, #tpu.memory_space<hbm>>) dst(%arg35 : memref<16384xi32, #tpu.memory_space<vmem>>)
      %lt3A_111 = arith.constant 7 : i32
      %lt3A_112 = arith.cmpi slt, %scan3A_66, %lt3A_111 : i32
      %convert_element_type3A_113 = arith.extui %lt3A_112 : i1 to i32
      %cond3A_114 = arith.constant 0 : i32
      %cond3A_115 = arith.cmpi ne, %convert_element_type3A_113, %cond3A_114 : i32
      scf.if %cond3A_115 {
        %dma_start3A_140 = arith.constant 0 : i32
        %dma_start3A_141 = tpu.memref_slice %arg3[%dma_start3A_140] : memref<16777216xi32, #tpu.memory_space<hbm>> -> memref<16777216xi32, #tpu.memory_space<hbm>>
        tpu.enqueue_indirect_dma source(%dma_start3A_141 : memref<16777216xi32, #tpu.memory_space<hbm>>) target(%arg34 : memref<16384xi32, #tpu.memory_space<vmem>>) offsets(%arg32 : memref<16384xi32, #tpu.memory_space<vmem>>) semaphore(%arg5 : memref<!tpu.dma_semaphore, #tpu.memory_space<semaphore_mem>>)
      } else {
      }
      %gt3A_116 = arith.constant 0 : i32
      %gt3A_117 = arith.cmpi sgt, %scan3A_66, %gt3A_116 : i32
      %convert_element_type3A_118 = arith.extui %gt3A_117 : i1 to i32
      %cond3A_119 = arith.constant 0 : i32
      %cond3A_120 = arith.cmpi ne, %convert_element_type3A_118, %cond3A_119 : i32
      scf.if %cond3A_120 {
        %dma_wait3A_140 = tpu.memref_slice %arg4[%add3A_35] : memref<4194304xf32, #tpu.memory_space<hbm>> -> memref<2048xf32, #tpu.memory_space<hbm>>
        %dma_wait3A_141 = tpu.memref_slice %arg4[%add3A_35] : memref<4194304xf32, #tpu.memory_space<hbm>> -> memref<2048xf32, #tpu.memory_space<hbm>>
        tpu.wait_dma2 semaphore(%arg8 : memref<!tpu.dma_semaphore, #tpu.memory_space<semaphore_mem>>) src(%arg30 : memref<2048xf32, #tpu.memory_space<vmem>>) dst(%dma_wait3A_141 : memref<2048xf32, #tpu.memory_space<hbm>>)
        %dma_wait3A_142 = tpu.memref_slice %arg4[%add3A_35] : memref<4194304xf32, #tpu.memory_space<hbm>> -> memref<2048xf32, #tpu.memory_space<hbm>>
        %dma_wait3A_143 = tpu.memref_slice %arg4[%add3A_35] : memref<4194304xf32, #tpu.memory_space<hbm>> -> memref<2048xf32, #tpu.memory_space<hbm>>
        tpu.wait_dma2 semaphore(%arg8 : memref<!tpu.dma_semaphore, #tpu.memory_space<semaphore_mem>>) src(%arg31 : memref<2048xf32, #tpu.memory_space<vmem>>) dst(%dma_wait3A_143 : memref<2048xf32, #tpu.memory_space<hbm>>)
      } else {
      }
      %scan3A_121 = arith.constant 0 : i32
      %scan3A_122 = arith.constant 0 : i32
      %scan3A_123 = arith.constant 128 : i32
      %scan3A_124 = arith.addi %scan3A_122, %scan3A_123 : i32
      %scan3A_125 = arith.constant 1 : i32
      scf.for %scan3A_140 = %scan3A_122 to %scan3A_124 step %scan3A_125  : i32 {
        %mul3A_141 = arith.constant 16 : i32
        %mul3A_142 = arith.muli %scan3A_140, %mul3A_141 : i32
        %broadcast_in_dim3A = arith.constant 0.000000e+00 : f32
        %broadcast_in_dim3A_143 = vector.broadcast %broadcast_in_dim3A : f32 to vector<16xf32>
        %broadcast_in_dim3A_144 = arith.constant 0.000000e+00 : f32
        %broadcast_in_dim3A_145 = vector.broadcast %broadcast_in_dim3A_144 : f32 to vector<16xf32>
        %get3A = arith.index_cast %mul3A_142 : i32 to index
        %get3A_146 = tpu.vector_load %arg20[%get3A] {strides = array<i32>} : memref<2048xf32, #tpu.memory_space<vmem>>, vector<16xf32>,
        %get3A_147 = vector.shape_cast %get3A_146 : vector<16xf32> to vector<16xf32>
        %mul3A_148 = arith.constant 16 : i32
        %mul3A_149 = arith.muli %scan3A_140, %mul3A_148 : i32
        %add3A_150 = arith.constant 0 : i32
        %add3A_151 = arith.addi %add3A_150, %mul3A_149 : i32
        %get3A_152 = arith.index_cast %add3A_151 : i32 to index
        %get3A_153 = tpu.vector_load %arg35[%get3A_152] {strides = array<i32>} : memref<16384xi32, #tpu.memory_space<vmem>>, vector<16xi32>,
        %get3A_154 = vector.shape_cast %get3A_153 : vector<16xi32> to vector<16xi32>
        %shift_left3A = arith.constant 16 : i32
        %shift_left3A_155 = vector.broadcast %shift_left3A : i32 to vector<16xi32>
        %shift_left3A_156 = arith.shli %get3A_154, %shift_left3A_155 : vector<16xi32>
        %bitcast_convert_type3A = tpu.bitcast %shift_left3A_156 : vector<16xi32> -> vector<16xf32>
        %and3A = arith.constant -65536 : i32
        %and3A_157 = vector.broadcast %and3A : i32 to vector<16xi32>
        %and3A_158 = arith.andi %get3A_154, %and3A_157 : vector<16xi32>
        %bitcast_convert_type3A_159 = tpu.bitcast %and3A_158 : vector<16xi32> -> vector<16xf32>
        %mul3A_160 = arith.mulf %get3A_147, %bitcast_convert_type3A : vector<16xf32>
        %add3A_161 = arith.addf %broadcast_in_dim3A_143, %mul3A_160 : vector<16xf32>
        %mul3A_162 = arith.mulf %get3A_147, %bitcast_convert_type3A_159 : vector<16xf32>
        %add3A_163 = arith.addf %broadcast_in_dim3A_145, %mul3A_162 : vector<16xf32>
        %get3A_164 = arith.index_cast %mul3A_142 : i32 to index
        %get3A_165 = tpu.vector_load %arg21[%get3A_164] {strides = array<i32>} : memref<2048xf32, #tpu.memory_space<vmem>>, vector<16xf32>,
        %get3A_166 = vector.shape_cast %get3A_165 : vector<16xf32> to vector<16xf32>
        %mul3A_167 = arith.constant 16 : i32
        %mul3A_168 = arith.muli %scan3A_140, %mul3A_167 : i32
        %add3A_169 = arith.constant 2048 : i32
        %add3A_170 = arith.addi %add3A_169, %mul3A_168 : i32
        %get3A_171 = arith.index_cast %add3A_170 : i32 to index
        %get3A_172 = tpu.vector_load %arg35[%get3A_171] {strides = array<i32>} : memref<16384xi32, #tpu.memory_space<vmem>>, vector<16xi32>,
        %get3A_173 = vector.shape_cast %get3A_172 : vector<16xi32> to vector<16xi32>
        %shift_left3A_174 = arith.constant 16 : i32
        %shift_left3A_175 = vector.broadcast %shift_left3A_174 : i32 to vector<16xi32>
        %shift_left3A_176 = arith.shli %get3A_173, %shift_left3A_175 : vector<16xi32>
        %bitcast_convert_type3A_177 = tpu.bitcast %shift_left3A_176 : vector<16xi32> -> vector<16xf32>
        %and3A_178 = arith.constant -65536 : i32
        %and3A_179 = vector.broadcast %and3A_178 : i32 to vector<16xi32>
        %and3A_180 = arith.andi %get3A_173, %and3A_179 : vector<16xi32>
        %bitcast_convert_type3A_181 = tpu.bitcast %and3A_180 : vector<16xi32> -> vector<16xf32>
        %mul3A_182 = arith.mulf %get3A_166, %bitcast_convert_type3A_177 : vector<16xf32>
        %add3A_183 = arith.addf %add3A_161, %mul3A_182 : vector<16xf32>
        %mul3A_184 = arith.mulf %get3A_166, %bitcast_convert_type3A_181 : vector<16xf32>
        %add3A_185 = arith.addf %add3A_163, %mul3A_184 : vector<16xf32>
        %get3A_186 = arith.index_cast %mul3A_142 : i32 to index
        %get3A_187 = tpu.vector_load %arg22[%get3A_186] {strides = array<i32>} : memref<2048xf32, #tpu.memory_space<vmem>>, vector<16xf32>,
        %get3A_188 = vector.shape_cast %get3A_187 : vector<16xf32> to vector<16xf32>
        %mul3A_189 = arith.constant 16 : i32
        %mul3A_190 = arith.muli %scan3A_140, %mul3A_189 : i32
        %add3A_191 = arith.constant 4096 : i32
        %add3A_192 = arith.addi %add3A_191, %mul3A_190 : i32
        %get3A_193 = arith.index_cast %add3A_192 : i32 to index
        %get3A_194 = tpu.vector_load %arg35[%get3A_193] {strides = array<i32>} : memref<16384xi32, #tpu.memory_space<vmem>>, vector<16xi32>,
        %get3A_195 = vector.shape_cast %get3A_194 : vector<16xi32> to vector<16xi32>
        %shift_left3A_196 = arith.constant 16 : i32
        %shift_left3A_197 = vector.broadcast %shift_left3A_196 : i32 to vector<16xi32>
        %shift_left3A_198 = arith.shli %get3A_195, %shift_left3A_197 : vector<16xi32>
        %bitcast_convert_type3A_199 = tpu.bitcast %shift_left3A_198 : vector<16xi32> -> vector<16xf32>
        %and3A_200 = arith.constant -65536 : i32
        %and3A_201 = vector.broadcast %and3A_200 : i32 to vector<16xi32>
        %and3A_202 = arith.andi %get3A_195, %and3A_201 : vector<16xi32>
        %bitcast_convert_type3A_203 = tpu.bitcast %and3A_202 : vector<16xi32> -> vector<16xf32>
        %mul3A_204 = arith.mulf %get3A_188, %bitcast_convert_type3A_199 : vector<16xf32>
        %add3A_205 = arith.addf %add3A_183, %mul3A_204 : vector<16xf32>
        %mul3A_206 = arith.mulf %get3A_188, %bitcast_convert_type3A_203 : vector<16xf32>
        %add3A_207 = arith.addf %add3A_185, %mul3A_206 : vector<16xf32>
        %get3A_208 = arith.index_cast %mul3A_142 : i32 to index
        %get3A_209 = tpu.vector_load %arg23[%get3A_208] {strides = array<i32>} : memref<2048xf32, #tpu.memory_space<vmem>>, vector<16xf32>,
        %get3A_210 = vector.shape_cast %get3A_209 : vector<16xf32> to vector<16xf32>
        %mul3A_211 = arith.constant 16 : i32
        %mul3A_212 = arith.muli %scan3A_140, %mul3A_211 : i32
        %add3A_213 = arith.constant 6144 : i32
        %add3A_214 = arith.addi %add3A_213, %mul3A_212 : i32
        %get3A_215 = arith.index_cast %add3A_214 : i32 to index
        %get3A_216 = tpu.vector_load %arg35[%get3A_215] {strides = array<i32>} : memref<16384xi32, #tpu.memory_space<vmem>>, vector<16xi32>,
        %get3A_217 = vector.shape_cast %get3A_216 : vector<16xi32> to vector<16xi32>
        %shift_left3A_218 = arith.constant 16 : i32
        %shift_left3A_219 = vector.broadcast %shift_left3A_218 : i32 to vector<16xi32>
        %shift_left3A_220 = arith.shli %get3A_217, %shift_left3A_219 : vector<16xi32>
        %bitcast_convert_type3A_221 = tpu.bitcast %shift_left3A_220 : vector<16xi32> -> vector<16xf32>
        %and3A_222 = arith.constant -65536 : i32
        %and3A_223 = vector.broadcast %and3A_222 : i32 to vector<16xi32>
        %and3A_224 = arith.andi %get3A_217, %and3A_223 : vector<16xi32>
        %bitcast_convert_type3A_225 = tpu.bitcast %and3A_224 : vector<16xi32> -> vector<16xf32>
        %mul3A_226 = arith.mulf %get3A_210, %bitcast_convert_type3A_221 : vector<16xf32>
        %add3A_227 = arith.addf %add3A_205, %mul3A_226 : vector<16xf32>
        %mul3A_228 = arith.mulf %get3A_210, %bitcast_convert_type3A_225 : vector<16xf32>
        %add3A_229 = arith.addf %add3A_207, %mul3A_228 : vector<16xf32>
        %get3A_230 = arith.index_cast %mul3A_142 : i32 to index
        %get3A_231 = tpu.vector_load %arg24[%get3A_230] {strides = array<i32>} : memref<2048xf32, #tpu.memory_space<vmem>>, vector<16xf32>,
        %get3A_232 = vector.shape_cast %get3A_231 : vector<16xf32> to vector<16xf32>
        %mul3A_233 = arith.constant 16 : i32
        %mul3A_234 = arith.muli %scan3A_140, %mul3A_233 : i32
        %add3A_235 = arith.constant 8192 : i32
        %add3A_236 = arith.addi %add3A_235, %mul3A_234 : i32
        %get3A_237 = arith.index_cast %add3A_236 : i32 to index
        %get3A_238 = tpu.vector_load %arg35[%get3A_237] {strides = array<i32>} : memref<16384xi32, #tpu.memory_space<vmem>>, vector<16xi32>,
        %get3A_239 = vector.shape_cast %get3A_238 : vector<16xi32> to vector<16xi32>
        %shift_left3A_240 = arith.constant 16 : i32
        %shift_left3A_241 = vector.broadcast %shift_left3A_240 : i32 to vector<16xi32>
        %shift_left3A_242 = arith.shli %get3A_239, %shift_left3A_241 : vector<16xi32>
        %bitcast_convert_type3A_243 = tpu.bitcast %shift_left3A_242 : vector<16xi32> -> vector<16xf32>
        %and3A_244 = arith.constant -65536 : i32
        %and3A_245 = vector.broadcast %and3A_244 : i32 to vector<16xi32>
        %and3A_246 = arith.andi %get3A_239, %and3A_245 : vector<16xi32>
        %bitcast_convert_type3A_247 = tpu.bitcast %and3A_246 : vector<16xi32> -> vector<16xf32>
        %mul3A_248 = arith.mulf %get3A_232, %bitcast_convert_type3A_243 : vector<16xf32>
        %add3A_249 = arith.addf %add3A_227, %mul3A_248 : vector<16xf32>
        %mul3A_250 = arith.mulf %get3A_232, %bitcast_convert_type3A_247 : vector<16xf32>
        %add3A_251 = arith.addf %add3A_229, %mul3A_250 : vector<16xf32>
        %get3A_252 = arith.index_cast %mul3A_142 : i32 to index
        %get3A_253 = tpu.vector_load %arg25[%get3A_252] {strides = array<i32>} : memref<2048xf32, #tpu.memory_space<vmem>>, vector<16xf32>,
        %get3A_254 = vector.shape_cast %get3A_253 : vector<16xf32> to vector<16xf32>
        %mul3A_255 = arith.constant 16 : i32
        %mul3A_256 = arith.muli %scan3A_140, %mul3A_255 : i32
        %add3A_257 = arith.constant 10240 : i32
        %add3A_258 = arith.addi %add3A_257, %mul3A_256 : i32
        %get3A_259 = arith.index_cast %add3A_258 : i32 to index
        %get3A_260 = tpu.vector_load %arg35[%get3A_259] {strides = array<i32>} : memref<16384xi32, #tpu.memory_space<vmem>>, vector<16xi32>,
        %get3A_261 = vector.shape_cast %get3A_260 : vector<16xi32> to vector<16xi32>
        %shift_left3A_262 = arith.constant 16 : i32
        %shift_left3A_263 = vector.broadcast %shift_left3A_262 : i32 to vector<16xi32>
        %shift_left3A_264 = arith.shli %get3A_261, %shift_left3A_263 : vector<16xi32>
        %bitcast_convert_type3A_265 = tpu.bitcast %shift_left3A_264 : vector<16xi32> -> vector<16xf32>
        %and3A_266 = arith.constant -65536 : i32
        %and3A_267 = vector.broadcast %and3A_266 : i32 to vector<16xi32>
        %and3A_268 = arith.andi %get3A_261, %and3A_267 : vector<16xi32>
        %bitcast_convert_type3A_269 = tpu.bitcast %and3A_268 : vector<16xi32> -> vector<16xf32>
        %mul3A_270 = arith.mulf %get3A_254, %bitcast_convert_type3A_265 : vector<16xf32>
        %add3A_271 = arith.addf %add3A_249, %mul3A_270 : vector<16xf32>
        %mul3A_272 = arith.mulf %get3A_254, %bitcast_convert_type3A_269 : vector<16xf32>
        %add3A_273 = arith.addf %add3A_251, %mul3A_272 : vector<16xf32>
        %get3A_274 = arith.index_cast %mul3A_142 : i32 to index
        %get3A_275 = tpu.vector_load %arg26[%get3A_274] {strides = array<i32>} : memref<2048xf32, #tpu.memory_space<vmem>>, vector<16xf32>,
        %get3A_276 = vector.shape_cast %get3A_275 : vector<16xf32> to vector<16xf32>
        %mul3A_277 = arith.constant 16 : i32
        %mul3A_278 = arith.muli %scan3A_140, %mul3A_277 : i32
        %add3A_279 = arith.constant 12288 : i32
        %add3A_280 = arith.addi %add3A_279, %mul3A_278 : i32
        %get3A_281 = arith.index_cast %add3A_280 : i32 to index
        %get3A_282 = tpu.vector_load %arg35[%get3A_281] {strides = array<i32>} : memref<16384xi32, #tpu.memory_space<vmem>>, vector<16xi32>,
        %get3A_283 = vector.shape_cast %get3A_282 : vector<16xi32> to vector<16xi32>
        %shift_left3A_284 = arith.constant 16 : i32
        %shift_left3A_285 = vector.broadcast %shift_left3A_284 : i32 to vector<16xi32>
        %shift_left3A_286 = arith.shli %get3A_283, %shift_left3A_285 : vector<16xi32>
        %bitcast_convert_type3A_287 = tpu.bitcast %shift_left3A_286 : vector<16xi32> -> vector<16xf32>
        %and3A_288 = arith.constant -65536 : i32
        %and3A_289 = vector.broadcast %and3A_288 : i32 to vector<16xi32>
        %and3A_290 = arith.andi %get3A_283, %and3A_289 : vector<16xi32>
        %bitcast_convert_type3A_291 = tpu.bitcast %and3A_290 : vector<16xi32> -> vector<16xf32>
        %mul3A_292 = arith.mulf %get3A_276, %bitcast_convert_type3A_287 : vector<16xf32>
        %add3A_293 = arith.addf %add3A_271, %mul3A_292 : vector<16xf32>
        %mul3A_294 = arith.mulf %get3A_276, %bitcast_convert_type3A_291 : vector<16xf32>
        %add3A_295 = arith.addf %add3A_273, %mul3A_294 : vector<16xf32>
        %get3A_296 = arith.index_cast %mul3A_142 : i32 to index
        %get3A_297 = tpu.vector_load %arg27[%get3A_296] {strides = array<i32>} : memref<2048xf32, #tpu.memory_space<vmem>>, vector<16xf32>,
        %get3A_298 = vector.shape_cast %get3A_297 : vector<16xf32> to vector<16xf32>
        %mul3A_299 = arith.constant 16 : i32
        %mul3A_300 = arith.muli %scan3A_140, %mul3A_299 : i32
        %add3A_301 = arith.constant 14336 : i32
        %add3A_302 = arith.addi %add3A_301, %mul3A_300 : i32
        %get3A_303 = arith.index_cast %add3A_302 : i32 to index
        %get3A_304 = tpu.vector_load %arg35[%get3A_303] {strides = array<i32>} : memref<16384xi32, #tpu.memory_space<vmem>>, vector<16xi32>,
        %get3A_305 = vector.shape_cast %get3A_304 : vector<16xi32> to vector<16xi32>
        %shift_left3A_306 = arith.constant 16 : i32
        %shift_left3A_307 = vector.broadcast %shift_left3A_306 : i32 to vector<16xi32>
        %shift_left3A_308 = arith.shli %get3A_305, %shift_left3A_307 : vector<16xi32>
        %bitcast_convert_type3A_309 = tpu.bitcast %shift_left3A_308 : vector<16xi32> -> vector<16xf32>
        %and3A_310 = arith.constant -65536 : i32
        %and3A_311 = vector.broadcast %and3A_310 : i32 to vector<16xi32>
        %and3A_312 = arith.andi %get3A_305, %and3A_311 : vector<16xi32>
        %bitcast_convert_type3A_313 = tpu.bitcast %and3A_312 : vector<16xi32> -> vector<16xf32>
        %mul3A_314 = arith.mulf %get3A_298, %bitcast_convert_type3A_309 : vector<16xf32>
        %add3A_315 = arith.addf %add3A_293, %mul3A_314 : vector<16xf32>
        %mul3A_316 = arith.mulf %get3A_298, %bitcast_convert_type3A_313 : vector<16xf32>
        %add3A_317 = arith.addf %add3A_295, %mul3A_316 : vector<16xf32>
        %swap3A = arith.index_cast %mul3A_142 : i32 to index
        %swap3A_318 = tpu.vector_load %arg30[%swap3A] {strides = array<i32>} : memref<2048xf32, #tpu.memory_space<vmem>>, vector<16xf32>,
        %swap3A_319 = vector.shape_cast %swap3A_318 : vector<16xf32> to vector<16xf32>
        %swap3A_320 = vector.shape_cast %add3A_315 : vector<16xf32> to vector<16xf32>
        tpu.vector_store %arg30[%swap3A], %swap3A_320 {strides = array<i32>} : memref<2048xf32, #tpu.memory_space<vmem>>, vector<16xf32>,
        %swap3A_321 = arith.index_cast %mul3A_142 : i32 to index
        %swap3A_322 = tpu.vector_load %arg31[%swap3A_321] {strides = array<i32>} : memref<2048xf32, #tpu.memory_space<vmem>>, vector<16xf32>,
        %swap3A_323 = vector.shape_cast %swap3A_322 : vector<16xf32> to vector<16xf32>
        %swap3A_324 = vector.shape_cast %add3A_317 : vector<16xf32> to vector<16xf32>
        tpu.vector_store %arg31[%swap3A_321], %swap3A_324 {strides = array<i32>} : memref<2048xf32, #tpu.memory_space<vmem>>, vector<16xf32>,
      }
      %scan3A_126 = arith.constant 128 : i32
      %mul3A_127 = arith.constant 2 : i32
      %mul3A_128 = arith.muli %mul3A_127, %add3A_71 : i32
      %mul3A_129 = arith.constant 131072 : i32
      %mul3A_130 = arith.muli %mul3A_128, %mul3A_129 : i32
      %add3A_131 = arith.addi %mul3A_130, %add3A_35 : i32
      %dma_start3A_132 = tpu.memref_slice %arg4[%add3A_131] : memref<4194304xf32, #tpu.memory_space<hbm>> -> memref<2048xf32, #tpu.memory_space<hbm>>
      %dma_start3A_133 = tpu.memref_slice %arg4[%add3A_131] : memref<4194304xf32, #tpu.memory_space<hbm>> -> memref<2048xf32, #tpu.memory_space<hbm>>
      tpu.enqueue_dma source(%arg30 : memref<2048xf32, #tpu.memory_space<vmem>>) target(%dma_start3A_133 : memref<2048xf32, #tpu.memory_space<hbm>>) target_semaphore(%arg8 : memref<!tpu.dma_semaphore, #tpu.memory_space<semaphore_mem>>)
      %add3A_134 = arith.constant 131072 : i32
      %add3A_135 = arith.addi %add3A_131, %add3A_134 : i32
      %dma_start3A_136 = tpu.memref_slice %arg4[%add3A_135] : memref<4194304xf32, #tpu.memory_space<hbm>> -> memref<2048xf32, #tpu.memory_space<hbm>>
      %dma_start3A_137 = tpu.memref_slice %arg4[%add3A_135] : memref<4194304xf32, #tpu.memory_space<hbm>> -> memref<2048xf32, #tpu.memory_space<hbm>>
      tpu.enqueue_dma source(%arg31 : memref<2048xf32, #tpu.memory_space<vmem>>) target(%dma_start3A_137 : memref<2048xf32, #tpu.memory_space<hbm>>) target_semaphore(%arg8 : memref<!tpu.dma_semaphore, #tpu.memory_space<semaphore_mem>>)
      %mul3A_138 = arith.constant 2.250000e+00 : f32
      %mul3A_139 = arith.mulf %scan3A_67, %mul3A_138 : f32
      scf.yield %mul3A_139 : f32
    }
    %scan3A_57 = arith.constant 8 : i32
    %dma_wait3A_58 = tpu.memref_slice %arg4[%add3A_35] : memref<4194304xf32, #tpu.memory_space<hbm>> -> memref<2048xf32, #tpu.memory_space<hbm>>
    %dma_wait3A_59 = tpu.memref_slice %arg4[%add3A_35] : memref<4194304xf32, #tpu.memory_space<hbm>> -> memref<2048xf32, #tpu.memory_space<hbm>>
    tpu.wait_dma2 semaphore(%arg7 : memref<!tpu.dma_semaphore, #tpu.memory_space<semaphore_mem>>) src(%arg28 : memref<2048xf32, #tpu.memory_space<vmem>>) dst(%dma_wait3A_59 : memref<2048xf32, #tpu.memory_space<hbm>>)
    %dma_wait3A_60 = tpu.memref_slice %arg4[%add3A_35] : memref<4194304xf32, #tpu.memory_space<hbm>> -> memref<2048xf32, #tpu.memory_space<hbm>>
    %dma_wait3A_61 = tpu.memref_slice %arg4[%add3A_35] : memref<4194304xf32, #tpu.memory_space<hbm>> -> memref<2048xf32, #tpu.memory_space<hbm>>
    tpu.wait_dma2 semaphore(%arg7 : memref<!tpu.dma_semaphore, #tpu.memory_space<semaphore_mem>>) src(%arg29 : memref<2048xf32, #tpu.memory_space<vmem>>) dst(%dma_wait3A_61 : memref<2048xf32, #tpu.memory_space<hbm>>)
    %dma_wait3A_62 = tpu.memref_slice %arg4[%add3A_35] : memref<4194304xf32, #tpu.memory_space<hbm>> -> memref<2048xf32, #tpu.memory_space<hbm>>
    %dma_wait3A_63 = tpu.memref_slice %arg4[%add3A_35] : memref<4194304xf32, #tpu.memory_space<hbm>> -> memref<2048xf32, #tpu.memory_space<hbm>>
    tpu.wait_dma2 semaphore(%arg8 : memref<!tpu.dma_semaphore, #tpu.memory_space<semaphore_mem>>) src(%arg30 : memref<2048xf32, #tpu.memory_space<vmem>>) dst(%dma_wait3A_63 : memref<2048xf32, #tpu.memory_space<hbm>>)
    %dma_wait3A_64 = tpu.memref_slice %arg4[%add3A_35] : memref<4194304xf32, #tpu.memory_space<hbm>> -> memref<2048xf32, #tpu.memory_space<hbm>>
    %dma_wait3A_65 = tpu.memref_slice %arg4[%add3A_35] : memref<4194304xf32, #tpu.memory_space<hbm>> -> memref<2048xf32, #tpu.memory_space<hbm>>
    tpu.wait_dma2 semaphore(%arg8 : memref<!tpu.dma_semaphore, #tpu.memory_space<semaphore_mem>>) src(%arg31 : memref<2048xf32, #tpu.memory_space<vmem>>) dst(%dma_wait3A_65 : memref<2048xf32, #tpu.memory_space<hbm>>)
    return
  }
}

module attributes {stable_mosaic.version = 14 : i64} {
  func.func @_pack_body(%arg0: i32, %arg1: memref<8192x128xf32, #tpu.memory_space<vmem>>, %arg2: memref<4096x128xi32, #tpu.memory_space<vmem>>) attributes {dimension_semantics = [#tpu.dimension_semantics<arbitrary>], iteration_bounds = array<i64: 32>, scalar_prefetch = 0 : i64, scratch_operands = 0 : i64, tpu.core_type = #tpu.core_type<tc>, window_params = [{transform_indices = @transform_0, window_bounds = array<i64: 8192, 128>}, {transform_indices = @transform_1, window_bounds = array<i64: 4096, 128>}]} {
    %get3A = arith.constant 0 : index
    %get3A_0 = arith.constant 0 : index
    %get3A_1 = vector.load %arg1[%get3A, %get3A_0] : memref<8192x128xf32, #tpu.memory_space<vmem>>, vector<8192x128xf32>
    %reshape3A = vector.shape_cast %get3A_1 : vector<8192x128xf32> to vector<4096x2x128xf32>
    %slice3A = vector.extract_strided_slice %reshape3A {offsets = [0, 0, 0], sizes = [4096, 1, 128], strides = [1, 1, 1]} : vector<4096x2x128xf32> to vector<4096x1x128xf32>
    %squeeze3A = vector.shape_cast %slice3A : vector<4096x1x128xf32> to vector<4096x128xf32>
    %convert_element_type3A = arith.truncf %squeeze3A : vector<4096x128xf32> to vector<4096x128xbf16>
    %bitcast_convert_type3A = tpu.bitcast %convert_element_type3A : vector<4096x128xbf16> -> vector<4096x128xi16>
    %convert_element_type3A_2 = arith.extui %bitcast_convert_type3A : vector<4096x128xi16> to vector<4096x128xi32>
    %slice3A_3 = vector.extract_strided_slice %reshape3A {offsets = [0, 1, 0], sizes = [4096, 1, 128], strides = [1, 1, 1]} : vector<4096x2x128xf32> to vector<4096x1x128xf32>
    %squeeze3A_4 = vector.shape_cast %slice3A_3 : vector<4096x1x128xf32> to vector<4096x128xf32>
    %convert_element_type3A_5 = arith.truncf %squeeze3A_4 : vector<4096x128xf32> to vector<4096x128xbf16>
    %bitcast_convert_type3A_6 = tpu.bitcast %convert_element_type3A_5 : vector<4096x128xbf16> -> vector<4096x128xi16>
    %convert_element_type3A_7 = arith.extui %bitcast_convert_type3A_6 : vector<4096x128xi16> to vector<4096x128xi32>
    %shift_left3A = arith.constant 16 : i32
    %shift_left3A_8 = vector.broadcast %shift_left3A : i32 to vector<4096x128xi32>
    %shift_left3A_9 = arith.shli %convert_element_type3A_7, %shift_left3A_8 : vector<4096x128xi32>
    %or3A = arith.ori %convert_element_type3A_2, %shift_left3A_9 : vector<4096x128xi32>
    %bitcast_convert_type3A_10 = tpu.bitcast %or3A : vector<4096x128xi32> -> vector<4096x128xi32>
    %swap3A = arith.constant 0 : index
    %swap3A_11 = arith.constant 0 : index
    %swap3A_12 = vector.load %arg2[%swap3A, %swap3A_11] : memref<4096x128xi32, #tpu.memory_space<vmem>>, vector<4096x128xi32>
    tpu.vector_store %arg2[%swap3A, %swap3A_11], %bitcast_convert_type3A_10 {strides = array<i32>} : memref<4096x128xi32, #tpu.memory_space<vmem>>, vector<4096x128xi32>,
    return
  }
  func.func @transform_0(%arg0: i32) -> (i32, i32) {
    %c0_i32 = arith.constant 0 : i32
    %c0_i32_0 = arith.constant 0 : i32
    return %arg0, %c0_i32 : i32, i32
  }
  func.func @transform_1(%arg0: i32) -> (i32, i32) {
    %c0_i32 = arith.constant 0 : i32
    %c0_i32_0 = arith.constant 0 : i32
    return %arg0, %c0_i32 : i32, i32
  }
}

module attributes {stable_mosaic.version = 14 : i64} {
  func.func @_mlp_body(%arg0: i32, %arg1: memref<32x8192xf32, #tpu.memory_space<vmem>>, %arg2: memref<32x64xf32, #tpu.memory_space<vmem>>, %arg3: memref<64x1xf32, #tpu.memory_space<vmem>>, %arg4: memref<64x64xf32, #tpu.memory_space<vmem>>, %arg5: memref<64x1xf32, #tpu.memory_space<vmem>>, %arg6: memref<64x64xf32, #tpu.memory_space<vmem>>, %arg7: memref<64x1xf32, #tpu.memory_space<vmem>>, %arg8: memref<64x3xf32, #tpu.memory_space<vmem>>, %arg9: memref<1x3xf32, #tpu.memory_space<vmem>>, %arg10: memref<8192x3xf32, #tpu.memory_space<vmem>>) attributes {dimension_semantics = [#tpu.dimension_semantics<arbitrary>], iteration_bounds = array<i64: 16>, scalar_prefetch = 0 : i64, scratch_operands = 0 : i64, tpu.core_type = #tpu.core_type<tc>, window_params = [{transform_indices = @transform_0, window_bounds = array<i64: 32, 8192>}, {pipeline_mode = #tpu.pipeline_mode<synchronous>, transform_indices = @transform_1, window_bounds = array<i64: 32, 64>}, {pipeline_mode = #tpu.pipeline_mode<synchronous>, transform_indices = @transform_2, window_bounds = array<i64: 64, 1>}, {pipeline_mode = #tpu.pipeline_mode<synchronous>, transform_indices = @transform_3, window_bounds = array<i64: 64, 64>}, {pipeline_mode = #tpu.pipeline_mode<synchronous>, transform_indices = @transform_4, window_bounds = array<i64: 64, 1>}, {pipeline_mode = #tpu.pipeline_mode<synchronous>, transform_indices = @transform_5, window_bounds = array<i64: 64, 64>}, {pipeline_mode = #tpu.pipeline_mode<synchronous>, transform_indices = @transform_6, window_bounds = array<i64: 64, 1>}, {pipeline_mode = #tpu.pipeline_mode<synchronous>, transform_indices = @transform_7, window_bounds = array<i64: 64, 3>}, {pipeline_mode = #tpu.pipeline_mode<synchronous>, transform_indices = @transform_8, window_bounds = array<i64: 1, 3>}, {transform_indices = @transform_9, window_bounds = array<i64: 8192, 3>}]} {
    %get3A = arith.constant 0 : index
    %get3A_0 = arith.constant 0 : index
    %get3A_1 = vector.load %arg1[%get3A, %get3A_0] : memref<32x8192xf32, #tpu.memory_space<vmem>>, vector<32x8192xf32>
    %get3A_2 = arith.constant 0 : index
    %get3A_3 = arith.constant 0 : index
    %get3A_4 = vector.load %arg2[%get3A_2, %get3A_3] : memref<32x64xf32, #tpu.memory_space<vmem>>, vector<32x64xf32>
    %dot_general3A = arith.constant dense<0.000000e+00> : vector<64x8192xf32>
    %dot_general3A_5 = tpu.matmul %get3A_4, %get3A_1, %dot_general3A {dimension_numbers = #tpu.dot_dimension_numbers<[0], [0], [1], [1], [0, 1, 1, 1], [], []>, transpose_lhs_hint = false} : vector<32x64xf32>, vector<32x8192xf32>, vector<64x8192xf32> -> vector<64x8192xf32>
    %get3A_6 = arith.constant 0 : index
    %get3A_7 = arith.constant 0 : index
    %get3A_8 = vector.load %arg3[%get3A_6, %get3A_7] : memref<64x1xf32, #tpu.memory_space<vmem>>, vector<64x1xf32>
    %add3A = vector.broadcast %get3A_8 : vector<64x1xf32> to vector<64x8192xf32>
    %add3A_9 = arith.addf %dot_general3A_5, %add3A : vector<64x8192xf32>
    %max3A = arith.constant 0.000000e+00 : f32
    %max3A_10 = vector.broadcast %max3A : f32 to vector<64x8192xf32>
    %max3A_11 = arith.maximumf %add3A_9, %max3A_10 : vector<64x8192xf32>
    %get3A_12 = arith.constant 0 : index
    %get3A_13 = arith.constant 0 : index
    %get3A_14 = vector.load %arg4[%get3A_12, %get3A_13] : memref<64x64xf32, #tpu.memory_space<vmem>>, vector<64x64xf32>
    %dot_general3A_15 = arith.constant dense<0.000000e+00> : vector<64x8192xf32>
    %dot_general3A_16 = tpu.matmul %get3A_14, %max3A_11, %dot_general3A_15 {dimension_numbers = #tpu.dot_dimension_numbers<[0], [0], [1], [1], [0, 1, 1, 1], [], []>, transpose_lhs_hint = false} : vector<64x64xf32>, vector<64x8192xf32>, vector<64x8192xf32> -> vector<64x8192xf32>
    %get3A_17 = arith.constant 0 : index
    %get3A_18 = arith.constant 0 : index
    %get3A_19 = vector.load %arg5[%get3A_17, %get3A_18] : memref<64x1xf32, #tpu.memory_space<vmem>>, vector<64x1xf32>
    %add3A_20 = vector.broadcast %get3A_19 : vector<64x1xf32> to vector<64x8192xf32>
    %add3A_21 = arith.addf %dot_general3A_16, %add3A_20 : vector<64x8192xf32>
    %max3A_22 = arith.constant 0.000000e+00 : f32
    %max3A_23 = vector.broadcast %max3A_22 : f32 to vector<64x8192xf32>
    %max3A_24 = arith.maximumf %add3A_21, %max3A_23 : vector<64x8192xf32>
    %get3A_25 = arith.constant 0 : index
    %get3A_26 = arith.constant 0 : index
    %get3A_27 = vector.load %arg6[%get3A_25, %get3A_26] : memref<64x64xf32, #tpu.memory_space<vmem>>, vector<64x64xf32>
    %dot_general3A_28 = arith.constant dense<0.000000e+00> : vector<64x8192xf32>
    %dot_general3A_29 = tpu.matmul %get3A_27, %max3A_24, %dot_general3A_28 {dimension_numbers = #tpu.dot_dimension_numbers<[0], [0], [1], [1], [0, 1, 1, 1], [], []>, transpose_lhs_hint = false} : vector<64x64xf32>, vector<64x8192xf32>, vector<64x8192xf32> -> vector<64x8192xf32>
    %get3A_30 = arith.constant 0 : index
    %get3A_31 = arith.constant 0 : index
    %get3A_32 = vector.load %arg7[%get3A_30, %get3A_31] : memref<64x1xf32, #tpu.memory_space<vmem>>, vector<64x1xf32>
    %add3A_33 = vector.broadcast %get3A_32 : vector<64x1xf32> to vector<64x8192xf32>
    %add3A_34 = arith.addf %dot_general3A_29, %add3A_33 : vector<64x8192xf32>
    %max3A_35 = arith.constant 0.000000e+00 : f32
    %max3A_36 = vector.broadcast %max3A_35 : f32 to vector<64x8192xf32>
    %max3A_37 = arith.maximumf %add3A_34, %max3A_36 : vector<64x8192xf32>
    %get3A_38 = arith.constant 0 : index
    %get3A_39 = arith.constant 0 : index
    %get3A_40 = vector.load %arg8[%get3A_38, %get3A_39] : memref<64x3xf32, #tpu.memory_space<vmem>>, vector<64x3xf32>
    %dot_general3A_41 = arith.constant dense<0.000000e+00> : vector<8192x3xf32>
    %dot_general3A_42 = tpu.matmul %max3A_37, %get3A_40, %dot_general3A_41 {dimension_numbers = #tpu.dot_dimension_numbers<[0], [0], [1], [1], [0, 1, 1, 1], [], []>, transpose_lhs_hint = false} : vector<64x8192xf32>, vector<64x3xf32>, vector<8192x3xf32> -> vector<8192x3xf32>
    %get3A_43 = arith.constant 0 : index
    %get3A_44 = arith.constant 0 : index
    %get3A_45 = vector.load %arg9[%get3A_43, %get3A_44] : memref<1x3xf32, #tpu.memory_space<vmem>>, vector<1x3xf32>
    %add3A_46 = vector.broadcast %get3A_45 : vector<1x3xf32> to vector<8192x3xf32>
    %add3A_47 = arith.addf %dot_general3A_42, %add3A_46 : vector<8192x3xf32>
    %swap3A = arith.constant 0 : index
    %swap3A_48 = arith.constant 0 : index
    %swap3A_49 = vector.load %arg10[%swap3A, %swap3A_48] : memref<8192x3xf32, #tpu.memory_space<vmem>>, vector<8192x3xf32>
    tpu.vector_store %arg10[%swap3A, %swap3A_48], %add3A_47 {strides = array<i32>} : memref<8192x3xf32, #tpu.memory_space<vmem>>, vector<8192x3xf32>,
    return
  }
  func.func @transform_0(%arg0: i32) -> (i32, i32) {
    %c0_i32 = arith.constant 0 : i32
    %c0_i32_0 = arith.constant 0 : i32
    return %c0_i32, %arg0 : i32, i32
  }
  func.func @transform_1(%arg0: i32) -> (i32, i32) {
    %c0_i32 = arith.constant 0 : i32
    %c0_i32_0 = arith.constant 0 : i32
    %c0_i32_1 = arith.constant 0 : i32
    return %c0_i32, %c0_i32_0 : i32, i32
  }
  func.func @transform_2(%arg0: i32) -> (i32, i32) {
    %c0_i32 = arith.constant 0 : i32
    %c0_i32_0 = arith.constant 0 : i32
    %c0_i32_1 = arith.constant 0 : i32
    return %c0_i32, %c0_i32_0 : i32, i32
  }
  func.func @transform_3(%arg0: i32) -> (i32, i32) {
    %c0_i32 = arith.constant 0 : i32
    %c0_i32_0 = arith.constant 0 : i32
    %c0_i32_1 = arith.constant 0 : i32
    return %c0_i32, %c0_i32_0 : i32, i32
  }
  func.func @transform_4(%arg0: i32) -> (i32, i32) {
    %c0_i32 = arith.constant 0 : i32
    %c0_i32_0 = arith.constant 0 : i32
    %c0_i32_1 = arith.constant 0 : i32
    return %c0_i32, %c0_i32_0 : i32, i32
  }
  func.func @transform_5(%arg0: i32) -> (i32, i32) {
    %c0_i32 = arith.constant 0 : i32
    %c0_i32_0 = arith.constant 0 : i32
    %c0_i32_1 = arith.constant 0 : i32
    return %c0_i32, %c0_i32_0 : i32, i32
  }
  func.func @transform_6(%arg0: i32) -> (i32, i32) {
    %c0_i32 = arith.constant 0 : i32
    %c0_i32_0 = arith.constant 0 : i32
    %c0_i32_1 = arith.constant 0 : i32
    return %c0_i32, %c0_i32_0 : i32, i32
  }
  func.func @transform_7(%arg0: i32) -> (i32, i32) {
    %c0_i32 = arith.constant 0 : i32
    %c0_i32_0 = arith.constant 0 : i32
    %c0_i32_1 = arith.constant 0 : i32
    return %c0_i32, %c0_i32_0 : i32, i32
  }
  func.func @transform_8(%arg0: i32) -> (i32, i32) {
    %c0_i32 = arith.constant 0 : i32
    %c0_i32_0 = arith.constant 0 : i32
    %c0_i32_1 = arith.constant 0 : i32
    return %c0_i32, %c0_i32_0 : i32, i32
  }
  func.func @transform_9(%arg0: i32) -> (i32, i32) {
    %c0_i32 = arith.constant 0 : i32
    %c0_i32_0 = arith.constant 0 : i32
    return %arg0, %c0_i32 : i32, i32
  }
}

</mosaic_0001>

<sc_bundles>
// kernel: kernel.5.cloned.1.call-start
scs
__scs_entry_jumppad:
0x0: {  	(pc) =	sbr.rel $0x88, $3  }
0x1: {  	(tag) =	ssettag $0x0;
	lr =	simm.s32 $0x1  }
0x2: {  	[smem:$0x3F97] =	sst lr;
	_ =	strace $0xD0000000  }
0x3: {  	_ = 	snop  }
0x4: {  	_ = 	snop  }
0x5: {  	_ = 	snop  }
0x6: {  	_ = 	snop  }
0x7: {  	_ = 	snop  }
__scs_overlays_trampoline_lowered:
0x8: {  	[smem:$0x3FA6] =	sst s0  }
0x9: {  	[smem:$0x3FA7] =	sst s1  }
0xa: {  	[smem:$0x3FA8] =	sst s2  }
0xb: {  	[smem:$0x3FA9] =	sst s3  }
0xc: {  	[smem:$0x3FAA] =	sst s4  }
0xd: {  	[smem:$0x3FAB] =	sst s5  }
0xe: {  	[smem:$0x3FAC] =	sst s6  }
0xf: {  	[smem:$0x3FAD] =	sst s7  }
0x10: {  	[smem:$0x3FAE] =	sst s8  }
0x11: {  	[smem:$0x3FAF] =	sst s9;
	s0 =	simm.s32 @!p0 $0x0  }
0x12: {  	s1 =	sld [smem:$0x3F95];
	s0 =	simm.s32 @p0 $0x1  }
0x13: {  	[smem:$0x3FB0] =	sst s0;
	s0 =	simm.s32 @!p1 $0x0  }
0x14: {  	s2 =	sld [smem:$0x3F94];
	s0 =	simm.s32 @p1 $0x1  }
0x15: {  	[smem:$0x3FB1] =	sst s0;
	s0 =	simm.s32 @!p2 $0x0  }
0x16: {  	s3 =	sld [smem:$0x3FDB];
	s0 =	simm.s32 @p2 $0x1  }
0x17: {  	s4 =	simm.s32 $0x1BF5;
	[smem:$0x3FB3] =	sst s0  }
0x18: {  	s0 =	sld [smem:$0x3F96];
	_ =	swait.ge [sflag:s4], $0x0  }
0x19: {  	s7 =	sld [smem:$0x3F97]  }
0x1a: {  	s8 =	sadd.s32 $0xFFFFE003, lr  }
0x1b: {  	s9 =	sadd.s32 $0xFFFFFEF7, lr;
	s5 =	simm.s32 $0xFFFFFFFF;
	p2 =	slt.u32 s8, $0xFFFFF086  }
0x1c: {  	p1 =	slt.u32 s9, $0xF7A;
	s5 =	simm.s32 @!p2 $0x0  }
0x1d: {  	s5 =	simm.s32 @p1 $0x1;
	p0 =	seq.s32 s7, s2  }
0x1e: {  	s7 =	smul.u32 @!p0 $0xF7A, s2;
	p2 =	seq.s32 @!p0 s5, $0x0  }
0x1f: {  	s9 =	smul.u32 $0xF7A, s1;
	s8 =	simm.s32 @!p0 $0x1BF5;
	p2 =	por !p2, p0  }
0x20: {  	[sflag:s8] =	ssyncset.s32 @!p0 $0xFFFFF086;
	s6 =	sadd.s32 @!p0 s3, s7;
	s7 =	simm.s32 @!p0 $0x108  }
0x21: {  	s3 =	sadd.s32 s3, s9;
	s6 =	sadd.s32 @!p0 $0x88, s6;
	s7 =	simm.s32 @p2 $0x1082  }
0x22: {  	[simem:s7], [sflag:s8] =	dma.local @!p0 [hbm:s6], $0xF7A  }
0x23: {  	s9 =	sor.u32 $0xD0000000, s2;
	s6 =	simm.s32 $0x108;
	_ =	swait.ge @!p0 [sflag:s8], $0x0  }
0x24: {  	s3 =	sadd.s32 $0x88, s3;
	s6 =	simm.s32 @!p1 $0x1082;
	[sflag:s4] =	ssyncset.s32 $0xFFFFF086  }
0x25: {  	[simem:s6], [sflag:s4] =	dma.local [hbm:s3], $0xF7A  }
0x26: {  	[smem:$0x3F97] =	sst s1;
	(tag) =	ssettag s2;
	_ =	strace s9  }
0x27: {  	s1 =	sld [smem:$0x3FA7]  }
0x28: {  	s2 =	sld [smem:$0x3FA8]  }
0x29: {  	s4 =	sld [smem:$0x3FAA]  }
0x2a: {  	p0 =	seq.s32 s5, $0x0;
	s5 =	sld [smem:$0x3FAB]  }
0x2b: {  	s6 =	sld [smem:$0x3FAC]  }
0x2c: {  	s7 =	sld [smem:$0x3FAD]  }
0x2d: {  	s3 =	simm.s32 $0x108;
	s8 =	sld [smem:$0x3FAE]  }
0x2e: {  	s3 =	simm.s32 @!p0 $0x1082;
	s9 =	sld [smem:$0x3FAF]  }
0x2f: {  	lr =	sadd.s32 s0, s3;
	s0 =	sld [smem:$0x3FA6]  }
0x30: {  	s3 =	sld [smem:$0x3FA9]  }
0x31: {  	[smem:$0x3FB2] =	sst s10  }
0x32: {  	s10 =	sld [smem:$0x3FB0];
	_ =	sdelay $0x3  }
0x33: {  	p0 =	seq.s32 s10, $0x1;
	s10 =	sld [smem:$0x3FB2];
	_ =	sdelay $0x3  }
0x34: {  	[smem:$0x3FB2] =	sst s10  }
0x35: {  	s10 =	sld [smem:$0x3FB1];
	_ =	sdelay $0x3  }
0x36: {  	p1 =	seq.s32 s10, $0x1;
	s10 =	sld [smem:$0x3FB2];
	_ =	sdelay $0x3  }
0x37: {  	[smem:$0x3FB2] =	sst s10  }
0x38: {  	s10 =	sld [smem:$0x3FB3]  }
0x39: {  	_ = 	snop;
	(pc) =	sbr.ind lr, $3  }
0x3a: {  	_ = 	snop  }
0x3b: {  	_ = 	snop  }
0x3c: {  	p2 =	seq.s32 s10, $0x1;
	s10 =	sld [smem:$0x3FB2]  }
0x3d: {  	_ =	shalt  }
0x3e: {  	_ =	shalt  }
0x3f: {  	_ =	shalt  }
0x40: {  	_ =	shalt  }
0x41: {  	_ =	shalt  }
0x42: {  	_ =	shalt  }
0x43: {  	_ =	shalt  }
0x44: {  	_ =	shalt  }
0x45: {  	_ =	shalt  }
0x46: {  	_ =	shalt  }
0x47: {  	_ =	shalt  }
0x48: {  	_ =	shalt  }
0x49: {  	_ =	shalt  }
0x4a: {  	_ =	shalt  }
0x4b: {  	_ =	shalt  }
0x4c: {  	_ =	shalt  }
0x4d: {  	_ =	shalt  }
0x4e: {  	_ =	shalt  }
0x4f: {  	_ =	shalt  }
0x50: {  	_ =	shalt  }
0x51: {  	_ =	shalt  }
0x52: {  	_ =	shalt  }
0x53: {  	_ =	shalt  }
0x54: {  	_ =	shalt  }
0x55: {  	_ =	shalt  }
0x56: {  	_ =	shalt  }
0x57: {  	_ =	shalt  }
0x58: {  	_ =	shalt  }
0x59: {  	_ =	shalt  }
0x5a: {  	_ =	shalt  }
0x5b: {  	_ =	shalt  }
0x5c: {  	_ =	shalt  }
0x5d: {  	_ =	shalt  }
0x5e: {  	_ =	shalt  }
0x5f: {  	_ =	shalt  }
0x60: {  	_ =	shalt  }
0x61: {  	_ =	shalt  }
0x62: {  	_ =	shalt  }
0x63: {  	_ =	shalt  }
0x64: {  	_ =	shalt  }
0x65: {  	_ =	shalt  }
0x66: {  	_ =	shalt  }
0x67: {  	_ =	shalt  }
0x68: {  	_ =	shalt  }
0x69: {  	_ =	shalt  }
0x6a: {  	_ =	shalt  }
0x6b: {  	_ =	shalt  }
0x6c: {  	_ =	shalt  }
0x6d: {  	_ =	shalt  }
0x6e: {  	_ =	shalt  }
0x6f: {  	_ =	shalt  }
0x70: {  	_ =	shalt  }
0x71: {  	_ =	shalt  }
0x72: {  	_ =	shalt  }
0x73: {  	_ =	shalt  }
0x74: {  	_ =	shalt  }
0x75: {  	_ =	shalt  }
0x76: {  	_ =	shalt  }
0x77: {  	_ =	shalt  }
0x78: {  	_ =	shalt  }
0x79: {  	_ =	shalt  }
0x7a: {  	_ =	shalt  }
0x7b: {  	_ =	shalt  }
0x7c: {  	_ =	shalt  }
0x7d: {  	_ =	shalt  }
0x7e: {  	_ =	shalt  }
0x7f: {  	_ =	shalt  }
0x80: {  	_ =	shalt  }
0x81: {  	_ =	shalt  }
0x82: {  	_ =	shalt  }
0x83: {  	_ =	shalt  }
0x84: {  	_ =	shalt  }
0x85: {  	_ =	shalt  }
0x86: {  	_ =	shalt  }
0x87: {  	_ =	shalt  }
.Lfunc_end0:
.L_simem_size_0:
called_computation_lowered:
.L_overlay_start_0:
0x88: {  	s2 =	sld [smem:$0x3FD9]  }
0x89: {  	s3 =	sld [smem:$0x3FFE];
	_ =	sdelay $0x1  }
0x8a: {  	s1 =	srdreg.scid  }
0x8b: {  	s0 =	sand.u32 $0x1, s1  }
0x8c: {  	s17 =	sshll.u32 s0, $0xA;
	s2 =	sadd.s32 s3, s2  }
0x8d: {  	s2 =	sadd.s32 s2, s17  }
0x8e: {  	[smem:$0x3FBE] =	sst s2  }
0x8f: {  	_ = 	snop  }
0x90: {  	s2 =	sld [smem:$0x3FD0];
	(tm) =	ssettm $0x1  }
0x91: {  	s18 =	sld [smem:$0x3FFB];
	_ =	sdelay $0x3  }
0x92: {  	_ =	strace s18  }
0x93: {  	s3 =	sld [smem:$0x3FFC];
	_ =	sdelay $0x3  }
0x94: {  	_ =	strace s3  }
0x95: {  	s3 =	sld [smem:$0x3FFD];
	_ =	sdelay $0x3  }
0x96: {  	_ =	strace s3  }
0x97: {  	_ =	strace $0x8FFFFFFF  }
0x98: {  	s19 =	sld [smem:$0x3FDB];
	_ =	sdelay $0x1  }
0x99: {  	s4 =	simm.s32 $_scs_section_size  }
0x9a: {  	s5 =	simm.s32 $_size__tile_overlayer_lowered;
	s6 =	simm.s32 $_tile_overlayer_lowered  }
0x9b: {  	s22 =	simm.s32 $0x1BFF;
	s21 =	sshll.u32 s6, $0x1;
	s3 =	sadd.s32 s4, s19  }
0x9c: {  	s7 =	simm.s32 $0x0;
	s20 =	sshll.u32 s5, $0x1;
	s5 =	sadd.s32 s21, s3  }
0x9d: {  	[timem:s7], [sflag:s22] =	dma.local [hbm:s5], s20  }
0x9e: {  	_ =	swait.ge [sflag:s22], s20  }
0x9f: {  	s4 =	ssub.s32 $0x0, s20;
	[sflag:s22] =	ssyncset.done $0x0  }
0xa0: {  	[sflag:s22] =	ssyncadd.s32 s4;
	_ =	sdelay $0x1  }
0xa1: {  	s23 =	simm.s32 $0x1B8B  }
0xa2: {  	_ =	swait.ge [sflag:s23], $0x1  }
0xa3: {  	[sflag:s23] =	ssyncset.done $0x0  }
0xa4: {  	s25 =	simm.s32 $0x1B8E;
	s24 =	sld [smem:$0x3FFE];
	[sflag:s23] =	ssyncadd.s32 $0xFFFFFFFF  }
0xa5: {  	s26 =	simm.s32 $execute0_lowered;
	[smem:$0x3FD2] =	sst s25  }
0xa6: {  	s5 =	sshll.u32 s26, $0x1;
	_ =	strace $0x80000046;
	[dreg:$0x1] =	wrdreg $0xFFFFFFFF  }
0xa7: {  	s28 =	simm.s32 $_size_execute0_lowered;
	s3 =	sadd.s32 s3, s5;
	[dreg:$0x0] =	wrdreg $0x0  }
0xa8: {  	s5 =	sshll.u32 s28, $0x1;
	[dreg:$0x2] =	wrdreg s3  }
0xa9: {  	[dreg:$0x3] =	wrdreg s5  }
0xaa: {  	[dreg:$0x4] =	wrdreg $0xC0  }
0xab: {  	_ =	task [dreg:s7], $0x5FFFF  }
0xac: {  	[dreg:$0x1] =	wrdreg $0xFFFFFFFF  }
0xad: {  	[dreg:$0x0] =	wrdreg $0x60  }
0xae: {  	[dreg:$0x2] =	wrdreg s2  }
0xaf: {  	[dreg:$0x3] =	wrdreg s24  }
0xb0: {  	[dreg:$0x4] =	wrdreg $0x9  }
0xb1: {  	_ =	task.clear_ibuf [dreg:s7], $0x5FFFF;
	_ =	strace $0x90000046  }
0xb2: {  	s29 =	simm.s32 $0x9;
	_ =	strace $0x80000048  }
0xb3: {  	_ =	swait.ge [sflag:s29], $0x1  }
0xb4: {  	[sflag:s29] =	ssyncadd.s32 $0xFFFFFFFF  }
0xb5: {  	_ =	strace $0x90000048  }
0xb6: {  	_ =	sfence  }
0xb7: {  	s30 =	sld [smem:$0x0];
	_ =	sdelay $0x2  }
0xb8: {  	s31 =	sshll.u32 s1, $0xD;
	s1 =	sshrl.u32 s1, $0x2  }
0xb9: {  	s3 =	sand.u32 $0x4000, s31;
	s1 =	sadd.s32 s1, s30  }
0xba: {  	s0 =	sor.u32 s3, s0;
	s1 =	sshll.u32 s1, $0x11  }
0xbb: {  	s0 =	sor.u32 s1, s0  }
0xbc: {  	s0 =	sadd.s32 $0x8F2B, s0  }
0xbd: {  	[sflag:s0] =	ssyncadd.remote.s32 $0x1  }
0xbe: {  	_ =	sfence.sel $0xFFFF  }
0xbf: {  	[dreg:$0x0] =	wrdreg $0xFFFFFFFF;
	(pc) =	sbr.abs _section_cstart, $3  }
0xc0: {  	[dreg:$0x1] =	wrdreg $0xFFFFFFFF  }
0xc1: {  	_ =	task.clear_ibuf [dreg:s7], $0x2FFFF;
	_ =	strace $0x9FFFFFFF  }
0xc2: {  	(tm) =	ssettm $0x7FFFFFFF  }
0xc3: {  	_ =	shalt  }
tec
execute0_lowered:
.L_overlay_start_1:
0x0: {  	(tag) =	ssettag $0x1  }
0x1: {  	s0 =	rddreg [dreg:$0x0]  }
0x2: {  	s1 =	rddreg [dreg:$0x1];
	s3 =	srdreg.scid  }
0x3: {  	s2 =	simm.s32 $0x0;
	s4 =	stileid.u32;
	s15 =	simm.s32 $0x5  }
0x4: {  	s18 =	simm.s32 $0x4000;
	s19 =	simm.s32 $0xB800;
	s20 =	simm.s32 $0x13800  }
0x5: {  	s28 =	simm.s32 $0x4;
	s29 =	simm.s32 $0xA800;
	s5 =	sand.u32 $0x1, s3  }
0x6: {  	s30 =	simm.s32 $0xB000;
	s21 =	sshll.u32 s4, $0xD;
	s22 =	sshll.u32 s5, $0xC  }
0x7: {  	[smem:$0x7FF] =	sst s2;
	s6 =	ssub.s32 $0x2, s5;
	s3 =	sor.u32 s22, s21  }
0x8: {  	s4 =	sadd.s32 $0x1600, s1;
	s8 =	sshrl.u32 s6, $0x1;
	s7 =	sshrl.u32 s3, $0x3  }
0x9: {  	s10 =	sadd.s32 $0x205600, s1;
	s6 =	ssub.s32 s6, s8;
	s7 =	sadd.s32 s0, s7  }
0xa: {  	_ =	strace $0x80000047;
	s31 =	smax.u32 s6, $0x1;
	[dreg:$0x3] =	wrdreg s7  }
0xb: {  	s8 =	sor.u32 $0x800, s3;
	s23 =	sadd.s32 $0x4000, s7;
	[dreg:$0x9] =	wrdreg s31  }
0xc: {  	s24 =	sshrl.u32 s8, $0x3;
	s9 =	sadd.s32 $0x8000, s7;
	[dreg:$0x4] =	wrdreg s23  }
0xd: {  	s5 =	sadd.s32 $0x201600, s1;
	s0 =	sadd.s32 s0, s24;
	[dreg:$0x5] =	wrdreg s9  }
0xe: {  	s21 =	simm.s32 $0x1;
	s25 =	sadd.s32 $0x4100, s7;
	[dreg:$0x6] =	wrdreg s0  }
0xf: {  	s22 =	simm.s32 $0xF800;
	s26 =	sadd.s32 $0x8100, s7;
	[dreg:$0x7] =	wrdreg s25  }
0x10: {  	s24 =	simm.s32 $0x9800;
	[dreg:$0x8] =	wrdreg s26;
	s23 =	simm.s32 $0x17800  }
0x11: {  	s25 =	simm.s32 $0xA000;
	s26 =	simm.s32 $0x2;
	s0 =	simm.s32 $0x0  }
.LBB2_1:
0x12: {  	s1 =	rddreg [dreg:$0x3]  }
0x13: {  	[tilespmem:s2], [sflag:$0x5] =	stream.linear.gather [hbm4b:s1+s2], $0x800, $0x38;
	[tilespmem:$0x1B800] =	vst v63  }
0x14: {  	_ =	swait.ge [sflag:s15], $0x800  }
0x15: {  	[sflag:s15] =	ssyncset.done $0x0  }
0x16: {  	s6 =	simm.s32 $0x800;
	s16 =	rddreg [dreg:$0x4];
	[sflag:s15] =	ssyncadd.s32 $0xFFFFF800  }
0x17: {  	[tilespmem:s6], [sflag:$0x5] =	stream.linear.gather [hbm4b:s16+s2], $0x800, $0x38;
	[tilespmem:$0x1B800] =	vst v63  }
0x18: {  	_ =	swait.ge [sflag:s15], $0x800  }
0x19: {  	[sflag:s15] =	ssyncset.done $0x0  }
0x1a: {  	s31 =	simm.s32 $0x1000;
	s17 =	rddreg [dreg:$0x5];
	[sflag:s15] =	ssyncadd.s32 $0xFFFFF800  }
0x1b: {  	[tilespmem:s31], [sflag:$0x5] =	stream.linear.gather [hbm4b:s17+s2], $0x800, $0x38;
	[tilespmem:$0x1B800] =	vst v63  }
0x1c: {  	_ =	swait.ge [sflag:s15], $0x800  }
0x1d: {  	[sflag:s15] =	ssyncset.done $0x0  }
0x1e: {  	s1 =	simm.s32 $0x0;
	[sflag:s15] =	ssyncadd.s32 $0xFFFFF800  }
0x1f: {  	v0 =	vld [tilespmem:s1+$0x0]  }
0x20: {  	v1 =	vld [tilespmem:s1+$0x800]  }
0x21: {  	v2 =	vld [tilespmem:s1+$0x1000];
	_ =	sdelay $0x3  }
0x22: {  	v0 =	vmul.f32 $1.600000000e+01, v0  }
0x23: {  	v1 =	vmul.f32 $1.600000000e+01, v1;
	v2 =	vmul.f32 $1.600000000e+01, v2  }
0x24: {  	v3 =	vtrunc.f32 v0  }
0x25: {  	v4 =	vtrunc.f32 v1;
	v5 =	vtrunc.f32 v2  }
0x26: {  	v3 =	vcvt.f32.s32 v3;
	v4 =	vcvt.f32.s32 v4  }
0x27: {  	v5 =	vcvt.f32.s32 v5  }
0x28: {  	v6 =	vcvt.s32.f32 v3;
	v7 =	vcvt.s32.f32 v4  }
0x29: {  	v8 =	vcvt.s32.f32 v5  }
0x2a: {  	v0 =	vsub.f32 v0, v6;
	v1 =	vsub.f32 v1, v7  }
0x2b: {  	v2 =	vsub.f32 v2, v8  }
0x2c: {  	v4 =	vmul.u32 $0x9E3779B1, v4;
	v6 =	vsub.f32 $1.000000000e+00, v0;
	v7 =	vsub.f32 $1.000000000e+00, v1  }
0x2d: {  	v5 =	vmul.u32 $0x30025795, v5  }
0x2e: {  	v54 =	vxor.u32 v3, v4;
	v9 =	vsub.f32 $1.000000000e+00, v2;
	v10 =	vmul.f32 v7, v6  }
0x2f: {  	v12 =	vadd.s32 $0x30025795, v5;
	v11 =	vxor.u32 v5, v54  }
0x30: {  	v14 =	vadd.s32 $0x9E3779B1, v4;
	v11 =	vand.u32 $0xFFFFF, v11;
	v13 =	vmul.f32 v9, v10  }
0x31: {  	v8 =	vxor.u32 v54, v12;
	v55 =	vxor.u32 v3, v14;
	[tilespmem:s1+$0xB800] =	vst v11  }
0x32: {  	s12 =	sand.u32 $0x7F0, s2;
	v8 =	vand.u32 $0xFFFFF, v8;
	v6 =	vmul.f32 v1, v6;
	v10 =	vmul.f32 v10, v2;
	[tilespmem:s1+$0x1800] =	vst v13  }
0x33: {  	v56 =	vxor.u32 v5, v55;
	[tilespmem:s12+$0xC000] =	vst v8  }
0x34: {  	v3 =	vadd.s32 $0x1, v3;
	v57 =	vmul.f32 v9, v6;
	v13 =	vand.u32 $0xFFFFF, v56;
	[tilespmem:s1+$0x2000] =	vst v10  }
0x35: {  	v58 =	vxor.u32 v12, v55;
	v4 =	vxor.u32 v3, v4;
	[tilespmem:s12+$0xC800] =	vst v13  }
0x36: {  	v7 =	vmul.f32 v7, v0;
	v6 =	vmul.f32 v2, v6;
	v10 =	vand.u32 $0xFFFFF, v58;
	[tilespmem:s1+$0x2800] =	vst v57  }
0x37: {  	v59 =	vxor.u32 v5, v4;
	[tilespmem:s12+$0xD000] =	vst v10  }
0x38: {  	v60 =	vmul.f32 v9, v7;
	v8 =	vand.u32 $0xFFFFF, v59;
	[tilespmem:s1+$0x3000] =	vst v6  }
0x39: {  	v3 =	vxor.u32 v3, v14;
	v4 =	vxor.u32 v4, v12;
	[tilespmem:s12+$0xD800] =	vst v8  }
0x3a: {  	v0 =	vmul.f32 v1, v0;
	v1 =	vand.u32 $0xFFFFF, v4;
	v61 =	vmul.f32 v7, v2;
	[tilespmem:s1+$0x3800] =	vst v60  }
0x3b: {  	v62 =	vxor.u32 v5, v3;
	[tilespmem:s12+$0xE000] =	vst v1  }
0x3c: {  	v63 =	vmul.f32 v9, v0;
	v1 =	vand.u32 $0xFFFFF, v62;
	[tilespmem:s1+$0x4000] =	vst v61  }
0x3d: {  	v3 =	vxor.u32 v12, v3;
	[tilespmem:s12+$0xE800] =	vst v1  }
0x3e: {  	s9 =	simm.s32 $0x40;
	s13 =	simm.s32 $0x80;
	s7 =	simm.s32 $0x0;
	v0 =	vmul.f32 v2, v0;
	v1 =	vand.u32 $0xFFFFF, v3;
	[tilespmem:s1+$0x4800] =	vst v63  }
.LBB2_2:
0x3f: {  	s6 =	sshra.s32 s9, $0x2  }
0x40: {  	[tilespmem:s12+$0xF000] =	vst v1;
	s7 =	sadd.s32 $0x10, s7;
	s9 =	smov.u32 s13;
	s11 =	sadd.s32 $0x40, s13  }
0x41: {  	p0 =	sne.s32 s13, $0x1FC0;
	v1 =	vld [tilespmem:s6+$0x0];
	[tilespmem:s1+$0x5000] =	vst v0;
	s1 =	smov.u32 s6  }
0x42: {  	v0 =	vld [tilespmem:s1+$0x800]  }
0x43: {  	v2 =	vld [tilespmem:s1+$0x1000];
	_ =	sdelay $0x2  }
0x44: {  	v1 =	vmul.f32 $1.600000000e+01, v1  }
0x45: {  	v0 =	vmul.f32 $1.600000000e+01, v0  }
0x46: {  	v2 =	vmul.f32 $1.600000000e+01, v2;
	v3 =	vtrunc.f32 v1  }
0x47: {  	v3 =	vcvt.f32.s32 v3;
	v4 =	vtrunc.f32 v0  }
0x48: {  	v4 =	vcvt.f32.s32 v4;
	v5 =	vtrunc.f32 v2  }
0x49: {  	v5 =	vcvt.f32.s32 v5;
	v6 =	vcvt.s32.f32 v3  }
0x4a: {  	v8 =	vadd.s32 $0x1, v3;
	v7 =	vcvt.s32.f32 v4;
	v4 =	vmul.u32 $0x9E3779B1, v4  }
0x4b: {  	v1 =	vsub.f32 v1, v6;
	v6 =	vcvt.s32.f32 v5;
	v5 =	vmul.u32 $0x30025795, v5  }
0x4c: {  	v0 =	vsub.f32 v0, v7;
	v7 =	vadd.s32 $0x9E3779B1, v4;
	v9 =	vxor.u32 v3, v4  }
0x4d: {  	v2 =	vsub.f32 v2, v6;
	v6 =	vsub.f32 $1.000000000e+00, v1;
	v10 =	vadd.s32 $0x30025795, v5  }
0x4e: {  	v12 =	vxor.u32 v5, v9;
	v11 =	vsub.f32 $1.000000000e+00, v0;
	v9 =	vxor.u32 v9, v10  }
0x4f: {  	v12 =	vand.u32 $0xFFFFF, v12;
	v13 =	vsub.f32 $1.000000000e+00, v2;
	v14 =	vmul.f32 v0, v6  }
0x50: {  	v3 =	vxor.u32 v3, v7;
	v6 =	vmul.f32 v11, v6;
	v11 =	vmul.f32 v11, v1  }
0x51: {  	v15 =	vxor.u32 v5, v3;
	v16 =	vmul.f32 v13, v14;
	v14 =	vmul.f32 v2, v14  }
0x52: {  	v3 =	vxor.u32 v10, v3;
	v17 =	vmul.f32 v13, v6;
	v18 =	vmul.f32 v13, v11  }
0x53: {  	s12 =	sand.u32 $0x7F0, s7;
	v9 =	vand.u32 $0xFFFFF, v9;
	v6 =	vmul.f32 v6, v2;
	v11 =	vmul.f32 v11, v2;
	[tilespmem:s1+$0xB800] =	vst v12  }
0x54: {  	v4 =	vxor.u32 v8, v4;
	v7 =	vxor.u32 v8, v7;
	v1 =	vmul.f32 v0, v1;
	[tilespmem:s1+$0x1800] =	vst v17  }
0x55: {  	v8 =	vand.u32 $0xFFFFF, v15;
	[tilespmem:s12+$0xC000] =	vst v9;
	v9 =	vxor.u32 v5, v4;
	v4 =	vxor.u32 v4, v10  }
0x56: {  	v0 =	vmul.f32 v2, v1;
	v5 =	vxor.u32 v5, v7;
	[tilespmem:s1+$0x2000] =	vst v6;
	v6 =	vxor.u32 v10, v7  }
0x57: {  	v2 =	vand.u32 $0xFFFFF, v3;
	[tilespmem:s12+$0xC800] =	vst v8  }
0x58: {  	[tilespmem:s1+$0x2800] =	vst v16  }
0x59: {  	[tilespmem:s12+$0xD000] =	vst v2;
	v2 =	vand.u32 $0xFFFFF, v9  }
0x5a: {  	[tilespmem:s1+$0x3000] =	vst v14  }
0x5b: {  	[tilespmem:s12+$0xD800] =	vst v2;
	v2 =	vand.u32 $0xFFFFF, v4  }
.Ltmp0:
0x5c: {  	[tilespmem:s1+$0x3800] =	vst v18;
	(pc) =	sbr.rel @p0 .LBB2_2-.Ltmp0, $4  }
0x5d: {  	v3 =	vmul.f32 v13, v1;
	[tilespmem:s12+$0xE000] =	vst v2;
	v2 =	vand.u32 $0xFFFFF, v5  }
0x5e: {  	[tilespmem:s1+$0x4000] =	vst v11  }
0x5f: {  	v1 =	vand.u32 $0xFFFFF, v6;
	[tilespmem:s12+$0xE800] =	vst v2  }
0x60: {  	s13 =	smov.u32 s11;
	[tilespmem:s1+$0x4800] =	vst v3  }
0x61: {  	s9 =	sshra.s32 s9, $0x2;
	[tilespmem:s12+$0xF000] =	vst v1  }
0x62: {  	v1 =	vld [tilespmem:s9+$0x0];
	[tilespmem:s1+$0x5000] =	vst v0  }
0x63: {  	v0 =	vld [tilespmem:s9+$0x800]  }
0x64: {  	v2 =	vld [tilespmem:s9+$0x1000];
	_ =	sdelay $0x2  }
0x65: {  	v1 =	vmul.f32 $1.600000000e+01, v1  }
0x66: {  	v0 =	vmul.f32 $1.600000000e+01, v0  }
0x67: {  	v2 =	vmul.f32 $1.600000000e+01, v2;
	v3 =	vtrunc.f32 v1  }
0x68: {  	v3 =	vcvt.f32.s32 v3;
	v4 =	vtrunc.f32 v0  }
0x69: {  	v5 =	vtrunc.f32 v2;
	v4 =	vcvt.f32.s32 v4  }
0x6a: {  	v5 =	vcvt.f32.s32 v5  }
0x6b: {  	v6 =	vcvt.s32.f32 v3;
	v7 =	vcvt.s32.f32 v4  }
0x6c: {  	v8 =	vcvt.s32.f32 v5  }
0x6d: {  	v1 =	vsub.f32 v1, v6;
	v0 =	vsub.f32 v0, v7  }
0x6e: {  	v2 =	vsub.f32 v2, v8  }
0x6f: {  	v4 =	vmul.u32 $0x9E3779B1, v4;
	v6 =	vsub.f32 $1.000000000e+00, v1;
	v7 =	vsub.f32 $1.000000000e+00, v0  }
0x70: {  	v5 =	vmul.u32 $0x30025795, v5  }
0x71: {  	v51 =	vxor.u32 v3, v4;
	v9 =	vsub.f32 $1.000000000e+00, v2;
	v10 =	vmul.f32 v7, v6  }
0x72: {  	v12 =	vadd.s32 $0x30025795, v5;
	v11 =	vxor.u32 v5, v51  }
0x73: {  	v14 =	vadd.s32 $0x9E3779B1, v4;
	v11 =	vand.u32 $0xFFFFF, v11;
	v13 =	vmul.f32 v9, v10  }
0x74: {  	s31 =	sadd.s32 $0x10, s7;
	v8 =	vxor.u32 v51, v12;
	v52 =	vxor.u32 v3, v14;
	[tilespmem:s9+$0xB800] =	vst v11  }
0x75: {  	s1 =	sand.u32 $0x7F0, s31;
	v8 =	vand.u32 $0xFFFFF, v8;
	v6 =	vmul.f32 v0, v6;
	v10 =	vmul.f32 v10, v2;
	[tilespmem:s9+$0x1800] =	vst v13  }
0x76: {  	v53 =	vxor.u32 v5, v52;
	[tilespmem:s1+$0xC000] =	vst v8  }
0x77: {  	v3 =	vadd.s32 $0x1, v3;
	v54 =	vmul.f32 v9, v6;
	v13 =	vand.u32 $0xFFFFF, v53;
	[tilespmem:s9+$0x2000] =	vst v10  }
0x78: {  	v55 =	vxor.u32 v12, v52;
	v4 =	vxor.u32 v3, v4;
	[tilespmem:s1+$0xC800] =	vst v13  }
0x79: {  	v7 =	vmul.f32 v7, v1;
	v6 =	vmul.f32 v2, v6;
	v10 =	vand.u32 $0xFFFFF, v55;
	[tilespmem:s9+$0x2800] =	vst v54  }
0x7a: {  	v56 =	vxor.u32 v5, v4;
	[tilespmem:s1+$0xD000] =	vst v10  }
0x7b: {  	v57 =	vmul.f32 v9, v7;
	v8 =	vand.u32 $0xFFFFF, v56;
	[tilespmem:s9+$0x3000] =	vst v6  }
0x7c: {  	v3 =	vxor.u32 v3, v14;
	v4 =	vxor.u32 v4, v12;
	[tilespmem:s1+$0xD800] =	vst v8  }
0x7d: {  	v0 =	vmul.f32 v0, v1;
	v59 =	vand.u32 $0xFFFFF, v4;
	v58 =	vmul.f32 v7, v2;
	[tilespmem:s9+$0x3800] =	vst v57  }
0x7e: {  	v60 =	vxor.u32 v5, v3;
	[tilespmem:s1+$0xE000] =	vst v59  }
0x7f: {  	v61 =	vand.u32 $0xFFFFF, v60;
	v62 =	vmul.f32 v9, v0;
	[tilespmem:s9+$0x4000] =	vst v58  }
0x80: {  	v3 =	vxor.u32 v12, v3;
	[tilespmem:s1+$0xE800] =	vst v61  }
0x81: {  	v63 =	vand.u32 $0xFFFFF, v3;
	v0 =	vmul.f32 v2, v0;
	[tilespmem:s9+$0x4800] =	vst v62  }
0x82: {  	[tilespmem:s1+$0xF000] =	vst v63  }
0x83: {  	s16 =	simm.f32 $1.600000000e+01;
	s17 =	simm.s32 $0x0;
	s1 =	simm.s32 $0x0;
	[tilespmem:s9+$0x5000] =	vst v0  }
0x84: {  	[tilespmem:s20], [sflag:$0x1] =	stream.indirect.gather [hbm4b:s4+s18], $0x1, s19, s18, $0xb8;
	[tilespmem:$0x1B800] =	vst v63  }
.LBB2_4:
0x85: {  	s9 =	simm.s32 $0x0  }
0x86: {  	v0 =	vld [tilespmem:s9+$0x0]  }
0x87: {  	v2 =	vld [tilespmem:s9+$0x800]  }
0x88: {  	v3 =	vld [tilespmem:s9+$0x1000]  }
0x89: {  	s6 =	smul.f32 $1.500000000e+00, s16;
	_ =	sdelay $0x1  }
0x8a: {  	v1 =	vmov s6  }
0x8b: {  	v0 =	vmul.f32 v0, v1  }
0x8c: {  	v2 =	vmul.f32 v2, v1;
	v3 =	vmul.f32 v3, v1  }
0x8d: {  	v4 =	vtrunc.f32 v0  }
0x8e: {  	v5 =	vtrunc.f32 v2;
	v6 =	vtrunc.f32 v3  }
0x8f: {  	v4 =	vcvt.f32.s32 v4;
	v5 =	vcvt.f32.s32 v5  }
0x90: {  	v6 =	vcvt.f32.s32 v6  }
0x91: {  	v7 =	vcvt.s32.f32 v4;
	v8 =	vcvt.s32.f32 v5  }
0x92: {  	v9 =	vcvt.s32.f32 v6  }
0x93: {  	v7 =	vsub.f32 v0, v7;
	v2 =	vsub.f32 v2, v8  }
0x94: {  	s7 =	sshllo.u32 s17, $0x1;
	v5 =	vmul.u32 $0x9E3779B1, v5;
	v6 =	vmul.u32 $0x30025795, v6;
	v3 =	vsub.f32 v3, v9  }
0x95: {  	s31 =	sshll.u32 s7, $0x14;
	v51 =	vsub.f32 $1.000000000e+00, v7;
	v52 =	vsub.f32 $1.000000000e+00, v2  }
0x96: {  	v0 =	vmov s31;
	v10 =	vxor.u32 v4, v5;
	v15 =	vadd.s32 $0x30025795, v6  }
0x97: {  	v11 =	vxor.u32 v6, v10;
	v12 =	vsub.f32 $1.000000000e+00, v3;
	v13 =	vmul.f32 v52, v51  }
0x98: {  	v14 =	vadd.s32 $0x9E3779B1, v5;
	v10 =	vxor.u32 v10, v15;
	v11 =	vand.u32 $0xFFFFF, v11  }
0x99: {  	v17 =	vxor.u32 v4, v14;
	v11 =	vor.u32 v0, v11;
	v16 =	vmul.f32 v12, v13  }
0x9a: {  	v10 =	vand.u32 $0xFFFFF, v10;
	v54 =	vxor.u32 v6, v17;
	[tilespmem:s9+$0xF800] =	vst v11  }
0x9b: {  	s14 =	sand.u32 $0x7F0, s1;
	v10 =	vor.u32 v0, v10;
	v8 =	vmul.f32 v2, v51;
	v53 =	vmul.f32 v13, v3;
	[tilespmem:s9+$0x5800] =	vst v16  }
0x9c: {  	v4 =	vadd.s32 $0x1, v4;
	v56 =	vxor.u32 v15, v17;
	v13 =	vand.u32 $0xFFFFF, v54;
	[tilespmem:s14+$0x10000] =	vst v10  }
0x9d: {  	v5 =	vxor.u32 v4, v5;
	v55 =	vmul.f32 v12, v8;
	v57 =	vor.u32 v0, v13;
	[tilespmem:s9+$0x6000] =	vst v53  }
0x9e: {  	v58 =	vand.u32 $0xFFFFF, v56;
	v59 =	vxor.u32 v6, v5;
	[tilespmem:s14+$0x10800] =	vst v57  }
0x9f: {  	v9 =	vmul.f32 v52, v7;
	v60 =	vor.u32 v0, v58;
	v8 =	vmul.f32 v3, v8;
	[tilespmem:s9+$0x6800] =	vst v55  }
0xa0: {  	v4 =	vxor.u32 v4, v14;
	v11 =	vand.u32 $0xFFFFF, v59;
	[tilespmem:s14+$0x11000] =	vst v60  }
0xa1: {  	v5 =	vxor.u32 v5, v15;
	v62 =	vor.u32 v0, v11;
	v61 =	vmul.f32 v12, v9;
	[tilespmem:s9+$0x7000] =	vst v8  }
0xa2: {  	v6 =	vxor.u32 v6, v4;
	v5 =	vand.u32 $0xFFFFF, v5;
	[tilespmem:s14+$0x11800] =	vst v62  }
0xa3: {  	v2 =	vmul.f32 v2, v7;
	v5 =	vor.u32 v0, v5;
	v9 =	vmul.f32 v9, v3;
	[tilespmem:s9+$0x7800] =	vst v61  }
0xa4: {  	v6 =	vand.u32 $0xFFFFF, v6;
	[tilespmem:s14+$0x12000] =	vst v5  }
0xa5: {  	v4 =	vxor.u32 v15, v4;
	v63 =	vmul.f32 v12, v2;
	v5 =	vor.u32 v0, v6;
	[tilespmem:s9+$0x8000] =	vst v9  }
0xa6: {  	v4 =	vand.u32 $0xFFFFF, v4;
	[tilespmem:s14+$0x12800] =	vst v5  }
0xa7: {  	s12 =	simm.s32 $0x40;
	s13 =	simm.s32 $0x80;
	s11 =	simm.s32 $0x0;
	v2 =	vmul.f32 v3, v2;
	v3 =	vor.u32 v0, v4;
	[tilespmem:s9+$0x8800] =	vst v63  }
.LBB2_5:
0xa8: {  	s31 =	sshra.s32 s12, $0x2  }
0xa9: {  	[tilespmem:s14+$0x13000] =	vst v3;
	s11 =	sadd.s32 $0x10, s11;
	s12 =	smov.u32 s13;
	s6 =	sadd.s32 $0x40, s13  }
0xaa: {  	p0 =	sne.s32 s13, $0x1FC0;
	v3 =	vld [tilespmem:s31+$0x0];
	[tilespmem:s9+$0x9000] =	vst v2;
	s9 =	smov.u32 s31  }
0xab: {  	v2 =	vld [tilespmem:s9+$0x800]  }
0xac: {  	v4 =	vld [tilespmem:s9+$0x1000];
	_ =	sdelay $0x2  }
0xad: {  	v3 =	vmul.f32 v3, v1  }
0xae: {  	v2 =	vmul.f32 v2, v1  }
0xaf: {  	v4 =	vmul.f32 v4, v1;
	v5 =	vtrunc.f32 v3  }
0xb0: {  	v5 =	vcvt.f32.s32 v5;
	v6 =	vtrunc.f32 v2  }
0xb1: {  	v6 =	vcvt.f32.s32 v6;
	v7 =	vtrunc.f32 v4  }
0xb2: {  	v7 =	vcvt.f32.s32 v7;
	v8 =	vcvt.s32.f32 v5  }
0xb3: {  	v10 =	vadd.s32 $0x1, v5;
	v9 =	vcvt.s32.f32 v6;
	v6 =	vmul.u32 $0x9E3779B1, v6  }
0xb4: {  	v3 =	vsub.f32 v3, v8;
	v8 =	vcvt.s32.f32 v7;
	v7 =	vmul.u32 $0x30025795, v7  }
0xb5: {  	v2 =	vsub.f32 v2, v9;
	v9 =	vadd.s32 $0x9E3779B1, v6;
	v11 =	vxor.u32 v5, v6  }
0xb6: {  	v4 =	vsub.f32 v4, v8;
	v8 =	vsub.f32 $1.000000000e+00, v3;
	v12 =	vxor.u32 v7, v11  }
0xb7: {  	v14 =	vadd.s32 $0x30025795, v7;
	v13 =	vsub.f32 $1.000000000e+00, v2;
	v12 =	vand.u32 $0xFFFFF, v12  }
0xb8: {  	v11 =	vxor.u32 v11, v14;
	v15 =	vsub.f32 $1.000000000e+00, v4;
	v12 =	vor.u32 v0, v12  }
0xb9: {  	v11 =	vand.u32 $0xFFFFF, v11;
	v16 =	vmul.f32 v13, v8;
	v8 =	vmul.f32 v2, v8  }
0xba: {  	v6 =	vxor.u32 v10, v6;
	v5 =	vxor.u32 v5, v9;
	v13 =	vmul.f32 v13, v3  }
0xbb: {  	v18 =	vxor.u32 v7, v5;
	v17 =	vmul.f32 v15, v16;
	v16 =	vmul.f32 v16, v4  }
0xbc: {  	v5 =	vxor.u32 v14, v5;
	[tilespmem:s9+$0xF800] =	vst v12;
	v12 =	vand.u32 $0xFFFFF, v18;
	v18 =	vmul.f32 v15, v8  }
0xbd: {  	s14 =	sand.u32 $0x7F0, s11;
	v5 =	vand.u32 $0xFFFFF, v5;
	v11 =	vor.u32 v0, v11;
	v8 =	vmul.f32 v4, v8;
	[tilespmem:s9+$0x5800] =	vst v17  }
0xbe: {  	v17 =	vmul.f32 v15, v13;
	v13 =	vmul.f32 v13, v4;
	[tilespmem:s14+$0x10000] =	vst v11;
	v11 =	vxor.u32 v7, v6  }
0xbf: {  	v12 =	vor.u32 v0, v12;
	v6 =	vxor.u32 v6, v14;
	[tilespmem:s9+$0x6000] =	vst v16;
	v11 =	vand.u32 $0xFFFFF, v11  }
0xc0: {  	v9 =	vxor.u32 v10, v9;
	v3 =	vmul.f32 v2, v3;
	v6 =	vand.u32 $0xFFFFF, v6;
	[tilespmem:s14+$0x10800] =	vst v12  }
0xc1: {  	v2 =	vor.u32 v0, v5;
	v5 =	vxor.u32 v7, v9;
	v7 =	vxor.u32 v14, v9;
	[tilespmem:s9+$0x6800] =	vst v18  }
0xc2: {  	v5 =	vand.u32 $0xFFFFF, v5;
	v7 =	vand.u32 $0xFFFFF, v7;
	[tilespmem:s14+$0x11000] =	vst v2;
	v2 =	vmul.f32 v4, v3  }
0xc3: {  	v4 =	vor.u32 v0, v11;
	[tilespmem:s9+$0x7000] =	vst v8  }
0xc4: {  	[tilespmem:s14+$0x11800] =	vst v4  }
.Ltmp1:
0xc5: {  	v4 =	vor.u32 v0, v6;
	[tilespmem:s9+$0x7800] =	vst v17;
	(pc) =	sbr.rel @p0 .LBB2_5-.Ltmp1, $4  }
0xc6: {  	[tilespmem:s14+$0x12000] =	vst v4  }
0xc7: {  	v3 =	vmul.f32 v15, v3;
	v4 =	vor.u32 v0, v5;
	[tilespmem:s9+$0x8000] =	vst v13  }
0xc8: {  	[tilespmem:s14+$0x12800] =	vst v4  }
0xc9: {  	s13 =	smov.u32 s6;
	[tilespmem:s9+$0x8800] =	vst v3;
	v3 =	vor.u32 v0, v7  }
0xca: {  	s12 =	sshra.s32 s12, $0x2;
	[tilespmem:s14+$0x13000] =	vst v3  }
0xcb: {  	v3 =	vld [tilespmem:s12+$0x0];
	[tilespmem:s9+$0x9000] =	vst v2  }
0xcc: {  	v2 =	vld [tilespmem:s12+$0x800]  }
0xcd: {  	v4 =	vld [tilespmem:s12+$0x1000];
	_ =	sdelay $0x2  }
0xce: {  	v3 =	vmul.f32 v3, v1  }
0xcf: {  	v2 =	vmul.f32 v2, v1  }
0xd0: {  	v1 =	vmul.f32 v4, v1;
	v4 =	vtrunc.f32 v3  }
0xd1: {  	v4 =	vcvt.f32.s32 v4;
	v5 =	vtrunc.f32 v2  }
0xd2: {  	v6 =	vtrunc.f32 v1;
	v5 =	vcvt.f32.s32 v5  }
0xd3: {  	v6 =	vcvt.f32.s32 v6  }
0xd4: {  	v7 =	vcvt.s32.f32 v4;
	v8 =	vcvt.s32.f32 v5  }
0xd5: {  	v9 =	vcvt.s32.f32 v6  }
0xd6: {  	v3 =	vsub.f32 v3, v7;
	v2 =	vsub.f32 v2, v8  }
0xd7: {  	v5 =	vmul.u32 $0x9E3779B1, v5;
	v6 =	vmul.u32 $0x30025795, v6;
	v1 =	vsub.f32 v1, v9  }
0xd8: {  	v7 =	vsub.f32 $1.000000000e+00, v3;
	v8 =	vsub.f32 $1.000000000e+00, v2  }
0xd9: {  	v48 =	vxor.u32 v4, v5;
	v14 =	vadd.s32 $0x30025795, v6  }
0xda: {  	v10 =	vxor.u32 v6, v48;
	v11 =	vsub.f32 $1.000000000e+00, v1;
	v12 =	vmul.f32 v8, v7  }
0xdb: {  	v13 =	vadd.s32 $0x9E3779B1, v5;
	v9 =	vxor.u32 v48, v14;
	v10 =	vand.u32 $0xFFFFF, v10  }
0xdc: {  	v16 =	vxor.u32 v4, v13;
	v10 =	vor.u32 v0, v10;
	v15 =	vmul.f32 v11, v12  }
0xdd: {  	s6 =	sadd.s32 $0x10, s11;
	v9 =	vand.u32 $0xFFFFF, v9;
	v50 =	vxor.u32 v6, v16;
	[tilespmem:s12+$0xF800] =	vst v10  }
0xde: {  	s6 =	sand.u32 $0x7F0, s6;
	v9 =	vor.u32 v0, v9;
	v7 =	vmul.f32 v2, v7;
	v49 =	vmul.f32 v12, v1;
	[tilespmem:s12+$0x5800] =	vst v15  }
0xdf: {  	v4 =	vadd.s32 $0x1, v4;
	v52 =	vxor.u32 v14, v16;
	v12 =	vand.u32 $0xFFFFF, v50;
	[tilespmem:s6+$0x10000] =	vst v9  }
0xe0: {  	v5 =	vxor.u32 v4, v5;
	v51 =	vmul.f32 v11, v7;
	v53 =	vor.u32 v0, v12;
	[tilespmem:s12+$0x6000] =	vst v49  }
0xe1: {  	v54 =	vand.u32 $0xFFFFF, v52;
	v55 =	vxor.u32 v6, v5;
	[tilespmem:s6+$0x10800] =	vst v53  }
0xe2: {  	v8 =	vmul.f32 v8, v3;
	v56 =	vor.u32 v0, v54;
	v7 =	vmul.f32 v1, v7;
	[tilespmem:s12+$0x6800] =	vst v51  }
0xe3: {  	v10 =	vand.u32 $0xFFFFF, v55;
	[tilespmem:s6+$0x11000] =	vst v56  }
0xe4: {  	v5 =	vxor.u32 v5, v14;
	v57 =	vmul.f32 v11, v8;
	[tilespmem:s12+$0x7000] =	vst v7;
	v7 =	vor.u32 v0, v10  }
0xe5: {  	v4 =	vxor.u32 v4, v13;
	v5 =	vand.u32 $0xFFFFF, v5;
	v2 =	vmul.f32 v2, v3;
	[tilespmem:s6+$0x11800] =	vst v7  }
0xe6: {  	v3 =	vxor.u32 v6, v4;
	v5 =	vor.u32 v0, v5;
	v8 =	vmul.f32 v8, v1;
	[tilespmem:s12+$0x7800] =	vst v57  }
0xe7: {  	v3 =	vand.u32 $0xFFFFF, v3;
	[tilespmem:s6+$0x12000] =	vst v5  }
0xe8: {  	v4 =	vxor.u32 v14, v4;
	v3 =	vor.u32 v0, v3;
	v5 =	vmul.f32 v11, v2;
	[tilespmem:s12+$0x8000] =	vst v8  }
0xe9: {  	v4 =	vand.u32 $0xFFFFF, v4;
	[tilespmem:s6+$0x12800] =	vst v3  }
0xea: {  	v1 =	vmul.f32 v1, v2;
	v0 =	vor.u32 v0, v4;
	[tilespmem:s12+$0x8800] =	vst v5  }
0xeb: {  	[tilespmem:s6+$0x13000] =	vst v0  }
0xec: {  	[tilespmem:s12+$0x9000] =	vst v1  }
0xed: {  	_ =	swait.ge [sflag:s21], $0x4000  }
0xee: {  	p0 =	seq.s32 s17, $0x0;
	[sflag:s21] =	ssyncset.done $0x0  }
0xef: {  	s6 =	simm.s32 @!p0 $0x3;
	[sflag:s21] =	ssyncadd.s32 $0xFFFFC000  }
0xf0: {  	[tilespmem:s23], [sflag:$0x2] =	stream.indirect.gather [hbm4b:s4+s18], $0x1, s22, s18, $0xb8;
	[tilespmem:$0x1B800] =	vst v63  }
0xf1: {  	_ =	swait.ge @!p0 [sflag:s6], $0x800  }
0xf2: {  	[sflag:s6] =	ssyncset.done @!p0 $0x0  }
0xf3: {  	[sflag:s6] =	ssyncadd.s32 @!p0 $0xFFFFF800  }
0xf4: {  	_ =	swait.ge @!p0 [sflag:s6], $0x800  }
0xf5: {  	[sflag:s6] =	ssyncset.done @!p0 $0x0  }
0xf6: {  	s9 =	simm.s32 $0x0;
	[sflag:s6] =	ssyncadd.s32 @!p0 $0xFFFFF800  }
0xf7: {  	s11 =	simm.s32 $0x0;
	v0 =	vld [tilespmem:s9+$0x13800]  }
0xf8: {  	s31 =	sand.u32 $0x7F0, s11;
	v1 =	vld [tilespmem:s9+$0x1800]  }
0xf9: {  	v2 =	vld [tilespmem:s31+$0x14000]  }
0xfa: {  	v3 =	vld [tilespmem:s9+$0x2000]  }
0xfb: {  	v4 =	vld [tilespmem:s31+$0x14800]  }
0xfc: {  	v5 =	vld [tilespmem:s9+$0x2800];
	v6 =	vand.u32 $0xFFFF0000, v0  }
0xfd: {  	v7 =	vld [tilespmem:s31+$0x15000];
	v0 =	vshll.u32 v0, $0x10;
	v6 =	vmul.f32 v6, v1  }
0xfe: {  	v58 =	vld [tilespmem:s9+$0x3000];
	v0 =	vmul.f32 v0, v1;
	v1 =	vand.u32 $0xFFFF0000, v2  }
0xff: {  	v59 =	vld [tilespmem:s31+$0x15800];
	v2 =	vshll.u32 v2, $0x10;
	v1 =	vmul.f32 v1, v3;
	v6 =	vadd.f32 $0.0e+00, v6  }
0x100: {  	v60 =	vld [tilespmem:s9+$0x3800];
	v2 =	vmul.f32 v2, v3;
	v3 =	vand.u32 $0xFFFF0000, v4;
	v0 =	vadd.f32 $0.0e+00, v0  }
0x101: {  	v61 =	vld [tilespmem:s31+$0x16000];
	v4 =	vshll.u32 v4, $0x10;
	v3 =	vmul.f32 v3, v5;
	v1 =	vadd.f32 v1, v6  }
0x102: {  	v0 =	vadd.f32 v2, v0;
	v2 =	vmul.f32 v4, v5;
	v4 =	vand.u32 $0xFFFF0000, v7;
	v5 =	vld [tilespmem:s9+$0x4000]  }
0x103: {  	v6 =	vld [tilespmem:s31+$0x16800];
	v4 =	vmul.f32 v4, v58;
	v1 =	vadd.f32 v3, v1;
	v3 =	vshll.u32 v7, $0x10  }
0x104: {  	v0 =	vadd.f32 v2, v0;
	v7 =	vld [tilespmem:s9+$0x4800];
	v2 =	vmul.f32 v3, v58;
	v3 =	vand.u32 $0xFFFF0000, v59  }
0x105: {  	v62 =	vld [tilespmem:s31+$0x17000];
	v1 =	vadd.f32 v4, v1;
	v4 =	vshll.u32 v59, $0x10;
	v3 =	vmul.f32 v3, v60  }
0x106: {  	v63 =	vld [tilespmem:s9+$0x5000];
	v0 =	vadd.f32 v2, v0;
	v2 =	vmul.f32 v4, v60;
	v4 =	vand.u32 $0xFFFF0000, v61  }
0x107: {  	v1 =	vadd.f32 v3, v1;
	v3 =	vshll.u32 v61, $0x10;
	v4 =	vmul.f32 v4, v5  }
0x108: {  	v0 =	vadd.f32 v2, v0;
	v2 =	vmul.f32 v3, v5;
	v3 =	vand.u32 $0xFFFF0000, v6  }
0x109: {  	v1 =	vadd.f32 v4, v1;
	v4 =	vshll.u32 v6, $0x10;
	v3 =	vmul.f32 v3, v7  }
0x10a: {  	v2 =	vadd.f32 v2, v0;
	v4 =	vmul.f32 v4, v7;
	v0 =	vand.u32 $0xFFFF0000, v62  }
0x10b: {  	s12 =	simm.s32 $0x10;
	v3 =	vadd.f32 v3, v1;
	v1 =	vshll.u32 v62, $0x10;
	v5 =	vmul.f32 v0, v63  }
0x10c: {  	v0 =	vld [tilespmem:s12+$0x3000];
	v6 =	vadd.f32 v4, v2;
	v7 =	vmul.f32 v1, v63  }
0x10d: {  	v1 =	vld [tilespmem:s12+$0x2800];
	v4 =	vadd.f32 v5, v3  }
0x10e: {  	s13 =	simm.s32 $0x80;
	v2 =	vld [tilespmem:s12+$0x13800];
	v3 =	vadd.f32 v7, v6  }
.LBB2_7:
0x10f: {  	p1 =	sne.s32 s13, $0x1FC0;
	v5 =	vld [tilespmem:s12+$0x1800];
	[tilespmem:s9+$0xA000] =	vst v4;
	s11 =	sadd.s32 $0x10, s11  }
0x110: {  	v4 =	vld [tilespmem:s12+$0x2000];
	s6 =	sand.u32 $0x7F0, s11;
	[tilespmem:s9+$0x9800] =	vst v3;
	s9 =	smov.u32 s12  }
0x111: {  	v3 =	vld [tilespmem:s6+$0x14000]  }
0x112: {  	v6 =	vld [tilespmem:s6+$0x15000]  }
0x113: {  	v7 =	vshll.u32 v2, $0x10;
	v8 =	vld [tilespmem:s6+$0x14800]  }
0x114: {  	v2 =	vand.u32 $0xFFFF0000, v2;
	v7 =	vmul.f32 v7, v5;
	v9 =	vld [tilespmem:s6+$0x15800]  }
0x115: {  	v2 =	vmul.f32 v2, v5;
	v5 =	vld [tilespmem:s6+$0x16000]  }
0x116: {  	v7 =	vadd.f32 $0.0e+00, v7;
	v10 =	vshll.u32 v3, $0x10;
	v3 =	vand.u32 $0xFFFF0000, v3;
	v11 =	vld [tilespmem:s6+$0x16800]  }
0x117: {  	v2 =	vadd.f32 $0.0e+00, v2;
	v10 =	vmul.f32 v10, v4;
	v3 =	vmul.f32 v3, v4;
	v4 =	vld [tilespmem:s6+$0x17000]  }
0x118: {  	v12 =	vshll.u32 v8, $0x10;
	v8 =	vand.u32 $0xFFFF0000, v8;
	v13 =	vld [tilespmem:s9+$0x3800]  }
0x119: {  	v7 =	vadd.f32 v10, v7;
	v2 =	vadd.f32 v3, v2;
	v3 =	vmul.f32 v8, v1  }
0x11a: {  	v1 =	vmul.f32 v12, v1;
	v8 =	vand.u32 $0xFFFF0000, v6;
	v10 =	vld [tilespmem:s9+$0x4000]  }
0x11b: {  	v2 =	vadd.f32 v3, v2;
	v3 =	vshll.u32 v6, $0x10;
	v6 =	vmul.f32 v8, v0  }
0x11c: {  	v1 =	vadd.f32 v1, v7;
	v0 =	vmul.f32 v3, v0;
	v3 =	vand.u32 $0xFFFF0000, v9;
	v7 =	vld [tilespmem:s9+$0x4800]  }
0x11d: {  	v2 =	vadd.f32 v6, v2;
	v6 =	vshll.u32 v9, $0x10;
	v3 =	vmul.f32 v3, v13  }
0x11e: {  	v0 =	vadd.f32 v0, v1;
	v1 =	vmul.f32 v6, v13;
	v6 =	vand.u32 $0xFFFF0000, v5;
	v8 =	vld [tilespmem:s9+$0x5000]  }
0x11f: {  	v2 =	vadd.f32 v3, v2;
	v3 =	vshll.u32 v5, $0x10;
	v5 =	vmul.f32 v6, v10  }
0x120: {  	v0 =	vadd.f32 v1, v0;
	v1 =	vmul.f32 v3, v10;
	v3 =	vand.u32 $0xFFFF0000, v11  }
0x121: {  	v2 =	vadd.f32 v5, v2;
	v5 =	vshll.u32 v11, $0x10;
	v3 =	vmul.f32 v3, v7  }
.Ltmp2:
0x122: {  	v1 =	vadd.f32 v1, v0;
	v5 =	vmul.f32 v5, v7;
	v0 =	vand.u32 $0xFFFF0000, v4;
	(pc) =	sbr.rel @p1 .LBB2_7-.Ltmp2, $4  }
0x123: {  	s12 =	sshra.s32 s13, $0x2;
	v2 =	vadd.f32 v3, v2;
	v3 =	vshll.u32 v4, $0x10;
	v4 =	vmul.f32 v0, v8  }
0x124: {  	v0 =	vld [tilespmem:s12+$0x3000];
	v5 =	vadd.f32 v5, v1;
	v3 =	vmul.f32 v3, v8  }
0x125: {  	v1 =	vld [tilespmem:s12+$0x2800];
	v4 =	vadd.f32 v4, v2  }
0x126: {  	s13 =	sadd.s32 $0x40, s13;
	v2 =	vld [tilespmem:s12+$0x13800];
	v3 =	vadd.f32 v3, v5  }
0x127: {  	v5 =	vld [tilespmem:s12+$0x1800];
	[tilespmem:s9+$0xA000] =	vst v4;
	s6 =	sadd.s32 $0x10, s11  }
0x128: {  	v4 =	vld [tilespmem:s12+$0x2000];
	s6 =	sand.u32 $0x7F0, s6;
	[tilespmem:s9+$0x9800] =	vst v3  }
0x129: {  	v3 =	vld [tilespmem:s6+$0x14000];
	_ =	sdelay $0x1  }
0x12a: {  	v6 =	vld [tilespmem:s6+$0x14800]  }
0x12b: {  	v7 =	vand.u32 $0xFFFF0000, v2  }
0x12c: {  	v8 =	vld [tilespmem:s6+$0x15000];
	v40 =	vshll.u32 v2, $0x10;
	v7 =	vmul.f32 v7, v5  }
0x12d: {  	v2 =	vmul.f32 v40, v5;
	v41 =	vand.u32 $0xFFFF0000, v3  }
0x12e: {  	v9 =	vld [tilespmem:s6+$0x15800];
	v3 =	vshll.u32 v3, $0x10;
	v7 =	vadd.f32 $0.0e+00, v7;
	v5 =	vmul.f32 v41, v4  }
0x12f: {  	v10 =	vld [tilespmem:s12+$0x3800];
	v2 =	vadd.f32 $0.0e+00, v2;
	v42 =	vand.u32 $0xFFFF0000, v6;
	v3 =	vmul.f32 v3, v4  }
0x130: {  	v11 =	vld [tilespmem:s6+$0x16000];
	v6 =	vshll.u32 v6, $0x10;
	v4 =	vmul.f32 v42, v1;
	v5 =	vadd.f32 v5, v7  }
0x131: {  	v45 =	vld [tilespmem:s12+$0x4000];
	v44 =	vand.u32 $0xFFFF0000, v8;
	v43 =	vmul.f32 v6, v1;
	v2 =	vadd.f32 v3, v2  }
0x132: {  	v46 =	vld [tilespmem:s6+$0x16800];
	v47 =	vshll.u32 v8, $0x10;
	v3 =	vmul.f32 v44, v0;
	v4 =	vadd.f32 v4, v5  }
0x133: {  	v50 =	vld [tilespmem:s12+$0x4800];
	v49 =	vand.u32 $0xFFFF0000, v9;
	v48 =	vmul.f32 v47, v0;
	v1 =	vadd.f32 v43, v2  }
0x134: {  	v51 =	vld [tilespmem:s6+$0x17000];
	v52 =	vshll.u32 v9, $0x10;
	v2 =	vmul.f32 v49, v10;
	v3 =	vadd.f32 v3, v4  }
0x135: {  	v55 =	vld [tilespmem:s12+$0x5000];
	v54 =	vand.u32 $0xFFFF0000, v11;
	v53 =	vmul.f32 v52, v10;
	v0 =	vadd.f32 v48, v1  }
0x136: {  	v56 =	vshll.u32 v11, $0x10;
	v4 =	vmul.f32 v54, v45;
	v2 =	vadd.f32 v2, v3  }
0x137: {  	v58 =	vand.u32 $0xFFFF0000, v46;
	v57 =	vmul.f32 v56, v45;
	v0 =	vadd.f32 v53, v0  }
0x138: {  	v59 =	vshll.u32 v46, $0x10;
	v3 =	vmul.f32 v58, v50;
	v2 =	vadd.f32 v4, v2  }
0x139: {  	v61 =	vand.u32 $0xFFFF0000, v51;
	v60 =	vmul.f32 v59, v50;
	v0 =	vadd.f32 v57, v0  }
0x13a: {  	v62 =	vshll.u32 v51, $0x10;
	v4 =	vmul.f32 v61, v55;
	v2 =	vadd.f32 v3, v2  }
0x13b: {  	v63 =	vmul.f32 v62, v55;
	v0 =	vadd.f32 v60, v0  }
0x13c: {  	s14 =	sshll.u32 s17, $0x13;
	v2 =	vadd.f32 v4, v2  }
0x13d: {  	p1 =	seq.s32 s17, $0x7;
	s6 =	sor.u32 s3, s14;
	v0 =	vadd.f32 v63, v0  }
.Ltmp3:
0x13e: {  	s6 =	sshrl.u32 s6, $0x3;
	[tilespmem:s12+$0xA000] =	vst v2;
	(pc) =	sbr.rel @!p1 .LBB2_9-.Ltmp3, $4  }
0x13f: {  	s31 =	sadd.s32 s5, s6;
	[tilespmem:s12+$0x9800] =	vst v0  }
0x140: {  	[hbm4b:s31+s2] =	stream.linear.scatter [tilespmem:s24], [sflag:$0x3], $0x800, $0x38;
	[tilespmem:$0x1B800] =	vst v63  }
0x141: {  	s6 =	sadd.s32 s6, s10  }
0x142: {  	[hbm4b:s6+s2] =	stream.linear.scatter [tilespmem:s25], [sflag:$0x3], $0x800, $0x38;
	[tilespmem:$0x1B800] =	vst v63  }
.Ltmp4:
0x143: {  	(pc) =	sbr.rel .LBB2_12-.Ltmp4, $4  }
0x144: {  	_ = 	snop  }
0x145: {  	_ =	swait.ge [sflag:s26], $0x4000  }
0x146: {  	[sflag:s26] =	ssyncset.done $0x0  }
0x147: {  	[sflag:s26] =	ssyncadd.s32 $0xFFFFC000  }
.LBB2_9:
0x148: {  	s9 =	simm.s32 $0x0  }
0x149: {  	v0 =	vld [tilespmem:s9+$0x0]  }
0x14a: {  	v2 =	vld [tilespmem:s9+$0x800]  }
0x14b: {  	v3 =	vld [tilespmem:s9+$0x1000]  }
0x14c: {  	s6 =	smul.f32 $2.250000000e+00, s16;
	_ =	sdelay $0x1  }
0x14d: {  	v1 =	vmov s6  }
0x14e: {  	v0 =	vmul.f32 v0, v1  }
0x14f: {  	v2 =	vmul.f32 v2, v1;
	v3 =	vmul.f32 v3, v1  }
0x150: {  	v4 =	vtrunc.f32 v0  }
0x151: {  	v5 =	vtrunc.f32 v2;
	v6 =	vtrunc.f32 v3  }
0x152: {  	v4 =	vcvt.f32.s32 v4;
	v5 =	vcvt.f32.s32 v5  }
0x153: {  	v6 =	vcvt.f32.s32 v6  }
0x154: {  	v7 =	vcvt.s32.f32 v4;
	v8 =	vcvt.s32.f32 v5  }
0x155: {  	v9 =	vcvt.s32.f32 v6  }
0x156: {  	v7 =	vsub.f32 v0, v7;
	v2 =	vsub.f32 v2, v8  }
0x157: {  	s31 =	sshll.u32 s17, $0x15;
	v5 =	vmul.u32 $0x9E3779B1, v5;
	v6 =	vmul.u32 $0x30025795, v6;
	v3 =	vsub.f32 v3, v9  }
0x158: {  	s6 =	sadd.s32 $0x200000, s31;
	v51 =	vsub.f32 $1.000000000e+00, v7;
	v52 =	vsub.f32 $1.000000000e+00, v2  }
0x159: {  	v0 =	vmov s6;
	v10 =	vxor.u32 v4, v5;
	v15 =	vadd.s32 $0x30025795, v6  }
0x15a: {  	v11 =	vxor.u32 v6, v10;
	v12 =	vsub.f32 $1.000000000e+00, v3;
	v13 =	vmul.f32 v52, v51  }
0x15b: {  	v14 =	vadd.s32 $0x9E3779B1, v5;
	v10 =	vxor.u32 v10, v15;
	v11 =	vand.u32 $0xFFFFF, v11  }
0x15c: {  	v17 =	vxor.u32 v4, v14;
	v11 =	vor.u32 v0, v11;
	v16 =	vmul.f32 v12, v13  }
0x15d: {  	s11 =	simm.s32 $0x0;
	v10 =	vand.u32 $0xFFFFF, v10;
	v54 =	vxor.u32 v6, v17;
	[tilespmem:s9+$0xB800] =	vst v11  }
0x15e: {  	s14 =	sand.u32 $0x7F0, s11;
	v10 =	vor.u32 v0, v10;
	v8 =	vmul.f32 v2, v51;
	v53 =	vmul.f32 v13, v3;
	[tilespmem:s9+$0x1800] =	vst v16  }
0x15f: {  	v4 =	vadd.s32 $0x1, v4;
	v56 =	vxor.u32 v15, v17;
	v13 =	vand.u32 $0xFFFFF, v54;
	[tilespmem:s14+$0xC000] =	vst v10  }
0x160: {  	v5 =	vxor.u32 v4, v5;
	v55 =	vmul.f32 v12, v8;
	v57 =	vor.u32 v0, v13;
	[tilespmem:s9+$0x2000] =	vst v53  }
0x161: {  	v58 =	vand.u32 $0xFFFFF, v56;
	v59 =	vxor.u32 v6, v5;
	[tilespmem:s14+$0xC800] =	vst v57  }
0x162: {  	v9 =	vmul.f32 v52, v7;
	v60 =	vor.u32 v0, v58;
	v8 =	vmul.f32 v3, v8;
	[tilespmem:s9+$0x2800] =	vst v55  }
0x163: {  	v4 =	vxor.u32 v4, v14;
	v11 =	vand.u32 $0xFFFFF, v59;
	[tilespmem:s14+$0xD000] =	vst v60  }
0x164: {  	v5 =	vxor.u32 v5, v15;
	v62 =	vor.u32 v0, v11;
	v61 =	vmul.f32 v12, v9;
	[tilespmem:s9+$0x3000] =	vst v8  }
0x165: {  	v6 =	vxor.u32 v6, v4;
	v5 =	vand.u32 $0xFFFFF, v5;
	[tilespmem:s14+$0xD800] =	vst v62  }
0x166: {  	v2 =	vmul.f32 v2, v7;
	v5 =	vor.u32 v0, v5;
	v9 =	vmul.f32 v9, v3;
	[tilespmem:s9+$0x3800] =	vst v61  }
0x167: {  	v6 =	vand.u32 $0xFFFFF, v6;
	[tilespmem:s14+$0xE000] =	vst v5  }
0x168: {  	v4 =	vxor.u32 v15, v4;
	v63 =	vmul.f32 v12, v2;
	v5 =	vor.u32 v0, v6;
	[tilespmem:s9+$0x4000] =	vst v9  }
0x169: {  	v4 =	vand.u32 $0xFFFFF, v4;
	[tilespmem:s14+$0xE800] =	vst v5  }
0x16a: {  	s12 =	simm.s32 $0x40;
	s6 =	simm.s32 $0x80;
	v2 =	vmul.f32 v3, v2;
	v3 =	vor.u32 v0, v4;
	[tilespmem:s9+$0x4800] =	vst v63  }
.LBB2_10:
0x16b: {  	s31 =	sshra.s32 s12, $0x2  }
0x16c: {  	[tilespmem:s14+$0xF000] =	vst v3;
	s11 =	sadd.s32 $0x10, s11;
	s12 =	smov.u32 s6;
	s13 =	sadd.s32 $0x40, s6  }
0x16d: {  	p1 =	seq.s32 s6, $0x1FC0;
	v3 =	vld [tilespmem:s31+$0x0];
	[tilespmem:s9+$0x5000] =	vst v2;
	s9 =	smov.u32 s31  }
0x16e: {  	v2 =	vld [tilespmem:s9+$0x800]  }
0x16f: {  	v4 =	vld [tilespmem:s9+$0x1000];
	_ =	sdelay $0x2  }
0x170: {  	v3 =	vmul.f32 v3, v1  }
0x171: {  	v2 =	vmul.f32 v2, v1  }
0x172: {  	v4 =	vmul.f32 v4, v1;
	v5 =	vtrunc.f32 v3  }
0x173: {  	v5 =	vcvt.f32.s32 v5;
	v6 =	vtrunc.f32 v2  }
0x174: {  	v6 =	vcvt.f32.s32 v6;
	v7 =	vtrunc.f32 v4  }
0x175: {  	v7 =	vcvt.f32.s32 v7;
	v8 =	vcvt.s32.f32 v5  }
0x176: {  	v10 =	vadd.s32 $0x1, v5;
	v9 =	vcvt.s32.f32 v6;
	v6 =	vmul.u32 $0x9E3779B1, v6  }
0x177: {  	v3 =	vsub.f32 v3, v8;
	v8 =	vcvt.s32.f32 v7;
	v7 =	vmul.u32 $0x30025795, v7  }
0x178: {  	v2 =	vsub.f32 v2, v9;
	v9 =	vadd.s32 $0x9E3779B1, v6;
	v11 =	vxor.u32 v5, v6  }
0x179: {  	v4 =	vsub.f32 v4, v8;
	v8 =	vsub.f32 $1.000000000e+00, v3;
	v12 =	vxor.u32 v7, v11  }
0x17a: {  	v14 =	vadd.s32 $0x30025795, v7;
	v13 =	vsub.f32 $1.000000000e+00, v2;
	v12 =	vand.u32 $0xFFFFF, v12  }
0x17b: {  	v11 =	vxor.u32 v11, v14;
	v15 =	vsub.f32 $1.000000000e+00, v4;
	v12 =	vor.u32 v0, v12  }
0x17c: {  	v11 =	vand.u32 $0xFFFFF, v11;
	v16 =	vmul.f32 v13, v8;
	v8 =	vmul.f32 v2, v8  }
0x17d: {  	v6 =	vxor.u32 v10, v6;
	v5 =	vxor.u32 v5, v9;
	v13 =	vmul.f32 v13, v3  }
0x17e: {  	v18 =	vxor.u32 v7, v5;
	v17 =	vmul.f32 v15, v16;
	v16 =	vmul.f32 v16, v4  }
0x17f: {  	v5 =	vxor.u32 v14, v5;
	[tilespmem:s9+$0xB800] =	vst v12;
	v12 =	vand.u32 $0xFFFFF, v18;
	v18 =	vmul.f32 v15, v8  }
0x180: {  	s14 =	sand.u32 $0x7F0, s11;
	v5 =	vand.u32 $0xFFFFF, v5;
	v11 =	vor.u32 v0, v11;
	v8 =	vmul.f32 v4, v8;
	[tilespmem:s9+$0x1800] =	vst v17  }
0x181: {  	v17 =	vmul.f32 v15, v13;
	v13 =	vmul.f32 v13, v4;
	[tilespmem:s14+$0xC000] =	vst v11;
	v11 =	vxor.u32 v7, v6  }
0x182: {  	v12 =	vor.u32 v0, v12;
	v6 =	vxor.u32 v6, v14;
	[tilespmem:s9+$0x2000] =	vst v16;
	v11 =	vand.u32 $0xFFFFF, v11  }
0x183: {  	v9 =	vxor.u32 v10, v9;
	v3 =	vmul.f32 v2, v3;
	v6 =	vand.u32 $0xFFFFF, v6;
	[tilespmem:s14+$0xC800] =	vst v12  }
0x184: {  	v2 =	vor.u32 v0, v5;
	v5 =	vxor.u32 v7, v9;
	v7 =	vxor.u32 v14, v9;
	[tilespmem:s9+$0x2800] =	vst v18  }
0x185: {  	v5 =	vand.u32 $0xFFFFF, v5;
	v7 =	vand.u32 $0xFFFFF, v7;
	[tilespmem:s14+$0xD000] =	vst v2;
	v2 =	vmul.f32 v4, v3  }
0x186: {  	v4 =	vor.u32 v0, v11;
	[tilespmem:s9+$0x3000] =	vst v8  }
0x187: {  	[tilespmem:s14+$0xD800] =	vst v4  }
.Ltmp5:
0x188: {  	v4 =	vor.u32 v0, v6;
	[tilespmem:s9+$0x3800] =	vst v17;
	(pc) =	sbr.rel @!p1 .LBB2_10-.Ltmp5, $4  }
0x189: {  	[tilespmem:s14+$0xE000] =	vst v4  }
0x18a: {  	v3 =	vmul.f32 v15, v3;
	v4 =	vor.u32 v0, v5;
	[tilespmem:s9+$0x4000] =	vst v13  }
0x18b: {  	[tilespmem:s14+$0xE800] =	vst v4  }
0x18c: {  	s6 =	smov.u32 s13;
	[tilespmem:s9+$0x4800] =	vst v3;
	v3 =	vor.u32 v0, v7  }
0x18d: {  	s12 =	sshra.s32 s12, $0x2;
	[tilespmem:s14+$0xF000] =	vst v3  }
0x18e: {  	v3 =	vld [tilespmem:s12+$0x0];
	[tilespmem:s9+$0x5000] =	vst v2  }
0x18f: {  	v2 =	vld [tilespmem:s12+$0x800]  }
0x190: {  	v4 =	vld [tilespmem:s12+$0x1000];
	_ =	sdelay $0x2  }
0x191: {  	v3 =	vmul.f32 v3, v1  }
0x192: {  	v2 =	vmul.f32 v2, v1  }
0x193: {  	v48 =	vmul.f32 v4, v1;
	v49 =	vtrunc.f32 v3  }
0x194: {  	v4 =	vcvt.f32.s32 v49;
	v5 =	vtrunc.f32 v2  }
0x195: {  	v6 =	vtrunc.f32 v48;
	v5 =	vcvt.f32.s32 v5  }
0x196: {  	v6 =	vcvt.f32.s32 v6  }
0x197: {  	v7 =	vcvt.s32.f32 v4;
	v8 =	vcvt.s32.f32 v5  }
0x198: {  	v9 =	vcvt.s32.f32 v6  }
0x199: {  	v3 =	vsub.f32 v3, v7;
	v2 =	vsub.f32 v2, v8  }
0x19a: {  	v5 =	vmul.u32 $0x9E3779B1, v5;
	v6 =	vmul.u32 $0x30025795, v6;
	v1 =	vsub.f32 v48, v9  }
0x19b: {  	v7 =	vsub.f32 $1.000000000e+00, v3;
	v8 =	vsub.f32 $1.000000000e+00, v2  }
0x19c: {  	v50 =	vxor.u32 v4, v5;
	v14 =	vadd.s32 $0x30025795, v6  }
0x19d: {  	v10 =	vxor.u32 v6, v50;
	v11 =	vsub.f32 $1.000000000e+00, v1;
	v12 =	vmul.f32 v8, v7  }
0x19e: {  	v13 =	vadd.s32 $0x9E3779B1, v5;
	v9 =	vxor.u32 v50, v14;
	v10 =	vand.u32 $0xFFFFF, v10  }
0x19f: {  	v16 =	vxor.u32 v4, v13;
	v10 =	vor.u32 v0, v10;
	v15 =	vmul.f32 v11, v12  }
0x1a0: {  	s6 =	sadd.s32 $0x10, s11;
	v9 =	vand.u32 $0xFFFFF, v9;
	v52 =	vxor.u32 v6, v16;
	[tilespmem:s12+$0xB800] =	vst v10  }
0x1a1: {  	s6 =	sand.u32 $0x7F0, s6;
	v9 =	vor.u32 v0, v9;
	v7 =	vmul.f32 v2, v7;
	v51 =	vmul.f32 v12, v1;
	[tilespmem:s12+$0x1800] =	vst v15  }
0x1a2: {  	v4 =	vadd.s32 $0x1, v4;
	v54 =	vxor.u32 v14, v16;
	v12 =	vand.u32 $0xFFFFF, v52;
	[tilespmem:s6+$0xC000] =	vst v9  }
0x1a3: {  	v5 =	vxor.u32 v4, v5;
	v53 =	vmul.f32 v11, v7;
	v55 =	vor.u32 v0, v12;
	[tilespmem:s12+$0x2000] =	vst v51  }
0x1a4: {  	v56 =	vand.u32 $0xFFFFF, v54;
	v57 =	vxor.u32 v6, v5;
	[tilespmem:s6+$0xC800] =	vst v55  }
0x1a5: {  	v8 =	vmul.f32 v8, v3;
	v58 =	vor.u32 v0, v56;
	v7 =	vmul.f32 v1, v7;
	[tilespmem:s12+$0x2800] =	vst v53  }
0x1a6: {  	v4 =	vxor.u32 v4, v13;
	v10 =	vand.u32 $0xFFFFF, v57;
	[tilespmem:s6+$0xD000] =	vst v58  }
0x1a7: {  	v5 =	vxor.u32 v5, v14;
	v60 =	vor.u32 v0, v10;
	v59 =	vmul.f32 v11, v8;
	[tilespmem:s12+$0x3000] =	vst v7  }
0x1a8: {  	v61 =	vxor.u32 v6, v4;
	v5 =	vand.u32 $0xFFFFF, v5;
	[tilespmem:s6+$0xD800] =	vst v60  }
0x1a9: {  	v2 =	vmul.f32 v2, v3;
	v5 =	vor.u32 v0, v5;
	v8 =	vmul.f32 v8, v1;
	[tilespmem:s12+$0x3800] =	vst v59  }
0x1aa: {  	v3 =	vand.u32 $0xFFFFF, v61;
	[tilespmem:s6+$0xE000] =	vst v5  }
0x1ab: {  	v4 =	vxor.u32 v14, v4;
	v3 =	vor.u32 v0, v3;
	v62 =	vmul.f32 v11, v2;
	[tilespmem:s12+$0x4000] =	vst v8  }
0x1ac: {  	v4 =	vand.u32 $0xFFFFF, v4;
	[tilespmem:s6+$0xE800] =	vst v3  }
0x1ad: {  	v63 =	vor.u32 v0, v4;
	v1 =	vmul.f32 v1, v2;
	[tilespmem:s12+$0x4800] =	vst v62  }
0x1ae: {  	[tilespmem:s6+$0xF000] =	vst v63  }
.Ltmp6:
0x1af: {  	[tilespmem:s12+$0x5000] =	vst v1;
	(pc) =	sbr.rel @p0 .LBB2_13-.Ltmp6, $4  }
0x1b0: {  	_ =	swait.ge [sflag:s26], $0x4000  }
0x1b1: {  	[sflag:s26] =	ssyncset.done $0x0  }
0x1b2: {  	[sflag:s26] =	ssyncadd.s32 $0xFFFFC000  }
0x1b3: {  	[tilespmem:s20], [sflag:$0x1] =	stream.indirect.gather [hbm4b:s4+s18], $0x1, s19, s18, $0xb8;
	[tilespmem:$0x1B800] =	vst v63  }
.LBB2_12:
0x1b4: {  	_ =	swait.ge [sflag:s28], $0x800  }
0x1b5: {  	[sflag:s28] =	ssyncset.done $0x0  }
0x1b6: {  	[sflag:s28] =	ssyncadd.s32 $0xFFFFF800  }
0x1b7: {  	_ =	swait.ge [sflag:s28], $0x800  }
0x1b8: {  	[sflag:s28] =	ssyncset.done $0x0  }
0x1b9: {  	[sflag:s28] =	ssyncadd.s32 $0xFFFFF800  }
.LBB2_13:
0x1ba: {  	s9 =	simm.s32 $0x0  }
0x1bb: {  	s11 =	simm.s32 $0x0;
	v0 =	vld [tilespmem:s9+$0x17800]  }
0x1bc: {  	v1 =	vld [tilespmem:s9+$0x5800];
	s6 =	sand.u32 $0x7F0, s11  }
0x1bd: {  	v2 =	vld [tilespmem:s6+$0x18000]  }
0x1be: {  	v3 =	vld [tilespmem:s9+$0x6000]  }
0x1bf: {  	v4 =	vld [tilespmem:s6+$0x18800]  }
0x1c0: {  	v5 =	vld [tilespmem:s9+$0x6800];
	v6 =	vand.u32 $0xFFFF0000, v0  }
0x1c1: {  	v7 =	vld [tilespmem:s6+$0x19000];
	v0 =	vshll.u32 v0, $0x10;
	v6 =	vmul.f32 v6, v1  }
0x1c2: {  	v8 =	vld [tilespmem:s9+$0x7000];
	v0 =	vmul.f32 v0, v1;
	v1 =	vand.u32 $0xFFFF0000, v2  }
0x1c3: {  	v9 =	vld [tilespmem:s6+$0x19800];
	v2 =	vshll.u32 v2, $0x10;
	v1 =	vmul.f32 v1, v3;
	v6 =	vadd.f32 $0.0e+00, v6  }
0x1c4: {  	v10 =	vld [tilespmem:s9+$0x7800];
	v2 =	vmul.f32 v2, v3;
	v3 =	vand.u32 $0xFFFF0000, v4;
	v0 =	vadd.f32 $0.0e+00, v0  }
0x1c5: {  	v11 =	vld [tilespmem:s6+$0x1A000];
	v4 =	vshll.u32 v4, $0x10;
	v3 =	vmul.f32 v3, v5;
	v1 =	vadd.f32 v1, v6  }
0x1c6: {  	v0 =	vadd.f32 v2, v0;
	v2 =	vmul.f32 v4, v5;
	v4 =	vand.u32 $0xFFFF0000, v7;
	v5 =	vld [tilespmem:s9+$0x8000]  }
0x1c7: {  	v6 =	vld [tilespmem:s6+$0x1A800];
	v4 =	vmul.f32 v4, v8;
	v1 =	vadd.f32 v3, v1;
	v3 =	vshll.u32 v7, $0x10  }
0x1c8: {  	v0 =	vadd.f32 v2, v0;
	v7 =	vld [tilespmem:s9+$0x8800];
	v2 =	vmul.f32 v3, v8;
	v3 =	vand.u32 $0xFFFF0000, v9  }
0x1c9: {  	v62 =	vld [tilespmem:s6+$0x1B000];
	v1 =	vadd.f32 v4, v1;
	v4 =	vshll.u32 v9, $0x10;
	v3 =	vmul.f32 v3, v10  }
0x1ca: {  	v63 =	vld [tilespmem:s9+$0x9000];
	v0 =	vadd.f32 v2, v0;
	v2 =	vmul.f32 v4, v10;
	v4 =	vand.u32 $0xFFFF0000, v11  }
0x1cb: {  	v1 =	vadd.f32 v3, v1;
	v3 =	vshll.u32 v11, $0x10;
	v4 =	vmul.f32 v4, v5  }
0x1cc: {  	v0 =	vadd.f32 v2, v0;
	v2 =	vmul.f32 v3, v5;
	v3 =	vand.u32 $0xFFFF0000, v6  }
0x1cd: {  	v1 =	vadd.f32 v4, v1;
	v4 =	vshll.u32 v6, $0x10;
	v3 =	vmul.f32 v3, v7  }
0x1ce: {  	v2 =	vadd.f32 v2, v0;
	v4 =	vmul.f32 v4, v7;
	v0 =	vand.u32 $0xFFFF0000, v62  }
0x1cf: {  	s12 =	simm.s32 $0x10;
	v3 =	vadd.f32 v3, v1;
	v1 =	vshll.u32 v62, $0x10;
	v5 =	vmul.f32 v0, v63  }
0x1d0: {  	v0 =	vld [tilespmem:s12+$0x7000];
	v6 =	vadd.f32 v4, v2;
	v7 =	vmul.f32 v1, v63  }
0x1d1: {  	v1 =	vld [tilespmem:s12+$0x6800];
	v4 =	vadd.f32 v5, v3  }
0x1d2: {  	s13 =	simm.s32 $0x80;
	v2 =	vld [tilespmem:s12+$0x17800];
	v3 =	vadd.f32 v7, v6  }
.LBB2_14:
0x1d3: {  	p0 =	sne.s32 s13, $0x1FC0;
	v5 =	vld [tilespmem:s12+$0x5800];
	[tilespmem:s9+$0xB000] =	vst v4;
	s11 =	sadd.s32 $0x10, s11  }
0x1d4: {  	v4 =	vld [tilespmem:s12+$0x6000];
	s6 =	sand.u32 $0x7F0, s11;
	[tilespmem:s9+$0xA800] =	vst v3;
	s9 =	smov.u32 s12  }
0x1d5: {  	v3 =	vld [tilespmem:s6+$0x18000]  }
0x1d6: {  	v6 =	vld [tilespmem:s6+$0x19000]  }
0x1d7: {  	v7 =	vshll.u32 v2, $0x10;
	v8 =	vld [tilespmem:s6+$0x18800]  }
0x1d8: {  	v2 =	vand.u32 $0xFFFF0000, v2;
	v7 =	vmul.f32 v7, v5;
	v9 =	vld [tilespmem:s6+$0x19800]  }
0x1d9: {  	v2 =	vmul.f32 v2, v5;
	v5 =	vld [tilespmem:s6+$0x1A000]  }
0x1da: {  	v7 =	vadd.f32 $0.0e+00, v7;
	v10 =	vshll.u32 v3, $0x10;
	v3 =	vand.u32 $0xFFFF0000, v3;
	v11 =	vld [tilespmem:s6+$0x1A800]  }
0x1db: {  	v2 =	vadd.f32 $0.0e+00, v2;
	v10 =	vmul.f32 v10, v4;
	v3 =	vmul.f32 v3, v4;
	v4 =	vld [tilespmem:s6+$0x1B000]  }
0x1dc: {  	v12 =	vshll.u32 v8, $0x10;
	v8 =	vand.u32 $0xFFFF0000, v8;
	v13 =	vld [tilespmem:s9+$0x7800]  }
0x1dd: {  	v7 =	vadd.f32 v10, v7;
	v2 =	vadd.f32 v3, v2;
	v3 =	vmul.f32 v8, v1  }
0x1de: {  	v1 =	vmul.f32 v12, v1;
	v8 =	vand.u32 $0xFFFF0000, v6;
	v10 =	vld [tilespmem:s9+$0x8000]  }
0x1df: {  	v2 =	vadd.f32 v3, v2;
	v3 =	vshll.u32 v6, $0x10;
	v6 =	vmul.f32 v8, v0  }
0x1e0: {  	v1 =	vadd.f32 v1, v7;
	v0 =	vmul.f32 v3, v0;
	v3 =	vand.u32 $0xFFFF0000, v9;
	v7 =	vld [tilespmem:s9+$0x8800]  }
0x1e1: {  	v2 =	vadd.f32 v6, v2;
	v6 =	vshll.u32 v9, $0x10;
	v3 =	vmul.f32 v3, v13  }
0x1e2: {  	v0 =	vadd.f32 v0, v1;
	v1 =	vmul.f32 v6, v13;
	v6 =	vand.u32 $0xFFFF0000, v5;
	v8 =	vld [tilespmem:s9+$0x9000]  }
0x1e3: {  	v2 =	vadd.f32 v3, v2;
	v3 =	vshll.u32 v5, $0x10;
	v5 =	vmul.f32 v6, v10  }
0x1e4: {  	v0 =	vadd.f32 v1, v0;
	v1 =	vmul.f32 v3, v10;
	v3 =	vand.u32 $0xFFFF0000, v11  }
0x1e5: {  	v2 =	vadd.f32 v5, v2;
	v5 =	vshll.u32 v11, $0x10;
	v3 =	vmul.f32 v3, v7  }
.Ltmp7:
0x1e6: {  	v1 =	vadd.f32 v1, v0;
	v5 =	vmul.f32 v5, v7;
	v0 =	vand.u32 $0xFFFF0000, v4;
	(pc) =	sbr.rel @p0 .LBB2_14-.Ltmp7, $4  }
0x1e7: {  	s12 =	sshra.s32 s13, $0x2;
	v2 =	vadd.f32 v3, v2;
	v3 =	vshll.u32 v4, $0x10;
	v4 =	vmul.f32 v0, v8  }
0x1e8: {  	v0 =	vld [tilespmem:s12+$0x7000];
	v5 =	vadd.f32 v5, v1;
	v3 =	vmul.f32 v3, v8  }
0x1e9: {  	v1 =	vld [tilespmem:s12+$0x6800];
	v4 =	vadd.f32 v4, v2  }
0x1ea: {  	s13 =	sadd.s32 $0x40, s13;
	v2 =	vld [tilespmem:s12+$0x17800];
	v3 =	vadd.f32 v3, v5  }
0x1eb: {  	v5 =	vld [tilespmem:s12+$0x5800];
	[tilespmem:s9+$0xB000] =	vst v4;
	s6 =	sadd.s32 $0x10, s11  }
0x1ec: {  	v4 =	vld [tilespmem:s12+$0x6000];
	s6 =	sand.u32 $0x7F0, s6;
	[tilespmem:s9+$0xA800] =	vst v3  }
0x1ed: {  	v3 =	vld [tilespmem:s6+$0x18000];
	_ =	sdelay $0x1  }
0x1ee: {  	v6 =	vld [tilespmem:s6+$0x18800]  }
0x1ef: {  	v7 =	vand.u32 $0xFFFF0000, v2  }
0x1f0: {  	v8 =	vld [tilespmem:s6+$0x19000];
	v40 =	vshll.u32 v2, $0x10;
	v7 =	vmul.f32 v7, v5  }
0x1f1: {  	v2 =	vmul.f32 v40, v5;
	v41 =	vand.u32 $0xFFFF0000, v3  }
0x1f2: {  	v9 =	vld [tilespmem:s6+$0x19800];
	v3 =	vshll.u32 v3, $0x10;
	v7 =	vadd.f32 $0.0e+00, v7;
	v5 =	vmul.f32 v41, v4  }
0x1f3: {  	v10 =	vld [tilespmem:s12+$0x7800];
	v2 =	vadd.f32 $0.0e+00, v2;
	v42 =	vand.u32 $0xFFFF0000, v6;
	v3 =	vmul.f32 v3, v4  }
0x1f4: {  	v11 =	vld [tilespmem:s6+$0x1A000];
	v6 =	vshll.u32 v6, $0x10;
	v4 =	vmul.f32 v42, v1;
	v5 =	vadd.f32 v5, v7  }
0x1f5: {  	v45 =	vld [tilespmem:s12+$0x8000];
	v44 =	vand.u32 $0xFFFF0000, v8;
	v43 =	vmul.f32 v6, v1;
	v2 =	vadd.f32 v3, v2  }
0x1f6: {  	v46 =	vld [tilespmem:s6+$0x1A800];
	v47 =	vshll.u32 v8, $0x10;
	v3 =	vmul.f32 v44, v0;
	v4 =	vadd.f32 v4, v5  }
0x1f7: {  	v50 =	vld [tilespmem:s12+$0x8800];
	v49 =	vand.u32 $0xFFFF0000, v9;
	v48 =	vmul.f32 v47, v0;
	v1 =	vadd.f32 v43, v2  }
0x1f8: {  	v51 =	vld [tilespmem:s6+$0x1B000];
	v52 =	vshll.u32 v9, $0x10;
	v2 =	vmul.f32 v49, v10;
	v3 =	vadd.f32 v3, v4  }
0x1f9: {  	v55 =	vld [tilespmem:s12+$0x9000];
	v54 =	vand.u32 $0xFFFF0000, v11;
	v53 =	vmul.f32 v52, v10;
	v0 =	vadd.f32 v48, v1  }
0x1fa: {  	v56 =	vshll.u32 v11, $0x10;
	v4 =	vmul.f32 v54, v45;
	v2 =	vadd.f32 v2, v3  }
0x1fb: {  	v58 =	vand.u32 $0xFFFF0000, v46;
	v57 =	vmul.f32 v56, v45;
	v0 =	vadd.f32 v53, v0  }
0x1fc: {  	v59 =	vshll.u32 v46, $0x10;
	v3 =	vmul.f32 v58, v50;
	v2 =	vadd.f32 v4, v2  }
0x1fd: {  	v61 =	vand.u32 $0xFFFF0000, v51;
	v60 =	vmul.f32 v59, v50;
	v0 =	vadd.f32 v57, v0  }
0x1fe: {  	v62 =	vshll.u32 v51, $0x10;
	v4 =	vmul.f32 v61, v55;
	v2 =	vadd.f32 v3, v2  }
0x1ff: {  	v63 =	vmul.f32 v62, v55;
	v0 =	vadd.f32 v60, v0  }
0x200: {  	s14 =	sshll.u32 s7, $0x12;
	s17 =	sadd.s32 $0x1, s17;
	v2 =	vadd.f32 v4, v2  }
0x201: {  	p0 =	sne.s32 s17, $0x8;
	s6 =	sor.u32 s3, s14;
	v0 =	vadd.f32 v63, v0  }
.Ltmp8:
0x202: {  	s6 =	sshrl.u32 s6, $0x3;
	[tilespmem:s12+$0xB000] =	vst v2;
	(pc) =	sbr.rel @p0 .LBB2_4-.Ltmp8, $4  }
0x203: {  	s31 =	sadd.s32 s5, s6;
	[tilespmem:s12+$0xA800] =	vst v0  }
0x204: {  	[hbm4b:s31+s2] =	stream.linear.scatter [tilespmem:s29], [sflag:$0x4], $0x800, $0x38;
	[tilespmem:$0x1B800] =	vst v63  }
0x205: {  	s16 =	smul.f32 $2.250000000e+00, s16;
	s6 =	sadd.s32 s6, s10  }
0x206: {  	[hbm4b:s6+s2] =	stream.linear.scatter [tilespmem:s30], [sflag:$0x4], $0x800, $0x38;
	[tilespmem:$0x1B800] =	vst v63  }
0x207: {  	s1 =	simm.s32 $0x3  }
0x208: {  	_ =	swait.ge [sflag:s1], $0x800  }
0x209: {  	[sflag:s1] =	ssyncset.done $0x0  }
0x20a: {  	[sflag:s1] =	ssyncadd.s32 $0xFFFFF800  }
0x20b: {  	_ =	swait.ge [sflag:s1], $0x800  }
0x20c: {  	[sflag:s1] =	ssyncset.done $0x0  }
0x20d: {  	[sflag:s1] =	ssyncadd.s32 $0xFFFFF800  }
0x20e: {  	_ =	swait.ge [sflag:s28], $0x800  }
0x20f: {  	[sflag:s28] =	ssyncset.done $0x0  }
0x210: {  	[sflag:s28] =	ssyncadd.s32 $0xFFFFF800  }
0x211: {  	_ =	swait.ge [sflag:s28], $0x800  }
0x212: {  	[sflag:s28] =	ssyncset.done $0x0  }
0x213: {  	s1 =	simm.s32 $0x0;
	s6 =	rddreg [dreg:$0x6];
	[sflag:s28] =	ssyncadd.s32 $0xFFFFF800  }
0x214: {  	[tilespmem:s1], [sflag:$0x5] =	stream.linear.gather [hbm4b:s6+s1], $0x800, $0x38;
	[tilespmem:$0x1B800] =	vst v63  }
0x215: {  	_ =	swait.ge [sflag:s15], $0x800  }
0x216: {  	[sflag:s15] =	ssyncset.done $0x0  }
0x217: {  	s7 =	simm.s32 $0x800;
	s16 =	rddreg [dreg:$0x7];
	[sflag:s15] =	ssyncadd.s32 $0xFFFFF800  }
0x218: {  	[tilespmem:s7], [sflag:$0x5] =	stream.linear.gather [hbm4b:s16+s1], $0x800, $0x38;
	[tilespmem:$0x1B800] =	vst v63  }
0x219: {  	_ =	swait.ge [sflag:s15], $0x800  }
0x21a: {  	[sflag:s15] =	ssyncset.done $0x0  }
0x21b: {  	s31 =	simm.s32 $0x1000;
	s17 =	rddreg [dreg:$0x8];
	[sflag:s15] =	ssyncadd.s32 $0xFFFFF800  }
0x21c: {  	[tilespmem:s31], [sflag:$0x5] =	stream.linear.gather [hbm4b:s17+s1], $0x800, $0x38;
	[tilespmem:$0x1B800] =	vst v63  }
0x21d: {  	_ =	swait.ge [sflag:s15], $0x800  }
0x21e: {  	[sflag:s15] =	ssyncset.done $0x0  }
0x21f: {  	s7 =	simm.s32 $0x0;
	[sflag:s15] =	ssyncadd.s32 $0xFFFFF800  }
0x220: {  	v0 =	vld [tilespmem:s7+$0x0]  }
0x221: {  	v1 =	vld [tilespmem:s7+$0x800]  }
0x222: {  	v2 =	vld [tilespmem:s7+$0x1000];
	_ =	sdelay $0x3  }
0x223: {  	v0 =	vmul.f32 $1.600000000e+01, v0  }
0x224: {  	v1 =	vmul.f32 $1.600000000e+01, v1;
	v2 =	vmul.f32 $1.600000000e+01, v2  }
0x225: {  	v3 =	vtrunc.f32 v0  }
0x226: {  	v4 =	vtrunc.f32 v1;
	v5 =	vtrunc.f32 v2  }
0x227: {  	v3 =	vcvt.f32.s32 v3;
	v4 =	vcvt.f32.s32 v4  }
0x228: {  	v5 =	vcvt.f32.s32 v5  }
0x229: {  	v6 =	vcvt.s32.f32 v3;
	v7 =	vcvt.s32.f32 v4  }
0x22a: {  	v8 =	vcvt.s32.f32 v5  }
0x22b: {  	v0 =	vsub.f32 v0, v6;
	v1 =	vsub.f32 v1, v7  }
0x22c: {  	v2 =	vsub.f32 v2, v8  }
0x22d: {  	v4 =	vmul.u32 $0x9E3779B1, v4;
	v6 =	vsub.f32 $1.000000000e+00, v0;
	v7 =	vsub.f32 $1.000000000e+00, v1  }
0x22e: {  	v5 =	vmul.u32 $0x30025795, v5  }
0x22f: {  	v54 =	vxor.u32 v3, v4;
	v9 =	vsub.f32 $1.000000000e+00, v2;
	v10 =	vmul.f32 v7, v6  }
0x230: {  	v12 =	vadd.s32 $0x30025795, v5;
	v11 =	vxor.u32 v5, v54  }
0x231: {  	v14 =	vadd.s32 $0x9E3779B1, v4;
	v11 =	vand.u32 $0xFFFFF, v11;
	v13 =	vmul.f32 v9, v10  }
0x232: {  	v8 =	vxor.u32 v54, v12;
	v55 =	vxor.u32 v3, v14;
	[tilespmem:s7+$0xB800] =	vst v11  }
0x233: {  	s12 =	sand.u32 $0x7F0, s1;
	v8 =	vand.u32 $0xFFFFF, v8;
	v6 =	vmul.f32 v1, v6;
	v10 =	vmul.f32 v10, v2;
	[tilespmem:s7+$0x1800] =	vst v13  }
0x234: {  	v56 =	vxor.u32 v5, v55;
	[tilespmem:s12+$0xC000] =	vst v8  }
0x235: {  	v3 =	vadd.s32 $0x1, v3;
	v57 =	vmul.f32 v9, v6;
	v13 =	vand.u32 $0xFFFFF, v56;
	[tilespmem:s7+$0x2000] =	vst v10  }
0x236: {  	v58 =	vxor.u32 v12, v55;
	v4 =	vxor.u32 v3, v4;
	[tilespmem:s12+$0xC800] =	vst v13  }
0x237: {  	v7 =	vmul.f32 v7, v0;
	v6 =	vmul.f32 v2, v6;
	v10 =	vand.u32 $0xFFFFF, v58;
	[tilespmem:s7+$0x2800] =	vst v57  }
0x238: {  	v59 =	vxor.u32 v5, v4;
	[tilespmem:s12+$0xD000] =	vst v10  }
0x239: {  	v60 =	vmul.f32 v9, v7;
	v8 =	vand.u32 $0xFFFFF, v59;
	[tilespmem:s7+$0x3000] =	vst v6  }
0x23a: {  	v3 =	vxor.u32 v3, v14;
	v4 =	vxor.u32 v4, v12;
	[tilespmem:s12+$0xD800] =	vst v8  }
0x23b: {  	v0 =	vmul.f32 v1, v0;
	v1 =	vand.u32 $0xFFFFF, v4;
	v61 =	vmul.f32 v7, v2;
	[tilespmem:s7+$0x3800] =	vst v60  }
0x23c: {  	v62 =	vxor.u32 v5, v3;
	[tilespmem:s12+$0xE000] =	vst v1  }
0x23d: {  	v63 =	vmul.f32 v9, v0;
	v1 =	vand.u32 $0xFFFFF, v62;
	[tilespmem:s7+$0x4000] =	vst v61  }
0x23e: {  	v3 =	vxor.u32 v12, v3;
	[tilespmem:s12+$0xE800] =	vst v1  }
0x23f: {  	s9 =	simm.s32 $0x40;
	s6 =	simm.s32 $0x80;
	v0 =	vmul.f32 v2, v0;
	v1 =	vand.u32 $0xFFFFF, v3;
	[tilespmem:s7+$0x4800] =	vst v63  }
.LBB2_17:
0x240: {  	s13 =	sshra.s32 s9, $0x2  }
0x241: {  	[tilespmem:s12+$0xF000] =	vst v1;
	s1 =	sadd.s32 $0x10, s1;
	s9 =	smov.u32 s6;
	s11 =	sadd.s32 $0x40, s6  }
0x242: {  	p0 =	sne.s32 s6, $0x1FC0;
	v1 =	vld [tilespmem:s13+$0x0];
	[tilespmem:s7+$0x5000] =	vst v0;
	s7 =	smov.u32 s13  }
0x243: {  	v0 =	vld [tilespmem:s7+$0x800]  }
0x244: {  	v2 =	vld [tilespmem:s7+$0x1000];
	_ =	sdelay $0x2  }
0x245: {  	v1 =	vmul.f32 $1.600000000e+01, v1  }
0x246: {  	v0 =	vmul.f32 $1.600000000e+01, v0  }
0x247: {  	v2 =	vmul.f32 $1.600000000e+01, v2;
	v3 =	vtrunc.f32 v1  }
0x248: {  	v3 =	vcvt.f32.s32 v3;
	v4 =	vtrunc.f32 v0  }
0x249: {  	v4 =	vcvt.f32.s32 v4;
	v5 =	vtrunc.f32 v2  }
0x24a: {  	v5 =	vcvt.f32.s32 v5;
	v6 =	vcvt.s32.f32 v3  }
0x24b: {  	v8 =	vadd.s32 $0x1, v3;
	v7 =	vcvt.s32.f32 v4;
	v4 =	vmul.u32 $0x9E3779B1, v4  }
0x24c: {  	v1 =	vsub.f32 v1, v6;
	v6 =	vcvt.s32.f32 v5;
	v5 =	vmul.u32 $0x30025795, v5  }
0x24d: {  	v0 =	vsub.f32 v0, v7;
	v7 =	vadd.s32 $0x9E3779B1, v4;
	v9 =	vxor.u32 v3, v4  }
0x24e: {  	v2 =	vsub.f32 v2, v6;
	v6 =	vsub.f32 $1.000000000e+00, v1;
	v10 =	vadd.s32 $0x30025795, v5  }
0x24f: {  	v12 =	vxor.u32 v5, v9;
	v11 =	vsub.f32 $1.000000000e+00, v0;
	v9 =	vxor.u32 v9, v10  }
0x250: {  	v12 =	vand.u32 $0xFFFFF, v12;
	v13 =	vsub.f32 $1.000000000e+00, v2;
	v14 =	vmul.f32 v0, v6  }
0x251: {  	v3 =	vxor.u32 v3, v7;
	v6 =	vmul.f32 v11, v6;
	v11 =	vmul.f32 v11, v1  }
0x252: {  	v15 =	vxor.u32 v5, v3;
	v16 =	vmul.f32 v13, v14;
	v14 =	vmul.f32 v2, v14  }
0x253: {  	v3 =	vxor.u32 v10, v3;
	v17 =	vmul.f32 v13, v6;
	v18 =	vmul.f32 v13, v11  }
0x254: {  	s12 =	sand.u32 $0x7F0, s1;
	v9 =	vand.u32 $0xFFFFF, v9;
	v6 =	vmul.f32 v6, v2;
	v11 =	vmul.f32 v11, v2;
	[tilespmem:s7+$0xB800] =	vst v12  }
0x255: {  	v4 =	vxor.u32 v8, v4;
	v7 =	vxor.u32 v8, v7;
	v1 =	vmul.f32 v0, v1;
	[tilespmem:s7+$0x1800] =	vst v17  }
0x256: {  	v8 =	vand.u32 $0xFFFFF, v15;
	[tilespmem:s12+$0xC000] =	vst v9;
	v9 =	vxor.u32 v5, v4;
	v4 =	vxor.u32 v4, v10  }
0x257: {  	v0 =	vmul.f32 v2, v1;
	v5 =	vxor.u32 v5, v7;
	[tilespmem:s7+$0x2000] =	vst v6;
	v6 =	vxor.u32 v10, v7  }
0x258: {  	v2 =	vand.u32 $0xFFFFF, v3;
	[tilespmem:s12+$0xC800] =	vst v8  }
0x259: {  	[tilespmem:s7+$0x2800] =	vst v16  }
0x25a: {  	[tilespmem:s12+$0xD000] =	vst v2;
	v2 =	vand.u32 $0xFFFFF, v9  }
0x25b: {  	[tilespmem:s7+$0x3000] =	vst v14  }
0x25c: {  	[tilespmem:s12+$0xD800] =	vst v2;
	v2 =	vand.u32 $0xFFFFF, v4  }
.Ltmp9:
0x25d: {  	[tilespmem:s7+$0x3800] =	vst v18;
	(pc) =	sbr.rel @p0 .LBB2_17-.Ltmp9, $4  }
0x25e: {  	v3 =	vmul.f32 v13, v1;
	[tilespmem:s12+$0xE000] =	vst v2;
	v2 =	vand.u32 $0xFFFFF, v5  }
0x25f: {  	[tilespmem:s7+$0x4000] =	vst v11  }
0x260: {  	v1 =	vand.u32 $0xFFFFF, v6;
	[tilespmem:s12+$0xE800] =	vst v2  }
0x261: {  	s6 =	smov.u32 s11;
	[tilespmem:s7+$0x4800] =	vst v3  }
0x262: {  	s9 =	sshra.s32 s9, $0x2;
	[tilespmem:s12+$0xF000] =	vst v1  }
0x263: {  	v1 =	vld [tilespmem:s9+$0x0];
	[tilespmem:s7+$0x5000] =	vst v0  }
0x264: {  	v0 =	vld [tilespmem:s9+$0x800]  }
0x265: {  	v2 =	vld [tilespmem:s9+$0x1000];
	_ =	sdelay $0x2  }
0x266: {  	v1 =	vmul.f32 $1.600000000e+01, v1  }
0x267: {  	v0 =	vmul.f32 $1.600000000e+01, v0  }
0x268: {  	v2 =	vmul.f32 $1.600000000e+01, v2;
	v3 =	vtrunc.f32 v1  }
0x269: {  	v3 =	vcvt.f32.s32 v3;
	v4 =	vtrunc.f32 v0  }
0x26a: {  	v5 =	vtrunc.f32 v2;
	v4 =	vcvt.f32.s32 v4  }
0x26b: {  	v5 =	vcvt.f32.s32 v5  }
0x26c: {  	v6 =	vcvt.s32.f32 v3;
	v7 =	vcvt.s32.f32 v4  }
0x26d: {  	v8 =	vcvt.s32.f32 v5  }
0x26e: {  	v1 =	vsub.f32 v1, v6;
	v0 =	vsub.f32 v0, v7  }
0x26f: {  	v2 =	vsub.f32 v2, v8  }
0x270: {  	v4 =	vmul.u32 $0x9E3779B1, v4;
	v6 =	vsub.f32 $1.000000000e+00, v1;
	v7 =	vsub.f32 $1.000000000e+00, v0  }
0x271: {  	v5 =	vmul.u32 $0x30025795, v5  }
0x272: {  	v51 =	vxor.u32 v3, v4;
	v9 =	vsub.f32 $1.000000000e+00, v2;
	v10 =	vmul.f32 v7, v6  }
0x273: {  	v12 =	vadd.s32 $0x30025795, v5;
	v11 =	vxor.u32 v5, v51  }
0x274: {  	v14 =	vadd.s32 $0x9E3779B1, v4;
	v11 =	vand.u32 $0xFFFFF, v11;
	v13 =	vmul.f32 v9, v10  }
0x275: {  	s1 =	sadd.s32 $0x10, s1;
	v8 =	vxor.u32 v51, v12;
	v52 =	vxor.u32 v3, v14;
	[tilespmem:s9+$0xB800] =	vst v11  }
0x276: {  	s1 =	sand.u32 $0x7F0, s1;
	v8 =	vand.u32 $0xFFFFF, v8;
	v6 =	vmul.f32 v0, v6;
	v10 =	vmul.f32 v10, v2;
	[tilespmem:s9+$0x1800] =	vst v13  }
0x277: {  	v53 =	vxor.u32 v5, v52;
	[tilespmem:s1+$0xC000] =	vst v8  }
0x278: {  	v3 =	vadd.s32 $0x1, v3;
	v54 =	vmul.f32 v9, v6;
	v13 =	vand.u32 $0xFFFFF, v53;
	[tilespmem:s9+$0x2000] =	vst v10  }
0x279: {  	v55 =	vxor.u32 v12, v52;
	v4 =	vxor.u32 v3, v4;
	[tilespmem:s1+$0xC800] =	vst v13  }
0x27a: {  	v7 =	vmul.f32 v7, v1;
	v6 =	vmul.f32 v2, v6;
	v10 =	vand.u32 $0xFFFFF, v55;
	[tilespmem:s9+$0x2800] =	vst v54  }
0x27b: {  	v56 =	vxor.u32 v5, v4;
	[tilespmem:s1+$0xD000] =	vst v10  }
0x27c: {  	v57 =	vmul.f32 v9, v7;
	v8 =	vand.u32 $0xFFFFF, v56;
	[tilespmem:s9+$0x3000] =	vst v6  }
0x27d: {  	v3 =	vxor.u32 v3, v14;
	v4 =	vxor.u32 v4, v12;
	[tilespmem:s1+$0xD800] =	vst v8  }
0x27e: {  	v0 =	vmul.f32 v0, v1;
	v59 =	vand.u32 $0xFFFFF, v4;
	v58 =	vmul.f32 v7, v2;
	[tilespmem:s9+$0x3800] =	vst v57  }
0x27f: {  	v60 =	vxor.u32 v5, v3;
	[tilespmem:s1+$0xE000] =	vst v59  }
0x280: {  	v61 =	vand.u32 $0xFFFFF, v60;
	v62 =	vmul.f32 v9, v0;
	[tilespmem:s9+$0x4000] =	vst v58  }
0x281: {  	v3 =	vxor.u32 v12, v3;
	[tilespmem:s1+$0xE800] =	vst v61  }
0x282: {  	v63 =	vand.u32 $0xFFFFF, v3;
	v0 =	vmul.f32 v2, v0;
	[tilespmem:s9+$0x4800] =	vst v62  }
0x283: {  	[tilespmem:s1+$0xF000] =	vst v63  }
0x284: {  	s16 =	simm.f32 $1.600000000e+01;
	s17 =	simm.s32 $0x0;
	s1 =	simm.s32 $0x0;
	[tilespmem:s9+$0x5000] =	vst v0  }
0x285: {  	[tilespmem:s20], [sflag:$0x1] =	stream.indirect.gather [hbm4b:s4+s18], $0x1, s19, s18, $0xb8;
	[tilespmem:$0x1B800] =	vst v63  }
.LBB2_19:
0x286: {  	s9 =	simm.s32 $0x0  }
0x287: {  	v0 =	vld [tilespmem:s9+$0x0]  }
0x288: {  	v2 =	vld [tilespmem:s9+$0x800]  }
0x289: {  	v3 =	vld [tilespmem:s9+$0x1000]  }
0x28a: {  	s6 =	smul.f32 $1.500000000e+00, s16;
	_ =	sdelay $0x1  }
0x28b: {  	v1 =	vmov s6  }
0x28c: {  	v0 =	vmul.f32 v0, v1  }
0x28d: {  	v2 =	vmul.f32 v2, v1;
	v3 =	vmul.f32 v3, v1  }
0x28e: {  	v4 =	vtrunc.f32 v0  }
0x28f: {  	v5 =	vtrunc.f32 v2;
	v6 =	vtrunc.f32 v3  }
0x290: {  	v4 =	vcvt.f32.s32 v4;
	v5 =	vcvt.f32.s32 v5  }
0x291: {  	v6 =	vcvt.f32.s32 v6  }
0x292: {  	v7 =	vcvt.s32.f32 v4;
	v8 =	vcvt.s32.f32 v5  }
0x293: {  	v9 =	vcvt.s32.f32 v6  }
0x294: {  	v7 =	vsub.f32 v0, v7;
	v2 =	vsub.f32 v2, v8  }
0x295: {  	s7 =	sshllo.u32 s17, $0x1;
	v5 =	vmul.u32 $0x9E3779B1, v5;
	v6 =	vmul.u32 $0x30025795, v6;
	v3 =	vsub.f32 v3, v9  }
0x296: {  	s31 =	sshll.u32 s7, $0x14;
	v51 =	vsub.f32 $1.000000000e+00, v7;
	v52 =	vsub.f32 $1.000000000e+00, v2  }
0x297: {  	v0 =	vmov s31;
	v10 =	vxor.u32 v4, v5;
	v15 =	vadd.s32 $0x30025795, v6  }
0x298: {  	v11 =	vxor.u32 v6, v10;
	v12 =	vsub.f32 $1.000000000e+00, v3;
	v13 =	vmul.f32 v52, v51  }
0x299: {  	v14 =	vadd.s32 $0x9E3779B1, v5;
	v10 =	vxor.u32 v10, v15;
	v11 =	vand.u32 $0xFFFFF, v11  }
0x29a: {  	v17 =	vxor.u32 v4, v14;
	v11 =	vor.u32 v0, v11;
	v16 =	vmul.f32 v12, v13  }
0x29b: {  	v10 =	vand.u32 $0xFFFFF, v10;
	v54 =	vxor.u32 v6, v17;
	[tilespmem:s9+$0xF800] =	vst v11  }
0x29c: {  	s14 =	sand.u32 $0x7F0, s1;
	v10 =	vor.u32 v0, v10;
	v8 =	vmul.f32 v2, v51;
	v53 =	vmul.f32 v13, v3;
	[tilespmem:s9+$0x5800] =	vst v16  }
0x29d: {  	v4 =	vadd.s32 $0x1, v4;
	v56 =	vxor.u32 v15, v17;
	v13 =	vand.u32 $0xFFFFF, v54;
	[tilespmem:s14+$0x10000] =	vst v10  }
0x29e: {  	v5 =	vxor.u32 v4, v5;
	v55 =	vmul.f32 v12, v8;
	v57 =	vor.u32 v0, v13;
	[tilespmem:s9+$0x6000] =	vst v53  }
0x29f: {  	v58 =	vand.u32 $0xFFFFF, v56;
	v59 =	vxor.u32 v6, v5;
	[tilespmem:s14+$0x10800] =	vst v57  }
0x2a0: {  	v9 =	vmul.f32 v52, v7;
	v60 =	vor.u32 v0, v58;
	v8 =	vmul.f32 v3, v8;
	[tilespmem:s9+$0x6800] =	vst v55  }
0x2a1: {  	v4 =	vxor.u32 v4, v14;
	v11 =	vand.u32 $0xFFFFF, v59;
	[tilespmem:s14+$0x11000] =	vst v60  }
0x2a2: {  	v5 =	vxor.u32 v5, v15;
	v62 =	vor.u32 v0, v11;
	v61 =	vmul.f32 v12, v9;
	[tilespmem:s9+$0x7000] =	vst v8  }
0x2a3: {  	v6 =	vxor.u32 v6, v4;
	v5 =	vand.u32 $0xFFFFF, v5;
	[tilespmem:s14+$0x11800] =	vst v62  }
0x2a4: {  	v2 =	vmul.f32 v2, v7;
	v5 =	vor.u32 v0, v5;
	v9 =	vmul.f32 v9, v3;
	[tilespmem:s9+$0x7800] =	vst v61  }
0x2a5: {  	v6 =	vand.u32 $0xFFFFF, v6;
	[tilespmem:s14+$0x12000] =	vst v5  }
0x2a6: {  	v4 =	vxor.u32 v15, v4;
	v63 =	vmul.f32 v12, v2;
	v5 =	vor.u32 v0, v6;
	[tilespmem:s9+$0x8000] =	vst v9  }
0x2a7: {  	v4 =	vand.u32 $0xFFFFF, v4;
	[tilespmem:s14+$0x12800] =	vst v5  }
0x2a8: {  	s12 =	simm.s32 $0x40;
	s11 =	simm.s32 $0x0;
	s6 =	simm.s32 $0x80;
	v2 =	vmul.f32 v3, v2;
	v3 =	vor.u32 v0, v4;
	[tilespmem:s9+$0x8800] =	vst v63  }
.LBB2_20:
0x2a9: {  	s31 =	sshra.s32 s12, $0x2  }
0x2aa: {  	[tilespmem:s14+$0x13000] =	vst v3;
	s11 =	sadd.s32 $0x10, s11;
	s12 =	smov.u32 s6;
	s13 =	sadd.s32 $0x40, s6  }
0x2ab: {  	p0 =	sne.s32 s6, $0x1FC0;
	v3 =	vld [tilespmem:s31+$0x0];
	[tilespmem:s9+$0x9000] =	vst v2;
	s9 =	smov.u32 s31  }
0x2ac: {  	v2 =	vld [tilespmem:s9+$0x800]  }
0x2ad: {  	v4 =	vld [tilespmem:s9+$0x1000];
	_ =	sdelay $0x2  }
0x2ae: {  	v3 =	vmul.f32 v3, v1  }
0x2af: {  	v2 =	vmul.f32 v2, v1  }
0x2b0: {  	v4 =	vmul.f32 v4, v1;
	v5 =	vtrunc.f32 v3  }
0x2b1: {  	v5 =	vcvt.f32.s32 v5;
	v6 =	vtrunc.f32 v2  }
0x2b2: {  	v6 =	vcvt.f32.s32 v6;
	v7 =	vtrunc.f32 v4  }
0x2b3: {  	v7 =	vcvt.f32.s32 v7;
	v8 =	vcvt.s32.f32 v5  }
0x2b4: {  	v10 =	vadd.s32 $0x1, v5;
	v9 =	vcvt.s32.f32 v6;
	v6 =	vmul.u32 $0x9E3779B1, v6  }
0x2b5: {  	v3 =	vsub.f32 v3, v8;
	v8 =	vcvt.s32.f32 v7;
	v7 =	vmul.u32 $0x30025795, v7  }
0x2b6: {  	v2 =	vsub.f32 v2, v9;
	v9 =	vadd.s32 $0x9E3779B1, v6;
	v11 =	vxor.u32 v5, v6  }
0x2b7: {  	v4 =	vsub.f32 v4, v8;
	v8 =	vsub.f32 $1.000000000e+00, v3;
	v12 =	vxor.u32 v7, v11  }
0x2b8: {  	v14 =	vadd.s32 $0x30025795, v7;
	v13 =	vsub.f32 $1.000000000e+00, v2;
	v12 =	vand.u32 $0xFFFFF, v12  }
0x2b9: {  	v11 =	vxor.u32 v11, v14;
	v15 =	vsub.f32 $1.000000000e+00, v4;
	v12 =	vor.u32 v0, v12  }
0x2ba: {  	v11 =	vand.u32 $0xFFFFF, v11;
	v16 =	vmul.f32 v13, v8;
	v8 =	vmul.f32 v2, v8  }
0x2bb: {  	v6 =	vxor.u32 v10, v6;
	v5 =	vxor.u32 v5, v9;
	v13 =	vmul.f32 v13, v3  }
0x2bc: {  	v18 =	vxor.u32 v7, v5;
	v17 =	vmul.f32 v15, v16;
	v16 =	vmul.f32 v16, v4  }
0x2bd: {  	v5 =	vxor.u32 v14, v5;
	[tilespmem:s9+$0xF800] =	vst v12;
	v12 =	vand.u32 $0xFFFFF, v18;
	v18 =	vmul.f32 v15, v8  }
0x2be: {  	s14 =	sand.u32 $0x7F0, s11;
	v5 =	vand.u32 $0xFFFFF, v5;
	v11 =	vor.u32 v0, v11;
	v8 =	vmul.f32 v4, v8;
	[tilespmem:s9+$0x5800] =	vst v17  }
0x2bf: {  	v17 =	vmul.f32 v15, v13;
	v13 =	vmul.f32 v13, v4;
	[tilespmem:s14+$0x10000] =	vst v11;
	v11 =	vxor.u32 v7, v6  }
0x2c0: {  	v12 =	vor.u32 v0, v12;
	v6 =	vxor.u32 v6, v14;
	[tilespmem:s9+$0x6000] =	vst v16;
	v11 =	vand.u32 $0xFFFFF, v11  }
0x2c1: {  	v9 =	vxor.u32 v10, v9;
	v3 =	vmul.f32 v2, v3;
	v6 =	vand.u32 $0xFFFFF, v6;
	[tilespmem:s14+$0x10800] =	vst v12  }
0x2c2: {  	v2 =	vor.u32 v0, v5;
	v5 =	vxor.u32 v7, v9;
	v7 =	vxor.u32 v14, v9;
	[tilespmem:s9+$0x6800] =	vst v18  }
0x2c3: {  	v5 =	vand.u32 $0xFFFFF, v5;
	v7 =	vand.u32 $0xFFFFF, v7;
	[tilespmem:s14+$0x11000] =	vst v2;
	v2 =	vmul.f32 v4, v3  }
0x2c4: {  	v4 =	vor.u32 v0, v11;
	[tilespmem:s9+$0x7000] =	vst v8  }
0x2c5: {  	[tilespmem:s14+$0x11800] =	vst v4  }
.Ltmp10:
0x2c6: {  	v4 =	vor.u32 v0, v6;
	[tilespmem:s9+$0x7800] =	vst v17;
	(pc) =	sbr.rel @p0 .LBB2_20-.Ltmp10, $4  }
0x2c7: {  	[tilespmem:s14+$0x12000] =	vst v4  }
0x2c8: {  	v3 =	vmul.f32 v15, v3;
	v4 =	vor.u32 v0, v5;
	[tilespmem:s9+$0x8000] =	vst v13  }
0x2c9: {  	[tilespmem:s14+$0x12800] =	vst v4  }
0x2ca: {  	s6 =	smov.u32 s13;
	[tilespmem:s9+$0x8800] =	vst v3;
	v3 =	vor.u32 v0, v7  }
0x2cb: {  	s12 =	sshra.s32 s12, $0x2;
	[tilespmem:s14+$0x13000] =	vst v3  }
0x2cc: {  	v3 =	vld [tilespmem:s12+$0x0];
	[tilespmem:s9+$0x9000] =	vst v2  }
0x2cd: {  	v2 =	vld [tilespmem:s12+$0x800]  }
0x2ce: {  	v4 =	vld [tilespmem:s12+$0x1000];
	_ =	sdelay $0x2  }
0x2cf: {  	v3 =	vmul.f32 v3, v1  }
0x2d0: {  	v2 =	vmul.f32 v2, v1  }
0x2d1: {  	v1 =	vmul.f32 v4, v1;
	v4 =	vtrunc.f32 v3  }
0x2d2: {  	v4 =	vcvt.f32.s32 v4;
	v5 =	vtrunc.f32 v2  }
0x2d3: {  	v6 =	vtrunc.f32 v1;
	v5 =	vcvt.f32.s32 v5  }
0x2d4: {  	v6 =	vcvt.f32.s32 v6  }
0x2d5: {  	v7 =	vcvt.s32.f32 v4;
	v8 =	vcvt.s32.f32 v5  }
0x2d6: {  	v9 =	vcvt.s32.f32 v6  }
0x2d7: {  	v3 =	vsub.f32 v3, v7;
	v2 =	vsub.f32 v2, v8  }
0x2d8: {  	v5 =	vmul.u32 $0x9E3779B1, v5;
	v6 =	vmul.u32 $0x30025795, v6;
	v1 =	vsub.f32 v1, v9  }
0x2d9: {  	v7 =	vsub.f32 $1.000000000e+00, v3;
	v8 =	vsub.f32 $1.000000000e+00, v2  }
0x2da: {  	v48 =	vxor.u32 v4, v5;
	v14 =	vadd.s32 $0x30025795, v6  }
0x2db: {  	v10 =	vxor.u32 v6, v48;
	v11 =	vsub.f32 $1.000000000e+00, v1;
	v12 =	vmul.f32 v8, v7  }
0x2dc: {  	v13 =	vadd.s32 $0x9E3779B1, v5;
	v9 =	vxor.u32 v48, v14;
	v10 =	vand.u32 $0xFFFFF, v10  }
0x2dd: {  	v16 =	vxor.u32 v4, v13;
	v10 =	vor.u32 v0, v10;
	v15 =	vmul.f32 v11, v12  }
0x2de: {  	s6 =	sadd.s32 $0x10, s11;
	v9 =	vand.u32 $0xFFFFF, v9;
	v50 =	vxor.u32 v6, v16;
	[tilespmem:s12+$0xF800] =	vst v10  }
0x2df: {  	s6 =	sand.u32 $0x7F0, s6;
	v9 =	vor.u32 v0, v9;
	v7 =	vmul.f32 v2, v7;
	v49 =	vmul.f32 v12, v1;
	[tilespmem:s12+$0x5800] =	vst v15  }
0x2e0: {  	v4 =	vadd.s32 $0x1, v4;
	v52 =	vxor.u32 v14, v16;
	v12 =	vand.u32 $0xFFFFF, v50;
	[tilespmem:s6+$0x10000] =	vst v9  }
0x2e1: {  	v5 =	vxor.u32 v4, v5;
	v51 =	vmul.f32 v11, v7;
	v53 =	vor.u32 v0, v12;
	[tilespmem:s12+$0x6000] =	vst v49  }
0x2e2: {  	v54 =	vand.u32 $0xFFFFF, v52;
	v55 =	vxor.u32 v6, v5;
	[tilespmem:s6+$0x10800] =	vst v53  }
0x2e3: {  	v8 =	vmul.f32 v8, v3;
	v56 =	vor.u32 v0, v54;
	v7 =	vmul.f32 v1, v7;
	[tilespmem:s12+$0x6800] =	vst v51  }
0x2e4: {  	v10 =	vand.u32 $0xFFFFF, v55;
	[tilespmem:s6+$0x11000] =	vst v56  }
0x2e5: {  	v5 =	vxor.u32 v5, v14;
	v57 =	vmul.f32 v11, v8;
	[tilespmem:s12+$0x7000] =	vst v7;
	v7 =	vor.u32 v0, v10  }
0x2e6: {  	v4 =	vxor.u32 v4, v13;
	v5 =	vand.u32 $0xFFFFF, v5;
	v2 =	vmul.f32 v2, v3;
	[tilespmem:s6+$0x11800] =	vst v7  }
0x2e7: {  	v3 =	vxor.u32 v6, v4;
	v5 =	vor.u32 v0, v5;
	v8 =	vmul.f32 v8, v1;
	[tilespmem:s12+$0x7800] =	vst v57  }
0x2e8: {  	v3 =	vand.u32 $0xFFFFF, v3;
	[tilespmem:s6+$0x12000] =	vst v5  }
0x2e9: {  	v4 =	vxor.u32 v14, v4;
	v3 =	vor.u32 v0, v3;
	v5 =	vmul.f32 v11, v2;
	[tilespmem:s12+$0x8000] =	vst v8  }
0x2ea: {  	v4 =	vand.u32 $0xFFFFF, v4;
	[tilespmem:s6+$0x12800] =	vst v3  }
0x2eb: {  	v1 =	vmul.f32 v1, v2;
	v0 =	vor.u32 v0, v4;
	[tilespmem:s12+$0x8800] =	vst v5  }
0x2ec: {  	[tilespmem:s6+$0x13000] =	vst v0  }
0x2ed: {  	[tilespmem:s12+$0x9000] =	vst v1  }
0x2ee: {  	_ =	swait.ge [sflag:s21], $0x4000  }
0x2ef: {  	p0 =	seq.s32 s17, $0x0;
	[sflag:s21] =	ssyncset.done $0x0  }
0x2f0: {  	s6 =	simm.s32 @!p0 $0x3;
	[sflag:s21] =	ssyncadd.s32 $0xFFFFC000  }
0x2f1: {  	[tilespmem:s23], [sflag:$0x2] =	stream.indirect.gather [hbm4b:s4+s18], $0x1, s22, s18, $0xb8;
	[tilespmem:$0x1B800] =	vst v63  }
0x2f2: {  	_ =	swait.ge @!p0 [sflag:s6], $0x800  }
0x2f3: {  	[sflag:s6] =	ssyncset.done @!p0 $0x0  }
0x2f4: {  	[sflag:s6] =	ssyncadd.s32 @!p0 $0xFFFFF800  }
0x2f5: {  	_ =	swait.ge @!p0 [sflag:s6], $0x800  }
0x2f6: {  	[sflag:s6] =	ssyncset.done @!p0 $0x0  }
0x2f7: {  	s9 =	simm.s32 $0x0;
	[sflag:s6] =	ssyncadd.s32 @!p0 $0xFFFFF800  }
0x2f8: {  	s11 =	simm.s32 $0x0;
	v0 =	vld [tilespmem:s9+$0x13800]  }
0x2f9: {  	s31 =	sand.u32 $0x7F0, s11;
	v1 =	vld [tilespmem:s9+$0x1800]  }
0x2fa: {  	v2 =	vld [tilespmem:s31+$0x14000]  }
0x2fb: {  	v3 =	vld [tilespmem:s9+$0x2000]  }
0x2fc: {  	v4 =	vld [tilespmem:s31+$0x14800]  }
0x2fd: {  	v5 =	vld [tilespmem:s9+$0x2800];
	v6 =	vand.u32 $0xFFFF0000, v0  }
0x2fe: {  	v7 =	vld [tilespmem:s31+$0x15000];
	v0 =	vshll.u32 v0, $0x10;
	v6 =	vmul.f32 v6, v1  }
0x2ff: {  	v58 =	vld [tilespmem:s9+$0x3000];
	v0 =	vmul.f32 v0, v1;
	v1 =	vand.u32 $0xFFFF0000, v2  }
0x300: {  	v59 =	vld [tilespmem:s31+$0x15800];
	v2 =	vshll.u32 v2, $0x10;
	v1 =	vmul.f32 v1, v3;
	v6 =	vadd.f32 $0.0e+00, v6  }
0x301: {  	v60 =	vld [tilespmem:s9+$0x3800];
	v2 =	vmul.f32 v2, v3;
	v3 =	vand.u32 $0xFFFF0000, v4;
	v0 =	vadd.f32 $0.0e+00, v0  }
0x302: {  	v61 =	vld [tilespmem:s31+$0x16000];
	v4 =	vshll.u32 v4, $0x10;
	v3 =	vmul.f32 v3, v5;
	v1 =	vadd.f32 v1, v6  }
0x303: {  	v0 =	vadd.f32 v2, v0;
	v2 =	vmul.f32 v4, v5;
	v4 =	vand.u32 $0xFFFF0000, v7;
	v5 =	vld [tilespmem:s9+$0x4000]  }
0x304: {  	v6 =	vld [tilespmem:s31+$0x16800];
	v4 =	vmul.f32 v4, v58;
	v1 =	vadd.f32 v3, v1;
	v3 =	vshll.u32 v7, $0x10  }
0x305: {  	v0 =	vadd.f32 v2, v0;
	v7 =	vld [tilespmem:s9+$0x4800];
	v2 =	vmul.f32 v3, v58;
	v3 =	vand.u32 $0xFFFF0000, v59  }
0x306: {  	v62 =	vld [tilespmem:s31+$0x17000];
	v1 =	vadd.f32 v4, v1;
	v4 =	vshll.u32 v59, $0x10;
	v3 =	vmul.f32 v3, v60  }
0x307: {  	v63 =	vld [tilespmem:s9+$0x5000];
	v0 =	vadd.f32 v2, v0;
	v2 =	vmul.f32 v4, v60;
	v4 =	vand.u32 $0xFFFF0000, v61  }
0x308: {  	v1 =	vadd.f32 v3, v1;
	v3 =	vshll.u32 v61, $0x10;
	v4 =	vmul.f32 v4, v5  }
0x309: {  	v0 =	vadd.f32 v2, v0;
	v2 =	vmul.f32 v3, v5;
	v3 =	vand.u32 $0xFFFF0000, v6  }
0x30a: {  	v1 =	vadd.f32 v4, v1;
	v4 =	vshll.u32 v6, $0x10;
	v3 =	vmul.f32 v3, v7  }
0x30b: {  	v2 =	vadd.f32 v2, v0;
	v4 =	vmul.f32 v4, v7;
	v0 =	vand.u32 $0xFFFF0000, v62  }
0x30c: {  	s12 =	simm.s32 $0x10;
	v3 =	vadd.f32 v3, v1;
	v1 =	vshll.u32 v62, $0x10;
	v5 =	vmul.f32 v0, v63  }
0x30d: {  	v0 =	vld [tilespmem:s12+$0x3000];
	v6 =	vadd.f32 v4, v2;
	v7 =	vmul.f32 v1, v63  }
0x30e: {  	v1 =	vld [tilespmem:s12+$0x2800];
	v4 =	vadd.f32 v5, v3  }
0x30f: {  	s13 =	simm.s32 $0x80;
	v2 =	vld [tilespmem:s12+$0x13800];
	v3 =	vadd.f32 v7, v6  }
.LBB2_22:
0x310: {  	p1 =	sne.s32 s13, $0x1FC0;
	v5 =	vld [tilespmem:s12+$0x1800];
	[tilespmem:s9+$0xA000] =	vst v4;
	s11 =	sadd.s32 $0x10, s11  }
0x311: {  	v4 =	vld [tilespmem:s12+$0x2000];
	s6 =	sand.u32 $0x7F0, s11;
	[tilespmem:s9+$0x9800] =	vst v3;
	s9 =	smov.u32 s12  }
0x312: {  	v3 =	vld [tilespmem:s6+$0x14000]  }
0x313: {  	v6 =	vld [tilespmem:s6+$0x15000]  }
0x314: {  	v7 =	vshll.u32 v2, $0x10;
	v8 =	vld [tilespmem:s6+$0x14800]  }
0x315: {  	v2 =	vand.u32 $0xFFFF0000, v2;
	v7 =	vmul.f32 v7, v5;
	v9 =	vld [tilespmem:s6+$0x15800]  }
0x316: {  	v2 =	vmul.f32 v2, v5;
	v5 =	vld [tilespmem:s6+$0x16000]  }
0x317: {  	v7 =	vadd.f32 $0.0e+00, v7;
	v10 =	vshll.u32 v3, $0x10;
	v3 =	vand.u32 $0xFFFF0000, v3;
	v11 =	vld [tilespmem:s6+$0x16800]  }
0x318: {  	v2 =	vadd.f32 $0.0e+00, v2;
	v10 =	vmul.f32 v10, v4;
	v3 =	vmul.f32 v3, v4;
	v4 =	vld [tilespmem:s6+$0x17000]  }
0x319: {  	v12 =	vshll.u32 v8, $0x10;
	v8 =	vand.u32 $0xFFFF0000, v8;
	v13 =	vld [tilespmem:s9+$0x3800]  }
0x31a: {  	v7 =	vadd.f32 v10, v7;
	v2 =	vadd.f32 v3, v2;
	v3 =	vmul.f32 v8, v1  }
0x31b: {  	v1 =	vmul.f32 v12, v1;
	v8 =	vand.u32 $0xFFFF0000, v6;
	v10 =	vld [tilespmem:s9+$0x4000]  }
0x31c: {  	v2 =	vadd.f32 v3, v2;
	v3 =	vshll.u32 v6, $0x10;
	v6 =	vmul.f32 v8, v0  }
0x31d: {  	v1 =	vadd.f32 v1, v7;
	v0 =	vmul.f32 v3, v0;
	v3 =	vand.u32 $0xFFFF0000, v9;
	v7 =	vld [tilespmem:s9+$0x4800]  }
0x31e: {  	v2 =	vadd.f32 v6, v2;
	v6 =	vshll.u32 v9, $0x10;
	v3 =	vmul.f32 v3, v13  }
0x31f: {  	v0 =	vadd.f32 v0, v1;
	v1 =	vmul.f32 v6, v13;
	v6 =	vand.u32 $0xFFFF0000, v5;
	v8 =	vld [tilespmem:s9+$0x5000]  }
0x320: {  	v2 =	vadd.f32 v3, v2;
	v3 =	vshll.u32 v5, $0x10;
	v5 =	vmul.f32 v6, v10  }
0x321: {  	v0 =	vadd.f32 v1, v0;
	v1 =	vmul.f32 v3, v10;
	v3 =	vand.u32 $0xFFFF0000, v11  }
0x322: {  	v2 =	vadd.f32 v5, v2;
	v5 =	vshll.u32 v11, $0x10;
	v3 =	vmul.f32 v3, v7  }
.Ltmp11:
0x323: {  	v1 =	vadd.f32 v1, v0;
	v5 =	vmul.f32 v5, v7;
	v0 =	vand.u32 $0xFFFF0000, v4;
	(pc) =	sbr.rel @p1 .LBB2_22-.Ltmp11, $4  }
0x324: {  	s12 =	sshra.s32 s13, $0x2;
	v2 =	vadd.f32 v3, v2;
	v3 =	vshll.u32 v4, $0x10;
	v4 =	vmul.f32 v0, v8  }
0x325: {  	v0 =	vld [tilespmem:s12+$0x3000];
	v5 =	vadd.f32 v5, v1;
	v3 =	vmul.f32 v3, v8  }
0x326: {  	v1 =	vld [tilespmem:s12+$0x2800];
	v4 =	vadd.f32 v4, v2  }
0x327: {  	s13 =	sadd.s32 $0x40, s13;
	v2 =	vld [tilespmem:s12+$0x13800];
	v3 =	vadd.f32 v3, v5  }
0x328: {  	v5 =	vld [tilespmem:s12+$0x1800];
	[tilespmem:s9+$0xA000] =	vst v4;
	s6 =	sadd.s32 $0x10, s11  }
0x329: {  	v4 =	vld [tilespmem:s12+$0x2000];
	s6 =	sand.u32 $0x7F0, s6;
	[tilespmem:s9+$0x9800] =	vst v3  }
0x32a: {  	v3 =	vld [tilespmem:s6+$0x14000];
	_ =	sdelay $0x1  }
0x32b: {  	v6 =	vld [tilespmem:s6+$0x14800]  }
0x32c: {  	v7 =	vand.u32 $0xFFFF0000, v2  }
0x32d: {  	v8 =	vld [tilespmem:s6+$0x15000];
	v40 =	vshll.u32 v2, $0x10;
	v7 =	vmul.f32 v7, v5  }
0x32e: {  	v2 =	vmul.f32 v40, v5;
	v41 =	vand.u32 $0xFFFF0000, v3  }
0x32f: {  	v9 =	vld [tilespmem:s6+$0x15800];
	v3 =	vshll.u32 v3, $0x10;
	v7 =	vadd.f32 $0.0e+00, v7;
	v5 =	vmul.f32 v41, v4  }
0x330: {  	v10 =	vld [tilespmem:s12+$0x3800];
	v2 =	vadd.f32 $0.0e+00, v2;
	v42 =	vand.u32 $0xFFFF0000, v6;
	v3 =	vmul.f32 v3, v4  }
0x331: {  	v11 =	vld [tilespmem:s6+$0x16000];
	v6 =	vshll.u32 v6, $0x10;
	v4 =	vmul.f32 v42, v1;
	v5 =	vadd.f32 v5, v7  }
0x332: {  	v45 =	vld [tilespmem:s12+$0x4000];
	v44 =	vand.u32 $0xFFFF0000, v8;
	v43 =	vmul.f32 v6, v1;
	v2 =	vadd.f32 v3, v2  }
0x333: {  	v46 =	vld [tilespmem:s6+$0x16800];
	v47 =	vshll.u32 v8, $0x10;
	v3 =	vmul.f32 v44, v0;
	v4 =	vadd.f32 v4, v5  }
0x334: {  	v50 =	vld [tilespmem:s12+$0x4800];
	v49 =	vand.u32 $0xFFFF0000, v9;
	v48 =	vmul.f32 v47, v0;
	v1 =	vadd.f32 v43, v2  }
0x335: {  	v51 =	vld [tilespmem:s6+$0x17000];
	v52 =	vshll.u32 v9, $0x10;
	v2 =	vmul.f32 v49, v10;
	v3 =	vadd.f32 v3, v4  }
0x336: {  	v55 =	vld [tilespmem:s12+$0x5000];
	v54 =	vand.u32 $0xFFFF0000, v11;
	v53 =	vmul.f32 v52, v10;
	v0 =	vadd.f32 v48, v1  }
0x337: {  	v56 =	vshll.u32 v11, $0x10;
	v4 =	vmul.f32 v54, v45;
	v2 =	vadd.f32 v2, v3  }
0x338: {  	v58 =	vand.u32 $0xFFFF0000, v46;
	v57 =	vmul.f32 v56, v45;
	v0 =	vadd.f32 v53, v0  }
0x339: {  	v59 =	vshll.u32 v46, $0x10;
	v3 =	vmul.f32 v58, v50;
	v2 =	vadd.f32 v4, v2  }
0x33a: {  	v61 =	vand.u32 $0xFFFF0000, v51;
	v60 =	vmul.f32 v59, v50;
	v0 =	vadd.f32 v57, v0  }
0x33b: {  	v62 =	vshll.u32 v51, $0x10;
	v4 =	vmul.f32 v61, v55;
	v2 =	vadd.f32 v3, v2  }
0x33c: {  	v63 =	vmul.f32 v62, v55;
	v0 =	vadd.f32 v60, v0  }
0x33d: {  	s14 =	sshll.u32 s17, $0x13;
	v2 =	vadd.f32 v4, v2  }
0x33e: {  	p1 =	seq.s32 s17, $0x7;
	s6 =	sor.u32 s8, s14;
	v0 =	vadd.f32 v63, v0  }
.Ltmp12:
0x33f: {  	s6 =	sshrl.u32 s6, $0x3;
	[tilespmem:s12+$0xA000] =	vst v2;
	(pc) =	sbr.rel @!p1 .LBB2_24-.Ltmp12, $4  }
0x340: {  	s31 =	sadd.s32 s5, s6;
	[tilespmem:s12+$0x9800] =	vst v0  }
0x341: {  	[hbm4b:s31+s2] =	stream.linear.scatter [tilespmem:s24], [sflag:$0x3], $0x800, $0x38;
	[tilespmem:$0x1B800] =	vst v63  }
0x342: {  	s6 =	sadd.s32 s6, s10  }
0x343: {  	[hbm4b:s6+s2] =	stream.linear.scatter [tilespmem:s25], [sflag:$0x3], $0x800, $0x38;
	[tilespmem:$0x1B800] =	vst v63  }
.Ltmp13:
0x344: {  	(pc) =	sbr.rel .LBB2_27-.Ltmp13, $4  }
0x345: {  	_ = 	snop  }
0x346: {  	_ =	swait.ge [sflag:s26], $0x4000  }
0x347: {  	[sflag:s26] =	ssyncset.done $0x0  }
0x348: {  	[sflag:s26] =	ssyncadd.s32 $0xFFFFC000  }
.LBB2_24:
0x349: {  	s9 =	simm.s32 $0x0  }
0x34a: {  	v0 =	vld [tilespmem:s9+$0x0]  }
0x34b: {  	v2 =	vld [tilespmem:s9+$0x800]  }
0x34c: {  	v3 =	vld [tilespmem:s9+$0x1000]  }
0x34d: {  	s6 =	smul.f32 $2.250000000e+00, s16;
	_ =	sdelay $0x1  }
0x34e: {  	v1 =	vmov s6  }
0x34f: {  	v0 =	vmul.f32 v0, v1  }
0x350: {  	v2 =	vmul.f32 v2, v1;
	v3 =	vmul.f32 v3, v1  }
0x351: {  	v4 =	vtrunc.f32 v0  }
0x352: {  	v5 =	vtrunc.f32 v2;
	v6 =	vtrunc.f32 v3  }
0x353: {  	v4 =	vcvt.f32.s32 v4;
	v5 =	vcvt.f32.s32 v5  }
0x354: {  	v6 =	vcvt.f32.s32 v6  }
0x355: {  	v7 =	vcvt.s32.f32 v4;
	v8 =	vcvt.s32.f32 v5  }
0x356: {  	v9 =	vcvt.s32.f32 v6  }
0x357: {  	v7 =	vsub.f32 v0, v7;
	v2 =	vsub.f32 v2, v8  }
0x358: {  	s31 =	sshll.u32 s17, $0x15;
	v5 =	vmul.u32 $0x9E3779B1, v5;
	v6 =	vmul.u32 $0x30025795, v6;
	v3 =	vsub.f32 v3, v9  }
0x359: {  	s6 =	sadd.s32 $0x200000, s31;
	v51 =	vsub.f32 $1.000000000e+00, v7;
	v52 =	vsub.f32 $1.000000000e+00, v2  }
0x35a: {  	v0 =	vmov s6;
	v10 =	vxor.u32 v4, v5;
	v15 =	vadd.s32 $0x30025795, v6  }
0x35b: {  	v11 =	vxor.u32 v6, v10;
	v12 =	vsub.f32 $1.000000000e+00, v3;
	v13 =	vmul.f32 v52, v51  }
0x35c: {  	v14 =	vadd.s32 $0x9E3779B1, v5;
	v10 =	vxor.u32 v10, v15;
	v11 =	vand.u32 $0xFFFFF, v11  }
0x35d: {  	v17 =	vxor.u32 v4, v14;
	v11 =	vor.u32 v0, v11;
	v16 =	vmul.f32 v12, v13  }
0x35e: {  	s11 =	simm.s32 $0x0;
	v10 =	vand.u32 $0xFFFFF, v10;
	v54 =	vxor.u32 v6, v17;
	[tilespmem:s9+$0xB800] =	vst v11  }
0x35f: {  	s14 =	sand.u32 $0x7F0, s11;
	v10 =	vor.u32 v0, v10;
	v8 =	vmul.f32 v2, v51;
	v53 =	vmul.f32 v13, v3;
	[tilespmem:s9+$0x1800] =	vst v16  }
0x360: {  	v4 =	vadd.s32 $0x1, v4;
	v56 =	vxor.u32 v15, v17;
	v13 =	vand.u32 $0xFFFFF, v54;
	[tilespmem:s14+$0xC000] =	vst v10  }
0x361: {  	v5 =	vxor.u32 v4, v5;
	v55 =	vmul.f32 v12, v8;
	v57 =	vor.u32 v0, v13;
	[tilespmem:s9+$0x2000] =	vst v53  }
0x362: {  	v58 =	vand.u32 $0xFFFFF, v56;
	v59 =	vxor.u32 v6, v5;
	[tilespmem:s14+$0xC800] =	vst v57  }
0x363: {  	v9 =	vmul.f32 v52, v7;
	v60 =	vor.u32 v0, v58;
	v8 =	vmul.f32 v3, v8;
	[tilespmem:s9+$0x2800] =	vst v55  }
0x364: {  	v4 =	vxor.u32 v4, v14;
	v11 =	vand.u32 $0xFFFFF, v59;
	[tilespmem:s14+$0xD000] =	vst v60  }
0x365: {  	v5 =	vxor.u32 v5, v15;
	v62 =	vor.u32 v0, v11;
	v61 =	vmul.f32 v12, v9;
	[tilespmem:s9+$0x3000] =	vst v8  }
0x366: {  	v6 =	vxor.u32 v6, v4;
	v5 =	vand.u32 $0xFFFFF, v5;
	[tilespmem:s14+$0xD800] =	vst v62  }
0x367: {  	v2 =	vmul.f32 v2, v7;
	v5 =	vor.u32 v0, v5;
	v9 =	vmul.f32 v9, v3;
	[tilespmem:s9+$0x3800] =	vst v61  }
0x368: {  	v6 =	vand.u32 $0xFFFFF, v6;
	[tilespmem:s14+$0xE000] =	vst v5  }
0x369: {  	v4 =	vxor.u32 v15, v4;
	v63 =	vmul.f32 v12, v2;
	v5 =	vor.u32 v0, v6;
	[tilespmem:s9+$0x4000] =	vst v9  }
0x36a: {  	v4 =	vand.u32 $0xFFFFF, v4;
	[tilespmem:s14+$0xE800] =	vst v5  }
0x36b: {  	s12 =	simm.s32 $0x40;
	s6 =	simm.s32 $0x80;
	v2 =	vmul.f32 v3, v2;
	v3 =	vor.u32 v0, v4;
	[tilespmem:s9+$0x4800] =	vst v63  }
.LBB2_25:
0x36c: {  	s31 =	sshra.s32 s12, $0x2  }
0x36d: {  	[tilespmem:s14+$0xF000] =	vst v3;
	s11 =	sadd.s32 $0x10, s11;
	s12 =	smov.u32 s6;
	s13 =	sadd.s32 $0x40, s6  }
0x36e: {  	p1 =	seq.s32 s6, $0x1FC0;
	v3 =	vld [tilespmem:s31+$0x0];
	[tilespmem:s9+$0x5000] =	vst v2;
	s9 =	smov.u32 s31  }
0x36f: {  	v2 =	vld [tilespmem:s9+$0x800]  }
0x370: {  	v4 =	vld [tilespmem:s9+$0x1000];
	_ =	sdelay $0x2  }
0x371: {  	v3 =	vmul.f32 v3, v1  }
0x372: {  	v2 =	vmul.f32 v2, v1  }
0x373: {  	v4 =	vmul.f32 v4, v1;
	v5 =	vtrunc.f32 v3  }
0x374: {  	v5 =	vcvt.f32.s32 v5;
	v6 =	vtrunc.f32 v2  }
0x375: {  	v6 =	vcvt.f32.s32 v6;
	v7 =	vtrunc.f32 v4  }
0x376: {  	v7 =	vcvt.f32.s32 v7;
	v8 =	vcvt.s32.f32 v5  }
0x377: {  	v10 =	vadd.s32 $0x1, v5;
	v9 =	vcvt.s32.f32 v6;
	v6 =	vmul.u32 $0x9E3779B1, v6  }
0x378: {  	v3 =	vsub.f32 v3, v8;
	v8 =	vcvt.s32.f32 v7;
	v7 =	vmul.u32 $0x30025795, v7  }
0x379: {  	v2 =	vsub.f32 v2, v9;
	v9 =	vadd.s32 $0x9E3779B1, v6;
	v11 =	vxor.u32 v5, v6  }
0x37a: {  	v4 =	vsub.f32 v4, v8;
	v8 =	vsub.f32 $1.000000000e+00, v3;
	v12 =	vxor.u32 v7, v11  }
0x37b: {  	v14 =	vadd.s32 $0x30025795, v7;
	v13 =	vsub.f32 $1.000000000e+00, v2;
	v12 =	vand.u32 $0xFFFFF, v12  }
0x37c: {  	v11 =	vxor.u32 v11, v14;
	v15 =	vsub.f32 $1.000000000e+00, v4;
	v12 =	vor.u32 v0, v12  }
0x37d: {  	v11 =	vand.u32 $0xFFFFF, v11;
	v16 =	vmul.f32 v13, v8;
	v8 =	vmul.f32 v2, v8  }
0x37e: {  	v6 =	vxor.u32 v10, v6;
	v5 =	vxor.u32 v5, v9;
	v13 =	vmul.f32 v13, v3  }
0x37f: {  	v18 =	vxor.u32 v7, v5;
	v17 =	vmul.f32 v15, v16;
	v16 =	vmul.f32 v16, v4  }
0x380: {  	v5 =	vxor.u32 v14, v5;
	[tilespmem:s9+$0xB800] =	vst v12;
	v12 =	vand.u32 $0xFFFFF, v18;
	v18 =	vmul.f32 v15, v8  }
0x381: {  	s14 =	sand.u32 $0x7F0, s11;
	v5 =	vand.u32 $0xFFFFF, v5;
	v11 =	vor.u32 v0, v11;
	v8 =	vmul.f32 v4, v8;
	[tilespmem:s9+$0x1800] =	vst v17  }
0x382: {  	v17 =	vmul.f32 v15, v13;
	v13 =	vmul.f32 v13, v4;
	[tilespmem:s14+$0xC000] =	vst v11;
	v11 =	vxor.u32 v7, v6  }
0x383: {  	v12 =	vor.u32 v0, v12;
	v6 =	vxor.u32 v6, v14;
	[tilespmem:s9+$0x2000] =	vst v16;
	v11 =	vand.u32 $0xFFFFF, v11  }
0x384: {  	v9 =	vxor.u32 v10, v9;
	v3 =	vmul.f32 v2, v3;
	v6 =	vand.u32 $0xFFFFF, v6;
	[tilespmem:s14+$0xC800] =	vst v12  }
0x385: {  	v2 =	vor.u32 v0, v5;
	v5 =	vxor.u32 v7, v9;
	v7 =	vxor.u32 v14, v9;
	[tilespmem:s9+$0x2800] =	vst v18  }
0x386: {  	v5 =	vand.u32 $0xFFFFF, v5;
	v7 =	vand.u32 $0xFFFFF, v7;
	[tilespmem:s14+$0xD000] =	vst v2;
	v2 =	vmul.f32 v4, v3  }
0x387: {  	v4 =	vor.u32 v0, v11;
	[tilespmem:s9+$0x3000] =	vst v8  }
0x388: {  	[tilespmem:s14+$0xD800] =	vst v4  }
.Ltmp14:
0x389: {  	v4 =	vor.u32 v0, v6;
	[tilespmem:s9+$0x3800] =	vst v17;
	(pc) =	sbr.rel @!p1 .LBB2_25-.Ltmp14, $4  }
0x38a: {  	[tilespmem:s14+$0xE000] =	vst v4  }
0x38b: {  	v3 =	vmul.f32 v15, v3;
	v4 =	vor.u32 v0, v5;
	[tilespmem:s9+$0x4000] =	vst v13  }
0x38c: {  	[tilespmem:s14+$0xE800] =	vst v4  }
0x38d: {  	s6 =	smov.u32 s13;
	[tilespmem:s9+$0x4800] =	vst v3;
	v3 =	vor.u32 v0, v7  }
0x38e: {  	s12 =	sshra.s32 s12, $0x2;
	[tilespmem:s14+$0xF000] =	vst v3  }
0x38f: {  	v3 =	vld [tilespmem:s12+$0x0];
	[tilespmem:s9+$0x5000] =	vst v2  }
0x390: {  	v2 =	vld [tilespmem:s12+$0x800]  }
0x391: {  	v4 =	vld [tilespmem:s12+$0x1000];
	_ =	sdelay $0x2  }
0x392: {  	v3 =	vmul.f32 v3, v1  }
0x393: {  	v2 =	vmul.f32 v2, v1  }
0x394: {  	v48 =	vmul.f32 v4, v1;
	v49 =	vtrunc.f32 v3  }
0x395: {  	v4 =	vcvt.f32.s32 v49;
	v5 =	vtrunc.f32 v2  }
0x396: {  	v6 =	vtrunc.f32 v48;
	v5 =	vcvt.f32.s32 v5  }
0x397: {  	v6 =	vcvt.f32.s32 v6  }
0x398: {  	v7 =	vcvt.s32.f32 v4;
	v8 =	vcvt.s32.f32 v5  }
0x399: {  	v9 =	vcvt.s32.f32 v6  }
0x39a: {  	v3 =	vsub.f32 v3, v7;
	v2 =	vsub.f32 v2, v8  }
0x39b: {  	v5 =	vmul.u32 $0x9E3779B1, v5;
	v6 =	vmul.u32 $0x30025795, v6;
	v1 =	vsub.f32 v48, v9  }
0x39c: {  	v7 =	vsub.f32 $1.000000000e+00, v3;
	v8 =	vsub.f32 $1.000000000e+00, v2  }
0x39d: {  	v50 =	vxor.u32 v4, v5;
	v14 =	vadd.s32 $0x30025795, v6  }
0x39e: {  	v10 =	vxor.u32 v6, v50;
	v11 =	vsub.f32 $1.000000000e+00, v1;
	v12 =	vmul.f32 v8, v7  }
0x39f: {  	v13 =	vadd.s32 $0x9E3779B1, v5;
	v9 =	vxor.u32 v50, v14;
	v10 =	vand.u32 $0xFFFFF, v10  }
0x3a0: {  	v16 =	vxor.u32 v4, v13;
	v10 =	vor.u32 v0, v10;
	v15 =	vmul.f32 v11, v12  }
0x3a1: {  	s6 =	sadd.s32 $0x10, s11;
	v9 =	vand.u32 $0xFFFFF, v9;
	v52 =	vxor.u32 v6, v16;
	[tilespmem:s12+$0xB800] =	vst v10  }
0x3a2: {  	s6 =	sand.u32 $0x7F0, s6;
	v9 =	vor.u32 v0, v9;
	v7 =	vmul.f32 v2, v7;
	v51 =	vmul.f32 v12, v1;
	[tilespmem:s12+$0x1800] =	vst v15  }
0x3a3: {  	v4 =	vadd.s32 $0x1, v4;
	v54 =	vxor.u32 v14, v16;
	v12 =	vand.u32 $0xFFFFF, v52;
	[tilespmem:s6+$0xC000] =	vst v9  }
0x3a4: {  	v5 =	vxor.u32 v4, v5;
	v53 =	vmul.f32 v11, v7;
	v55 =	vor.u32 v0, v12;
	[tilespmem:s12+$0x2000] =	vst v51  }
0x3a5: {  	v56 =	vand.u32 $0xFFFFF, v54;
	v57 =	vxor.u32 v6, v5;
	[tilespmem:s6+$0xC800] =	vst v55  }
0x3a6: {  	v8 =	vmul.f32 v8, v3;
	v58 =	vor.u32 v0, v56;
	v7 =	vmul.f32 v1, v7;
	[tilespmem:s12+$0x2800] =	vst v53  }
0x3a7: {  	v4 =	vxor.u32 v4, v13;
	v10 =	vand.u32 $0xFFFFF, v57;
	[tilespmem:s6+$0xD000] =	vst v58  }
0x3a8: {  	v5 =	vxor.u32 v5, v14;
	v60 =	vor.u32 v0, v10;
	v59 =	vmul.f32 v11, v8;
	[tilespmem:s12+$0x3000] =	vst v7  }
0x3a9: {  	v61 =	vxor.u32 v6, v4;
	v5 =	vand.u32 $0xFFFFF, v5;
	[tilespmem:s6+$0xD800] =	vst v60  }
0x3aa: {  	v2 =	vmul.f32 v2, v3;
	v5 =	vor.u32 v0, v5;
	v8 =	vmul.f32 v8, v1;
	[tilespmem:s12+$0x3800] =	vst v59  }
0x3ab: {  	v3 =	vand.u32 $0xFFFFF, v61;
	[tilespmem:s6+$0xE000] =	vst v5  }
0x3ac: {  	v4 =	vxor.u32 v14, v4;
	v3 =	vor.u32 v0, v3;
	v62 =	vmul.f32 v11, v2;
	[tilespmem:s12+$0x4000] =	vst v8  }
0x3ad: {  	v4 =	vand.u32 $0xFFFFF, v4;
	[tilespmem:s6+$0xE800] =	vst v3  }
0x3ae: {  	v63 =	vor.u32 v0, v4;
	v1 =	vmul.f32 v1, v2;
	[tilespmem:s12+$0x4800] =	vst v62  }
0x3af: {  	[tilespmem:s6+$0xF000] =	vst v63  }
.Ltmp15:
0x3b0: {  	[tilespmem:s12+$0x5000] =	vst v1;
	(pc) =	sbr.rel @p0 .LBB2_28-.Ltmp15, $4  }
0x3b1: {  	_ =	swait.ge [sflag:s26], $0x4000  }
0x3b2: {  	[sflag:s26] =	ssyncset.done $0x0  }
0x3b3: {  	[sflag:s26] =	ssyncadd.s32 $0xFFFFC000  }
0x3b4: {  	[tilespmem:s20], [sflag:$0x1] =	stream.indirect.gather [hbm4b:s4+s18], $0x1, s19, s18, $0xb8;
	[tilespmem:$0x1B800] =	vst v63  }
.LBB2_27:
0x3b5: {  	_ =	swait.ge [sflag:s28], $0x800  }
0x3b6: {  	[sflag:s28] =	ssyncset.done $0x0  }
0x3b7: {  	[sflag:s28] =	ssyncadd.s32 $0xFFFFF800  }
0x3b8: {  	_ =	swait.ge [sflag:s28], $0x800  }
0x3b9: {  	[sflag:s28] =	ssyncset.done $0x0  }
0x3ba: {  	[sflag:s28] =	ssyncadd.s32 $0xFFFFF800  }
.LBB2_28:
0x3bb: {  	s9 =	simm.s32 $0x0  }
0x3bc: {  	s11 =	simm.s32 $0x0;
	v0 =	vld [tilespmem:s9+$0x17800]  }
0x3bd: {  	v1 =	vld [tilespmem:s9+$0x5800];
	s6 =	sand.u32 $0x7F0, s11  }
0x3be: {  	v2 =	vld [tilespmem:s6+$0x18000]  }
0x3bf: {  	v3 =	vld [tilespmem:s9+$0x6000]  }
0x3c0: {  	v4 =	vld [tilespmem:s6+$0x18800]  }
0x3c1: {  	v5 =	vld [tilespmem:s9+$0x6800];
	v6 =	vand.u32 $0xFFFF0000, v0  }
0x3c2: {  	v7 =	vld [tilespmem:s6+$0x19000];
	v0 =	vshll.u32 v0, $0x10;
	v6 =	vmul.f32 v6, v1  }
0x3c3: {  	v8 =	vld [tilespmem:s9+$0x7000];
	v0 =	vmul.f32 v0, v1;
	v1 =	vand.u32 $0xFFFF0000, v2  }
0x3c4: {  	v9 =	vld [tilespmem:s6+$0x19800];
	v2 =	vshll.u32 v2, $0x10;
	v1 =	vmul.f32 v1, v3;
	v6 =	vadd.f32 $0.0e+00, v6  }
0x3c5: {  	v10 =	vld [tilespmem:s9+$0x7800];
	v2 =	vmul.f32 v2, v3;
	v3 =	vand.u32 $0xFFFF0000, v4;
	v0 =	vadd.f32 $0.0e+00, v0  }
0x3c6: {  	v11 =	vld [tilespmem:s6+$0x1A000];
	v4 =	vshll.u32 v4, $0x10;
	v3 =	vmul.f32 v3, v5;
	v1 =	vadd.f32 v1, v6  }
0x3c7: {  	v0 =	vadd.f32 v2, v0;
	v2 =	vmul.f32 v4, v5;
	v4 =	vand.u32 $0xFFFF0000, v7;
	v5 =	vld [tilespmem:s9+$0x8000]  }
0x3c8: {  	v6 =	vld [tilespmem:s6+$0x1A800];
	v4 =	vmul.f32 v4, v8;
	v1 =	vadd.f32 v3, v1;
	v3 =	vshll.u32 v7, $0x10  }
0x3c9: {  	v0 =	vadd.f32 v2, v0;
	v7 =	vld [tilespmem:s9+$0x8800];
	v2 =	vmul.f32 v3, v8;
	v3 =	vand.u32 $0xFFFF0000, v9  }
0x3ca: {  	v62 =	vld [tilespmem:s6+$0x1B000];
	v1 =	vadd.f32 v4, v1;
	v4 =	vshll.u32 v9, $0x10;
	v3 =	vmul.f32 v3, v10  }
0x3cb: {  	v63 =	vld [tilespmem:s9+$0x9000];
	v0 =	vadd.f32 v2, v0;
	v2 =	vmul.f32 v4, v10;
	v4 =	vand.u32 $0xFFFF0000, v11  }
0x3cc: {  	v1 =	vadd.f32 v3, v1;
	v3 =	vshll.u32 v11, $0x10;
	v4 =	vmul.f32 v4, v5  }
0x3cd: {  	v0 =	vadd.f32 v2, v0;
	v2 =	vmul.f32 v3, v5;
	v3 =	vand.u32 $0xFFFF0000, v6  }
0x3ce: {  	v1 =	vadd.f32 v4, v1;
	v4 =	vshll.u32 v6, $0x10;
	v3 =	vmul.f32 v3, v7  }
0x3cf: {  	v2 =	vadd.f32 v2, v0;
	v4 =	vmul.f32 v4, v7;
	v0 =	vand.u32 $0xFFFF0000, v62  }
0x3d0: {  	s12 =	simm.s32 $0x10;
	v3 =	vadd.f32 v3, v1;
	v1 =	vshll.u32 v62, $0x10;
	v5 =	vmul.f32 v0, v63  }
0x3d1: {  	v0 =	vld [tilespmem:s12+$0x7000];
	v6 =	vadd.f32 v4, v2;
	v7 =	vmul.f32 v1, v63  }
0x3d2: {  	v1 =	vld [tilespmem:s12+$0x6800];
	v4 =	vadd.f32 v5, v3  }
0x3d3: {  	s13 =	simm.s32 $0x80;
	v2 =	vld [tilespmem:s12+$0x17800];
	v3 =	vadd.f32 v7, v6  }
.LBB2_29:
0x3d4: {  	p0 =	sne.s32 s13, $0x1FC0;
	v5 =	vld [tilespmem:s12+$0x5800];
	[tilespmem:s9+$0xB000] =	vst v4;
	s11 =	sadd.s32 $0x10, s11  }
0x3d5: {  	v4 =	vld [tilespmem:s12+$0x6000];
	s6 =	sand.u32 $0x7F0, s11;
	[tilespmem:s9+$0xA800] =	vst v3;
	s9 =	smov.u32 s12  }
0x3d6: {  	v3 =	vld [tilespmem:s6+$0x18000]  }
0x3d7: {  	v6 =	vld [tilespmem:s6+$0x19000]  }
0x3d8: {  	v7 =	vshll.u32 v2, $0x10;
	v8 =	vld [tilespmem:s6+$0x18800]  }
0x3d9: {  	v2 =	vand.u32 $0xFFFF0000, v2;
	v7 =	vmul.f32 v7, v5;
	v9 =	vld [tilespmem:s6+$0x19800]  }
0x3da: {  	v2 =	vmul.f32 v2, v5;
	v5 =	vld [tilespmem:s6+$0x1A000]  }
0x3db: {  	v7 =	vadd.f32 $0.0e+00, v7;
	v10 =	vshll.u32 v3, $0x10;
	v3 =	vand.u32 $0xFFFF0000, v3;
	v11 =	vld [tilespmem:s6+$0x1A800]  }
0x3dc: {  	v2 =	vadd.f32 $0.0e+00, v2;
	v10 =	vmul.f32 v10, v4;
	v3 =	vmul.f32 v3, v4;
	v4 =	vld [tilespmem:s6+$0x1B000]  }
0x3dd: {  	v12 =	vshll.u32 v8, $0x10;
	v8 =	vand.u32 $0xFFFF0000, v8;
	v13 =	vld [tilespmem:s9+$0x7800]  }
0x3de: {  	v7 =	vadd.f32 v10, v7;
	v2 =	vadd.f32 v3, v2;
	v3 =	vmul.f32 v8, v1  }
0x3df: {  	v1 =	vmul.f32 v12, v1;
	v8 =	vand.u32 $0xFFFF0000, v6;
	v10 =	vld [tilespmem:s9+$0x8000]  }
0x3e0: {  	v2 =	vadd.f32 v3, v2;
	v3 =	vshll.u32 v6, $0x10;
	v6 =	vmul.f32 v8, v0  }
0x3e1: {  	v1 =	vadd.f32 v1, v7;
	v0 =	vmul.f32 v3, v0;
	v3 =	vand.u32 $0xFFFF0000, v9;
	v7 =	vld [tilespmem:s9+$0x8800]  }
0x3e2: {  	v2 =	vadd.f32 v6, v2;
	v6 =	vshll.u32 v9, $0x10;
	v3 =	vmul.f32 v3, v13  }
0x3e3: {  	v0 =	vadd.f32 v0, v1;
	v1 =	vmul.f32 v6, v13;
	v6 =	vand.u32 $0xFFFF0000, v5;
	v8 =	vld [tilespmem:s9+$0x9000]  }
0x3e4: {  	v2 =	vadd.f32 v3, v2;
	v3 =	vshll.u32 v5, $0x10;
	v5 =	vmul.f32 v6, v10  }
0x3e5: {  	v0 =	vadd.f32 v1, v0;
	v1 =	vmul.f32 v3, v10;
	v3 =	vand.u32 $0xFFFF0000, v11  }
0x3e6: {  	v2 =	vadd.f32 v5, v2;
	v5 =	vshll.u32 v11, $0x10;
	v3 =	vmul.f32 v3, v7  }
.Ltmp16:
0x3e7: {  	v1 =	vadd.f32 v1, v0;
	v5 =	vmul.f32 v5, v7;
	v0 =	vand.u32 $0xFFFF0000, v4;
	(pc) =	sbr.rel @p0 .LBB2_29-.Ltmp16, $4  }
0x3e8: {  	s12 =	sshra.s32 s13, $0x2;
	v2 =	vadd.f32 v3, v2;
	v3 =	vshll.u32 v4, $0x10;
	v4 =	vmul.f32 v0, v8  }
0x3e9: {  	v0 =	vld [tilespmem:s12+$0x7000];
	v5 =	vadd.f32 v5, v1;
	v3 =	vmul.f32 v3, v8  }
0x3ea: {  	v1 =	vld [tilespmem:s12+$0x6800];
	v4 =	vadd.f32 v4, v2  }
0x3eb: {  	s13 =	sadd.s32 $0x40, s13;
	v2 =	vld [tilespmem:s12+$0x17800];
	v3 =	vadd.f32 v3, v5  }
0x3ec: {  	v5 =	vld [tilespmem:s12+$0x5800];
	[tilespmem:s9+$0xB000] =	vst v4;
	s6 =	sadd.s32 $0x10, s11  }
0x3ed: {  	v4 =	vld [tilespmem:s12+$0x6000];
	s6 =	sand.u32 $0x7F0, s6;
	[tilespmem:s9+$0xA800] =	vst v3  }
0x3ee: {  	v3 =	vld [tilespmem:s6+$0x18000];
	_ =	sdelay $0x1  }
0x3ef: {  	v6 =	vld [tilespmem:s6+$0x18800]  }
0x3f0: {  	v7 =	vand.u32 $0xFFFF0000, v2  }
0x3f1: {  	v8 =	vld [tilespmem:s6+$0x19000];
	v40 =	vshll.u32 v2, $0x10;
	v7 =	vmul.f32 v7, v5  }
0x3f2: {  	v2 =	vmul.f32 v40, v5;
	v41 =	vand.u32 $0xFFFF0000, v3  }
0x3f3: {  	v9 =	vld [tilespmem:s6+$0x19800];
	v3 =	vshll.u32 v3, $0x10;
	v7 =	vadd.f32 $0.0e+00, v7;
	v5 =	vmul.f32 v41, v4  }
0x3f4: {  	v10 =	vld [tilespmem:s12+$0x7800];
	v2 =	vadd.f32 $0.0e+00, v2;
	v42 =	vand.u32 $0xFFFF0000, v6;
	v3 =	vmul.f32 v3, v4  }
0x3f5: {  	v11 =	vld [tilespmem:s6+$0x1A000];
	v6 =	vshll.u32 v6, $0x10;
	v4 =	vmul.f32 v42, v1;
	v5 =	vadd.f32 v5, v7  }
0x3f6: {  	v45 =	vld [tilespmem:s12+$0x8000];
	v44 =	vand.u32 $0xFFFF0000, v8;
	v43 =	vmul.f32 v6, v1;
	v2 =	vadd.f32 v3, v2  }
0x3f7: {  	v46 =	vld [tilespmem:s6+$0x1A800];
	v47 =	vshll.u32 v8, $0x10;
	v3 =	vmul.f32 v44, v0;
	v4 =	vadd.f32 v4, v5  }
0x3f8: {  	v50 =	vld [tilespmem:s12+$0x8800];
	v49 =	vand.u32 $0xFFFF0000, v9;
	v48 =	vmul.f32 v47, v0;
	v1 =	vadd.f32 v43, v2  }
0x3f9: {  	v51 =	vld [tilespmem:s6+$0x1B000];
	v52 =	vshll.u32 v9, $0x10;
	v2 =	vmul.f32 v49, v10;
	v3 =	vadd.f32 v3, v4  }
0x3fa: {  	v55 =	vld [tilespmem:s12+$0x9000];
	v54 =	vand.u32 $0xFFFF0000, v11;
	v53 =	vmul.f32 v52, v10;
	v0 =	vadd.f32 v48, v1  }
0x3fb: {  	v56 =	vshll.u32 v11, $0x10;
	v4 =	vmul.f32 v54, v45;
	v2 =	vadd.f32 v2, v3  }
0x3fc: {  	v58 =	vand.u32 $0xFFFF0000, v46;
	v57 =	vmul.f32 v56, v45;
	v0 =	vadd.f32 v53, v0  }
0x3fd: {  	v59 =	vshll.u32 v46, $0x10;
	v3 =	vmul.f32 v58, v50;
	v2 =	vadd.f32 v4, v2  }
0x3fe: {  	v61 =	vand.u32 $0xFFFF0000, v51;
	v60 =	vmul.f32 v59, v50;
	v0 =	vadd.f32 v57, v0  }
0x3ff: {  	v62 =	vshll.u32 v51, $0x10;
	v4 =	vmul.f32 v61, v55;
	v2 =	vadd.f32 v3, v2  }
0x400: {  	v63 =	vmul.f32 v62, v55;
	v0 =	vadd.f32 v60, v0  }
0x401: {  	s14 =	sshll.u32 s7, $0x12;
	s17 =	sadd.s32 $0x1, s17;
	v2 =	vadd.f32 v4, v2  }
0x402: {  	p0 =	sne.s32 s17, $0x8;
	s6 =	sor.u32 s8, s14;
	v0 =	vadd.f32 v63, v0  }
.Ltmp17:
0x403: {  	s6 =	sshrl.u32 s6, $0x3;
	[tilespmem:s12+$0xB000] =	vst v2;
	(pc) =	sbr.rel @p0 .LBB2_19-.Ltmp17, $4  }
0x404: {  	s31 =	sadd.s32 s5, s6;
	[tilespmem:s12+$0xA800] =	vst v0  }
0x405: {  	[hbm4b:s31+s2] =	stream.linear.scatter [tilespmem:s29], [sflag:$0x4], $0x800, $0x38;
	[tilespmem:$0x1B800] =	vst v63  }
0x406: {  	s16 =	smul.f32 $2.250000000e+00, s16;
	s6 =	sadd.s32 s6, s10  }
0x407: {  	[hbm4b:s6+s2] =	stream.linear.scatter [tilespmem:s30], [sflag:$0x4], $0x800, $0x38;
	[tilespmem:$0x1B800] =	vst v63  }
0x408: {  	s1 =	simm.s32 $0x3  }
0x409: {  	_ =	swait.ge [sflag:s1], $0x800  }
0x40a: {  	[sflag:s1] =	ssyncset.done $0x0  }
0x40b: {  	[sflag:s1] =	ssyncadd.s32 $0xFFFFF800  }
0x40c: {  	_ =	swait.ge [sflag:s1], $0x800  }
0x40d: {  	[sflag:s1] =	ssyncset.done $0x0  }
0x40e: {  	[sflag:s1] =	ssyncadd.s32 $0xFFFFF800  }
0x40f: {  	_ =	swait.ge [sflag:s28], $0x800  }
0x410: {  	[sflag:s28] =	ssyncset.done $0x0  }
0x411: {  	[sflag:s28] =	ssyncadd.s32 $0xFFFFF800  }
0x412: {  	_ =	swait.ge [sflag:s28], $0x800  }
0x413: {  	s0 =	sadd.s32 $0x1, s0;
	s31 =	rddreg [dreg:$0x9]  }
0x414: {  	p0 =	sne.s32 s0, s31  }
.Ltmp18:
0x415: {  	_ = 	snop;
	(pc) =	sbr.rel @p0 .LBB2_1-.Ltmp18, $3  }
0x416: {  	_ =	sdelay $0x1  }
0x417: {  	[sflag:s28] =	ssyncset.done $0x0  }
0x418: {  	[sflag:s28] =	ssyncadd.s32 $0xFFFFF800  }
0x419: {  	_ =	sfence.sel $0x180000  }
0x41a: {  	[bflag:$0x0] =	sbarrier.arrive $0xFFFF  }
0x41b: {  	_ =	strace $0x90000047  }
0x41c: {  	s0 =	stileid.u32;
	[bflag:$0x2] =	sbarrier.arrive $0xFFFF  }
0x41d: {  	p0 =	sne.s32 s0, $0x0;
	s0 =	rddreg [dreg:$0x2]  }
0x41e: {  	s0 =	sadd.s32 @!p0 $0x100000, s0  }
0x41f: {  	[sflag:s0] =	ssyncadd.tile.s32 @!p0 $0x1;
	_ =	shalt  }
.Lfunc_end2:
_tile_overlayer_lowered:
.L_overlay_start_2:
0x420: {  	(tag) =	ssettag $0x2  }
0x421: {  	s0 =	rddreg [dreg:$0x0];
	s2 =	stileid.u32  }
0x422: {  	s1 =	rddreg [dreg:$0x1];
	p0 =	sne.s32 s2, $0x0  }
0x423: {  	s3 =	rddreg [dreg:$0x2];
	[bflag:$0x3] =	sbarrier.arrive $0xFFFF;
	s2 =	simm.s32 @!p0 $0x1C05  }
0x424: {  	[timem:s3], [sflag:s2] =	dma.local @!p0 [hbm:s0], s1  }
0x425: {  	s0 =	simm.s32 @!p0 $0x5  }
0x426: {  	_ =	swait.ge @!p0 [sflag:s0], s1  }
0x427: {  	s1 =	ssub.s32 @!p0 $0x0, s1;
	[sflag:s0] =	ssyncset.done @!p0 $0x0  }
0x428: {  	[sflag:s0] =	ssyncadd.s32 @!p0 s1  }
0x429: {  	[bflag:$0x3] =	sbarrier.arrive $0xFFFF  }
0x42a: {  	_ =	shalt  }

</sc_bundles>
